<compile_context>
chip_gen: v7x
topology: tpu7x:2x2x1
jax: 0.10.2.dev20260603
libtpu: 0.0.44.dev20260713+nightly
codegen_flags: <defaults>
</compile_context>

<pallas_src>
import jax
import jax.numpy as jnp
from jax import lax
from jax.experimental import pallas as pl
from jax.experimental.pallas import tpu as pltpu
from jax.experimental.pallas import tpu_sc as plsc

_N = 10000
_E = 320000
_D = 128
_CHUNK = 128
_NC = 2
_NS = 16
_NW = _NC * _NS
_EROWS = -(-_E // _CHUNK)
_EROWS_PAD = -(-_EROWS // (_NW * 8)) * _NW * 8
_RPW = _EROWS_PAD // _NS
_GCH = 64
_GROWS = _EROWS_PAD * _CHUNK // _GCH
_G_RPW = _GROWS // _NW
_NGRP = _G_RPW // 4
_ACC_ROWS = 10240
_ZROWS = _ACC_ROWS // _NS
_WROWS = 624
_WLAST = _N - 15 * _WROWS

_SC_PARAMS = pltpu.CompilerParams(use_tc_tiling_on_sc=False)
_MESH = plsc.VectorSubcoreMesh(core_axis_name="c", subcore_axis_name="s")
_MESH1 = plsc.VectorSubcoreMesh(core_axis_name="c", subcore_axis_name="s",
                                num_cores=1, num_subcores=_NS)


def _agg_body(h_hbm, srcr, dstr, sums_hbm, idx_s, idx_d, rows4, acc,
              gs0, gs1, gs2, gs3, ss0, ss1, ss2, ss3):
  cid = lax.axis_index("c")
  sid = lax.axis_index("s")
  gsems = (gs0, gs1, gs2, gs3)
  ssems = (ss0, ss1, ss2, ss3)

  @pl.loop(0, _GCH)
  def _(r):
    for c in range(_D // 16):
      rows4[0, r, pl.ds(c * 16, 16)] = jnp.zeros((16,), jnp.float32)

  z0 = sid * _ZROWS
  for k in range(_ZROWS // _GCH):
    pltpu.sync_copy(rows4.at[0], acc.at[pl.ds(z0 + k * _GCH, _GCH)])

  plsc.subcore_barrier()

  gr0 = (cid * _NS + sid) * _G_RPW

  def stage(m):
    s = (m % 2) * 4
    pltpu.sync_copy(srcr.at[pl.ds(gr0 + m * 4, 4)], idx_s.at[pl.ds(s, 4)])
    pltpu.sync_copy(dstr.at[pl.ds(gr0 + m * 4, 4)], idx_d.at[pl.ds(s, 4)])

  def start_g(b, pos):
    pltpu.async_copy(h_hbm.at[idx_s.at[pos]], rows4.at[b], gsems[b])

  def wait_g(b):
    pltpu.make_async_copy(h_hbm.at[idx_s.at[0]], rows4.at[b], gsems[b]).wait()

  def start_s(b, pos):
    pltpu.async_copy(rows4.at[b], acc.at[idx_d.at[pos]], ssems[b], add=True)

  def wait_s(b):
    pltpu.make_async_copy(rows4.at[b], acc.at[idx_d.at[0]], ssems[b]).wait()

  def rowstep(i, m, wait_scatter, gather_ahead):
    pos = (m % 2) * 4 + i
    wait_g(i)
    start_s(i, pos)
    if wait_scatter:
      wait_s((i + 2) % 4)
    if gather_ahead:
      if i < 2:
        start_g((i + 2) % 4, (m % 2) * 4 + i + 2)
      else:
        start_g((i + 2) % 4, ((m + 1) % 2) * 4 + (i - 2))

  stage(0)
  start_g(0, 0)
  start_g(1, 1)
  rowstep(0, 0, False, True)
  rowstep(1, 0, False, True)
  stage(1)
  rowstep(2, 0, True, True)
  rowstep(3, 0, True, True)

  @pl.loop(1, _NGRP - 1)
  def _(m):
    rowstep(0, m, True, True)
    rowstep(1, m, True, True)
    stage(m + 1)
    rowstep(2, m, True, True)
    rowstep(3, m, True, True)

  mL = _NGRP - 1
  rowstep(0, mL, True, True)
  rowstep(1, mL, True, True)
  rowstep(2, mL, True, False)
  rowstep(3, mL, True, False)
  wait_s(2)
  wait_s(3)

  plsc.subcore_barrier()

  w0 = sid * _WROWS

  @pl.when(sid < _NS - 1)
  def _():
    pltpu.sync_copy(acc.at[pl.ds(w0, _WROWS)],
                    sums_hbm.at[cid].at[pl.ds(w0, _WROWS)])

  @pl.when(sid == _NS - 1)
  def _():
    w1 = (_NS - 1) * _WROWS
    pltpu.sync_copy(acc.at[pl.ds(w1, _WLAST)],
                    sums_hbm.at[cid].at[pl.ds(w1, _WLAST)])


_sc_agg = pl.kernel(
    _agg_body,
    out_type=jax.ShapeDtypeStruct((_NC, _N, _D), jnp.float32),
    mesh=_MESH,
    scratch_types=[
        pltpu.VMEM((8, _GCH), jnp.int32),
        pltpu.VMEM((8, _GCH), jnp.int32),
        pltpu.VMEM((4, _GCH, _D), jnp.float32),
        pltpu.VMEM_SHARED((_ACC_ROWS, _D), jnp.float32),
        pltpu.SemaphoreType.DMA, pltpu.SemaphoreType.DMA,
        pltpu.SemaphoreType.DMA, pltpu.SemaphoreType.DMA,
        pltpu.SemaphoreType.DMA, pltpu.SemaphoreType.DMA,
        pltpu.SemaphoreType.DMA, pltpu.SemaphoreType.DMA,
    ],
    compiler_params=_SC_PARAMS)


def _count_body(dstr, z16, ones_h, cnt_hbm, idx_d, ones_v, cacc, csem):
  sid = lax.axis_index("s")

  z0 = sid * _ZROWS
  pltpu.sync_copy(z16.at[pl.ds(0, _ZROWS)], cacc.at[pl.ds(z0, _ZROWS)])
  pltpu.sync_copy(ones_h, ones_v)
  plsc.subcore_barrier()

  pltpu.sync_copy(dstr.at[pl.ds(sid * _RPW, _RPW)], idx_d)

  @pl.loop(0, _RPW // 8)
  def _(c):
    for j in range(8):
      pltpu.async_copy(ones_v, cacc.at[idx_d.at[c * 8 + j]], csem, add=True)
    for j in range(8):
      pltpu.make_async_copy(ones_v, cacc.at[idx_d.at[c * 8 + j]], csem).wait()

  plsc.subcore_barrier()
  w0 = sid * _WROWS

  @pl.when(sid < _NS - 1)
  def _():
    pltpu.sync_copy(cacc.at[pl.ds(w0, _WROWS)], cnt_hbm.at[pl.ds(w0, _WROWS)])

  @pl.when(sid == _NS - 1)
  def _():
    w1 = (_NS - 1) * _WROWS
    pltpu.sync_copy(cacc.at[pl.ds(w1, _WLAST)], cnt_hbm.at[pl.ds(w1, _WLAST)])


_sc_count = pl.kernel(
    _count_body,
    out_type=jax.ShapeDtypeStruct((_N, 16), jnp.float32),
    mesh=_MESH1,
    scratch_types=[
        pltpu.VMEM((_RPW, _CHUNK), jnp.int32),
        pltpu.VMEM((_CHUNK, 16), jnp.float32),
        pltpu.VMEM_SHARED((_ACC_ROWS, 16), jnp.float32),
        pltpu.SemaphoreType.DMA,
    ],
    compiler_params=_SC_PARAMS)


_R = 1000


def _self_mm_body(h_r, w_r, o_r):
  o_r[...] = jnp.dot(h_r[...], w_r[...], preferred_element_type=jnp.float32)


def _combine_body(p_r, s_r, c_r, wn_r, b_r, o_r):
  inv = 1.0 / jnp.maximum(c_r[:, 0:1], 1.0)
  mean = (s_r[0] + s_r[1]) * inv
  h = (p_r[...]
       + jnp.dot(mean, wn_r[...], preferred_element_type=jnp.float32)
       + b_r[...])
  o_r[...] = jnp.maximum(h, 0.0)


def _combine2_body(p_r, s_r, c_r, wn_r, b_r, wc1_r, bc1_r, wc2_r, bc2_r, o_r):
  inv = 1.0 / jnp.maximum(c_r[:, 0:1], 1.0)
  mean = (s_r[0] + s_r[1]) * inv
  h2 = (p_r[...]
        + jnp.dot(mean, wn_r[...], preferred_element_type=jnp.float32)
        + b_r[...])
  h2 = jnp.maximum(h2, 0.0)
  hid = jnp.maximum(
      jnp.dot(h2, wc1_r[...], preferred_element_type=jnp.float32) + bc1_r[...],
      0.0)
  o_r[...] = (jnp.dot(hid, wc2_r[...], preferred_element_type=jnp.float32)
              + bc2_r[...])


def _row_spec(w):
  return pl.BlockSpec((_R, w), lambda i: (i, 0))


def _part_spec(w):
  return pl.BlockSpec((_NC, _R, w), lambda i: (0, i, 0))


def _full_spec(h, w):
  return pl.BlockSpec((h, w), lambda i: (0, 0))


def _self_mm(h, W):
  return pl.pallas_call(
      _self_mm_body,
      grid=(_N // _R,),
      in_specs=[_row_spec(_D), _full_spec(_D, _D)],
      out_specs=_row_spec(_D),
      out_shape=jax.ShapeDtypeStruct((_N, _D), jnp.float32),
  )(h, W)


def _combine1(p, sums, cnts, Wn, b):
  return pl.pallas_call(
      _combine_body,
      grid=(_N // _R,),
      in_specs=[
          _row_spec(_D), _part_spec(_D), _row_spec(16),
          _full_spec(_D, _D), _full_spec(1, _D),
      ],
      out_specs=_row_spec(_D),
      out_shape=jax.ShapeDtypeStruct((_N, _D), jnp.float32),
  )(p, sums, cnts, Wn, b.reshape(1, _D))


def _combine2(p, sums, cnts, Wn, b, Wc1, bc1, Wc2, bc2):
  n_cls = Wc2.shape[1]
  cls_hid = Wc1.shape[1]
  return pl.pallas_call(
      _combine2_body,
      grid=(_N // _R,),
      in_specs=[
          _row_spec(_D), _part_spec(_D), _row_spec(16),
          _full_spec(_D, _D), _full_spec(1, _D),
          _full_spec(_D, cls_hid), _full_spec(1, cls_hid),
          _full_spec(cls_hid, n_cls), _full_spec(1, n_cls),
      ],
      out_specs=_row_spec(n_cls),
      out_shape=jax.ShapeDtypeStruct((_N, n_cls), jnp.float32),
  )(p, sums, cnts, Wn, b.reshape(1, _D), Wc1, bc1.reshape(1, cls_hid),
    Wc2, bc2.reshape(1, n_cls))


def kernel(x, edge_index, W1_self, W1_neigh, b1, W2_self, W2_neigh, b2,
           Wc1, bc1, Wc2, bc2):
  pad = _EROWS_PAD * _CHUNK - _E
  ar = jnp.arange(pad, dtype=jnp.int32)
  srcf = jnp.concatenate([edge_index[0], ar % _N])
  dstf = jnp.concatenate([edge_index[1], _N + ar % (_ACC_ROWS - _N)])
  src = srcf.reshape(_GROWS, _GCH)
  dst = dstf.reshape(_GROWS, _GCH)
  dst128 = dstf.reshape(_EROWS_PAD, _CHUNK)

  z16 = jnp.zeros((_ZROWS, 16), jnp.float32)
  ones16 = jnp.ones((_CHUNK, 16), jnp.float32)

  cnts = _sc_count(dst128, z16, ones16)
  sums1 = _sc_agg(x, src, dst)
  p1 = _self_mm(x, W1_self)
  h1 = _combine1(p1, sums1, cnts, W1_neigh, b1)

  sums2 = _sc_agg(h1, src, dst)
  p2 = _self_mm(h1, W2_self)
  return _combine2(p2, sums2, cnts, W2_neigh, b2, Wc1, bc1, Wc2, bc2)

# --- scband reference (transcript-rebuilt; emitter-appended) ---
"""Pipeline reference for scband-gcn-34205119545878 (READ-ONLY COPY).

The authoritative reference and input builder live on the scoring server;
editing this copy changes nothing except your own understanding.
"""

import jax, jax.numpy as jnp
import numpy as np

N = 10000
E = 320000
D_IN = 128
D_HID = 128
D_OUT = 128
N_CLASSES = 16
CLS_HID = 16


def setup_inputs(seed: int = 0) -> dict:
    key = jax.random.key(seed)
    ks = jax.random.split(key, 12)
    x = jax.random.normal(ks[0], (N, D_IN), dtype=jnp.float32)
    edge_index = jax.random.randint(ks[1], (2, E), 0, N, dtype=jnp.int32)
    W1_self = jax.random.normal(ks[2], (D_IN, D_HID), dtype=jnp.float32) / np.sqrt(D_IN)
    W1_neigh = jax.random.normal(ks[3], (D_IN, D_HID), dtype=jnp.float32) / np.sqrt(D_IN)
    b1 = jnp.zeros((D_HID,), dtype=jnp.float32)
    W2_self = jax.random.normal(ks[4], (D_HID, D_OUT), dtype=jnp.float32) / np.sqrt(D_HID)
    W2_neigh = jax.random.normal(ks[5], (D_HID, D_OUT), dtype=jnp.float32) / np.sqrt(D_HID)
    b2 = jnp.zeros((D_OUT,), dtype=jnp.float32)
    Wc1 = jax.random.normal(ks[6], (D_OUT, CLS_HID), dtype=jnp.float32) / np.sqrt(D_OUT)
    bc1 = jnp.zeros((CLS_HID,), dtype=jnp.float32)
    Wc2 = jax.random.normal(ks[7], (CLS_HID, N_CLASSES), dtype=jnp.float32) / np.sqrt(CLS_HID)
    bc2 = jnp.zeros((N_CLASSES,), dtype=jnp.float32)
    return {
        "x": x,
        "edge_index": edge_index,
        "W1_self": W1_self, "W1_neigh": W1_neigh, "b1": b1,
        "W2_self": W2_self, "W2_neigh": W2_neigh, "b2": b2,
        "Wc1": Wc1, "bc1": bc1, "Wc2": Wc2, "bc2": bc2,
    }


def _sage_layer(h, edge_index, W_self, W_neigh, b):
    # GraphSAGE mean aggregation: gather messages from src, scatter-add to dst, normalize by degree
    src = edge_index[0]
    dst = edge_index[1]
    msgs = jnp.take(h, src, axis=0)
    sums = jnp.zeros((h.shape[0], msgs.shape[1]), dtype=h.dtype).at[dst].add(msgs)
    cnt = jnp.zeros((h.shape[0],), dtype=h.dtype).at[dst].add(1.0)
    mean = sums / jnp.clip(cnt, 1.0, None)[:, None]
    return jax.nn.relu(h @ W_self + mean @ W_neigh + b)


def reference(x, edge_index, W1_self, W1_neigh, b1, W2_self, W2_neigh, b2, Wc1, bc1, Wc2, bc2):
    # 2-layer GraphSAGE (mean aggregator, bias=True, ReLU activation)
    h = _sage_layer(x, edge_index, W1_self, W1_neigh, b1)
    h = _sage_layer(h, edge_index, W2_self, W2_neigh, b2)
    # per-node feed-forward classifier head -> node_features['logits']
    hidden = jax.nn.relu(h @ Wc1 + bc1)
    logits = hidden @ Wc2 + bc2
    return logits

if __name__ == "__main__":
    import jax
    _d = setup_inputs()
    print(jax.jit(kernel)(*tuple(_d.values())))

</pallas_src>

<mosaic_0001>
#map = affine_map<(d0, d1) -> (0, 0)>
#map1 = affine_map<(d0, d1) -> (0, 0, 0)>
module attributes {stable_mosaic.version = 14 : i64} {
  func.func @_agg_body(%arg0: i32, %arg1: i32, %arg2: memref<10000x128xf32, #tpu.memory_space<hbm>>, %arg3: memref<5120x64xi32, #tpu.memory_space<hbm>>, %arg4: memref<5120x64xi32, #tpu.memory_space<hbm>>, %arg5: memref<2x10000x128xf32, #tpu.memory_space<hbm>>, %arg6: memref<8x64xi32, #tpu.memory_space<vmem>>, %arg7: memref<8x64xi32, #tpu.memory_space<vmem>>, %arg8: memref<4x64x128xf32, #tpu.memory_space<vmem>>, %arg9: memref<10240x128xf32, #tpu.memory_space<vmem_shared>>, %arg10: memref<!tpu.dma_semaphore, #tpu.memory_space<semaphore_mem>>, %arg11: memref<!tpu.dma_semaphore, #tpu.memory_space<semaphore_mem>>, %arg12: memref<!tpu.dma_semaphore, #tpu.memory_space<semaphore_mem>>, %arg13: memref<!tpu.dma_semaphore, #tpu.memory_space<semaphore_mem>>, %arg14: memref<!tpu.dma_semaphore, #tpu.memory_space<semaphore_mem>>, %arg15: memref<!tpu.dma_semaphore, #tpu.memory_space<semaphore_mem>>, %arg16: memref<!tpu.dma_semaphore, #tpu.memory_space<semaphore_mem>>, %arg17: memref<!tpu.dma_semaphore, #tpu.memory_space<semaphore_mem>>) attributes {dimension_semantics = [#tpu.dimension_semantics<core_parallel>, #tpu.dimension_semantics<subcore_parallel>], iteration_bounds = array<i64: 2, 16>, scalar_prefetch = 0 : i64, scratch_operands = 12 : i64, tpu.core_type = #tpu.core_type<sc_vector_subcore>, window_params = [{transform_indices = #map}, {transform_indices = #map}, {transform_indices = #map}, {transform_indices = #map1}]} {
    %scan3A = arith.constant 0 : i32
    %scan3A_0 = arith.constant 64 : i32
    %scan3A_1 = arith.addi %scan3A, %scan3A_0 : i32
    %scan3A_2 = arith.constant 1 : i32
    scf.for %scan3A_442 = %scan3A to %scan3A_1 step %scan3A_2  : i32 {
      %mul3A_443 = arith.constant 1 : i32
      %mul3A_444 = arith.muli %scan3A_442, %mul3A_443 : i32
      %add3A_445 = arith.constant 0 : i32
      %add3A_446 = arith.addi %add3A_445, %mul3A_444 : i32
      %broadcast_in_dim3A = arith.constant 0.000000e+00 : f32
      %broadcast_in_dim3A_447 = vector.broadcast %broadcast_in_dim3A : f32 to vector<16xf32>
      %swap3A = arith.constant 0 : i32
      %swap3A_448 = arith.index_cast %swap3A : i32 to index
      %swap3A_449 = arith.index_cast %add3A_446 : i32 to index
      %swap3A_450 = arith.constant 0 : index
      %swap3A_451 = tpu.vector_load %arg8[%swap3A_448, %swap3A_449, %swap3A_450] {strides = array<i32>} : memref<4x64x128xf32, #tpu.memory_space<vmem>>, vector<1x1x16xf32>,
      %swap3A_452 = vector.shape_cast %swap3A_451 : vector<1x1x16xf32> to vector<16xf32>
      %swap3A_453 = vector.shape_cast %broadcast_in_dim3A_447 : vector<16xf32> to vector<1x1x16xf32>
      tpu.vector_store %arg8[%swap3A_448, %swap3A_449, %swap3A_450], %swap3A_453 {strides = array<i32>} : memref<4x64x128xf32, #tpu.memory_space<vmem>>, vector<1x1x16xf32>,
      %broadcast_in_dim3A_454 = arith.constant 0.000000e+00 : f32
      %broadcast_in_dim3A_455 = vector.broadcast %broadcast_in_dim3A_454 : f32 to vector<16xf32>
      %swap3A_456 = arith.constant 0 : i32
      %swap3A_457 = arith.index_cast %swap3A_456 : i32 to index
      %swap3A_458 = arith.index_cast %add3A_446 : i32 to index
      %swap3A_459 = arith.constant 16 : index
      %swap3A_460 = tpu.vector_load %arg8[%swap3A_457, %swap3A_458, %swap3A_459] {strides = array<i32>} : memref<4x64x128xf32, #tpu.memory_space<vmem>>, vector<1x1x16xf32>,
      %swap3A_461 = vector.shape_cast %swap3A_460 : vector<1x1x16xf32> to vector<16xf32>
      %swap3A_462 = vector.shape_cast %broadcast_in_dim3A_455 : vector<16xf32> to vector<1x1x16xf32>
      tpu.vector_store %arg8[%swap3A_457, %swap3A_458, %swap3A_459], %swap3A_462 {strides = array<i32>} : memref<4x64x128xf32, #tpu.memory_space<vmem>>, vector<1x1x16xf32>,
      %broadcast_in_dim3A_463 = arith.constant 0.000000e+00 : f32
      %broadcast_in_dim3A_464 = vector.broadcast %broadcast_in_dim3A_463 : f32 to vector<16xf32>
      %swap3A_465 = arith.constant 0 : i32
      %swap3A_466 = arith.index_cast %swap3A_465 : i32 to index
      %swap3A_467 = arith.index_cast %add3A_446 : i32 to index
      %swap3A_468 = arith.constant 32 : index
      %swap3A_469 = tpu.vector_load %arg8[%swap3A_466, %swap3A_467, %swap3A_468] {strides = array<i32>} : memref<4x64x128xf32, #tpu.memory_space<vmem>>, vector<1x1x16xf32>,
      %swap3A_470 = vector.shape_cast %swap3A_469 : vector<1x1x16xf32> to vector<16xf32>
      %swap3A_471 = vector.shape_cast %broadcast_in_dim3A_464 : vector<16xf32> to vector<1x1x16xf32>
      tpu.vector_store %arg8[%swap3A_466, %swap3A_467, %swap3A_468], %swap3A_471 {strides = array<i32>} : memref<4x64x128xf32, #tpu.memory_space<vmem>>, vector<1x1x16xf32>,
      %broadcast_in_dim3A_472 = arith.constant 0.000000e+00 : f32
      %broadcast_in_dim3A_473 = vector.broadcast %broadcast_in_dim3A_472 : f32 to vector<16xf32>
      %swap3A_474 = arith.constant 0 : i32
      %swap3A_475 = arith.index_cast %swap3A_474 : i32 to index
      %swap3A_476 = arith.index_cast %add3A_446 : i32 to index
      %swap3A_477 = arith.constant 48 : index
      %swap3A_478 = tpu.vector_load %arg8[%swap3A_475, %swap3A_476, %swap3A_477] {strides = array<i32>} : memref<4x64x128xf32, #tpu.memory_space<vmem>>, vector<1x1x16xf32>,
      %swap3A_479 = vector.shape_cast %swap3A_478 : vector<1x1x16xf32> to vector<16xf32>
      %swap3A_480 = vector.shape_cast %broadcast_in_dim3A_473 : vector<16xf32> to vector<1x1x16xf32>
      tpu.vector_store %arg8[%swap3A_475, %swap3A_476, %swap3A_477], %swap3A_480 {strides = array<i32>} : memref<4x64x128xf32, #tpu.memory_space<vmem>>, vector<1x1x16xf32>,
      %broadcast_in_dim3A_481 = arith.constant 0.000000e+00 : f32
      %broadcast_in_dim3A_482 = vector.broadcast %broadcast_in_dim3A_481 : f32 to vector<16xf32>
      %swap3A_483 = arith.constant 0 : i32
      %swap3A_484 = arith.index_cast %swap3A_483 : i32 to index
      %swap3A_485 = arith.index_cast %add3A_446 : i32 to index
      %swap3A_486 = arith.constant 64 : index
      %swap3A_487 = tpu.vector_load %arg8[%swap3A_484, %swap3A_485, %swap3A_486] {strides = array<i32>} : memref<4x64x128xf32, #tpu.memory_space<vmem>>, vector<1x1x16xf32>,
      %swap3A_488 = vector.shape_cast %swap3A_487 : vector<1x1x16xf32> to vector<16xf32>
      %swap3A_489 = vector.shape_cast %broadcast_in_dim3A_482 : vector<16xf32> to vector<1x1x16xf32>
      tpu.vector_store %arg8[%swap3A_484, %swap3A_485, %swap3A_486], %swap3A_489 {strides = array<i32>} : memref<4x64x128xf32, #tpu.memory_space<vmem>>, vector<1x1x16xf32>,
      %broadcast_in_dim3A_490 = arith.constant 0.000000e+00 : f32
      %broadcast_in_dim3A_491 = vector.broadcast %broadcast_in_dim3A_490 : f32 to vector<16xf32>
      %swap3A_492 = arith.constant 0 : i32
      %swap3A_493 = arith.index_cast %swap3A_492 : i32 to index
      %swap3A_494 = arith.index_cast %add3A_446 : i32 to index
      %swap3A_495 = arith.constant 80 : index
      %swap3A_496 = tpu.vector_load %arg8[%swap3A_493, %swap3A_494, %swap3A_495] {strides = array<i32>} : memref<4x64x128xf32, #tpu.memory_space<vmem>>, vector<1x1x16xf32>,
      %swap3A_497 = vector.shape_cast %swap3A_496 : vector<1x1x16xf32> to vector<16xf32>
      %swap3A_498 = vector.shape_cast %broadcast_in_dim3A_491 : vector<16xf32> to vector<1x1x16xf32>
      tpu.vector_store %arg8[%swap3A_493, %swap3A_494, %swap3A_495], %swap3A_498 {strides = array<i32>} : memref<4x64x128xf32, #tpu.memory_space<vmem>>, vector<1x1x16xf32>,
      %broadcast_in_dim3A_499 = arith.constant 0.000000e+00 : f32
      %broadcast_in_dim3A_500 = vector.broadcast %broadcast_in_dim3A_499 : f32 to vector<16xf32>
      %swap3A_501 = arith.constant 0 : i32
      %swap3A_502 = arith.index_cast %swap3A_501 : i32 to index
      %swap3A_503 = arith.index_cast %add3A_446 : i32 to index
      %swap3A_504 = arith.constant 96 : index
      %swap3A_505 = tpu.vector_load %arg8[%swap3A_502, %swap3A_503, %swap3A_504] {strides = array<i32>} : memref<4x64x128xf32, #tpu.memory_space<vmem>>, vector<1x1x16xf32>,
      %swap3A_506 = vector.shape_cast %swap3A_505 : vector<1x1x16xf32> to vector<16xf32>
      %swap3A_507 = vector.shape_cast %broadcast_in_dim3A_500 : vector<16xf32> to vector<1x1x16xf32>
      tpu.vector_store %arg8[%swap3A_502, %swap3A_503, %swap3A_504], %swap3A_507 {strides = array<i32>} : memref<4x64x128xf32, #tpu.memory_space<vmem>>, vector<1x1x16xf32>,
      %broadcast_in_dim3A_508 = arith.constant 0.000000e+00 : f32
      %broadcast_in_dim3A_509 = vector.broadcast %broadcast_in_dim3A_508 : f32 to vector<16xf32>
      %swap3A_510 = arith.constant 0 : i32
      %swap3A_511 = arith.index_cast %swap3A_510 : i32 to index
      %swap3A_512 = arith.index_cast %add3A_446 : i32 to index
      %swap3A_513 = arith.constant 112 : index
      %swap3A_514 = tpu.vector_load %arg8[%swap3A_511, %swap3A_512, %swap3A_513] {strides = array<i32>} : memref<4x64x128xf32, #tpu.memory_space<vmem>>, vector<1x1x16xf32>,
      %swap3A_515 = vector.shape_cast %swap3A_514 : vector<1x1x16xf32> to vector<16xf32>
      %swap3A_516 = vector.shape_cast %broadcast_in_dim3A_509 : vector<16xf32> to vector<1x1x16xf32>
      tpu.vector_store %arg8[%swap3A_511, %swap3A_512, %swap3A_513], %swap3A_516 {strides = array<i32>} : memref<4x64x128xf32, #tpu.memory_space<vmem>>, vector<1x1x16xf32>,
    }
    %scan3A_3 = arith.constant 64 : i32
    %mul3A = arith.constant 640 : i32
    %mul3A_4 = arith.muli %arg1, %mul3A : i32
    %add3A = arith.constant 0 : i32
    %add3A_5 = arith.addi %mul3A_4, %add3A : i32
    %run_scoped3A = arith.constant 0 : i32
    "tpu.region"() ({
      %run_scoped3A_442 = tpu.sem_alloc : memref<!tpu.dma_semaphore, #tpu.memory_space<semaphore_mem>>
      %dma_start3A_443 = arith.constant 0 : i32
      %dma_start3A_444 = arith.constant 0 : i32
      %dma_start3A_445 = tpu.memref_slice %arg8[%run_scoped3A, %dma_start3A_443, %dma_start3A_444] : memref<4x64x128xf32, #tpu.memory_space<vmem>> -> memref<1x64x128xf32, #tpu.memory_space<vmem>>
      %dma_start3A_446 = tpu.memref_squeeze %dma_start3A_445 : memref<1x64x128xf32, #tpu.memory_space<vmem>> -> memref<64x128xf32, #tpu.memory_space<vmem>>
      %dma_start3A_447 = arith.constant 0 : i32
      %dma_start3A_448 = tpu.memref_slice %arg9[%add3A_5, %dma_start3A_447] : memref<10240x128xf32, #tpu.memory_space<vmem_shared>> -> memref<64x128xf32, #tpu.memory_space<vmem_shared>>
      %dma_start3A_449 = arith.constant 0 : i32
      %dma_start3A_450 = tpu.memref_slice %arg9[%add3A_5, %dma_start3A_449] : memref<10240x128xf32, #tpu.memory_space<vmem_shared>> -> memref<64x128xf32, #tpu.memory_space<vmem_shared>>
      %dma_start3A_451 = arith.constant 0 : i32
      %dma_start3A_452 = arith.constant 0 : i32
      %dma_start3A_453 = tpu.memref_slice %arg8[%run_scoped3A, %dma_start3A_451, %dma_start3A_452] : memref<4x64x128xf32, #tpu.memory_space<vmem>> -> memref<1x64x128xf32, #tpu.memory_space<vmem>>
      %dma_start3A_454 = tpu.memref_squeeze %dma_start3A_453 : memref<1x64x128xf32, #tpu.memory_space<vmem>> -> memref<64x128xf32, #tpu.memory_space<vmem>>
      tpu.enqueue_dma source(%dma_start3A_454 : memref<64x128xf32, #tpu.memory_space<vmem>>) target(%dma_start3A_450 : memref<64x128xf32, #tpu.memory_space<vmem_shared>>) target_semaphore(%run_scoped3A_442 : memref<!tpu.dma_semaphore, #tpu.memory_space<semaphore_mem>>)
      %dma_wait3A_455 = arith.constant 0 : i32
      %dma_wait3A_456 = arith.constant 0 : i32
      %dma_wait3A_457 = tpu.memref_slice %arg8[%run_scoped3A, %dma_wait3A_455, %dma_wait3A_456] : memref<4x64x128xf32, #tpu.memory_space<vmem>> -> memref<1x64x128xf32, #tpu.memory_space<vmem>>
      %dma_wait3A_458 = tpu.memref_squeeze %dma_wait3A_457 : memref<1x64x128xf32, #tpu.memory_space<vmem>> -> memref<64x128xf32, #tpu.memory_space<vmem>>
      %dma_wait3A_459 = arith.constant 0 : i32
      %dma_wait3A_460 = tpu.memref_slice %arg9[%add3A_5, %dma_wait3A_459] : memref<10240x128xf32, #tpu.memory_space<vmem_shared>> -> memref<64x128xf32, #tpu.memory_space<vmem_shared>>
      %dma_wait3A_461 = arith.constant 0 : i32
      %dma_wait3A_462 = tpu.memref_slice %arg9[%add3A_5, %dma_wait3A_461] : memref<10240x128xf32, #tpu.memory_space<vmem_shared>> -> memref<64x128xf32, #tpu.memory_space<vmem_shared>>
      %dma_wait3A_463 = arith.constant 0 : i32
      %dma_wait3A_464 = arith.constant 0 : i32
      %dma_wait3A_465 = tpu.memref_slice %arg8[%run_scoped3A, %dma_wait3A_463, %dma_wait3A_464] : memref<4x64x128xf32, #tpu.memory_space<vmem>> -> memref<1x64x128xf32, #tpu.memory_space<vmem>>
      %dma_wait3A_466 = tpu.memref_squeeze %dma_wait3A_465 : memref<1x64x128xf32, #tpu.memory_space<vmem>> -> memref<64x128xf32, #tpu.memory_space<vmem>>
      tpu.wait_dma2 semaphore(%run_scoped3A_442 : memref<!tpu.dma_semaphore, #tpu.memory_space<semaphore_mem>>) src(%dma_wait3A_466 : memref<64x128xf32, #tpu.memory_space<vmem>>) dst(%dma_wait3A_462 : memref<64x128xf32, #tpu.memory_space<vmem_shared>>)
      tpu.yield
    }) : () -> ()
    %add3A_6 = arith.constant 64 : i32
    %add3A_7 = arith.addi %mul3A_4, %add3A_6 : i32
    %run_scoped3A_8 = arith.constant 0 : i32
    "tpu.region"() ({
      %run_scoped3A_442 = tpu.sem_alloc : memref<!tpu.dma_semaphore, #tpu.memory_space<semaphore_mem>>
      %dma_start3A_443 = arith.constant 0 : i32
      %dma_start3A_444 = arith.constant 0 : i32
      %dma_start3A_445 = tpu.memref_slice %arg8[%run_scoped3A_8, %dma_start3A_443, %dma_start3A_444] : memref<4x64x128xf32, #tpu.memory_space<vmem>> -> memref<1x64x128xf32, #tpu.memory_space<vmem>>
      %dma_start3A_446 = tpu.memref_squeeze %dma_start3A_445 : memref<1x64x128xf32, #tpu.memory_space<vmem>> -> memref<64x128xf32, #tpu.memory_space<vmem>>
      %dma_start3A_447 = arith.constant 0 : i32
      %dma_start3A_448 = tpu.memref_slice %arg9[%add3A_7, %dma_start3A_447] : memref<10240x128xf32, #tpu.memory_space<vmem_shared>> -> memref<64x128xf32, #tpu.memory_space<vmem_shared>>
      %dma_start3A_449 = arith.constant 0 : i32
      %dma_start3A_450 = tpu.memref_slice %arg9[%add3A_7, %dma_start3A_449] : memref<10240x128xf32, #tpu.memory_space<vmem_shared>> -> memref<64x128xf32, #tpu.memory_space<vmem_shared>>
      %dma_start3A_451 = arith.constant 0 : i32
      %dma_start3A_452 = arith.constant 0 : i32
      %dma_start3A_453 = tpu.memref_slice %arg8[%run_scoped3A_8, %dma_start3A_451, %dma_start3A_452] : memref<4x64x128xf32, #tpu.memory_space<vmem>> -> memref<1x64x128xf32, #tpu.memory_space<vmem>>
      %dma_start3A_454 = tpu.memref_squeeze %dma_start3A_453 : memref<1x64x128xf32, #tpu.memory_space<vmem>> -> memref<64x128xf32, #tpu.memory_space<vmem>>
      tpu.enqueue_dma source(%dma_start3A_454 : memref<64x128xf32, #tpu.memory_space<vmem>>) target(%dma_start3A_450 : memref<64x128xf32, #tpu.memory_space<vmem_shared>>) target_semaphore(%run_scoped3A_442 : memref<!tpu.dma_semaphore, #tpu.memory_space<semaphore_mem>>)
      %dma_wait3A_455 = arith.constant 0 : i32
      %dma_wait3A_456 = arith.constant 0 : i32
      %dma_wait3A_457 = tpu.memref_slice %arg8[%run_scoped3A_8, %dma_wait3A_455, %dma_wait3A_456] : memref<4x64x128xf32, #tpu.memory_space<vmem>> -> memref<1x64x128xf32, #tpu.memory_space<vmem>>
      %dma_wait3A_458 = tpu.memref_squeeze %dma_wait3A_457 : memref<1x64x128xf32, #tpu.memory_space<vmem>> -> memref<64x128xf32, #tpu.memory_space<vmem>>
      %dma_wait3A_459 = arith.constant 0 : i32
      %dma_wait3A_460 = tpu.memref_slice %arg9[%add3A_7, %dma_wait3A_459] : memref<10240x128xf32, #tpu.memory_space<vmem_shared>> -> memref<64x128xf32, #tpu.memory_space<vmem_shared>>
      %dma_wait3A_461 = arith.constant 0 : i32
      %dma_wait3A_462 = tpu.memref_slice %arg9[%add3A_7, %dma_wait3A_461] : memref<10240x128xf32, #tpu.memory_space<vmem_shared>> -> memref<64x128xf32, #tpu.memory_space<vmem_shared>>
      %dma_wait3A_463 = arith.constant 0 : i32
      %dma_wait3A_464 = arith.constant 0 : i32
      %dma_wait3A_465 = tpu.memref_slice %arg8[%run_scoped3A_8, %dma_wait3A_463, %dma_wait3A_464] : memref<4x64x128xf32, #tpu.memory_space<vmem>> -> memref<1x64x128xf32, #tpu.memory_space<vmem>>
      %dma_wait3A_466 = tpu.memref_squeeze %dma_wait3A_465 : memref<1x64x128xf32, #tpu.memory_space<vmem>> -> memref<64x128xf32, #tpu.memory_space<vmem>>
      tpu.wait_dma2 semaphore(%run_scoped3A_442 : memref<!tpu.dma_semaphore, #tpu.memory_space<semaphore_mem>>) src(%dma_wait3A_466 : memref<64x128xf32, #tpu.memory_space<vmem>>) dst(%dma_wait3A_462 : memref<64x128xf32, #tpu.memory_space<vmem_shared>>)
      tpu.yield
    }) : () -> ()
    %add3A_9 = arith.constant 128 : i32
    %add3A_10 = arith.addi %mul3A_4, %add3A_9 : i32
    %run_scoped3A_11 = arith.constant 0 : i32
    "tpu.region"() ({
      %run_scoped3A_442 = tpu.sem_alloc : memref<!tpu.dma_semaphore, #tpu.memory_space<semaphore_mem>>
      %dma_start3A_443 = arith.constant 0 : i32
      %dma_start3A_444 = arith.constant 0 : i32
      %dma_start3A_445 = tpu.memref_slice %arg8[%run_scoped3A_11, %dma_start3A_443, %dma_start3A_444] : memref<4x64x128xf32, #tpu.memory_space<vmem>> -> memref<1x64x128xf32, #tpu.memory_space<vmem>>
      %dma_start3A_446 = tpu.memref_squeeze %dma_start3A_445 : memref<1x64x128xf32, #tpu.memory_space<vmem>> -> memref<64x128xf32, #tpu.memory_space<vmem>>
      %dma_start3A_447 = arith.constant 0 : i32
      %dma_start3A_448 = tpu.memref_slice %arg9[%add3A_10, %dma_start3A_447] : memref<10240x128xf32, #tpu.memory_space<vmem_shared>> -> memref<64x128xf32, #tpu.memory_space<vmem_shared>>
      %dma_start3A_449 = arith.constant 0 : i32
      %dma_start3A_450 = tpu.memref_slice %arg9[%add3A_10, %dma_start3A_449] : memref<10240x128xf32, #tpu.memory_space<vmem_shared>> -> memref<64x128xf32, #tpu.memory_space<vmem_shared>>
      %dma_start3A_451 = arith.constant 0 : i32
      %dma_start3A_452 = arith.constant 0 : i32
      %dma_start3A_453 = tpu.memref_slice %arg8[%run_scoped3A_11, %dma_start3A_451, %dma_start3A_452] : memref<4x64x128xf32, #tpu.memory_space<vmem>> -> memref<1x64x128xf32, #tpu.memory_space<vmem>>
      %dma_start3A_454 = tpu.memref_squeeze %dma_start3A_453 : memref<1x64x128xf32, #tpu.memory_space<vmem>> -> memref<64x128xf32, #tpu.memory_space<vmem>>
      tpu.enqueue_dma source(%dma_start3A_454 : memref<64x128xf32, #tpu.memory_space<vmem>>) target(%dma_start3A_450 : memref<64x128xf32, #tpu.memory_space<vmem_shared>>) target_semaphore(%run_scoped3A_442 : memref<!tpu.dma_semaphore, #tpu.memory_space<semaphore_mem>>)
      %dma_wait3A_455 = arith.constant 0 : i32
      %dma_wait3A_456 = arith.constant 0 : i32
      %dma_wait3A_457 = tpu.memref_slice %arg8[%run_scoped3A_11, %dma_wait3A_455, %dma_wait3A_456] : memref<4x64x128xf32, #tpu.memory_space<vmem>> -> memref<1x64x128xf32, #tpu.memory_space<vmem>>
      %dma_wait3A_458 = tpu.memref_squeeze %dma_wait3A_457 : memref<1x64x128xf32, #tpu.memory_space<vmem>> -> memref<64x128xf32, #tpu.memory_space<vmem>>
      %dma_wait3A_459 = arith.constant 0 : i32
      %dma_wait3A_460 = tpu.memref_slice %arg9[%add3A_10, %dma_wait3A_459] : memref<10240x128xf32, #tpu.memory_space<vmem_shared>> -> memref<64x128xf32, #tpu.memory_space<vmem_shared>>
      %dma_wait3A_461 = arith.constant 0 : i32
      %dma_wait3A_462 = tpu.memref_slice %arg9[%add3A_10, %dma_wait3A_461] : memref<10240x128xf32, #tpu.memory_space<vmem_shared>> -> memref<64x128xf32, #tpu.memory_space<vmem_shared>>
      %dma_wait3A_463 = arith.constant 0 : i32
      %dma_wait3A_464 = arith.constant 0 : i32
      %dma_wait3A_465 = tpu.memref_slice %arg8[%run_scoped3A_11, %dma_wait3A_463, %dma_wait3A_464] : memref<4x64x128xf32, #tpu.memory_space<vmem>> -> memref<1x64x128xf32, #tpu.memory_space<vmem>>
      %dma_wait3A_466 = tpu.memref_squeeze %dma_wait3A_465 : memref<1x64x128xf32, #tpu.memory_space<vmem>> -> memref<64x128xf32, #tpu.memory_space<vmem>>
      tpu.wait_dma2 semaphore(%run_scoped3A_442 : memref<!tpu.dma_semaphore, #tpu.memory_space<semaphore_mem>>) src(%dma_wait3A_466 : memref<64x128xf32, #tpu.memory_space<vmem>>) dst(%dma_wait3A_462 : memref<64x128xf32, #tpu.memory_space<vmem_shared>>)
      tpu.yield
    }) : () -> ()
    %add3A_12 = arith.constant 192 : i32
    %add3A_13 = arith.addi %mul3A_4, %add3A_12 : i32
    %run_scoped3A_14 = arith.constant 0 : i32
    "tpu.region"() ({
      %run_scoped3A_442 = tpu.sem_alloc : memref<!tpu.dma_semaphore, #tpu.memory_space<semaphore_mem>>
      %dma_start3A_443 = arith.constant 0 : i32
      %dma_start3A_444 = arith.constant 0 : i32
      %dma_start3A_445 = tpu.memref_slice %arg8[%run_scoped3A_14, %dma_start3A_443, %dma_start3A_444] : memref<4x64x128xf32, #tpu.memory_space<vmem>> -> memref<1x64x128xf32, #tpu.memory_space<vmem>>
      %dma_start3A_446 = tpu.memref_squeeze %dma_start3A_445 : memref<1x64x128xf32, #tpu.memory_space<vmem>> -> memref<64x128xf32, #tpu.memory_space<vmem>>
      %dma_start3A_447 = arith.constant 0 : i32
      %dma_start3A_448 = tpu.memref_slice %arg9[%add3A_13, %dma_start3A_447] : memref<10240x128xf32, #tpu.memory_space<vmem_shared>> -> memref<64x128xf32, #tpu.memory_space<vmem_shared>>
      %dma_start3A_449 = arith.constant 0 : i32
      %dma_start3A_450 = tpu.memref_slice %arg9[%add3A_13, %dma_start3A_449] : memref<10240x128xf32, #tpu.memory_space<vmem_shared>> -> memref<64x128xf32, #tpu.memory_space<vmem_shared>>
      %dma_start3A_451 = arith.constant 0 : i32
      %dma_start3A_452 = arith.constant 0 : i32
      %dma_start3A_453 = tpu.memref_slice %arg8[%run_scoped3A_14, %dma_start3A_451, %dma_start3A_452] : memref<4x64x128xf32, #tpu.memory_space<vmem>> -> memref<1x64x128xf32, #tpu.memory_space<vmem>>
      %dma_start3A_454 = tpu.memref_squeeze %dma_start3A_453 : memref<1x64x128xf32, #tpu.memory_space<vmem>> -> memref<64x128xf32, #tpu.memory_space<vmem>>
      tpu.enqueue_dma source(%dma_start3A_454 : memref<64x128xf32, #tpu.memory_space<vmem>>) target(%dma_start3A_450 : memref<64x128xf32, #tpu.memory_space<vmem_shared>>) target_semaphore(%run_scoped3A_442 : memref<!tpu.dma_semaphore, #tpu.memory_space<semaphore_mem>>)
      %dma_wait3A_455 = arith.constant 0 : i32
      %dma_wait3A_456 = arith.constant 0 : i32
      %dma_wait3A_457 = tpu.memref_slice %arg8[%run_scoped3A_14, %dma_wait3A_455, %dma_wait3A_456] : memref<4x64x128xf32, #tpu.memory_space<vmem>> -> memref<1x64x128xf32, #tpu.memory_space<vmem>>
      %dma_wait3A_458 = tpu.memref_squeeze %dma_wait3A_457 : memref<1x64x128xf32, #tpu.memory_space<vmem>> -> memref<64x128xf32, #tpu.memory_space<vmem>>
      %dma_wait3A_459 = arith.constant 0 : i32
      %dma_wait3A_460 = tpu.memref_slice %arg9[%add3A_13, %dma_wait3A_459] : memref<10240x128xf32, #tpu.memory_space<vmem_shared>> -> memref<64x128xf32, #tpu.memory_space<vmem_shared>>
      %dma_wait3A_461 = arith.constant 0 : i32
      %dma_wait3A_462 = tpu.memref_slice %arg9[%add3A_13, %dma_wait3A_461] : memref<10240x128xf32, #tpu.memory_space<vmem_shared>> -> memref<64x128xf32, #tpu.memory_space<vmem_shared>>
      %dma_wait3A_463 = arith.constant 0 : i32
      %dma_wait3A_464 = arith.constant 0 : i32
      %dma_wait3A_465 = tpu.memref_slice %arg8[%run_scoped3A_14, %dma_wait3A_463, %dma_wait3A_464] : memref<4x64x128xf32, #tpu.memory_space<vmem>> -> memref<1x64x128xf32, #tpu.memory_space<vmem>>
      %dma_wait3A_466 = tpu.memref_squeeze %dma_wait3A_465 : memref<1x64x128xf32, #tpu.memory_space<vmem>> -> memref<64x128xf32, #tpu.memory_space<vmem>>
      tpu.wait_dma2 semaphore(%run_scoped3A_442 : memref<!tpu.dma_semaphore, #tpu.memory_space<semaphore_mem>>) src(%dma_wait3A_466 : memref<64x128xf32, #tpu.memory_space<vmem>>) dst(%dma_wait3A_462 : memref<64x128xf32, #tpu.memory_space<vmem_shared>>)
      tpu.yield
    }) : () -> ()
    %add3A_15 = arith.constant 256 : i32
    %add3A_16 = arith.addi %mul3A_4, %add3A_15 : i32
    %run_scoped3A_17 = arith.constant 0 : i32
    "tpu.region"() ({
      %run_scoped3A_442 = tpu.sem_alloc : memref<!tpu.dma_semaphore, #tpu.memory_space<semaphore_mem>>
      %dma_start3A_443 = arith.constant 0 : i32
      %dma_start3A_444 = arith.constant 0 : i32
      %dma_start3A_445 = tpu.memref_slice %arg8[%run_scoped3A_17, %dma_start3A_443, %dma_start3A_444] : memref<4x64x128xf32, #tpu.memory_space<vmem>> -> memref<1x64x128xf32, #tpu.memory_space<vmem>>
      %dma_start3A_446 = tpu.memref_squeeze %dma_start3A_445 : memref<1x64x128xf32, #tpu.memory_space<vmem>> -> memref<64x128xf32, #tpu.memory_space<vmem>>
      %dma_start3A_447 = arith.constant 0 : i32
      %dma_start3A_448 = tpu.memref_slice %arg9[%add3A_16, %dma_start3A_447] : memref<10240x128xf32, #tpu.memory_space<vmem_shared>> -> memref<64x128xf32, #tpu.memory_space<vmem_shared>>
      %dma_start3A_449 = arith.constant 0 : i32
      %dma_start3A_450 = tpu.memref_slice %arg9[%add3A_16, %dma_start3A_449] : memref<10240x128xf32, #tpu.memory_space<vmem_shared>> -> memref<64x128xf32, #tpu.memory_space<vmem_shared>>
      %dma_start3A_451 = arith.constant 0 : i32
      %dma_start3A_452 = arith.constant 0 : i32
      %dma_start3A_453 = tpu.memref_slice %arg8[%run_scoped3A_17, %dma_start3A_451, %dma_start3A_452] : memref<4x64x128xf32, #tpu.memory_space<vmem>> -> memref<1x64x128xf32, #tpu.memory_space<vmem>>
      %dma_start3A_454 = tpu.memref_squeeze %dma_start3A_453 : memref<1x64x128xf32, #tpu.memory_space<vmem>> -> memref<64x128xf32, #tpu.memory_space<vmem>>
      tpu.enqueue_dma source(%dma_start3A_454 : memref<64x128xf32, #tpu.memory_space<vmem>>) target(%dma_start3A_450 : memref<64x128xf32, #tpu.memory_space<vmem_shared>>) target_semaphore(%run_scoped3A_442 : memref<!tpu.dma_semaphore, #tpu.memory_space<semaphore_mem>>)
      %dma_wait3A_455 = arith.constant 0 : i32
      %dma_wait3A_456 = arith.constant 0 : i32
      %dma_wait3A_457 = tpu.memref_slice %arg8[%run_scoped3A_17, %dma_wait3A_455, %dma_wait3A_456] : memref<4x64x128xf32, #tpu.memory_space<vmem>> -> memref<1x64x128xf32, #tpu.memory_space<vmem>>
      %dma_wait3A_458 = tpu.memref_squeeze %dma_wait3A_457 : memref<1x64x128xf32, #tpu.memory_space<vmem>> -> memref<64x128xf32, #tpu.memory_space<vmem>>
      %dma_wait3A_459 = arith.constant 0 : i32
      %dma_wait3A_460 = tpu.memref_slice %arg9[%add3A_16, %dma_wait3A_459] : memref<10240x128xf32, #tpu.memory_space<vmem_shared>> -> memref<64x128xf32, #tpu.memory_space<vmem_shared>>
      %dma_wait3A_461 = arith.constant 0 : i32
      %dma_wait3A_462 = tpu.memref_slice %arg9[%add3A_16, %dma_wait3A_461] : memref<10240x128xf32, #tpu.memory_space<vmem_shared>> -> memref<64x128xf32, #tpu.memory_space<vmem_shared>>
      %dma_wait3A_463 = arith.constant 0 : i32
      %dma_wait3A_464 = arith.constant 0 : i32
      %dma_wait3A_465 = tpu.memref_slice %arg8[%run_scoped3A_17, %dma_wait3A_463, %dma_wait3A_464] : memref<4x64x128xf32, #tpu.memory_space<vmem>> -> memref<1x64x128xf32, #tpu.memory_space<vmem>>
      %dma_wait3A_466 = tpu.memref_squeeze %dma_wait3A_465 : memref<1x64x128xf32, #tpu.memory_space<vmem>> -> memref<64x128xf32, #tpu.memory_space<vmem>>
      tpu.wait_dma2 semaphore(%run_scoped3A_442 : memref<!tpu.dma_semaphore, #tpu.memory_space<semaphore_mem>>) src(%dma_wait3A_466 : memref<64x128xf32, #tpu.memory_space<vmem>>) dst(%dma_wait3A_462 : memref<64x128xf32, #tpu.memory_space<vmem_shared>>)
      tpu.yield
    }) : () -> ()
    %add3A_18 = arith.constant 320 : i32
    %add3A_19 = arith.addi %mul3A_4, %add3A_18 : i32
    %run_scoped3A_20 = arith.constant 0 : i32
    "tpu.region"() ({
      %run_scoped3A_442 = tpu.sem_alloc : memref<!tpu.dma_semaphore, #tpu.memory_space<semaphore_mem>>
      %dma_start3A_443 = arith.constant 0 : i32
      %dma_start3A_444 = arith.constant 0 : i32
      %dma_start3A_445 = tpu.memref_slice %arg8[%run_scoped3A_20, %dma_start3A_443, %dma_start3A_444] : memref<4x64x128xf32, #tpu.memory_space<vmem>> -> memref<1x64x128xf32, #tpu.memory_space<vmem>>
      %dma_start3A_446 = tpu.memref_squeeze %dma_start3A_445 : memref<1x64x128xf32, #tpu.memory_space<vmem>> -> memref<64x128xf32, #tpu.memory_space<vmem>>
      %dma_start3A_447 = arith.constant 0 : i32
      %dma_start3A_448 = tpu.memref_slice %arg9[%add3A_19, %dma_start3A_447] : memref<10240x128xf32, #tpu.memory_space<vmem_shared>> -> memref<64x128xf32, #tpu.memory_space<vmem_shared>>
      %dma_start3A_449 = arith.constant 0 : i32
      %dma_start3A_450 = tpu.memref_slice %arg9[%add3A_19, %dma_start3A_449] : memref<10240x128xf32, #tpu.memory_space<vmem_shared>> -> memref<64x128xf32, #tpu.memory_space<vmem_shared>>
      %dma_start3A_451 = arith.constant 0 : i32
      %dma_start3A_452 = arith.constant 0 : i32
      %dma_start3A_453 = tpu.memref_slice %arg8[%run_scoped3A_20, %dma_start3A_451, %dma_start3A_452] : memref<4x64x128xf32, #tpu.memory_space<vmem>> -> memref<1x64x128xf32, #tpu.memory_space<vmem>>
      %dma_start3A_454 = tpu.memref_squeeze %dma_start3A_453 : memref<1x64x128xf32, #tpu.memory_space<vmem>> -> memref<64x128xf32, #tpu.memory_space<vmem>>
      tpu.enqueue_dma source(%dma_start3A_454 : memref<64x128xf32, #tpu.memory_space<vmem>>) target(%dma_start3A_450 : memref<64x128xf32, #tpu.memory_space<vmem_shared>>) target_semaphore(%run_scoped3A_442 : memref<!tpu.dma_semaphore, #tpu.memory_space<semaphore_mem>>)
      %dma_wait3A_455 = arith.constant 0 : i32
      %dma_wait3A_456 = arith.constant 0 : i32
      %dma_wait3A_457 = tpu.memref_slice %arg8[%run_scoped3A_20, %dma_wait3A_455, %dma_wait3A_456] : memref<4x64x128xf32, #tpu.memory_space<vmem>> -> memref<1x64x128xf32, #tpu.memory_space<vmem>>
      %dma_wait3A_458 = tpu.memref_squeeze %dma_wait3A_457 : memref<1x64x128xf32, #tpu.memory_space<vmem>> -> memref<64x128xf32, #tpu.memory_space<vmem>>
      %dma_wait3A_459 = arith.constant 0 : i32
      %dma_wait3A_460 = tpu.memref_slice %arg9[%add3A_19, %dma_wait3A_459] : memref<10240x128xf32, #tpu.memory_space<vmem_shared>> -> memref<64x128xf32, #tpu.memory_space<vmem_shared>>
      %dma_wait3A_461 = arith.constant 0 : i32
      %dma_wait3A_462 = tpu.memref_slice %arg9[%add3A_19, %dma_wait3A_461] : memref<10240x128xf32, #tpu.memory_space<vmem_shared>> -> memref<64x128xf32, #tpu.memory_space<vmem_shared>>
      %dma_wait3A_463 = arith.constant 0 : i32
      %dma_wait3A_464 = arith.constant 0 : i32
      %dma_wait3A_465 = tpu.memref_slice %arg8[%run_scoped3A_20, %dma_wait3A_463, %dma_wait3A_464] : memref<4x64x128xf32, #tpu.memory_space<vmem>> -> memref<1x64x128xf32, #tpu.memory_space<vmem>>
      %dma_wait3A_466 = tpu.memref_squeeze %dma_wait3A_465 : memref<1x64x128xf32, #tpu.memory_space<vmem>> -> memref<64x128xf32, #tpu.memory_space<vmem>>
      tpu.wait_dma2 semaphore(%run_scoped3A_442 : memref<!tpu.dma_semaphore, #tpu.memory_space<semaphore_mem>>) src(%dma_wait3A_466 : memref<64x128xf32, #tpu.memory_space<vmem>>) dst(%dma_wait3A_462 : memref<64x128xf32, #tpu.memory_space<vmem_shared>>)
      tpu.yield
    }) : () -> ()
    %add3A_21 = arith.constant 384 : i32
    %add3A_22 = arith.addi %mul3A_4, %add3A_21 : i32
    %run_scoped3A_23 = arith.constant 0 : i32
    "tpu.region"() ({
      %run_scoped3A_442 = tpu.sem_alloc : memref<!tpu.dma_semaphore, #tpu.memory_space<semaphore_mem>>
      %dma_start3A_443 = arith.constant 0 : i32
      %dma_start3A_444 = arith.constant 0 : i32
      %dma_start3A_445 = tpu.memref_slice %arg8[%run_scoped3A_23, %dma_start3A_443, %dma_start3A_444] : memref<4x64x128xf32, #tpu.memory_space<vmem>> -> memref<1x64x128xf32, #tpu.memory_space<vmem>>
      %dma_start3A_446 = tpu.memref_squeeze %dma_start3A_445 : memref<1x64x128xf32, #tpu.memory_space<vmem>> -> memref<64x128xf32, #tpu.memory_space<vmem>>
      %dma_start3A_447 = arith.constant 0 : i32
      %dma_start3A_448 = tpu.memref_slice %arg9[%add3A_22, %dma_start3A_447] : memref<10240x128xf32, #tpu.memory_space<vmem_shared>> -> memref<64x128xf32, #tpu.memory_space<vmem_shared>>
      %dma_start3A_449 = arith.constant 0 : i32
      %dma_start3A_450 = tpu.memref_slice %arg9[%add3A_22, %dma_start3A_449] : memref<10240x128xf32, #tpu.memory_space<vmem_shared>> -> memref<64x128xf32, #tpu.memory_space<vmem_shared>>
      %dma_start3A_451 = arith.constant 0 : i32
      %dma_start3A_452 = arith.constant 0 : i32
      %dma_start3A_453 = tpu.memref_slice %arg8[%run_scoped3A_23, %dma_start3A_451, %dma_start3A_452] : memref<4x64x128xf32, #tpu.memory_space<vmem>> -> memref<1x64x128xf32, #tpu.memory_space<vmem>>
      %dma_start3A_454 = tpu.memref_squeeze %dma_start3A_453 : memref<1x64x128xf32, #tpu.memory_space<vmem>> -> memref<64x128xf32, #tpu.memory_space<vmem>>
      tpu.enqueue_dma source(%dma_start3A_454 : memref<64x128xf32, #tpu.memory_space<vmem>>) target(%dma_start3A_450 : memref<64x128xf32, #tpu.memory_space<vmem_shared>>) target_semaphore(%run_scoped3A_442 : memref<!tpu.dma_semaphore, #tpu.memory_space<semaphore_mem>>)
      %dma_wait3A_455 = arith.constant 0 : i32
      %dma_wait3A_456 = arith.constant 0 : i32
      %dma_wait3A_457 = tpu.memref_slice %arg8[%run_scoped3A_23, %dma_wait3A_455, %dma_wait3A_456] : memref<4x64x128xf32, #tpu.memory_space<vmem>> -> memref<1x64x128xf32, #tpu.memory_space<vmem>>
      %dma_wait3A_458 = tpu.memref_squeeze %dma_wait3A_457 : memref<1x64x128xf32, #tpu.memory_space<vmem>> -> memref<64x128xf32, #tpu.memory_space<vmem>>
      %dma_wait3A_459 = arith.constant 0 : i32
      %dma_wait3A_460 = tpu.memref_slice %arg9[%add3A_22, %dma_wait3A_459] : memref<10240x128xf32, #tpu.memory_space<vmem_shared>> -> memref<64x128xf32, #tpu.memory_space<vmem_shared>>
      %dma_wait3A_461 = arith.constant 0 : i32
      %dma_wait3A_462 = tpu.memref_slice %arg9[%add3A_22, %dma_wait3A_461] : memref<10240x128xf32, #tpu.memory_space<vmem_shared>> -> memref<64x128xf32, #tpu.memory_space<vmem_shared>>
      %dma_wait3A_463 = arith.constant 0 : i32
      %dma_wait3A_464 = arith.constant 0 : i32
      %dma_wait3A_465 = tpu.memref_slice %arg8[%run_scoped3A_23, %dma_wait3A_463, %dma_wait3A_464] : memref<4x64x128xf32, #tpu.memory_space<vmem>> -> memref<1x64x128xf32, #tpu.memory_space<vmem>>
      %dma_wait3A_466 = tpu.memref_squeeze %dma_wait3A_465 : memref<1x64x128xf32, #tpu.memory_space<vmem>> -> memref<64x128xf32, #tpu.memory_space<vmem>>
      tpu.wait_dma2 semaphore(%run_scoped3A_442 : memref<!tpu.dma_semaphore, #tpu.memory_space<semaphore_mem>>) src(%dma_wait3A_466 : memref<64x128xf32, #tpu.memory_space<vmem>>) dst(%dma_wait3A_462 : memref<64x128xf32, #tpu.memory_space<vmem_shared>>)
      tpu.yield
    }) : () -> ()
    %add3A_24 = arith.constant 448 : i32
    %add3A_25 = arith.addi %mul3A_4, %add3A_24 : i32
    %run_scoped3A_26 = arith.constant 0 : i32
    "tpu.region"() ({
      %run_scoped3A_442 = tpu.sem_alloc : memref<!tpu.dma_semaphore, #tpu.memory_space<semaphore_mem>>
      %dma_start3A_443 = arith.constant 0 : i32
      %dma_start3A_444 = arith.constant 0 : i32
      %dma_start3A_445 = tpu.memref_slice %arg8[%run_scoped3A_26, %dma_start3A_443, %dma_start3A_444] : memref<4x64x128xf32, #tpu.memory_space<vmem>> -> memref<1x64x128xf32, #tpu.memory_space<vmem>>
      %dma_start3A_446 = tpu.memref_squeeze %dma_start3A_445 : memref<1x64x128xf32, #tpu.memory_space<vmem>> -> memref<64x128xf32, #tpu.memory_space<vmem>>
      %dma_start3A_447 = arith.constant 0 : i32
      %dma_start3A_448 = tpu.memref_slice %arg9[%add3A_25, %dma_start3A_447] : memref<10240x128xf32, #tpu.memory_space<vmem_shared>> -> memref<64x128xf32, #tpu.memory_space<vmem_shared>>
      %dma_start3A_449 = arith.constant 0 : i32
      %dma_start3A_450 = tpu.memref_slice %arg9[%add3A_25, %dma_start3A_449] : memref<10240x128xf32, #tpu.memory_space<vmem_shared>> -> memref<64x128xf32, #tpu.memory_space<vmem_shared>>
      %dma_start3A_451 = arith.constant 0 : i32
      %dma_start3A_452 = arith.constant 0 : i32
      %dma_start3A_453 = tpu.memref_slice %arg8[%run_scoped3A_26, %dma_start3A_451, %dma_start3A_452] : memref<4x64x128xf32, #tpu.memory_space<vmem>> -> memref<1x64x128xf32, #tpu.memory_space<vmem>>
      %dma_start3A_454 = tpu.memref_squeeze %dma_start3A_453 : memref<1x64x128xf32, #tpu.memory_space<vmem>> -> memref<64x128xf32, #tpu.memory_space<vmem>>
      tpu.enqueue_dma source(%dma_start3A_454 : memref<64x128xf32, #tpu.memory_space<vmem>>) target(%dma_start3A_450 : memref<64x128xf32, #tpu.memory_space<vmem_shared>>) target_semaphore(%run_scoped3A_442 : memref<!tpu.dma_semaphore, #tpu.memory_space<semaphore_mem>>)
      %dma_wait3A_455 = arith.constant 0 : i32
      %dma_wait3A_456 = arith.constant 0 : i32
      %dma_wait3A_457 = tpu.memref_slice %arg8[%run_scoped3A_26, %dma_wait3A_455, %dma_wait3A_456] : memref<4x64x128xf32, #tpu.memory_space<vmem>> -> memref<1x64x128xf32, #tpu.memory_space<vmem>>
      %dma_wait3A_458 = tpu.memref_squeeze %dma_wait3A_457 : memref<1x64x128xf32, #tpu.memory_space<vmem>> -> memref<64x128xf32, #tpu.memory_space<vmem>>
      %dma_wait3A_459 = arith.constant 0 : i32
      %dma_wait3A_460 = tpu.memref_slice %arg9[%add3A_25, %dma_wait3A_459] : memref<10240x128xf32, #tpu.memory_space<vmem_shared>> -> memref<64x128xf32, #tpu.memory_space<vmem_shared>>
      %dma_wait3A_461 = arith.constant 0 : i32
      %dma_wait3A_462 = tpu.memref_slice %arg9[%add3A_25, %dma_wait3A_461] : memref<10240x128xf32, #tpu.memory_space<vmem_shared>> -> memref<64x128xf32, #tpu.memory_space<vmem_shared>>
      %dma_wait3A_463 = arith.constant 0 : i32
      %dma_wait3A_464 = arith.constant 0 : i32
      %dma_wait3A_465 = tpu.memref_slice %arg8[%run_scoped3A_26, %dma_wait3A_463, %dma_wait3A_464] : memref<4x64x128xf32, #tpu.memory_space<vmem>> -> memref<1x64x128xf32, #tpu.memory_space<vmem>>
      %dma_wait3A_466 = tpu.memref_squeeze %dma_wait3A_465 : memref<1x64x128xf32, #tpu.memory_space<vmem>> -> memref<64x128xf32, #tpu.memory_space<vmem>>
      tpu.wait_dma2 semaphore(%run_scoped3A_442 : memref<!tpu.dma_semaphore, #tpu.memory_space<semaphore_mem>>) src(%dma_wait3A_466 : memref<64x128xf32, #tpu.memory_space<vmem>>) dst(%dma_wait3A_462 : memref<64x128xf32, #tpu.memory_space<vmem_shared>>)
      tpu.yield
    }) : () -> ()
    %add3A_27 = arith.constant 512 : i32
    %add3A_28 = arith.addi %mul3A_4, %add3A_27 : i32
    %run_scoped3A_29 = arith.constant 0 : i32
    "tpu.region"() ({
      %run_scoped3A_442 = tpu.sem_alloc : memref<!tpu.dma_semaphore, #tpu.memory_space<semaphore_mem>>
      %dma_start3A_443 = arith.constant 0 : i32
      %dma_start3A_444 = arith.constant 0 : i32
      %dma_start3A_445 = tpu.memref_slice %arg8[%run_scoped3A_29, %dma_start3A_443, %dma_start3A_444] : memref<4x64x128xf32, #tpu.memory_space<vmem>> -> memref<1x64x128xf32, #tpu.memory_space<vmem>>
      %dma_start3A_446 = tpu.memref_squeeze %dma_start3A_445 : memref<1x64x128xf32, #tpu.memory_space<vmem>> -> memref<64x128xf32, #tpu.memory_space<vmem>>
      %dma_start3A_447 = arith.constant 0 : i32
      %dma_start3A_448 = tpu.memref_slice %arg9[%add3A_28, %dma_start3A_447] : memref<10240x128xf32, #tpu.memory_space<vmem_shared>> -> memref<64x128xf32, #tpu.memory_space<vmem_shared>>
      %dma_start3A_449 = arith.constant 0 : i32
      %dma_start3A_450 = tpu.memref_slice %arg9[%add3A_28, %dma_start3A_449] : memref<10240x128xf32, #tpu.memory_space<vmem_shared>> -> memref<64x128xf32, #tpu.memory_space<vmem_shared>>
      %dma_start3A_451 = arith.constant 0 : i32
      %dma_start3A_452 = arith.constant 0 : i32
      %dma_start3A_453 = tpu.memref_slice %arg8[%run_scoped3A_29, %dma_start3A_451, %dma_start3A_452] : memref<4x64x128xf32, #tpu.memory_space<vmem>> -> memref<1x64x128xf32, #tpu.memory_space<vmem>>
      %dma_start3A_454 = tpu.memref_squeeze %dma_start3A_453 : memref<1x64x128xf32, #tpu.memory_space<vmem>> -> memref<64x128xf32, #tpu.memory_space<vmem>>
      tpu.enqueue_dma source(%dma_start3A_454 : memref<64x128xf32, #tpu.memory_space<vmem>>) target(%dma_start3A_450 : memref<64x128xf32, #tpu.memory_space<vmem_shared>>) target_semaphore(%run_scoped3A_442 : memref<!tpu.dma_semaphore, #tpu.memory_space<semaphore_mem>>)
      %dma_wait3A_455 = arith.constant 0 : i32
      %dma_wait3A_456 = arith.constant 0 : i32
      %dma_wait3A_457 = tpu.memref_slice %arg8[%run_scoped3A_29, %dma_wait3A_455, %dma_wait3A_456] : memref<4x64x128xf32, #tpu.memory_space<vmem>> -> memref<1x64x128xf32, #tpu.memory_space<vmem>>
      %dma_wait3A_458 = tpu.memref_squeeze %dma_wait3A_457 : memref<1x64x128xf32, #tpu.memory_space<vmem>> -> memref<64x128xf32, #tpu.memory_space<vmem>>
      %dma_wait3A_459 = arith.constant 0 : i32
      %dma_wait3A_460 = tpu.memref_slice %arg9[%add3A_28, %dma_wait3A_459] : memref<10240x128xf32, #tpu.memory_space<vmem_shared>> -> memref<64x128xf32, #tpu.memory_space<vmem_shared>>
      %dma_wait3A_461 = arith.constant 0 : i32
      %dma_wait3A_462 = tpu.memref_slice %arg9[%add3A_28, %dma_wait3A_461] : memref<10240x128xf32, #tpu.memory_space<vmem_shared>> -> memref<64x128xf32, #tpu.memory_space<vmem_shared>>
      %dma_wait3A_463 = arith.constant 0 : i32
      %dma_wait3A_464 = arith.constant 0 : i32
      %dma_wait3A_465 = tpu.memref_slice %arg8[%run_scoped3A_29, %dma_wait3A_463, %dma_wait3A_464] : memref<4x64x128xf32, #tpu.memory_space<vmem>> -> memref<1x64x128xf32, #tpu.memory_space<vmem>>
      %dma_wait3A_466 = tpu.memref_squeeze %dma_wait3A_465 : memref<1x64x128xf32, #tpu.memory_space<vmem>> -> memref<64x128xf32, #tpu.memory_space<vmem>>
      tpu.wait_dma2 semaphore(%run_scoped3A_442 : memref<!tpu.dma_semaphore, #tpu.memory_space<semaphore_mem>>) src(%dma_wait3A_466 : memref<64x128xf32, #tpu.memory_space<vmem>>) dst(%dma_wait3A_462 : memref<64x128xf32, #tpu.memory_space<vmem_shared>>)
      tpu.yield
    }) : () -> ()
    %add3A_30 = arith.constant 576 : i32
    %add3A_31 = arith.addi %mul3A_4, %add3A_30 : i32
    %run_scoped3A_32 = arith.constant 0 : i32
    "tpu.region"() ({
      %run_scoped3A_442 = tpu.sem_alloc : memref<!tpu.dma_semaphore, #tpu.memory_space<semaphore_mem>>
      %dma_start3A_443 = arith.constant 0 : i32
      %dma_start3A_444 = arith.constant 0 : i32
      %dma_start3A_445 = tpu.memref_slice %arg8[%run_scoped3A_32, %dma_start3A_443, %dma_start3A_444] : memref<4x64x128xf32, #tpu.memory_space<vmem>> -> memref<1x64x128xf32, #tpu.memory_space<vmem>>
      %dma_start3A_446 = tpu.memref_squeeze %dma_start3A_445 : memref<1x64x128xf32, #tpu.memory_space<vmem>> -> memref<64x128xf32, #tpu.memory_space<vmem>>
      %dma_start3A_447 = arith.constant 0 : i32
      %dma_start3A_448 = tpu.memref_slice %arg9[%add3A_31, %dma_start3A_447] : memref<10240x128xf32, #tpu.memory_space<vmem_shared>> -> memref<64x128xf32, #tpu.memory_space<vmem_shared>>
      %dma_start3A_449 = arith.constant 0 : i32
      %dma_start3A_450 = tpu.memref_slice %arg9[%add3A_31, %dma_start3A_449] : memref<10240x128xf32, #tpu.memory_space<vmem_shared>> -> memref<64x128xf32, #tpu.memory_space<vmem_shared>>
      %dma_start3A_451 = arith.constant 0 : i32
      %dma_start3A_452 = arith.constant 0 : i32
      %dma_start3A_453 = tpu.memref_slice %arg8[%run_scoped3A_32, %dma_start3A_451, %dma_start3A_452] : memref<4x64x128xf32, #tpu.memory_space<vmem>> -> memref<1x64x128xf32, #tpu.memory_space<vmem>>
      %dma_start3A_454 = tpu.memref_squeeze %dma_start3A_453 : memref<1x64x128xf32, #tpu.memory_space<vmem>> -> memref<64x128xf32, #tpu.memory_space<vmem>>
      tpu.enqueue_dma source(%dma_start3A_454 : memref<64x128xf32, #tpu.memory_space<vmem>>) target(%dma_start3A_450 : memref<64x128xf32, #tpu.memory_space<vmem_shared>>) target_semaphore(%run_scoped3A_442 : memref<!tpu.dma_semaphore, #tpu.memory_space<semaphore_mem>>)
      %dma_wait3A_455 = arith.constant 0 : i32
      %dma_wait3A_456 = arith.constant 0 : i32
      %dma_wait3A_457 = tpu.memref_slice %arg8[%run_scoped3A_32, %dma_wait3A_455, %dma_wait3A_456] : memref<4x64x128xf32, #tpu.memory_space<vmem>> -> memref<1x64x128xf32, #tpu.memory_space<vmem>>
      %dma_wait3A_458 = tpu.memref_squeeze %dma_wait3A_457 : memref<1x64x128xf32, #tpu.memory_space<vmem>> -> memref<64x128xf32, #tpu.memory_space<vmem>>
      %dma_wait3A_459 = arith.constant 0 : i32
      %dma_wait3A_460 = tpu.memref_slice %arg9[%add3A_31, %dma_wait3A_459] : memref<10240x128xf32, #tpu.memory_space<vmem_shared>> -> memref<64x128xf32, #tpu.memory_space<vmem_shared>>
      %dma_wait3A_461 = arith.constant 0 : i32
      %dma_wait3A_462 = tpu.memref_slice %arg9[%add3A_31, %dma_wait3A_461] : memref<10240x128xf32, #tpu.memory_space<vmem_shared>> -> memref<64x128xf32, #tpu.memory_space<vmem_shared>>
      %dma_wait3A_463 = arith.constant 0 : i32
      %dma_wait3A_464 = arith.constant 0 : i32
      %dma_wait3A_465 = tpu.memref_slice %arg8[%run_scoped3A_32, %dma_wait3A_463, %dma_wait3A_464] : memref<4x64x128xf32, #tpu.memory_space<vmem>> -> memref<1x64x128xf32, #tpu.memory_space<vmem>>
      %dma_wait3A_466 = tpu.memref_squeeze %dma_wait3A_465 : memref<1x64x128xf32, #tpu.memory_space<vmem>> -> memref<64x128xf32, #tpu.memory_space<vmem>>
      tpu.wait_dma2 semaphore(%run_scoped3A_442 : memref<!tpu.dma_semaphore, #tpu.memory_space<semaphore_mem>>) src(%dma_wait3A_466 : memref<64x128xf32, #tpu.memory_space<vmem>>) dst(%dma_wait3A_462 : memref<64x128xf32, #tpu.memory_space<vmem_shared>>)
      tpu.yield
    }) : () -> ()
    %barrier3A = arith.constant 0 : index
    tpu.barrier barrier_id(%barrier3A)
    %mul3A_33 = arith.constant 16 : i32
    %mul3A_34 = arith.muli %arg0, %mul3A_33 : i32
    %add3A_35 = arith.addi %mul3A_34, %arg1 : i32
    %mul3A_36 = arith.constant 160 : i32
    %mul3A_37 = arith.muli %add3A_35, %mul3A_36 : i32
    %add3A_38 = arith.constant 0 : i32
    %add3A_39 = arith.addi %mul3A_37, %add3A_38 : i32
    "tpu.region"() ({
      %run_scoped3A_442 = tpu.sem_alloc : memref<!tpu.dma_semaphore, #tpu.memory_space<semaphore_mem>>
      %dma_start3A_443 = arith.constant 0 : i32
      %dma_start3A_444 = arith.constant 0 : i32
      %dma_start3A_445 = tpu.memref_slice %arg6[%dma_start3A_443, %dma_start3A_444] : memref<8x64xi32, #tpu.memory_space<vmem>> -> memref<4x64xi32, #tpu.memory_space<vmem>>
      %dma_start3A_446 = arith.constant 0 : i32
      %dma_start3A_447 = tpu.memref_slice %arg3[%add3A_39, %dma_start3A_446] : memref<5120x64xi32, #tpu.memory_space<hbm>> -> memref<4x64xi32, #tpu.memory_space<hbm>>
      %dma_start3A_448 = arith.constant 0 : i32
      %dma_start3A_449 = arith.constant 0 : i32
      %dma_start3A_450 = tpu.memref_slice %arg6[%dma_start3A_448, %dma_start3A_449] : memref<8x64xi32, #tpu.memory_space<vmem>> -> memref<4x64xi32, #tpu.memory_space<vmem>>
      %dma_start3A_451 = arith.constant 0 : i32
      %dma_start3A_452 = tpu.memref_slice %arg3[%add3A_39, %dma_start3A_451] : memref<5120x64xi32, #tpu.memory_space<hbm>> -> memref<4x64xi32, #tpu.memory_space<hbm>>
      tpu.enqueue_dma source(%dma_start3A_452 : memref<4x64xi32, #tpu.memory_space<hbm>>) target(%dma_start3A_450 : memref<4x64xi32, #tpu.memory_space<vmem>>) target_semaphore(%run_scoped3A_442 : memref<!tpu.dma_semaphore, #tpu.memory_space<semaphore_mem>>)
      %dma_wait3A_453 = arith.constant 0 : i32
      %dma_wait3A_454 = arith.constant 0 : i32
      %dma_wait3A_455 = tpu.memref_slice %arg6[%dma_wait3A_453, %dma_wait3A_454] : memref<8x64xi32, #tpu.memory_space<vmem>> -> memref<4x64xi32, #tpu.memory_space<vmem>>
      %dma_wait3A_456 = arith.constant 0 : i32
      %dma_wait3A_457 = tpu.memref_slice %arg3[%add3A_39, %dma_wait3A_456] : memref<5120x64xi32, #tpu.memory_space<hbm>> -> memref<4x64xi32, #tpu.memory_space<hbm>>
      %dma_wait3A_458 = arith.constant 0 : i32
      %dma_wait3A_459 = arith.constant 0 : i32
      %dma_wait3A_460 = tpu.memref_slice %arg6[%dma_wait3A_458, %dma_wait3A_459] : memref<8x64xi32, #tpu.memory_space<vmem>> -> memref<4x64xi32, #tpu.memory_space<vmem>>
      %dma_wait3A_461 = arith.constant 0 : i32
      %dma_wait3A_462 = tpu.memref_slice %arg3[%add3A_39, %dma_wait3A_461] : memref<5120x64xi32, #tpu.memory_space<hbm>> -> memref<4x64xi32, #tpu.memory_space<hbm>>
      tpu.wait_dma2 semaphore(%run_scoped3A_442 : memref<!tpu.dma_semaphore, #tpu.memory_space<semaphore_mem>>) src(%dma_wait3A_462 : memref<4x64xi32, #tpu.memory_space<hbm>>) dst(%dma_wait3A_460 : memref<4x64xi32, #tpu.memory_space<vmem>>)
      tpu.yield
    }) : () -> ()
    %add3A_40 = arith.constant 0 : i32
    %add3A_41 = arith.addi %mul3A_37, %add3A_40 : i32
    "tpu.region"() ({
      %run_scoped3A_442 = tpu.sem_alloc : memref<!tpu.dma_semaphore, #tpu.memory_space<semaphore_mem>>
      %dma_start3A_443 = arith.constant 0 : i32
      %dma_start3A_444 = arith.constant 0 : i32
      %dma_start3A_445 = tpu.memref_slice %arg7[%dma_start3A_443, %dma_start3A_444] : memref<8x64xi32, #tpu.memory_space<vmem>> -> memref<4x64xi32, #tpu.memory_space<vmem>>
      %dma_start3A_446 = arith.constant 0 : i32
      %dma_start3A_447 = tpu.memref_slice %arg4[%add3A_41, %dma_start3A_446] : memref<5120x64xi32, #tpu.memory_space<hbm>> -> memref<4x64xi32, #tpu.memory_space<hbm>>
      %dma_start3A_448 = arith.constant 0 : i32
      %dma_start3A_449 = arith.constant 0 : i32
      %dma_start3A_450 = tpu.memref_slice %arg7[%dma_start3A_448, %dma_start3A_449] : memref<8x64xi32, #tpu.memory_space<vmem>> -> memref<4x64xi32, #tpu.memory_space<vmem>>
      %dma_start3A_451 = arith.constant 0 : i32
      %dma_start3A_452 = tpu.memref_slice %arg4[%add3A_41, %dma_start3A_451] : memref<5120x64xi32, #tpu.memory_space<hbm>> -> memref<4x64xi32, #tpu.memory_space<hbm>>
      tpu.enqueue_dma source(%dma_start3A_452 : memref<4x64xi32, #tpu.memory_space<hbm>>) target(%dma_start3A_450 : memref<4x64xi32, #tpu.memory_space<vmem>>) target_semaphore(%run_scoped3A_442 : memref<!tpu.dma_semaphore, #tpu.memory_space<semaphore_mem>>)
      %dma_wait3A_453 = arith.constant 0 : i32
      %dma_wait3A_454 = arith.constant 0 : i32
      %dma_wait3A_455 = tpu.memref_slice %arg7[%dma_wait3A_453, %dma_wait3A_454] : memref<8x64xi32, #tpu.memory_space<vmem>> -> memref<4x64xi32, #tpu.memory_space<vmem>>
      %dma_wait3A_456 = arith.constant 0 : i32
      %dma_wait3A_457 = tpu.memref_slice %arg4[%add3A_41, %dma_wait3A_456] : memref<5120x64xi32, #tpu.memory_space<hbm>> -> memref<4x64xi32, #tpu.memory_space<hbm>>
      %dma_wait3A_458 = arith.constant 0 : i32
      %dma_wait3A_459 = arith.constant 0 : i32
      %dma_wait3A_460 = tpu.memref_slice %arg7[%dma_wait3A_458, %dma_wait3A_459] : memref<8x64xi32, #tpu.memory_space<vmem>> -> memref<4x64xi32, #tpu.memory_space<vmem>>
      %dma_wait3A_461 = arith.constant 0 : i32
      %dma_wait3A_462 = tpu.memref_slice %arg4[%add3A_41, %dma_wait3A_461] : memref<5120x64xi32, #tpu.memory_space<hbm>> -> memref<4x64xi32, #tpu.memory_space<hbm>>
      tpu.wait_dma2 semaphore(%run_scoped3A_442 : memref<!tpu.dma_semaphore, #tpu.memory_space<semaphore_mem>>) src(%dma_wait3A_462 : memref<4x64xi32, #tpu.memory_space<hbm>>) dst(%dma_wait3A_460 : memref<4x64xi32, #tpu.memory_space<vmem>>)
      tpu.yield
    }) : () -> ()
    %dma_start3A = arith.constant 0 : i32
    %dma_start3A_42 = arith.constant 0 : i32
    %dma_start3A_43 = arith.constant 0 : i32
    %dma_start3A_44 = arith.constant 0 : i32
    %dma_start3A_45 = tpu.memref_slice %arg8[%dma_start3A_42, %dma_start3A_43, %dma_start3A_44] : memref<4x64x128xf32, #tpu.memory_space<vmem>> -> memref<1x64x128xf32, #tpu.memory_space<vmem>>
    %dma_start3A_46 = tpu.memref_squeeze %dma_start3A_45 : memref<1x64x128xf32, #tpu.memory_space<vmem>> -> memref<64x128xf32, #tpu.memory_space<vmem>>
    %dma_start3A_47 = arith.constant 0 : i32
    %dma_start3A_48 = tpu.memref_slice %arg6[%dma_start3A, %dma_start3A_47] : memref<8x64xi32, #tpu.memory_space<vmem>> -> memref<1x64xi32, #tpu.memory_space<vmem>>
    %dma_start3A_49 = tpu.memref_squeeze %dma_start3A_48 : memref<1x64xi32, #tpu.memory_space<vmem>> -> memref<64xi32, #tpu.memory_space<vmem>>
    %dma_start3A_50 = arith.constant 0 : i32
    %dma_start3A_51 = arith.constant 0 : i32
    %dma_start3A_52 = tpu.memref_slice %arg2[%dma_start3A_50, %dma_start3A_51] : memref<10000x128xf32, #tpu.memory_space<hbm>> -> memref<10000x128xf32, #tpu.memory_space<hbm>>
    tpu.enqueue_indirect_dma source(%dma_start3A_52 : memref<10000x128xf32, #tpu.memory_space<hbm>>) target(%dma_start3A_46 : memref<64x128xf32, #tpu.memory_space<vmem>>) offsets(%dma_start3A_49 : memref<64xi32, #tpu.memory_space<vmem>>) semaphore(%arg10 : memref<!tpu.dma_semaphore, #tpu.memory_space<semaphore_mem>>)
    %dma_start3A_53 = arith.constant 1 : i32
    %dma_start3A_54 = arith.constant 1 : i32
    %dma_start3A_55 = arith.constant 0 : i32
    %dma_start3A_56 = arith.constant 0 : i32
    %dma_start3A_57 = tpu.memref_slice %arg8[%dma_start3A_54, %dma_start3A_55, %dma_start3A_56] : memref<4x64x128xf32, #tpu.memory_space<vmem>> -> memref<1x64x128xf32, #tpu.memory_space<vmem>>
    %dma_start3A_58 = tpu.memref_squeeze %dma_start3A_57 : memref<1x64x128xf32, #tpu.memory_space<vmem>> -> memref<64x128xf32, #tpu.memory_space<vmem>>
    %dma_start3A_59 = arith.constant 0 : i32
    %dma_start3A_60 = tpu.memref_slice %arg6[%dma_start3A_53, %dma_start3A_59] : memref<8x64xi32, #tpu.memory_space<vmem>> -> memref<1x64xi32, #tpu.memory_space<vmem>>
    %dma_start3A_61 = tpu.memref_squeeze %dma_start3A_60 : memref<1x64xi32, #tpu.memory_space<vmem>> -> memref<64xi32, #tpu.memory_space<vmem>>
    %dma_start3A_62 = arith.constant 0 : i32
    %dma_start3A_63 = arith.constant 0 : i32
    %dma_start3A_64 = tpu.memref_slice %arg2[%dma_start3A_62, %dma_start3A_63] : memref<10000x128xf32, #tpu.memory_space<hbm>> -> memref<10000x128xf32, #tpu.memory_space<hbm>>
    tpu.enqueue_indirect_dma source(%dma_start3A_64 : memref<10000x128xf32, #tpu.memory_space<hbm>>) target(%dma_start3A_58 : memref<64x128xf32, #tpu.memory_space<vmem>>) offsets(%dma_start3A_61 : memref<64xi32, #tpu.memory_space<vmem>>) semaphore(%arg11 : memref<!tpu.dma_semaphore, #tpu.memory_space<semaphore_mem>>)
    %dma_wait3A = arith.constant 0 : i32
    %dma_wait3A_65 = arith.constant 0 : i32
    %dma_wait3A_66 = arith.constant 0 : i32
    %dma_wait3A_67 = arith.constant 0 : i32
    %dma_wait3A_68 = tpu.memref_slice %arg8[%dma_wait3A_65, %dma_wait3A_66, %dma_wait3A_67] : memref<4x64x128xf32, #tpu.memory_space<vmem>> -> memref<1x64x128xf32, #tpu.memory_space<vmem>>
    %dma_wait3A_69 = tpu.memref_squeeze %dma_wait3A_68 : memref<1x64x128xf32, #tpu.memory_space<vmem>> -> memref<64x128xf32, #tpu.memory_space<vmem>>
    %dma_wait3A_70 = arith.constant 0 : i32
    %dma_wait3A_71 = tpu.memref_slice %arg6[%dma_wait3A, %dma_wait3A_70] : memref<8x64xi32, #tpu.memory_space<vmem>> -> memref<1x64xi32, #tpu.memory_space<vmem>>
    %dma_wait3A_72 = tpu.memref_squeeze %dma_wait3A_71 : memref<1x64xi32, #tpu.memory_space<vmem>> -> memref<64xi32, #tpu.memory_space<vmem>>
    %dma_wait3A_73 = arith.constant 0 : i32
    %dma_wait3A_74 = arith.constant 0 : i32
    %dma_wait3A_75 = tpu.memref_slice %arg2[%dma_wait3A_73, %dma_wait3A_74] : memref<10000x128xf32, #tpu.memory_space<hbm>> -> memref<10000x128xf32, #tpu.memory_space<hbm>>
    tpu.wait_indirect_dma semaphore(%arg10 : memref<!tpu.dma_semaphore, #tpu.memory_space<semaphore_mem>>) src(%dma_wait3A_75 : memref<10000x128xf32, #tpu.memory_space<hbm>>) dst(%dma_wait3A_69 : memref<64x128xf32, #tpu.memory_space<vmem>>)
    %dma_start3A_76 = arith.constant 0 : i32
    %dma_start3A_77 = arith.constant 0 : i32
    %dma_start3A_78 = arith.constant 0 : i32
    %dma_start3A_79 = arith.constant 0 : i32
    %dma_start3A_80 = tpu.memref_slice %arg8[%dma_start3A_76, %dma_start3A_78, %dma_start3A_79] : memref<4x64x128xf32, #tpu.memory_space<vmem>> -> memref<1x64x128xf32, #tpu.memory_space<vmem>>
    %dma_start3A_81 = tpu.memref_squeeze %dma_start3A_80 : memref<1x64x128xf32, #tpu.memory_space<vmem>> -> memref<64x128xf32, #tpu.memory_space<vmem>>
    %dma_start3A_82 = arith.constant 0 : i32
    %dma_start3A_83 = tpu.memref_slice %arg7[%dma_start3A_77, %dma_start3A_82] : memref<8x64xi32, #tpu.memory_space<vmem>> -> memref<1x64xi32, #tpu.memory_space<vmem>>
    %dma_start3A_84 = tpu.memref_squeeze %dma_start3A_83 : memref<1x64xi32, #tpu.memory_space<vmem>> -> memref<64xi32, #tpu.memory_space<vmem>>
    %dma_start3A_85 = arith.constant 0 : i32
    %dma_start3A_86 = arith.constant 0 : i32
    %dma_start3A_87 = tpu.memref_slice %arg9[%dma_start3A_85, %dma_start3A_86] : memref<10240x128xf32, #tpu.memory_space<vmem_shared>> -> memref<10240x128xf32, #tpu.memory_space<vmem_shared>>
    tpu.enqueue_indirect_dma source(%dma_start3A_81 : memref<64x128xf32, #tpu.memory_space<vmem>>) target(%dma_start3A_87 : memref<10240x128xf32, #tpu.memory_space<vmem_shared>>) offsets(%dma_start3A_84 : memref<64xi32, #tpu.memory_space<vmem>>) semaphore(%arg14 : memref<!tpu.dma_semaphore, #tpu.memory_space<semaphore_mem>>) {add = true}
    %dma_start3A_88 = arith.constant 2 : i32
    %dma_start3A_89 = arith.constant 2 : i32
    %dma_start3A_90 = arith.constant 0 : i32
    %dma_start3A_91 = arith.constant 0 : i32
    %dma_start3A_92 = tpu.memref_slice %arg8[%dma_start3A_89, %dma_start3A_90, %dma_start3A_91] : memref<4x64x128xf32, #tpu.memory_space<vmem>> -> memref<1x64x128xf32, #tpu.memory_space<vmem>>
    %dma_start3A_93 = tpu.memref_squeeze %dma_start3A_92 : memref<1x64x128xf32, #tpu.memory_space<vmem>> -> memref<64x128xf32, #tpu.memory_space<vmem>>
    %dma_start3A_94 = arith.constant 0 : i32
    %dma_start3A_95 = tpu.memref_slice %arg6[%dma_start3A_88, %dma_start3A_94] : memref<8x64xi32, #tpu.memory_space<vmem>> -> memref<1x64xi32, #tpu.memory_space<vmem>>
    %dma_start3A_96 = tpu.memref_squeeze %dma_start3A_95 : memref<1x64xi32, #tpu.memory_space<vmem>> -> memref<64xi32, #tpu.memory_space<vmem>>
    %dma_start3A_97 = arith.constant 0 : i32
    %dma_start3A_98 = arith.constant 0 : i32
    %dma_start3A_99 = tpu.memref_slice %arg2[%dma_start3A_97, %dma_start3A_98] : memref<10000x128xf32, #tpu.memory_space<hbm>> -> memref<10000x128xf32, #tpu.memory_space<hbm>>
    tpu.enqueue_indirect_dma source(%dma_start3A_99 : memref<10000x128xf32, #tpu.memory_space<hbm>>) target(%dma_start3A_93 : memref<64x128xf32, #tpu.memory_space<vmem>>) offsets(%dma_start3A_96 : memref<64xi32, #tpu.memory_space<vmem>>) semaphore(%arg12 : memref<!tpu.dma_semaphore, #tpu.memory_space<semaphore_mem>>)
    %dma_wait3A_100 = arith.constant 0 : i32
    %dma_wait3A_101 = arith.constant 1 : i32
    %dma_wait3A_102 = arith.constant 0 : i32
    %dma_wait3A_103 = arith.constant 0 : i32
    %dma_wait3A_104 = tpu.memref_slice %arg8[%dma_wait3A_101, %dma_wait3A_102, %dma_wait3A_103] : memref<4x64x128xf32, #tpu.memory_space<vmem>> -> memref<1x64x128xf32, #tpu.memory_space<vmem>>
    %dma_wait3A_105 = tpu.memref_squeeze %dma_wait3A_104 : memref<1x64x128xf32, #tpu.memory_space<vmem>> -> memref<64x128xf32, #tpu.memory_space<vmem>>
    %dma_wait3A_106 = arith.constant 0 : i32
    %dma_wait3A_107 = tpu.memref_slice %arg6[%dma_wait3A_100, %dma_wait3A_106] : memref<8x64xi32, #tpu.memory_space<vmem>> -> memref<1x64xi32, #tpu.memory_space<vmem>>
    %dma_wait3A_108 = tpu.memref_squeeze %dma_wait3A_107 : memref<1x64xi32, #tpu.memory_space<vmem>> -> memref<64xi32, #tpu.memory_space<vmem>>
    %dma_wait3A_109 = arith.constant 0 : i32
    %dma_wait3A_110 = arith.constant 0 : i32
    %dma_wait3A_111 = tpu.memref_slice %arg2[%dma_wait3A_109, %dma_wait3A_110] : memref<10000x128xf32, #tpu.memory_space<hbm>> -> memref<10000x128xf32, #tpu.memory_space<hbm>>
    tpu.wait_indirect_dma semaphore(%arg11 : memref<!tpu.dma_semaphore, #tpu.memory_space<semaphore_mem>>) src(%dma_wait3A_111 : memref<10000x128xf32, #tpu.memory_space<hbm>>) dst(%dma_wait3A_105 : memref<64x128xf32, #tpu.memory_space<vmem>>)
    %dma_start3A_112 = arith.constant 1 : i32
    %dma_start3A_113 = arith.constant 1 : i32
    %dma_start3A_114 = arith.constant 0 : i32
    %dma_start3A_115 = arith.constant 0 : i32
    %dma_start3A_116 = tpu.memref_slice %arg8[%dma_start3A_112, %dma_start3A_114, %dma_start3A_115] : memref<4x64x128xf32, #tpu.memory_space<vmem>> -> memref<1x64x128xf32, #tpu.memory_space<vmem>>
    %dma_start3A_117 = tpu.memref_squeeze %dma_start3A_116 : memref<1x64x128xf32, #tpu.memory_space<vmem>> -> memref<64x128xf32, #tpu.memory_space<vmem>>
    %dma_start3A_118 = arith.constant 0 : i32
    %dma_start3A_119 = tpu.memref_slice %arg7[%dma_start3A_113, %dma_start3A_118] : memref<8x64xi32, #tpu.memory_space<vmem>> -> memref<1x64xi32, #tpu.memory_space<vmem>>
    %dma_start3A_120 = tpu.memref_squeeze %dma_start3A_119 : memref<1x64xi32, #tpu.memory_space<vmem>> -> memref<64xi32, #tpu.memory_space<vmem>>
    %dma_start3A_121 = arith.constant 0 : i32
    %dma_start3A_122 = arith.constant 0 : i32
    %dma_start3A_123 = tpu.memref_slice %arg9[%dma_start3A_121, %dma_start3A_122] : memref<10240x128xf32, #tpu.memory_space<vmem_shared>> -> memref<10240x128xf32, #tpu.memory_space<vmem_shared>>
    tpu.enqueue_indirect_dma source(%dma_start3A_117 : memref<64x128xf32, #tpu.memory_space<vmem>>) target(%dma_start3A_123 : memref<10240x128xf32, #tpu.memory_space<vmem_shared>>) offsets(%dma_start3A_120 : memref<64xi32, #tpu.memory_space<vmem>>) semaphore(%arg15 : memref<!tpu.dma_semaphore, #tpu.memory_space<semaphore_mem>>) {add = true}
    %dma_start3A_124 = arith.constant 3 : i32
    %dma_start3A_125 = arith.constant 3 : i32
    %dma_start3A_126 = arith.constant 0 : i32
    %dma_start3A_127 = arith.constant 0 : i32
    %dma_start3A_128 = tpu.memref_slice %arg8[%dma_start3A_125, %dma_start3A_126, %dma_start3A_127] : memref<4x64x128xf32, #tpu.memory_space<vmem>> -> memref<1x64x128xf32, #tpu.memory_space<vmem>>
    %dma_start3A_129 = tpu.memref_squeeze %dma_start3A_128 : memref<1x64x128xf32, #tpu.memory_space<vmem>> -> memref<64x128xf32, #tpu.memory_space<vmem>>
    %dma_start3A_130 = arith.constant 0 : i32
    %dma_start3A_131 = tpu.memref_slice %arg6[%dma_start3A_124, %dma_start3A_130] : memref<8x64xi32, #tpu.memory_space<vmem>> -> memref<1x64xi32, #tpu.memory_space<vmem>>
    %dma_start3A_132 = tpu.memref_squeeze %dma_start3A_131 : memref<1x64xi32, #tpu.memory_space<vmem>> -> memref<64xi32, #tpu.memory_space<vmem>>
    %dma_start3A_133 = arith.constant 0 : i32
    %dma_start3A_134 = arith.constant 0 : i32
    %dma_start3A_135 = tpu.memref_slice %arg2[%dma_start3A_133, %dma_start3A_134] : memref<10000x128xf32, #tpu.memory_space<hbm>> -> memref<10000x128xf32, #tpu.memory_space<hbm>>
    tpu.enqueue_indirect_dma source(%dma_start3A_135 : memref<10000x128xf32, #tpu.memory_space<hbm>>) target(%dma_start3A_129 : memref<64x128xf32, #tpu.memory_space<vmem>>) offsets(%dma_start3A_132 : memref<64xi32, #tpu.memory_space<vmem>>) semaphore(%arg13 : memref<!tpu.dma_semaphore, #tpu.memory_space<semaphore_mem>>)
    %add3A_136 = arith.constant 4 : i32
    %add3A_137 = arith.addi %mul3A_37, %add3A_136 : i32
    "tpu.region"() ({
      %run_scoped3A_442 = tpu.sem_alloc : memref<!tpu.dma_semaphore, #tpu.memory_space<semaphore_mem>>
      %dma_start3A_443 = arith.constant 4 : i32
      %dma_start3A_444 = arith.constant 0 : i32
      %dma_start3A_445 = tpu.memref_slice %arg6[%dma_start3A_443, %dma_start3A_444] : memref<8x64xi32, #tpu.memory_space<vmem>> -> memref<4x64xi32, #tpu.memory_space<vmem>>
      %dma_start3A_446 = arith.constant 0 : i32
      %dma_start3A_447 = tpu.memref_slice %arg3[%add3A_137, %dma_start3A_446] : memref<5120x64xi32, #tpu.memory_space<hbm>> -> memref<4x64xi32, #tpu.memory_space<hbm>>
      %dma_start3A_448 = arith.constant 4 : i32
      %dma_start3A_449 = arith.constant 0 : i32
      %dma_start3A_450 = tpu.memref_slice %arg6[%dma_start3A_448, %dma_start3A_449] : memref<8x64xi32, #tpu.memory_space<vmem>> -> memref<4x64xi32, #tpu.memory_space<vmem>>
      %dma_start3A_451 = arith.constant 0 : i32
      %dma_start3A_452 = tpu.memref_slice %arg3[%add3A_137, %dma_start3A_451] : memref<5120x64xi32, #tpu.memory_space<hbm>> -> memref<4x64xi32, #tpu.memory_space<hbm>>
      tpu.enqueue_dma source(%dma_start3A_452 : memref<4x64xi32, #tpu.memory_space<hbm>>) target(%dma_start3A_450 : memref<4x64xi32, #tpu.memory_space<vmem>>) target_semaphore(%run_scoped3A_442 : memref<!tpu.dma_semaphore, #tpu.memory_space<semaphore_mem>>)
      %dma_wait3A_453 = arith.constant 4 : i32
      %dma_wait3A_454 = arith.constant 0 : i32
      %dma_wait3A_455 = tpu.memref_slice %arg6[%dma_wait3A_453, %dma_wait3A_454] : memref<8x64xi32, #tpu.memory_space<vmem>> -> memref<4x64xi32, #tpu.memory_space<vmem>>
      %dma_wait3A_456 = arith.constant 0 : i32
      %dma_wait3A_457 = tpu.memref_slice %arg3[%add3A_137, %dma_wait3A_456] : memref<5120x64xi32, #tpu.memory_space<hbm>> -> memref<4x64xi32, #tpu.memory_space<hbm>>
      %dma_wait3A_458 = arith.constant 4 : i32
      %dma_wait3A_459 = arith.constant 0 : i32
      %dma_wait3A_460 = tpu.memref_slice %arg6[%dma_wait3A_458, %dma_wait3A_459] : memref<8x64xi32, #tpu.memory_space<vmem>> -> memref<4x64xi32, #tpu.memory_space<vmem>>
      %dma_wait3A_461 = arith.constant 0 : i32
      %dma_wait3A_462 = tpu.memref_slice %arg3[%add3A_137, %dma_wait3A_461] : memref<5120x64xi32, #tpu.memory_space<hbm>> -> memref<4x64xi32, #tpu.memory_space<hbm>>
      tpu.wait_dma2 semaphore(%run_scoped3A_442 : memref<!tpu.dma_semaphore, #tpu.memory_space<semaphore_mem>>) src(%dma_wait3A_462 : memref<4x64xi32, #tpu.memory_space<hbm>>) dst(%dma_wait3A_460 : memref<4x64xi32, #tpu.memory_space<vmem>>)
      tpu.yield
    }) : () -> ()
    %add3A_138 = arith.constant 4 : i32
    %add3A_139 = arith.addi %mul3A_37, %add3A_138 : i32
    "tpu.region"() ({
      %run_scoped3A_442 = tpu.sem_alloc : memref<!tpu.dma_semaphore, #tpu.memory_space<semaphore_mem>>
      %dma_start3A_443 = arith.constant 4 : i32
      %dma_start3A_444 = arith.constant 0 : i32
      %dma_start3A_445 = tpu.memref_slice %arg7[%dma_start3A_443, %dma_start3A_444] : memref<8x64xi32, #tpu.memory_space<vmem>> -> memref<4x64xi32, #tpu.memory_space<vmem>>
      %dma_start3A_446 = arith.constant 0 : i32
      %dma_start3A_447 = tpu.memref_slice %arg4[%add3A_139, %dma_start3A_446] : memref<5120x64xi32, #tpu.memory_space<hbm>> -> memref<4x64xi32, #tpu.memory_space<hbm>>
      %dma_start3A_448 = arith.constant 4 : i32
      %dma_start3A_449 = arith.constant 0 : i32
      %dma_start3A_450 = tpu.memref_slice %arg7[%dma_start3A_448, %dma_start3A_449] : memref<8x64xi32, #tpu.memory_space<vmem>> -> memref<4x64xi32, #tpu.memory_space<vmem>>
      %dma_start3A_451 = arith.constant 0 : i32
      %dma_start3A_452 = tpu.memref_slice %arg4[%add3A_139, %dma_start3A_451] : memref<5120x64xi32, #tpu.memory_space<hbm>> -> memref<4x64xi32, #tpu.memory_space<hbm>>
      tpu.enqueue_dma source(%dma_start3A_452 : memref<4x64xi32, #tpu.memory_space<hbm>>) target(%dma_start3A_450 : memref<4x64xi32, #tpu.memory_space<vmem>>) target_semaphore(%run_scoped3A_442 : memref<!tpu.dma_semaphore, #tpu.memory_space<semaphore_mem>>)
      %dma_wait3A_453 = arith.constant 4 : i32
      %dma_wait3A_454 = arith.constant 0 : i32
      %dma_wait3A_455 = tpu.memref_slice %arg7[%dma_wait3A_453, %dma_wait3A_454] : memref<8x64xi32, #tpu.memory_space<vmem>> -> memref<4x64xi32, #tpu.memory_space<vmem>>
      %dma_wait3A_456 = arith.constant 0 : i32
      %dma_wait3A_457 = tpu.memref_slice %arg4[%add3A_139, %dma_wait3A_456] : memref<5120x64xi32, #tpu.memory_space<hbm>> -> memref<4x64xi32, #tpu.memory_space<hbm>>
      %dma_wait3A_458 = arith.constant 4 : i32
      %dma_wait3A_459 = arith.constant 0 : i32
      %dma_wait3A_460 = tpu.memref_slice %arg7[%dma_wait3A_458, %dma_wait3A_459] : memref<8x64xi32, #tpu.memory_space<vmem>> -> memref<4x64xi32, #tpu.memory_space<vmem>>
      %dma_wait3A_461 = arith.constant 0 : i32
      %dma_wait3A_462 = tpu.memref_slice %arg4[%add3A_139, %dma_wait3A_461] : memref<5120x64xi32, #tpu.memory_space<hbm>> -> memref<4x64xi32, #tpu.memory_space<hbm>>
      tpu.wait_dma2 semaphore(%run_scoped3A_442 : memref<!tpu.dma_semaphore, #tpu.memory_space<semaphore_mem>>) src(%dma_wait3A_462 : memref<4x64xi32, #tpu.memory_space<hbm>>) dst(%dma_wait3A_460 : memref<4x64xi32, #tpu.memory_space<vmem>>)
      tpu.yield
    }) : () -> ()
    %dma_wait3A_140 = arith.constant 0 : i32
    %dma_wait3A_141 = arith.constant 2 : i32
    %dma_wait3A_142 = arith.constant 0 : i32
    %dma_wait3A_143 = arith.constant 0 : i32
    %dma_wait3A_144 = tpu.memref_slice %arg8[%dma_wait3A_141, %dma_wait3A_142, %dma_wait3A_143] : memref<4x64x128xf32, #tpu.memory_space<vmem>> -> memref<1x64x128xf32, #tpu.memory_space<vmem>>
    %dma_wait3A_145 = tpu.memref_squeeze %dma_wait3A_144 : memref<1x64x128xf32, #tpu.memory_space<vmem>> -> memref<64x128xf32, #tpu.memory_space<vmem>>
    %dma_wait3A_146 = arith.constant 0 : i32
    %dma_wait3A_147 = tpu.memref_slice %arg6[%dma_wait3A_140, %dma_wait3A_146] : memref<8x64xi32, #tpu.memory_space<vmem>> -> memref<1x64xi32, #tpu.memory_space<vmem>>
    %dma_wait3A_148 = tpu.memref_squeeze %dma_wait3A_147 : memref<1x64xi32, #tpu.memory_space<vmem>> -> memref<64xi32, #tpu.memory_space<vmem>>
    %dma_wait3A_149 = arith.constant 0 : i32
    %dma_wait3A_150 = arith.constant 0 : i32
    %dma_wait3A_151 = tpu.memref_slice %arg2[%dma_wait3A_149, %dma_wait3A_150] : memref<10000x128xf32, #tpu.memory_space<hbm>> -> memref<10000x128xf32, #tpu.memory_space<hbm>>
    tpu.wait_indirect_dma semaphore(%arg12 : memref<!tpu.dma_semaphore, #tpu.memory_space<semaphore_mem>>) src(%dma_wait3A_151 : memref<10000x128xf32, #tpu.memory_space<hbm>>) dst(%dma_wait3A_145 : memref<64x128xf32, #tpu.memory_space<vmem>>)
    %dma_start3A_152 = arith.constant 2 : i32
    %dma_start3A_153 = arith.constant 2 : i32
    %dma_start3A_154 = arith.constant 0 : i32
    %dma_start3A_155 = arith.constant 0 : i32
    %dma_start3A_156 = tpu.memref_slice %arg8[%dma_start3A_152, %dma_start3A_154, %dma_start3A_155] : memref<4x64x128xf32, #tpu.memory_space<vmem>> -> memref<1x64x128xf32, #tpu.memory_space<vmem>>
    %dma_start3A_157 = tpu.memref_squeeze %dma_start3A_156 : memref<1x64x128xf32, #tpu.memory_space<vmem>> -> memref<64x128xf32, #tpu.memory_space<vmem>>
    %dma_start3A_158 = arith.constant 0 : i32
    %dma_start3A_159 = tpu.memref_slice %arg7[%dma_start3A_153, %dma_start3A_158] : memref<8x64xi32, #tpu.memory_space<vmem>> -> memref<1x64xi32, #tpu.memory_space<vmem>>
    %dma_start3A_160 = tpu.memref_squeeze %dma_start3A_159 : memref<1x64xi32, #tpu.memory_space<vmem>> -> memref<64xi32, #tpu.memory_space<vmem>>
    %dma_start3A_161 = arith.constant 0 : i32
    %dma_start3A_162 = arith.constant 0 : i32
    %dma_start3A_163 = tpu.memref_slice %arg9[%dma_start3A_161, %dma_start3A_162] : memref<10240x128xf32, #tpu.memory_space<vmem_shared>> -> memref<10240x128xf32, #tpu.memory_space<vmem_shared>>
    tpu.enqueue_indirect_dma source(%dma_start3A_157 : memref<64x128xf32, #tpu.memory_space<vmem>>) target(%dma_start3A_163 : memref<10240x128xf32, #tpu.memory_space<vmem_shared>>) offsets(%dma_start3A_160 : memref<64xi32, #tpu.memory_space<vmem>>) semaphore(%arg16 : memref<!tpu.dma_semaphore, #tpu.memory_space<semaphore_mem>>) {add = true}
    %dma_wait3A_164 = arith.constant 0 : i32
    %dma_wait3A_165 = arith.constant 0 : i32
    %dma_wait3A_166 = arith.constant 0 : i32
    %dma_wait3A_167 = arith.constant 0 : i32
    %dma_wait3A_168 = tpu.memref_slice %arg8[%dma_wait3A_164, %dma_wait3A_166, %dma_wait3A_167] : memref<4x64x128xf32, #tpu.memory_space<vmem>> -> memref<1x64x128xf32, #tpu.memory_space<vmem>>
    %dma_wait3A_169 = tpu.memref_squeeze %dma_wait3A_168 : memref<1x64x128xf32, #tpu.memory_space<vmem>> -> memref<64x128xf32, #tpu.memory_space<vmem>>
    %dma_wait3A_170 = arith.constant 0 : i32
    %dma_wait3A_171 = tpu.memref_slice %arg7[%dma_wait3A_165, %dma_wait3A_170] : memref<8x64xi32, #tpu.memory_space<vmem>> -> memref<1x64xi32, #tpu.memory_space<vmem>>
    %dma_wait3A_172 = tpu.memref_squeeze %dma_wait3A_171 : memref<1x64xi32, #tpu.memory_space<vmem>> -> memref<64xi32, #tpu.memory_space<vmem>>
    %dma_wait3A_173 = arith.constant 0 : i32
    %dma_wait3A_174 = arith.constant 0 : i32
    %dma_wait3A_175 = tpu.memref_slice %arg9[%dma_wait3A_173, %dma_wait3A_174] : memref<10240x128xf32, #tpu.memory_space<vmem_shared>> -> memref<10240x128xf32, #tpu.memory_space<vmem_shared>>
    tpu.wait_indirect_dma semaphore(%arg14 : memref<!tpu.dma_semaphore, #tpu.memory_space<semaphore_mem>>) src(%dma_wait3A_169 : memref<64x128xf32, #tpu.memory_space<vmem>>) dst(%dma_wait3A_175 : memref<10240x128xf32, #tpu.memory_space<vmem_shared>>)
    %dma_start3A_176 = arith.constant 4 : i32
    %dma_start3A_177 = arith.constant 0 : i32
    %dma_start3A_178 = arith.constant 0 : i32
    %dma_start3A_179 = arith.constant 0 : i32
    %dma_start3A_180 = tpu.memref_slice %arg8[%dma_start3A_177, %dma_start3A_178, %dma_start3A_179] : memref<4x64x128xf32, #tpu.memory_space<vmem>> -> memref<1x64x128xf32, #tpu.memory_space<vmem>>
    %dma_start3A_181 = tpu.memref_squeeze %dma_start3A_180 : memref<1x64x128xf32, #tpu.memory_space<vmem>> -> memref<64x128xf32, #tpu.memory_space<vmem>>
    %dma_start3A_182 = arith.constant 0 : i32
    %dma_start3A_183 = tpu.memref_slice %arg6[%dma_start3A_176, %dma_start3A_182] : memref<8x64xi32, #tpu.memory_space<vmem>> -> memref<1x64xi32, #tpu.memory_space<vmem>>
    %dma_start3A_184 = tpu.memref_squeeze %dma_start3A_183 : memref<1x64xi32, #tpu.memory_space<vmem>> -> memref<64xi32, #tpu.memory_space<vmem>>
    %dma_start3A_185 = arith.constant 0 : i32
    %dma_start3A_186 = arith.constant 0 : i32
    %dma_start3A_187 = tpu.memref_slice %arg2[%dma_start3A_185, %dma_start3A_186] : memref<10000x128xf32, #tpu.memory_space<hbm>> -> memref<10000x128xf32, #tpu.memory_space<hbm>>
    tpu.enqueue_indirect_dma source(%dma_start3A_187 : memref<10000x128xf32, #tpu.memory_space<hbm>>) target(%dma_start3A_181 : memref<64x128xf32, #tpu.memory_space<vmem>>) offsets(%dma_start3A_184 : memref<64xi32, #tpu.memory_space<vmem>>) semaphore(%arg10 : memref<!tpu.dma_semaphore, #tpu.memory_space<semaphore_mem>>)
    %dma_wait3A_188 = arith.constant 0 : i32
    %dma_wait3A_189 = arith.constant 3 : i32
    %dma_wait3A_190 = arith.constant 0 : i32
    %dma_wait3A_191 = arith.constant 0 : i32
    %dma_wait3A_192 = tpu.memref_slice %arg8[%dma_wait3A_189, %dma_wait3A_190, %dma_wait3A_191] : memref<4x64x128xf32, #tpu.memory_space<vmem>> -> memref<1x64x128xf32, #tpu.memory_space<vmem>>
    %dma_wait3A_193 = tpu.memref_squeeze %dma_wait3A_192 : memref<1x64x128xf32, #tpu.memory_space<vmem>> -> memref<64x128xf32, #tpu.memory_space<vmem>>
    %dma_wait3A_194 = arith.constant 0 : i32
    %dma_wait3A_195 = tpu.memref_slice %arg6[%dma_wait3A_188, %dma_wait3A_194] : memref<8x64xi32, #tpu.memory_space<vmem>> -> memref<1x64xi32, #tpu.memory_space<vmem>>
    %dma_wait3A_196 = tpu.memref_squeeze %dma_wait3A_195 : memref<1x64xi32, #tpu.memory_space<vmem>> -> memref<64xi32, #tpu.memory_space<vmem>>
    %dma_wait3A_197 = arith.constant 0 : i32
    %dma_wait3A_198 = arith.constant 0 : i32
    %dma_wait3A_199 = tpu.memref_slice %arg2[%dma_wait3A_197, %dma_wait3A_198] : memref<10000x128xf32, #tpu.memory_space<hbm>> -> memref<10000x128xf32, #tpu.memory_space<hbm>>
    tpu.wait_indirect_dma semaphore(%arg13 : memref<!tpu.dma_semaphore, #tpu.memory_space<semaphore_mem>>) src(%dma_wait3A_199 : memref<10000x128xf32, #tpu.memory_space<hbm>>) dst(%dma_wait3A_193 : memref<64x128xf32, #tpu.memory_space<vmem>>)
    %dma_start3A_200 = arith.constant 3 : i32
    %dma_start3A_201 = arith.constant 3 : i32
    %dma_start3A_202 = arith.constant 0 : i32
    %dma_start3A_203 = arith.constant 0 : i32
    %dma_start3A_204 = tpu.memref_slice %arg8[%dma_start3A_200, %dma_start3A_202, %dma_start3A_203] : memref<4x64x128xf32, #tpu.memory_space<vmem>> -> memref<1x64x128xf32, #tpu.memory_space<vmem>>
    %dma_start3A_205 = tpu.memref_squeeze %dma_start3A_204 : memref<1x64x128xf32, #tpu.memory_space<vmem>> -> memref<64x128xf32, #tpu.memory_space<vmem>>
    %dma_start3A_206 = arith.constant 0 : i32
    %dma_start3A_207 = tpu.memref_slice %arg7[%dma_start3A_201, %dma_start3A_206] : memref<8x64xi32, #tpu.memory_space<vmem>> -> memref<1x64xi32, #tpu.memory_space<vmem>>
    %dma_start3A_208 = tpu.memref_squeeze %dma_start3A_207 : memref<1x64xi32, #tpu.memory_space<vmem>> -> memref<64xi32, #tpu.memory_space<vmem>>
    %dma_start3A_209 = arith.constant 0 : i32
    %dma_start3A_210 = arith.constant 0 : i32
    %dma_start3A_211 = tpu.memref_slice %arg9[%dma_start3A_209, %dma_start3A_210] : memref<10240x128xf32, #tpu.memory_space<vmem_shared>> -> memref<10240x128xf32, #tpu.memory_space<vmem_shared>>
    tpu.enqueue_indirect_dma source(%dma_start3A_205 : memref<64x128xf32, #tpu.memory_space<vmem>>) target(%dma_start3A_211 : memref<10240x128xf32, #tpu.memory_space<vmem_shared>>) offsets(%dma_start3A_208 : memref<64xi32, #tpu.memory_space<vmem>>) semaphore(%arg17 : memref<!tpu.dma_semaphore, #tpu.memory_space<semaphore_mem>>) {add = true}
    %dma_wait3A_212 = arith.constant 1 : i32
    %dma_wait3A_213 = arith.constant 0 : i32
    %dma_wait3A_214 = arith.constant 0 : i32
    %dma_wait3A_215 = arith.constant 0 : i32
    %dma_wait3A_216 = tpu.memref_slice %arg8[%dma_wait3A_212, %dma_wait3A_214, %dma_wait3A_215] : memref<4x64x128xf32, #tpu.memory_space<vmem>> -> memref<1x64x128xf32, #tpu.memory_space<vmem>>
    %dma_wait3A_217 = tpu.memref_squeeze %dma_wait3A_216 : memref<1x64x128xf32, #tpu.memory_space<vmem>> -> memref<64x128xf32, #tpu.memory_space<vmem>>
    %dma_wait3A_218 = arith.constant 0 : i32
    %dma_wait3A_219 = tpu.memref_slice %arg7[%dma_wait3A_213, %dma_wait3A_218] : memref<8x64xi32, #tpu.memory_space<vmem>> -> memref<1x64xi32, #tpu.memory_space<vmem>>
    %dma_wait3A_220 = tpu.memref_squeeze %dma_wait3A_219 : memref<1x64xi32, #tpu.memory_space<vmem>> -> memref<64xi32, #tpu.memory_space<vmem>>
    %dma_wait3A_221 = arith.constant 0 : i32
    %dma_wait3A_222 = arith.constant 0 : i32
    %dma_wait3A_223 = tpu.memref_slice %arg9[%dma_wait3A_221, %dma_wait3A_222] : memref<10240x128xf32, #tpu.memory_space<vmem_shared>> -> memref<10240x128xf32, #tpu.memory_space<vmem_shared>>
    tpu.wait_indirect_dma semaphore(%arg15 : memref<!tpu.dma_semaphore, #tpu.memory_space<semaphore_mem>>) src(%dma_wait3A_217 : memref<64x128xf32, #tpu.memory_space<vmem>>) dst(%dma_wait3A_223 : memref<10240x128xf32, #tpu.memory_space<vmem_shared>>)
    %dma_start3A_224 = arith.constant 5 : i32
    %dma_start3A_225 = arith.constant 1 : i32
    %dma_start3A_226 = arith.constant 0 : i32
    %dma_start3A_227 = arith.constant 0 : i32
    %dma_start3A_228 = tpu.memref_slice %arg8[%dma_start3A_225, %dma_start3A_226, %dma_start3A_227] : memref<4x64x128xf32, #tpu.memory_space<vmem>> -> memref<1x64x128xf32, #tpu.memory_space<vmem>>
    %dma_start3A_229 = tpu.memref_squeeze %dma_start3A_228 : memref<1x64x128xf32, #tpu.memory_space<vmem>> -> memref<64x128xf32, #tpu.memory_space<vmem>>
    %dma_start3A_230 = arith.constant 0 : i32
    %dma_start3A_231 = tpu.memref_slice %arg6[%dma_start3A_224, %dma_start3A_230] : memref<8x64xi32, #tpu.memory_space<vmem>> -> memref<1x64xi32, #tpu.memory_space<vmem>>
    %dma_start3A_232 = tpu.memref_squeeze %dma_start3A_231 : memref<1x64xi32, #tpu.memory_space<vmem>> -> memref<64xi32, #tpu.memory_space<vmem>>
    %dma_start3A_233 = arith.constant 0 : i32
    %dma_start3A_234 = arith.constant 0 : i32
    %dma_start3A_235 = tpu.memref_slice %arg2[%dma_start3A_233, %dma_start3A_234] : memref<10000x128xf32, #tpu.memory_space<hbm>> -> memref<10000x128xf32, #tpu.memory_space<hbm>>
    tpu.enqueue_indirect_dma source(%dma_start3A_235 : memref<10000x128xf32, #tpu.memory_space<hbm>>) target(%dma_start3A_229 : memref<64x128xf32, #tpu.memory_space<vmem>>) offsets(%dma_start3A_232 : memref<64xi32, #tpu.memory_space<vmem>>) semaphore(%arg11 : memref<!tpu.dma_semaphore, #tpu.memory_space<semaphore_mem>>)
    %scan3A_236 = arith.constant 0 : i32
    %scan3A_237 = arith.constant 38 : i32
    %scan3A_238 = arith.addi %scan3A_236, %scan3A_237 : i32
    %scan3A_239 = arith.constant 1 : i32
    scf.for %scan3A_442 = %scan3A_236 to %scan3A_238 step %scan3A_239  : i32 {
      %mul3A_443 = arith.constant 1 : i32
      %mul3A_444 = arith.muli %scan3A_442, %mul3A_443 : i32
      %add3A_445 = arith.constant 1 : i32
      %add3A_446 = arith.addi %add3A_445, %mul3A_444 : i32
      %jit3A = arith.constant 2 : i32
      %eq3A_447 = arith.constant 0 : i32
      %eq3A_448 = arith.cmpi eq, %jit3A, %eq3A_447 : i32
      %jit3A_449 = arith.constant 1 : i32
      %select_n3A = arith.select %eq3A_448, %jit3A_449, %jit3A : i32
      %rem3A = arith.remsi %add3A_446, %select_n3A : i32
      %ne3A = arith.constant 0 : i32
      %ne3A_450 = arith.cmpi ne, %rem3A, %ne3A : i32
      %lt3A_451 = arith.constant 0 : i32
      %lt3A_452 = arith.cmpi slt, %rem3A, %lt3A_451 : i32
      %lt3A_453 = arith.constant 0 : i32
      %lt3A_454 = arith.cmpi slt, %select_n3A, %lt3A_453 : i32
      %ne3A_455 = arith.xori %lt3A_452, %lt3A_454 : i1
      %and3A = arith.andi %ne3A_455, %ne3A_450 : i1
      %add3A_456 = arith.addi %rem3A, %select_n3A : i32
      %select_n3A_457 = arith.select %and3A, %add3A_456, %rem3A : i32
      %mul3A_458 = arith.constant 4 : i32
      %mul3A_459 = arith.muli %select_n3A_457, %mul3A_458 : i32
      %add3A_460 = arith.constant 0 : i32
      %add3A_461 = arith.addi %mul3A_459, %add3A_460 : i32
      %dma_wait3A_462 = arith.constant 0 : i32
      %dma_wait3A_463 = arith.constant 0 : i32
      %dma_wait3A_464 = arith.constant 0 : i32
      %dma_wait3A_465 = arith.constant 0 : i32
      %dma_wait3A_466 = tpu.memref_slice %arg8[%dma_wait3A_463, %dma_wait3A_464, %dma_wait3A_465] : memref<4x64x128xf32, #tpu.memory_space<vmem>> -> memref<1x64x128xf32, #tpu.memory_space<vmem>>
      %dma_wait3A_467 = tpu.memref_squeeze %dma_wait3A_466 : memref<1x64x128xf32, #tpu.memory_space<vmem>> -> memref<64x128xf32, #tpu.memory_space<vmem>>
      %dma_wait3A_468 = arith.constant 0 : i32
      %dma_wait3A_469 = tpu.memref_slice %arg6[%dma_wait3A_462, %dma_wait3A_468] : memref<8x64xi32, #tpu.memory_space<vmem>> -> memref<1x64xi32, #tpu.memory_space<vmem>>
      %dma_wait3A_470 = tpu.memref_squeeze %dma_wait3A_469 : memref<1x64xi32, #tpu.memory_space<vmem>> -> memref<64xi32, #tpu.memory_space<vmem>>
      %dma_wait3A_471 = arith.constant 0 : i32
      %dma_wait3A_472 = arith.constant 0 : i32
      %dma_wait3A_473 = tpu.memref_slice %arg2[%dma_wait3A_471, %dma_wait3A_472] : memref<10000x128xf32, #tpu.memory_space<hbm>> -> memref<10000x128xf32, #tpu.memory_space<hbm>>
      tpu.wait_indirect_dma semaphore(%arg10 : memref<!tpu.dma_semaphore, #tpu.memory_space<semaphore_mem>>) src(%dma_wait3A_473 : memref<10000x128xf32, #tpu.memory_space<hbm>>) dst(%dma_wait3A_467 : memref<64x128xf32, #tpu.memory_space<vmem>>)
      %dma_start3A_474 = arith.constant 0 : i32
      %dma_start3A_475 = arith.constant 0 : i32
      %dma_start3A_476 = arith.constant 0 : i32
      %dma_start3A_477 = tpu.memref_slice %arg8[%dma_start3A_474, %dma_start3A_475, %dma_start3A_476] : memref<4x64x128xf32, #tpu.memory_space<vmem>> -> memref<1x64x128xf32, #tpu.memory_space<vmem>>
      %dma_start3A_478 = tpu.memref_squeeze %dma_start3A_477 : memref<1x64x128xf32, #tpu.memory_space<vmem>> -> memref<64x128xf32, #tpu.memory_space<vmem>>
      %dma_start3A_479 = arith.constant 0 : i32
      %dma_start3A_480 = tpu.memref_slice %arg7[%add3A_461, %dma_start3A_479] : memref<8x64xi32, #tpu.memory_space<vmem>> -> memref<1x64xi32, #tpu.memory_space<vmem>>
      %dma_start3A_481 = tpu.memref_squeeze %dma_start3A_480 : memref<1x64xi32, #tpu.memory_space<vmem>> -> memref<64xi32, #tpu.memory_space<vmem>>
      %dma_start3A_482 = arith.constant 0 : i32
      %dma_start3A_483 = arith.constant 0 : i32
      %dma_start3A_484 = tpu.memref_slice %arg9[%dma_start3A_482, %dma_start3A_483] : memref<10240x128xf32, #tpu.memory_space<vmem_shared>> -> memref<10240x128xf32, #tpu.memory_space<vmem_shared>>
      tpu.enqueue_indirect_dma source(%dma_start3A_478 : memref<64x128xf32, #tpu.memory_space<vmem>>) target(%dma_start3A_484 : memref<10240x128xf32, #tpu.memory_space<vmem_shared>>) offsets(%dma_start3A_481 : memref<64xi32, #tpu.memory_space<vmem>>) semaphore(%arg14 : memref<!tpu.dma_semaphore, #tpu.memory_space<semaphore_mem>>) {add = true}
      %dma_wait3A_485 = arith.constant 2 : i32
      %dma_wait3A_486 = arith.constant 0 : i32
      %dma_wait3A_487 = arith.constant 0 : i32
      %dma_wait3A_488 = arith.constant 0 : i32
      %dma_wait3A_489 = tpu.memref_slice %arg8[%dma_wait3A_485, %dma_wait3A_487, %dma_wait3A_488] : memref<4x64x128xf32, #tpu.memory_space<vmem>> -> memref<1x64x128xf32, #tpu.memory_space<vmem>>
      %dma_wait3A_490 = tpu.memref_squeeze %dma_wait3A_489 : memref<1x64x128xf32, #tpu.memory_space<vmem>> -> memref<64x128xf32, #tpu.memory_space<vmem>>
      %dma_wait3A_491 = arith.constant 0 : i32
      %dma_wait3A_492 = tpu.memref_slice %arg7[%dma_wait3A_486, %dma_wait3A_491] : memref<8x64xi32, #tpu.memory_space<vmem>> -> memref<1x64xi32, #tpu.memory_space<vmem>>
      %dma_wait3A_493 = tpu.memref_squeeze %dma_wait3A_492 : memref<1x64xi32, #tpu.memory_space<vmem>> -> memref<64xi32, #tpu.memory_space<vmem>>
      %dma_wait3A_494 = arith.constant 0 : i32
      %dma_wait3A_495 = arith.constant 0 : i32
      %dma_wait3A_496 = tpu.memref_slice %arg9[%dma_wait3A_494, %dma_wait3A_495] : memref<10240x128xf32, #tpu.memory_space<vmem_shared>> -> memref<10240x128xf32, #tpu.memory_space<vmem_shared>>
      tpu.wait_indirect_dma semaphore(%arg16 : memref<!tpu.dma_semaphore, #tpu.memory_space<semaphore_mem>>) src(%dma_wait3A_490 : memref<64x128xf32, #tpu.memory_space<vmem>>) dst(%dma_wait3A_496 : memref<10240x128xf32, #tpu.memory_space<vmem_shared>>)
      %jit3A_497 = arith.constant 2 : i32
      %eq3A_498 = arith.constant 0 : i32
      %eq3A_499 = arith.cmpi eq, %jit3A_497, %eq3A_498 : i32
      %jit3A_500 = arith.constant 1 : i32
      %select_n3A_501 = arith.select %eq3A_499, %jit3A_500, %jit3A_497 : i32
      %rem3A_502 = arith.remsi %add3A_446, %select_n3A_501 : i32
      %ne3A_503 = arith.constant 0 : i32
      %ne3A_504 = arith.cmpi ne, %rem3A_502, %ne3A_503 : i32
      %lt3A_505 = arith.constant 0 : i32
      %lt3A_506 = arith.cmpi slt, %rem3A_502, %lt3A_505 : i32
      %lt3A_507 = arith.constant 0 : i32
      %lt3A_508 = arith.cmpi slt, %select_n3A_501, %lt3A_507 : i32
      %ne3A_509 = arith.xori %lt3A_506, %lt3A_508 : i1
      %and3A_510 = arith.andi %ne3A_509, %ne3A_504 : i1
      %add3A_511 = arith.addi %rem3A_502, %select_n3A_501 : i32
      %select_n3A_512 = arith.select %and3A_510, %add3A_511, %rem3A_502 : i32
      %mul3A_513 = arith.constant 4 : i32
      %mul3A_514 = arith.muli %select_n3A_512, %mul3A_513 : i32
      %add3A_515 = arith.constant 0 : i32
      %add3A_516 = arith.addi %mul3A_514, %add3A_515 : i32
      %add3A_517 = arith.constant 2 : i32
      %add3A_518 = arith.addi %add3A_516, %add3A_517 : i32
      %dma_start3A_519 = arith.constant 2 : i32
      %dma_start3A_520 = arith.constant 0 : i32
      %dma_start3A_521 = arith.constant 0 : i32
      %dma_start3A_522 = tpu.memref_slice %arg8[%dma_start3A_519, %dma_start3A_520, %dma_start3A_521] : memref<4x64x128xf32, #tpu.memory_space<vmem>> -> memref<1x64x128xf32, #tpu.memory_space<vmem>>
      %dma_start3A_523 = tpu.memref_squeeze %dma_start3A_522 : memref<1x64x128xf32, #tpu.memory_space<vmem>> -> memref<64x128xf32, #tpu.memory_space<vmem>>
      %dma_start3A_524 = arith.constant 0 : i32
      %dma_start3A_525 = tpu.memref_slice %arg6[%add3A_518, %dma_start3A_524] : memref<8x64xi32, #tpu.memory_space<vmem>> -> memref<1x64xi32, #tpu.memory_space<vmem>>
      %dma_start3A_526 = tpu.memref_squeeze %dma_start3A_525 : memref<1x64xi32, #tpu.memory_space<vmem>> -> memref<64xi32, #tpu.memory_space<vmem>>
      %dma_start3A_527 = arith.constant 0 : i32
      %dma_start3A_528 = arith.constant 0 : i32
      %dma_start3A_529 = tpu.memref_slice %arg2[%dma_start3A_527, %dma_start3A_528] : memref<10000x128xf32, #tpu.memory_space<hbm>> -> memref<10000x128xf32, #tpu.memory_space<hbm>>
      tpu.enqueue_indirect_dma source(%dma_start3A_529 : memref<10000x128xf32, #tpu.memory_space<hbm>>) target(%dma_start3A_523 : memref<64x128xf32, #tpu.memory_space<vmem>>) offsets(%dma_start3A_526 : memref<64xi32, #tpu.memory_space<vmem>>) semaphore(%arg12 : memref<!tpu.dma_semaphore, #tpu.memory_space<semaphore_mem>>)
      %jit3A_530 = arith.constant 2 : i32
      %eq3A_531 = arith.constant 0 : i32
      %eq3A_532 = arith.cmpi eq, %jit3A_530, %eq3A_531 : i32
      %jit3A_533 = arith.constant 1 : i32
      %select_n3A_534 = arith.select %eq3A_532, %jit3A_533, %jit3A_530 : i32
      %rem3A_535 = arith.remsi %add3A_446, %select_n3A_534 : i32
      %ne3A_536 = arith.constant 0 : i32
      %ne3A_537 = arith.cmpi ne, %rem3A_535, %ne3A_536 : i32
      %lt3A_538 = arith.constant 0 : i32
      %lt3A_539 = arith.cmpi slt, %rem3A_535, %lt3A_538 : i32
      %lt3A_540 = arith.constant 0 : i32
      %lt3A_541 = arith.cmpi slt, %select_n3A_534, %lt3A_540 : i32
      %ne3A_542 = arith.xori %lt3A_539, %lt3A_541 : i1
      %and3A_543 = arith.andi %ne3A_542, %ne3A_537 : i1
      %add3A_544 = arith.addi %rem3A_535, %select_n3A_534 : i32
      %select_n3A_545 = arith.select %and3A_543, %add3A_544, %rem3A_535 : i32
      %mul3A_546 = arith.constant 4 : i32
      %mul3A_547 = arith.muli %select_n3A_545, %mul3A_546 : i32
      %add3A_548 = arith.constant 1 : i32
      %add3A_549 = arith.addi %mul3A_547, %add3A_548 : i32
      %dma_wait3A_550 = arith.constant 0 : i32
      %dma_wait3A_551 = arith.constant 1 : i32
      %dma_wait3A_552 = arith.constant 0 : i32
      %dma_wait3A_553 = arith.constant 0 : i32
      %dma_wait3A_554 = tpu.memref_slice %arg8[%dma_wait3A_551, %dma_wait3A_552, %dma_wait3A_553] : memref<4x64x128xf32, #tpu.memory_space<vmem>> -> memref<1x64x128xf32, #tpu.memory_space<vmem>>
      %dma_wait3A_555 = tpu.memref_squeeze %dma_wait3A_554 : memref<1x64x128xf32, #tpu.memory_space<vmem>> -> memref<64x128xf32, #tpu.memory_space<vmem>>
      %dma_wait3A_556 = arith.constant 0 : i32
      %dma_wait3A_557 = tpu.memref_slice %arg6[%dma_wait3A_550, %dma_wait3A_556] : memref<8x64xi32, #tpu.memory_space<vmem>> -> memref<1x64xi32, #tpu.memory_space<vmem>>
      %dma_wait3A_558 = tpu.memref_squeeze %dma_wait3A_557 : memref<1x64xi32, #tpu.memory_space<vmem>> -> memref<64xi32, #tpu.memory_space<vmem>>
      %dma_wait3A_559 = arith.constant 0 : i32
      %dma_wait3A_560 = arith.constant 0 : i32
      %dma_wait3A_561 = tpu.memref_slice %arg2[%dma_wait3A_559, %dma_wait3A_560] : memref<10000x128xf32, #tpu.memory_space<hbm>> -> memref<10000x128xf32, #tpu.memory_space<hbm>>
      tpu.wait_indirect_dma semaphore(%arg11 : memref<!tpu.dma_semaphore, #tpu.memory_space<semaphore_mem>>) src(%dma_wait3A_561 : memref<10000x128xf32, #tpu.memory_space<hbm>>) dst(%dma_wait3A_555 : memref<64x128xf32, #tpu.memory_space<vmem>>)
      %dma_start3A_562 = arith.constant 1 : i32
      %dma_start3A_563 = arith.constant 0 : i32
      %dma_start3A_564 = arith.constant 0 : i32
      %dma_start3A_565 = tpu.memref_slice %arg8[%dma_start3A_562, %dma_start3A_563, %dma_start3A_564] : memref<4x64x128xf32, #tpu.memory_space<vmem>> -> memref<1x64x128xf32, #tpu.memory_space<vmem>>
      %dma_start3A_566 = tpu.memref_squeeze %dma_start3A_565 : memref<1x64x128xf32, #tpu.memory_space<vmem>> -> memref<64x128xf32, #tpu.memory_space<vmem>>
      %dma_start3A_567 = arith.constant 0 : i32
      %dma_start3A_568 = tpu.memref_slice %arg7[%add3A_549, %dma_start3A_567] : memref<8x64xi32, #tpu.memory_space<vmem>> -> memref<1x64xi32, #tpu.memory_space<vmem>>
      %dma_start3A_569 = tpu.memref_squeeze %dma_start3A_568 : memref<1x64xi32, #tpu.memory_space<vmem>> -> memref<64xi32, #tpu.memory_space<vmem>>
      %dma_start3A_570 = arith.constant 0 : i32
      %dma_start3A_571 = arith.constant 0 : i32
      %dma_start3A_572 = tpu.memref_slice %arg9[%dma_start3A_570, %dma_start3A_571] : memref<10240x128xf32, #tpu.memory_space<vmem_shared>> -> memref<10240x128xf32, #tpu.memory_space<vmem_shared>>
      tpu.enqueue_indirect_dma source(%dma_start3A_566 : memref<64x128xf32, #tpu.memory_space<vmem>>) target(%dma_start3A_572 : memref<10240x128xf32, #tpu.memory_space<vmem_shared>>) offsets(%dma_start3A_569 : memref<64xi32, #tpu.memory_space<vmem>>) semaphore(%arg15 : memref<!tpu.dma_semaphore, #tpu.memory_space<semaphore_mem>>) {add = true}
      %dma_wait3A_573 = arith.constant 3 : i32
      %dma_wait3A_574 = arith.constant 0 : i32
      %dma_wait3A_575 = arith.constant 0 : i32
      %dma_wait3A_576 = arith.constant 0 : i32
      %dma_wait3A_577 = tpu.memref_slice %arg8[%dma_wait3A_573, %dma_wait3A_575, %dma_wait3A_576] : memref<4x64x128xf32, #tpu.memory_space<vmem>> -> memref<1x64x128xf32, #tpu.memory_space<vmem>>
      %dma_wait3A_578 = tpu.memref_squeeze %dma_wait3A_577 : memref<1x64x128xf32, #tpu.memory_space<vmem>> -> memref<64x128xf32, #tpu.memory_space<vmem>>
      %dma_wait3A_579 = arith.constant 0 : i32
      %dma_wait3A_580 = tpu.memref_slice %arg7[%dma_wait3A_574, %dma_wait3A_579] : memref<8x64xi32, #tpu.memory_space<vmem>> -> memref<1x64xi32, #tpu.memory_space<vmem>>
      %dma_wait3A_581 = tpu.memref_squeeze %dma_wait3A_580 : memref<1x64xi32, #tpu.memory_space<vmem>> -> memref<64xi32, #tpu.memory_space<vmem>>
      %dma_wait3A_582 = arith.constant 0 : i32
      %dma_wait3A_583 = arith.constant 0 : i32
      %dma_wait3A_584 = tpu.memref_slice %arg9[%dma_wait3A_582, %dma_wait3A_583] : memref<10240x128xf32, #tpu.memory_space<vmem_shared>> -> memref<10240x128xf32, #tpu.memory_space<vmem_shared>>
      tpu.wait_indirect_dma semaphore(%arg17 : memref<!tpu.dma_semaphore, #tpu.memory_space<semaphore_mem>>) src(%dma_wait3A_578 : memref<64x128xf32, #tpu.memory_space<vmem>>) dst(%dma_wait3A_584 : memref<10240x128xf32, #tpu.memory_space<vmem_shared>>)
      %jit3A_585 = arith.constant 2 : i32
      %eq3A_586 = arith.constant 0 : i32
      %eq3A_587 = arith.cmpi eq, %jit3A_585, %eq3A_586 : i32
      %jit3A_588 = arith.constant 1 : i32
      %select_n3A_589 = arith.select %eq3A_587, %jit3A_588, %jit3A_585 : i32
      %rem3A_590 = arith.remsi %add3A_446, %select_n3A_589 : i32
      %ne3A_591 = arith.constant 0 : i32
      %ne3A_592 = arith.cmpi ne, %rem3A_590, %ne3A_591 : i32
      %lt3A_593 = arith.constant 0 : i32
      %lt3A_594 = arith.cmpi slt, %rem3A_590, %lt3A_593 : i32
      %lt3A_595 = arith.constant 0 : i32
      %lt3A_596 = arith.cmpi slt, %select_n3A_589, %lt3A_595 : i32
      %ne3A_597 = arith.xori %lt3A_594, %lt3A_596 : i1
      %and3A_598 = arith.andi %ne3A_597, %ne3A_592 : i1
      %add3A_599 = arith.addi %rem3A_590, %select_n3A_589 : i32
      %select_n3A_600 = arith.select %and3A_598, %add3A_599, %rem3A_590 : i32
      %mul3A_601 = arith.constant 4 : i32
      %mul3A_602 = arith.muli %select_n3A_600, %mul3A_601 : i32
      %add3A_603 = arith.constant 1 : i32
      %add3A_604 = arith.addi %mul3A_602, %add3A_603 : i32
      %add3A_605 = arith.constant 2 : i32
      %add3A_606 = arith.addi %add3A_604, %add3A_605 : i32
      %dma_start3A_607 = arith.constant 3 : i32
      %dma_start3A_608 = arith.constant 0 : i32
      %dma_start3A_609 = arith.constant 0 : i32
      %dma_start3A_610 = tpu.memref_slice %arg8[%dma_start3A_607, %dma_start3A_608, %dma_start3A_609] : memref<4x64x128xf32, #tpu.memory_space<vmem>> -> memref<1x64x128xf32, #tpu.memory_space<vmem>>
      %dma_start3A_611 = tpu.memref_squeeze %dma_start3A_610 : memref<1x64x128xf32, #tpu.memory_space<vmem>> -> memref<64x128xf32, #tpu.memory_space<vmem>>
      %dma_start3A_612 = arith.constant 0 : i32
      %dma_start3A_613 = tpu.memref_slice %arg6[%add3A_606, %dma_start3A_612] : memref<8x64xi32, #tpu.memory_space<vmem>> -> memref<1x64xi32, #tpu.memory_space<vmem>>
      %dma_start3A_614 = tpu.memref_squeeze %dma_start3A_613 : memref<1x64xi32, #tpu.memory_space<vmem>> -> memref<64xi32, #tpu.memory_space<vmem>>
      %dma_start3A_615 = arith.constant 0 : i32
      %dma_start3A_616 = arith.constant 0 : i32
      %dma_start3A_617 = tpu.memref_slice %arg2[%dma_start3A_615, %dma_start3A_616] : memref<10000x128xf32, #tpu.memory_space<hbm>> -> memref<10000x128xf32, #tpu.memory_space<hbm>>
      tpu.enqueue_indirect_dma source(%dma_start3A_617 : memref<10000x128xf32, #tpu.memory_space<hbm>>) target(%dma_start3A_611 : memref<64x128xf32, #tpu.memory_space<vmem>>) offsets(%dma_start3A_614 : memref<64xi32, #tpu.memory_space<vmem>>) semaphore(%arg13 : memref<!tpu.dma_semaphore, #tpu.memory_space<semaphore_mem>>)
      %add3A_618 = arith.constant 1 : i32
      %add3A_619 = arith.addi %add3A_446, %add3A_618 : i32
      %jit3A_620 = arith.constant 2 : i32
      %eq3A_621 = arith.constant 0 : i32
      %eq3A_622 = arith.cmpi eq, %jit3A_620, %eq3A_621 : i32
      %jit3A_623 = arith.constant 1 : i32
      %select_n3A_624 = arith.select %eq3A_622, %jit3A_623, %jit3A_620 : i32
      %rem3A_625 = arith.remsi %add3A_619, %select_n3A_624 : i32
      %ne3A_626 = arith.constant 0 : i32
      %ne3A_627 = arith.cmpi ne, %rem3A_625, %ne3A_626 : i32
      %lt3A_628 = arith.constant 0 : i32
      %lt3A_629 = arith.cmpi slt, %rem3A_625, %lt3A_628 : i32
      %lt3A_630 = arith.constant 0 : i32
      %lt3A_631 = arith.cmpi slt, %select_n3A_624, %lt3A_630 : i32
      %ne3A_632 = arith.xori %lt3A_629, %lt3A_631 : i1
      %and3A_633 = arith.andi %ne3A_632, %ne3A_627 : i1
      %add3A_634 = arith.addi %rem3A_625, %select_n3A_624 : i32
      %select_n3A_635 = arith.select %and3A_633, %add3A_634, %rem3A_625 : i32
      %mul3A_636 = arith.constant 4 : i32
      %mul3A_637 = arith.muli %select_n3A_635, %mul3A_636 : i32
      %mul3A_638 = arith.constant 4 : i32
      %mul3A_639 = arith.muli %add3A_619, %mul3A_638 : i32
      %add3A_640 = arith.addi %mul3A_37, %mul3A_639 : i32
      "tpu.region"() ({
        %run_scoped3A_820 = tpu.sem_alloc : memref<!tpu.dma_semaphore, #tpu.memory_space<semaphore_mem>>
        %dma_start3A_821 = arith.constant 0 : i32
        %dma_start3A_822 = tpu.memref_slice %arg6[%mul3A_637, %dma_start3A_821] : memref<8x64xi32, #tpu.memory_space<vmem>> -> memref<4x64xi32, #tpu.memory_space<vmem>>
        %dma_start3A_823 = arith.constant 0 : i32
        %dma_start3A_824 = tpu.memref_slice %arg3[%add3A_640, %dma_start3A_823] : memref<5120x64xi32, #tpu.memory_space<hbm>> -> memref<4x64xi32, #tpu.memory_space<hbm>>
        %dma_start3A_825 = arith.constant 0 : i32
        %dma_start3A_826 = tpu.memref_slice %arg6[%mul3A_637, %dma_start3A_825] : memref<8x64xi32, #tpu.memory_space<vmem>> -> memref<4x64xi32, #tpu.memory_space<vmem>>
        %dma_start3A_827 = arith.constant 0 : i32
        %dma_start3A_828 = tpu.memref_slice %arg3[%add3A_640, %dma_start3A_827] : memref<5120x64xi32, #tpu.memory_space<hbm>> -> memref<4x64xi32, #tpu.memory_space<hbm>>
        tpu.enqueue_dma source(%dma_start3A_828 : memref<4x64xi32, #tpu.memory_space<hbm>>) target(%dma_start3A_826 : memref<4x64xi32, #tpu.memory_space<vmem>>) target_semaphore(%run_scoped3A_820 : memref<!tpu.dma_semaphore, #tpu.memory_space<semaphore_mem>>)
        %dma_wait3A_829 = arith.constant 0 : i32
        %dma_wait3A_830 = tpu.memref_slice %arg6[%mul3A_637, %dma_wait3A_829] : memref<8x64xi32, #tpu.memory_space<vmem>> -> memref<4x64xi32, #tpu.memory_space<vmem>>
        %dma_wait3A_831 = arith.constant 0 : i32
        %dma_wait3A_832 = tpu.memref_slice %arg3[%add3A_640, %dma_wait3A_831] : memref<5120x64xi32, #tpu.memory_space<hbm>> -> memref<4x64xi32, #tpu.memory_space<hbm>>
        %dma_wait3A_833 = arith.constant 0 : i32
        %dma_wait3A_834 = tpu.memref_slice %arg6[%mul3A_637, %dma_wait3A_833] : memref<8x64xi32, #tpu.memory_space<vmem>> -> memref<4x64xi32, #tpu.memory_space<vmem>>
        %dma_wait3A_835 = arith.constant 0 : i32
        %dma_wait3A_836 = tpu.memref_slice %arg3[%add3A_640, %dma_wait3A_835] : memref<5120x64xi32, #tpu.memory_space<hbm>> -> memref<4x64xi32, #tpu.memory_space<hbm>>
        tpu.wait_dma2 semaphore(%run_scoped3A_820 : memref<!tpu.dma_semaphore, #tpu.memory_space<semaphore_mem>>) src(%dma_wait3A_836 : memref<4x64xi32, #tpu.memory_space<hbm>>) dst(%dma_wait3A_834 : memref<4x64xi32, #tpu.memory_space<vmem>>)
        tpu.yield
      }) : () -> ()
      %mul3A_641 = arith.constant 4 : i32
      %mul3A_642 = arith.muli %add3A_619, %mul3A_641 : i32
      %add3A_643 = arith.addi %mul3A_37, %mul3A_642 : i32
      "tpu.region"() ({
        %run_scoped3A_820 = tpu.sem_alloc : memref<!tpu.dma_semaphore, #tpu.memory_space<semaphore_mem>>
        %dma_start3A_821 = arith.constant 0 : i32
        %dma_start3A_822 = tpu.memref_slice %arg7[%mul3A_637, %dma_start3A_821] : memref<8x64xi32, #tpu.memory_space<vmem>> -> memref<4x64xi32, #tpu.memory_space<vmem>>
        %dma_start3A_823 = arith.constant 0 : i32
        %dma_start3A_824 = tpu.memref_slice %arg4[%add3A_643, %dma_start3A_823] : memref<5120x64xi32, #tpu.memory_space<hbm>> -> memref<4x64xi32, #tpu.memory_space<hbm>>
        %dma_start3A_825 = arith.constant 0 : i32
        %dma_start3A_826 = tpu.memref_slice %arg7[%mul3A_637, %dma_start3A_825] : memref<8x64xi32, #tpu.memory_space<vmem>> -> memref<4x64xi32, #tpu.memory_space<vmem>>
        %dma_start3A_827 = arith.constant 0 : i32
        %dma_start3A_828 = tpu.memref_slice %arg4[%add3A_643, %dma_start3A_827] : memref<5120x64xi32, #tpu.memory_space<hbm>> -> memref<4x64xi32, #tpu.memory_space<hbm>>
        tpu.enqueue_dma source(%dma_start3A_828 : memref<4x64xi32, #tpu.memory_space<hbm>>) target(%dma_start3A_826 : memref<4x64xi32, #tpu.memory_space<vmem>>) target_semaphore(%run_scoped3A_820 : memref<!tpu.dma_semaphore, #tpu.memory_space<semaphore_mem>>)
        %dma_wait3A_829 = arith.constant 0 : i32
        %dma_wait3A_830 = tpu.memref_slice %arg7[%mul3A_637, %dma_wait3A_829] : memref<8x64xi32, #tpu.memory_space<vmem>> -> memref<4x64xi32, #tpu.memory_space<vmem>>
        %dma_wait3A_831 = arith.constant 0 : i32
        %dma_wait3A_832 = tpu.memref_slice %arg4[%add3A_643, %dma_wait3A_831] : memref<5120x64xi32, #tpu.memory_space<hbm>> -> memref<4x64xi32, #tpu.memory_space<hbm>>
        %dma_wait3A_833 = arith.constant 0 : i32
        %dma_wait3A_834 = tpu.memref_slice %arg7[%mul3A_637, %dma_wait3A_833] : memref<8x64xi32, #tpu.memory_space<vmem>> -> memref<4x64xi32, #tpu.memory_space<vmem>>
        %dma_wait3A_835 = arith.constant 0 : i32
        %dma_wait3A_836 = tpu.memref_slice %arg4[%add3A_643, %dma_wait3A_835] : memref<5120x64xi32, #tpu.memory_space<hbm>> -> memref<4x64xi32, #tpu.memory_space<hbm>>
        tpu.wait_dma2 semaphore(%run_scoped3A_820 : memref<!tpu.dma_semaphore, #tpu.memory_space<semaphore_mem>>) src(%dma_wait3A_836 : memref<4x64xi32, #tpu.memory_space<hbm>>) dst(%dma_wait3A_834 : memref<4x64xi32, #tpu.memory_space<vmem>>)
        tpu.yield
      }) : () -> ()
      %jit3A_644 = arith.constant 2 : i32
      %eq3A_645 = arith.constant 0 : i32
      %eq3A_646 = arith.cmpi eq, %jit3A_644, %eq3A_645 : i32
      %jit3A_647 = arith.constant 1 : i32
      %select_n3A_648 = arith.select %eq3A_646, %jit3A_647, %jit3A_644 : i32
      %rem3A_649 = arith.remsi %add3A_446, %select_n3A_648 : i32
      %ne3A_650 = arith.constant 0 : i32
      %ne3A_651 = arith.cmpi ne, %rem3A_649, %ne3A_650 : i32
      %lt3A_652 = arith.constant 0 : i32
      %lt3A_653 = arith.cmpi slt, %rem3A_649, %lt3A_652 : i32
      %lt3A_654 = arith.constant 0 : i32
      %lt3A_655 = arith.cmpi slt, %select_n3A_648, %lt3A_654 : i32
      %ne3A_656 = arith.xori %lt3A_653, %lt3A_655 : i1
      %and3A_657 = arith.andi %ne3A_656, %ne3A_651 : i1
      %add3A_658 = arith.addi %rem3A_649, %select_n3A_648 : i32
      %select_n3A_659 = arith.select %and3A_657, %add3A_658, %rem3A_649 : i32
      %mul3A_660 = arith.constant 4 : i32
      %mul3A_661 = arith.muli %select_n3A_659, %mul3A_660 : i32
      %add3A_662 = arith.constant 2 : i32
      %add3A_663 = arith.addi %mul3A_661, %add3A_662 : i32
      %dma_wait3A_664 = arith.constant 0 : i32
      %dma_wait3A_665 = arith.constant 2 : i32
      %dma_wait3A_666 = arith.constant 0 : i32
      %dma_wait3A_667 = arith.constant 0 : i32
      %dma_wait3A_668 = tpu.memref_slice %arg8[%dma_wait3A_665, %dma_wait3A_666, %dma_wait3A_667] : memref<4x64x128xf32, #tpu.memory_space<vmem>> -> memref<1x64x128xf32, #tpu.memory_space<vmem>>
      %dma_wait3A_669 = tpu.memref_squeeze %dma_wait3A_668 : memref<1x64x128xf32, #tpu.memory_space<vmem>> -> memref<64x128xf32, #tpu.memory_space<vmem>>
      %dma_wait3A_670 = arith.constant 0 : i32
      %dma_wait3A_671 = tpu.memref_slice %arg6[%dma_wait3A_664, %dma_wait3A_670] : memref<8x64xi32, #tpu.memory_space<vmem>> -> memref<1x64xi32, #tpu.memory_space<vmem>>
      %dma_wait3A_672 = tpu.memref_squeeze %dma_wait3A_671 : memref<1x64xi32, #tpu.memory_space<vmem>> -> memref<64xi32, #tpu.memory_space<vmem>>
      %dma_wait3A_673 = arith.constant 0 : i32
      %dma_wait3A_674 = arith.constant 0 : i32
      %dma_wait3A_675 = tpu.memref_slice %arg2[%dma_wait3A_673, %dma_wait3A_674] : memref<10000x128xf32, #tpu.memory_space<hbm>> -> memref<10000x128xf32, #tpu.memory_space<hbm>>
      tpu.wait_indirect_dma semaphore(%arg12 : memref<!tpu.dma_semaphore, #tpu.memory_space<semaphore_mem>>) src(%dma_wait3A_675 : memref<10000x128xf32, #tpu.memory_space<hbm>>) dst(%dma_wait3A_669 : memref<64x128xf32, #tpu.memory_space<vmem>>)
      %dma_start3A_676 = arith.constant 2 : i32
      %dma_start3A_677 = arith.constant 0 : i32
      %dma_start3A_678 = arith.constant 0 : i32
      %dma_start3A_679 = tpu.memref_slice %arg8[%dma_start3A_676, %dma_start3A_677, %dma_start3A_678] : memref<4x64x128xf32, #tpu.memory_space<vmem>> -> memref<1x64x128xf32, #tpu.memory_space<vmem>>
      %dma_start3A_680 = tpu.memref_squeeze %dma_start3A_679 : memref<1x64x128xf32, #tpu.memory_space<vmem>> -> memref<64x128xf32, #tpu.memory_space<vmem>>
      %dma_start3A_681 = arith.constant 0 : i32
      %dma_start3A_682 = tpu.memref_slice %arg7[%add3A_663, %dma_start3A_681] : memref<8x64xi32, #tpu.memory_space<vmem>> -> memref<1x64xi32, #tpu.memory_space<vmem>>
      %dma_start3A_683 = tpu.memref_squeeze %dma_start3A_682 : memref<1x64xi32, #tpu.memory_space<vmem>> -> memref<64xi32, #tpu.memory_space<vmem>>
      %dma_start3A_684 = arith.constant 0 : i32
      %dma_start3A_685 = arith.constant 0 : i32
      %dma_start3A_686 = tpu.memref_slice %arg9[%dma_start3A_684, %dma_start3A_685] : memref<10240x128xf32, #tpu.memory_space<vmem_shared>> -> memref<10240x128xf32, #tpu.memory_space<vmem_shared>>
      tpu.enqueue_indirect_dma source(%dma_start3A_680 : memref<64x128xf32, #tpu.memory_space<vmem>>) target(%dma_start3A_686 : memref<10240x128xf32, #tpu.memory_space<vmem_shared>>) offsets(%dma_start3A_683 : memref<64xi32, #tpu.memory_space<vmem>>) semaphore(%arg16 : memref<!tpu.dma_semaphore, #tpu.memory_space<semaphore_mem>>) {add = true}
      %dma_wait3A_687 = arith.constant 0 : i32
      %dma_wait3A_688 = arith.constant 0 : i32
      %dma_wait3A_689 = arith.constant 0 : i32
      %dma_wait3A_690 = arith.constant 0 : i32
      %dma_wait3A_691 = tpu.memref_slice %arg8[%dma_wait3A_687, %dma_wait3A_689, %dma_wait3A_690] : memref<4x64x128xf32, #tpu.memory_space<vmem>> -> memref<1x64x128xf32, #tpu.memory_space<vmem>>
      %dma_wait3A_692 = tpu.memref_squeeze %dma_wait3A_691 : memref<1x64x128xf32, #tpu.memory_space<vmem>> -> memref<64x128xf32, #tpu.memory_space<vmem>>
      %dma_wait3A_693 = arith.constant 0 : i32
      %dma_wait3A_694 = tpu.memref_slice %arg7[%dma_wait3A_688, %dma_wait3A_693] : memref<8x64xi32, #tpu.memory_space<vmem>> -> memref<1x64xi32, #tpu.memory_space<vmem>>
      %dma_wait3A_695 = tpu.memref_squeeze %dma_wait3A_694 : memref<1x64xi32, #tpu.memory_space<vmem>> -> memref<64xi32, #tpu.memory_space<vmem>>
      %dma_wait3A_696 = arith.constant 0 : i32
      %dma_wait3A_697 = arith.constant 0 : i32
      %dma_wait3A_698 = tpu.memref_slice %arg9[%dma_wait3A_696, %dma_wait3A_697] : memref<10240x128xf32, #tpu.memory_space<vmem_shared>> -> memref<10240x128xf32, #tpu.memory_space<vmem_shared>>
      tpu.wait_indirect_dma semaphore(%arg14 : memref<!tpu.dma_semaphore, #tpu.memory_space<semaphore_mem>>) src(%dma_wait3A_692 : memref<64x128xf32, #tpu.memory_space<vmem>>) dst(%dma_wait3A_698 : memref<10240x128xf32, #tpu.memory_space<vmem_shared>>)
      %add3A_699 = arith.constant 1 : i32
      %add3A_700 = arith.addi %add3A_446, %add3A_699 : i32
      %jit3A_701 = arith.constant 2 : i32
      %eq3A_702 = arith.constant 0 : i32
      %eq3A_703 = arith.cmpi eq, %jit3A_701, %eq3A_702 : i32
      %jit3A_704 = arith.constant 1 : i32
      %select_n3A_705 = arith.select %eq3A_703, %jit3A_704, %jit3A_701 : i32
      %rem3A_706 = arith.remsi %add3A_700, %select_n3A_705 : i32
      %ne3A_707 = arith.constant 0 : i32
      %ne3A_708 = arith.cmpi ne, %rem3A_706, %ne3A_707 : i32
      %lt3A_709 = arith.constant 0 : i32
      %lt3A_710 = arith.cmpi slt, %rem3A_706, %lt3A_709 : i32
      %lt3A_711 = arith.constant 0 : i32
      %lt3A_712 = arith.cmpi slt, %select_n3A_705, %lt3A_711 : i32
      %ne3A_713 = arith.xori %lt3A_710, %lt3A_712 : i1
      %and3A_714 = arith.andi %ne3A_713, %ne3A_708 : i1
      %add3A_715 = arith.addi %rem3A_706, %select_n3A_705 : i32
      %select_n3A_716 = arith.select %and3A_714, %add3A_715, %rem3A_706 : i32
      %mul3A_717 = arith.constant 4 : i32
      %mul3A_718 = arith.muli %select_n3A_716, %mul3A_717 : i32
      %add3A_719 = arith.constant 0 : i32
      %add3A_720 = arith.addi %mul3A_718, %add3A_719 : i32
      %dma_start3A_721 = arith.constant 0 : i32
      %dma_start3A_722 = arith.constant 0 : i32
      %dma_start3A_723 = arith.constant 0 : i32
      %dma_start3A_724 = tpu.memref_slice %arg8[%dma_start3A_721, %dma_start3A_722, %dma_start3A_723] : memref<4x64x128xf32, #tpu.memory_space<vmem>> -> memref<1x64x128xf32, #tpu.memory_space<vmem>>
      %dma_start3A_725 = tpu.memref_squeeze %dma_start3A_724 : memref<1x64x128xf32, #tpu.memory_space<vmem>> -> memref<64x128xf32, #tpu.memory_space<vmem>>
      %dma_start3A_726 = arith.constant 0 : i32
      %dma_start3A_727 = tpu.memref_slice %arg6[%add3A_720, %dma_start3A_726] : memref<8x64xi32, #tpu.memory_space<vmem>> -> memref<1x64xi32, #tpu.memory_space<vmem>>
      %dma_start3A_728 = tpu.memref_squeeze %dma_start3A_727 : memref<1x64xi32, #tpu.memory_space<vmem>> -> memref<64xi32, #tpu.memory_space<vmem>>
      %dma_start3A_729 = arith.constant 0 : i32
      %dma_start3A_730 = arith.constant 0 : i32
      %dma_start3A_731 = tpu.memref_slice %arg2[%dma_start3A_729, %dma_start3A_730] : memref<10000x128xf32, #tpu.memory_space<hbm>> -> memref<10000x128xf32, #tpu.memory_space<hbm>>
      tpu.enqueue_indirect_dma source(%dma_start3A_731 : memref<10000x128xf32, #tpu.memory_space<hbm>>) target(%dma_start3A_725 : memref<64x128xf32, #tpu.memory_space<vmem>>) offsets(%dma_start3A_728 : memref<64xi32, #tpu.memory_space<vmem>>) semaphore(%arg10 : memref<!tpu.dma_semaphore, #tpu.memory_space<semaphore_mem>>)
      %jit3A_732 = arith.constant 2 : i32
      %eq3A_733 = arith.constant 0 : i32
      %eq3A_734 = arith.cmpi eq, %jit3A_732, %eq3A_733 : i32
      %jit3A_735 = arith.constant 1 : i32
      %select_n3A_736 = arith.select %eq3A_734, %jit3A_735, %jit3A_732 : i32
      %rem3A_737 = arith.remsi %add3A_446, %select_n3A_736 : i32
      %ne3A_738 = arith.constant 0 : i32
      %ne3A_739 = arith.cmpi ne, %rem3A_737, %ne3A_738 : i32
      %lt3A_740 = arith.constant 0 : i32
      %lt3A_741 = arith.cmpi slt, %rem3A_737, %lt3A_740 : i32
      %lt3A_742 = arith.constant 0 : i32
      %lt3A_743 = arith.cmpi slt, %select_n3A_736, %lt3A_742 : i32
      %ne3A_744 = arith.xori %lt3A_741, %lt3A_743 : i1
      %and3A_745 = arith.andi %ne3A_744, %ne3A_739 : i1
      %add3A_746 = arith.addi %rem3A_737, %select_n3A_736 : i32
      %select_n3A_747 = arith.select %and3A_745, %add3A_746, %rem3A_737 : i32
      %mul3A_748 = arith.constant 4 : i32
      %mul3A_749 = arith.muli %select_n3A_747, %mul3A_748 : i32
      %add3A_750 = arith.constant 3 : i32
      %add3A_751 = arith.addi %mul3A_749, %add3A_750 : i32
      %dma_wait3A_752 = arith.constant 0 : i32
      %dma_wait3A_753 = arith.constant 3 : i32
      %dma_wait3A_754 = arith.constant 0 : i32
      %dma_wait3A_755 = arith.constant 0 : i32
      %dma_wait3A_756 = tpu.memref_slice %arg8[%dma_wait3A_753, %dma_wait3A_754, %dma_wait3A_755] : memref<4x64x128xf32, #tpu.memory_space<vmem>> -> memref<1x64x128xf32, #tpu.memory_space<vmem>>
      %dma_wait3A_757 = tpu.memref_squeeze %dma_wait3A_756 : memref<1x64x128xf32, #tpu.memory_space<vmem>> -> memref<64x128xf32, #tpu.memory_space<vmem>>
      %dma_wait3A_758 = arith.constant 0 : i32
      %dma_wait3A_759 = tpu.memref_slice %arg6[%dma_wait3A_752, %dma_wait3A_758] : memref<8x64xi32, #tpu.memory_space<vmem>> -> memref<1x64xi32, #tpu.memory_space<vmem>>
      %dma_wait3A_760 = tpu.memref_squeeze %dma_wait3A_759 : memref<1x64xi32, #tpu.memory_space<vmem>> -> memref<64xi32, #tpu.memory_space<vmem>>
      %dma_wait3A_761 = arith.constant 0 : i32
      %dma_wait3A_762 = arith.constant 0 : i32
      %dma_wait3A_763 = tpu.memref_slice %arg2[%dma_wait3A_761, %dma_wait3A_762] : memref<10000x128xf32, #tpu.memory_space<hbm>> -> memref<10000x128xf32, #tpu.memory_space<hbm>>
      tpu.wait_indirect_dma semaphore(%arg13 : memref<!tpu.dma_semaphore, #tpu.memory_space<semaphore_mem>>) src(%dma_wait3A_763 : memref<10000x128xf32, #tpu.memory_space<hbm>>) dst(%dma_wait3A_757 : memref<64x128xf32, #tpu.memory_space<vmem>>)
      %dma_start3A_764 = arith.constant 3 : i32
      %dma_start3A_765 = arith.constant 0 : i32
      %dma_start3A_766 = arith.constant 0 : i32
      %dma_start3A_767 = tpu.memref_slice %arg8[%dma_start3A_764, %dma_start3A_765, %dma_start3A_766] : memref<4x64x128xf32, #tpu.memory_space<vmem>> -> memref<1x64x128xf32, #tpu.memory_space<vmem>>
      %dma_start3A_768 = tpu.memref_squeeze %dma_start3A_767 : memref<1x64x128xf32, #tpu.memory_space<vmem>> -> memref<64x128xf32, #tpu.memory_space<vmem>>
      %dma_start3A_769 = arith.constant 0 : i32
      %dma_start3A_770 = tpu.memref_slice %arg7[%add3A_751, %dma_start3A_769] : memref<8x64xi32, #tpu.memory_space<vmem>> -> memref<1x64xi32, #tpu.memory_space<vmem>>
      %dma_start3A_771 = tpu.memref_squeeze %dma_start3A_770 : memref<1x64xi32, #tpu.memory_space<vmem>> -> memref<64xi32, #tpu.memory_space<vmem>>
      %dma_start3A_772 = arith.constant 0 : i32
      %dma_start3A_773 = arith.constant 0 : i32
      %dma_start3A_774 = tpu.memref_slice %arg9[%dma_start3A_772, %dma_start3A_773] : memref<10240x128xf32, #tpu.memory_space<vmem_shared>> -> memref<10240x128xf32, #tpu.memory_space<vmem_shared>>
      tpu.enqueue_indirect_dma source(%dma_start3A_768 : memref<64x128xf32, #tpu.memory_space<vmem>>) target(%dma_start3A_774 : memref<10240x128xf32, #tpu.memory_space<vmem_shared>>) offsets(%dma_start3A_771 : memref<64xi32, #tpu.memory_space<vmem>>) semaphore(%arg17 : memref<!tpu.dma_semaphore, #tpu.memory_space<semaphore_mem>>) {add = true}
      %dma_wait3A_775 = arith.constant 1 : i32
      %dma_wait3A_776 = arith.constant 0 : i32
      %dma_wait3A_777 = arith.constant 0 : i32
      %dma_wait3A_778 = arith.constant 0 : i32
      %dma_wait3A_779 = tpu.memref_slice %arg8[%dma_wait3A_775, %dma_wait3A_777, %dma_wait3A_778] : memref<4x64x128xf32, #tpu.memory_space<vmem>> -> memref<1x64x128xf32, #tpu.memory_space<vmem>>
      %dma_wait3A_780 = tpu.memref_squeeze %dma_wait3A_779 : memref<1x64x128xf32, #tpu.memory_space<vmem>> -> memref<64x128xf32, #tpu.memory_space<vmem>>
      %dma_wait3A_781 = arith.constant 0 : i32
      %dma_wait3A_782 = tpu.memref_slice %arg7[%dma_wait3A_776, %dma_wait3A_781] : memref<8x64xi32, #tpu.memory_space<vmem>> -> memref<1x64xi32, #tpu.memory_space<vmem>>
      %dma_wait3A_783 = tpu.memref_squeeze %dma_wait3A_782 : memref<1x64xi32, #tpu.memory_space<vmem>> -> memref<64xi32, #tpu.memory_space<vmem>>
      %dma_wait3A_784 = arith.constant 0 : i32
      %dma_wait3A_785 = arith.constant 0 : i32
      %dma_wait3A_786 = tpu.memref_slice %arg9[%dma_wait3A_784, %dma_wait3A_785] : memref<10240x128xf32, #tpu.memory_space<vmem_shared>> -> memref<10240x128xf32, #tpu.memory_space<vmem_shared>>
      tpu.wait_indirect_dma semaphore(%arg15 : memref<!tpu.dma_semaphore, #tpu.memory_space<semaphore_mem>>) src(%dma_wait3A_780 : memref<64x128xf32, #tpu.memory_space<vmem>>) dst(%dma_wait3A_786 : memref<10240x128xf32, #tpu.memory_space<vmem_shared>>)
      %add3A_787 = arith.constant 1 : i32
      %add3A_788 = arith.addi %add3A_446, %add3A_787 : i32
      %jit3A_789 = arith.constant 2 : i32
      %eq3A_790 = arith.constant 0 : i32
      %eq3A_791 = arith.cmpi eq, %jit3A_789, %eq3A_790 : i32
      %jit3A_792 = arith.constant 1 : i32
      %select_n3A_793 = arith.select %eq3A_791, %jit3A_792, %jit3A_789 : i32
      %rem3A_794 = arith.remsi %add3A_788, %select_n3A_793 : i32
      %ne3A_795 = arith.constant 0 : i32
      %ne3A_796 = arith.cmpi ne, %rem3A_794, %ne3A_795 : i32
      %lt3A_797 = arith.constant 0 : i32
      %lt3A_798 = arith.cmpi slt, %rem3A_794, %lt3A_797 : i32
      %lt3A_799 = arith.constant 0 : i32
      %lt3A_800 = arith.cmpi slt, %select_n3A_793, %lt3A_799 : i32
      %ne3A_801 = arith.xori %lt3A_798, %lt3A_800 : i1
      %and3A_802 = arith.andi %ne3A_801, %ne3A_796 : i1
      %add3A_803 = arith.addi %rem3A_794, %select_n3A_793 : i32
      %select_n3A_804 = arith.select %and3A_802, %add3A_803, %rem3A_794 : i32
      %mul3A_805 = arith.constant 4 : i32
      %mul3A_806 = arith.muli %select_n3A_804, %mul3A_805 : i32
      %add3A_807 = arith.constant 1 : i32
      %add3A_808 = arith.addi %mul3A_806, %add3A_807 : i32
      %dma_start3A_809 = arith.constant 1 : i32
      %dma_start3A_810 = arith.constant 0 : i32
      %dma_start3A_811 = arith.constant 0 : i32
      %dma_start3A_812 = tpu.memref_slice %arg8[%dma_start3A_809, %dma_start3A_810, %dma_start3A_811] : memref<4x64x128xf32, #tpu.memory_space<vmem>> -> memref<1x64x128xf32, #tpu.memory_space<vmem>>
      %dma_start3A_813 = tpu.memref_squeeze %dma_start3A_812 : memref<1x64x128xf32, #tpu.memory_space<vmem>> -> memref<64x128xf32, #tpu.memory_space<vmem>>
      %dma_start3A_814 = arith.constant 0 : i32
      %dma_start3A_815 = tpu.memref_slice %arg6[%add3A_808, %dma_start3A_814] : memref<8x64xi32, #tpu.memory_space<vmem>> -> memref<1x64xi32, #tpu.memory_space<vmem>>
      %dma_start3A_816 = tpu.memref_squeeze %dma_start3A_815 : memref<1x64xi32, #tpu.memory_space<vmem>> -> memref<64xi32, #tpu.memory_space<vmem>>
      %dma_start3A_817 = arith.constant 0 : i32
      %dma_start3A_818 = arith.constant 0 : i32
      %dma_start3A_819 = tpu.memref_slice %arg2[%dma_start3A_817, %dma_start3A_818] : memref<10000x128xf32, #tpu.memory_space<hbm>> -> memref<10000x128xf32, #tpu.memory_space<hbm>>
      tpu.enqueue_indirect_dma source(%dma_start3A_819 : memref<10000x128xf32, #tpu.memory_space<hbm>>) target(%dma_start3A_813 : memref<64x128xf32, #tpu.memory_space<vmem>>) offsets(%dma_start3A_816 : memref<64xi32, #tpu.memory_space<vmem>>) semaphore(%arg11 : memref<!tpu.dma_semaphore, #tpu.memory_space<semaphore_mem>>)
    }
    %scan3A_240 = arith.constant 38 : i32
    %dma_wait3A_241 = arith.constant 0 : i32
    %dma_wait3A_242 = arith.constant 0 : i32
    %dma_wait3A_243 = arith.constant 0 : i32
    %dma_wait3A_244 = arith.constant 0 : i32
    %dma_wait3A_245 = tpu.memref_slice %arg8[%dma_wait3A_242, %dma_wait3A_243, %dma_wait3A_244] : memref<4x64x128xf32, #tpu.memory_space<vmem>> -> memref<1x64x128xf32, #tpu.memory_space<vmem>>
    %dma_wait3A_246 = tpu.memref_squeeze %dma_wait3A_245 : memref<1x64x128xf32, #tpu.memory_space<vmem>> -> memref<64x128xf32, #tpu.memory_space<vmem>>
    %dma_wait3A_247 = arith.constant 0 : i32
    %dma_wait3A_248 = tpu.memref_slice %arg6[%dma_wait3A_241, %dma_wait3A_247] : memref<8x64xi32, #tpu.memory_space<vmem>> -> memref<1x64xi32, #tpu.memory_space<vmem>>
    %dma_wait3A_249 = tpu.memref_squeeze %dma_wait3A_248 : memref<1x64xi32, #tpu.memory_space<vmem>> -> memref<64xi32, #tpu.memory_space<vmem>>
    %dma_wait3A_250 = arith.constant 0 : i32
    %dma_wait3A_251 = arith.constant 0 : i32
    %dma_wait3A_252 = tpu.memref_slice %arg2[%dma_wait3A_250, %dma_wait3A_251] : memref<10000x128xf32, #tpu.memory_space<hbm>> -> memref<10000x128xf32, #tpu.memory_space<hbm>>
    tpu.wait_indirect_dma semaphore(%arg10 : memref<!tpu.dma_semaphore, #tpu.memory_space<semaphore_mem>>) src(%dma_wait3A_252 : memref<10000x128xf32, #tpu.memory_space<hbm>>) dst(%dma_wait3A_246 : memref<64x128xf32, #tpu.memory_space<vmem>>)
    %dma_start3A_253 = arith.constant 0 : i32
    %dma_start3A_254 = arith.constant 4 : i32
    %dma_start3A_255 = arith.constant 0 : i32
    %dma_start3A_256 = arith.constant 0 : i32
    %dma_start3A_257 = tpu.memref_slice %arg8[%dma_start3A_253, %dma_start3A_255, %dma_start3A_256] : memref<4x64x128xf32, #tpu.memory_space<vmem>> -> memref<1x64x128xf32, #tpu.memory_space<vmem>>
    %dma_start3A_258 = tpu.memref_squeeze %dma_start3A_257 : memref<1x64x128xf32, #tpu.memory_space<vmem>> -> memref<64x128xf32, #tpu.memory_space<vmem>>
    %dma_start3A_259 = arith.constant 0 : i32
    %dma_start3A_260 = tpu.memref_slice %arg7[%dma_start3A_254, %dma_start3A_259] : memref<8x64xi32, #tpu.memory_space<vmem>> -> memref<1x64xi32, #tpu.memory_space<vmem>>
    %dma_start3A_261 = tpu.memref_squeeze %dma_start3A_260 : memref<1x64xi32, #tpu.memory_space<vmem>> -> memref<64xi32, #tpu.memory_space<vmem>>
    %dma_start3A_262 = arith.constant 0 : i32
    %dma_start3A_263 = arith.constant 0 : i32
    %dma_start3A_264 = tpu.memref_slice %arg9[%dma_start3A_262, %dma_start3A_263] : memref<10240x128xf32, #tpu.memory_space<vmem_shared>> -> memref<10240x128xf32, #tpu.memory_space<vmem_shared>>
    tpu.enqueue_indirect_dma source(%dma_start3A_258 : memref<64x128xf32, #tpu.memory_space<vmem>>) target(%dma_start3A_264 : memref<10240x128xf32, #tpu.memory_space<vmem_shared>>) offsets(%dma_start3A_261 : memref<64xi32, #tpu.memory_space<vmem>>) semaphore(%arg14 : memref<!tpu.dma_semaphore, #tpu.memory_space<semaphore_mem>>) {add = true}
    %dma_wait3A_265 = arith.constant 2 : i32
    %dma_wait3A_266 = arith.constant 0 : i32
    %dma_wait3A_267 = arith.constant 0 : i32
    %dma_wait3A_268 = arith.constant 0 : i32
    %dma_wait3A_269 = tpu.memref_slice %arg8[%dma_wait3A_265, %dma_wait3A_267, %dma_wait3A_268] : memref<4x64x128xf32, #tpu.memory_space<vmem>> -> memref<1x64x128xf32, #tpu.memory_space<vmem>>
    %dma_wait3A_270 = tpu.memref_squeeze %dma_wait3A_269 : memref<1x64x128xf32, #tpu.memory_space<vmem>> -> memref<64x128xf32, #tpu.memory_space<vmem>>
    %dma_wait3A_271 = arith.constant 0 : i32
    %dma_wait3A_272 = tpu.memref_slice %arg7[%dma_wait3A_266, %dma_wait3A_271] : memref<8x64xi32, #tpu.memory_space<vmem>> -> memref<1x64xi32, #tpu.memory_space<vmem>>
    %dma_wait3A_273 = tpu.memref_squeeze %dma_wait3A_272 : memref<1x64xi32, #tpu.memory_space<vmem>> -> memref<64xi32, #tpu.memory_space<vmem>>
    %dma_wait3A_274 = arith.constant 0 : i32
    %dma_wait3A_275 = arith.constant 0 : i32
    %dma_wait3A_276 = tpu.memref_slice %arg9[%dma_wait3A_274, %dma_wait3A_275] : memref<10240x128xf32, #tpu.memory_space<vmem_shared>> -> memref<10240x128xf32, #tpu.memory_space<vmem_shared>>
    tpu.wait_indirect_dma semaphore(%arg16 : memref<!tpu.dma_semaphore, #tpu.memory_space<semaphore_mem>>) src(%dma_wait3A_270 : memref<64x128xf32, #tpu.memory_space<vmem>>) dst(%dma_wait3A_276 : memref<10240x128xf32, #tpu.memory_space<vmem_shared>>)
    %dma_start3A_277 = arith.constant 6 : i32
    %dma_start3A_278 = arith.constant 2 : i32
    %dma_start3A_279 = arith.constant 0 : i32
    %dma_start3A_280 = arith.constant 0 : i32
    %dma_start3A_281 = tpu.memref_slice %arg8[%dma_start3A_278, %dma_start3A_279, %dma_start3A_280] : memref<4x64x128xf32, #tpu.memory_space<vmem>> -> memref<1x64x128xf32, #tpu.memory_space<vmem>>
    %dma_start3A_282 = tpu.memref_squeeze %dma_start3A_281 : memref<1x64x128xf32, #tpu.memory_space<vmem>> -> memref<64x128xf32, #tpu.memory_space<vmem>>
    %dma_start3A_283 = arith.constant 0 : i32
    %dma_start3A_284 = tpu.memref_slice %arg6[%dma_start3A_277, %dma_start3A_283] : memref<8x64xi32, #tpu.memory_space<vmem>> -> memref<1x64xi32, #tpu.memory_space<vmem>>
    %dma_start3A_285 = tpu.memref_squeeze %dma_start3A_284 : memref<1x64xi32, #tpu.memory_space<vmem>> -> memref<64xi32, #tpu.memory_space<vmem>>
    %dma_start3A_286 = arith.constant 0 : i32
    %dma_start3A_287 = arith.constant 0 : i32
    %dma_start3A_288 = tpu.memref_slice %arg2[%dma_start3A_286, %dma_start3A_287] : memref<10000x128xf32, #tpu.memory_space<hbm>> -> memref<10000x128xf32, #tpu.memory_space<hbm>>
    tpu.enqueue_indirect_dma source(%dma_start3A_288 : memref<10000x128xf32, #tpu.memory_space<hbm>>) target(%dma_start3A_282 : memref<64x128xf32, #tpu.memory_space<vmem>>) offsets(%dma_start3A_285 : memref<64xi32, #tpu.memory_space<vmem>>) semaphore(%arg12 : memref<!tpu.dma_semaphore, #tpu.memory_space<semaphore_mem>>)
    %dma_wait3A_289 = arith.constant 0 : i32
    %dma_wait3A_290 = arith.constant 1 : i32
    %dma_wait3A_291 = arith.constant 0 : i32
    %dma_wait3A_292 = arith.constant 0 : i32
    %dma_wait3A_293 = tpu.memref_slice %arg8[%dma_wait3A_290, %dma_wait3A_291, %dma_wait3A_292] : memref<4x64x128xf32, #tpu.memory_space<vmem>> -> memref<1x64x128xf32, #tpu.memory_space<vmem>>
    %dma_wait3A_294 = tpu.memref_squeeze %dma_wait3A_293 : memref<1x64x128xf32, #tpu.memory_space<vmem>> -> memref<64x128xf32, #tpu.memory_space<vmem>>
    %dma_wait3A_295 = arith.constant 0 : i32
    %dma_wait3A_296 = tpu.memref_slice %arg6[%dma_wait3A_289, %dma_wait3A_295] : memref<8x64xi32, #tpu.memory_space<vmem>> -> memref<1x64xi32, #tpu.memory_space<vmem>>
    %dma_wait3A_297 = tpu.memref_squeeze %dma_wait3A_296 : memref<1x64xi32, #tpu.memory_space<vmem>> -> memref<64xi32, #tpu.memory_space<vmem>>
    %dma_wait3A_298 = arith.constant 0 : i32
    %dma_wait3A_299 = arith.constant 0 : i32
    %dma_wait3A_300 = tpu.memref_slice %arg2[%dma_wait3A_298, %dma_wait3A_299] : memref<10000x128xf32, #tpu.memory_space<hbm>> -> memref<10000x128xf32, #tpu.memory_space<hbm>>
    tpu.wait_indirect_dma semaphore(%arg11 : memref<!tpu.dma_semaphore, #tpu.memory_space<semaphore_mem>>) src(%dma_wait3A_300 : memref<10000x128xf32, #tpu.memory_space<hbm>>) dst(%dma_wait3A_294 : memref<64x128xf32, #tpu.memory_space<vmem>>)
    %dma_start3A_301 = arith.constant 1 : i32
    %dma_start3A_302 = arith.constant 5 : i32
    %dma_start3A_303 = arith.constant 0 : i32
    %dma_start3A_304 = arith.constant 0 : i32
    %dma_start3A_305 = tpu.memref_slice %arg8[%dma_start3A_301, %dma_start3A_303, %dma_start3A_304] : memref<4x64x128xf32, #tpu.memory_space<vmem>> -> memref<1x64x128xf32, #tpu.memory_space<vmem>>
    %dma_start3A_306 = tpu.memref_squeeze %dma_start3A_305 : memref<1x64x128xf32, #tpu.memory_space<vmem>> -> memref<64x128xf32, #tpu.memory_space<vmem>>
    %dma_start3A_307 = arith.constant 0 : i32
    %dma_start3A_308 = tpu.memref_slice %arg7[%dma_start3A_302, %dma_start3A_307] : memref<8x64xi32, #tpu.memory_space<vmem>> -> memref<1x64xi32, #tpu.memory_space<vmem>>
    %dma_start3A_309 = tpu.memref_squeeze %dma_start3A_308 : memref<1x64xi32, #tpu.memory_space<vmem>> -> memref<64xi32, #tpu.memory_space<vmem>>
    %dma_start3A_310 = arith.constant 0 : i32
    %dma_start3A_311 = arith.constant 0 : i32
    %dma_start3A_312 = tpu.memref_slice %arg9[%dma_start3A_310, %dma_start3A_311] : memref<10240x128xf32, #tpu.memory_space<vmem_shared>> -> memref<10240x128xf32, #tpu.memory_space<vmem_shared>>
    tpu.enqueue_indirect_dma source(%dma_start3A_306 : memref<64x128xf32, #tpu.memory_space<vmem>>) target(%dma_start3A_312 : memref<10240x128xf32, #tpu.memory_space<vmem_shared>>) offsets(%dma_start3A_309 : memref<64xi32, #tpu.memory_space<vmem>>) semaphore(%arg15 : memref<!tpu.dma_semaphore, #tpu.memory_space<semaphore_mem>>) {add = true}
    %dma_wait3A_313 = arith.constant 3 : i32
    %dma_wait3A_314 = arith.constant 0 : i32
    %dma_wait3A_315 = arith.constant 0 : i32
    %dma_wait3A_316 = arith.constant 0 : i32
    %dma_wait3A_317 = tpu.memref_slice %arg8[%dma_wait3A_313, %dma_wait3A_315, %dma_wait3A_316] : memref<4x64x128xf32, #tpu.memory_space<vmem>> -> memref<1x64x128xf32, #tpu.memory_space<vmem>>
    %dma_wait3A_318 = tpu.memref_squeeze %dma_wait3A_317 : memref<1x64x128xf32, #tpu.memory_space<vmem>> -> memref<64x128xf32, #tpu.memory_space<vmem>>
    %dma_wait3A_319 = arith.constant 0 : i32
    %dma_wait3A_320 = tpu.memref_slice %arg7[%dma_wait3A_314, %dma_wait3A_319] : memref<8x64xi32, #tpu.memory_space<vmem>> -> memref<1x64xi32, #tpu.memory_space<vmem>>
    %dma_wait3A_321 = tpu.memref_squeeze %dma_wait3A_320 : memref<1x64xi32, #tpu.memory_space<vmem>> -> memref<64xi32, #tpu.memory_space<vmem>>
    %dma_wait3A_322 = arith.constant 0 : i32
    %dma_wait3A_323 = arith.constant 0 : i32
    %dma_wait3A_324 = tpu.memref_slice %arg9[%dma_wait3A_322, %dma_wait3A_323] : memref<10240x128xf32, #tpu.memory_space<vmem_shared>> -> memref<10240x128xf32, #tpu.memory_space<vmem_shared>>
    tpu.wait_indirect_dma semaphore(%arg17 : memref<!tpu.dma_semaphore, #tpu.memory_space<semaphore_mem>>) src(%dma_wait3A_318 : memref<64x128xf32, #tpu.memory_space<vmem>>) dst(%dma_wait3A_324 : memref<10240x128xf32, #tpu.memory_space<vmem_shared>>)
    %dma_start3A_325 = arith.constant 7 : i32
    %dma_start3A_326 = arith.constant 3 : i32
    %dma_start3A_327 = arith.constant 0 : i32
    %dma_start3A_328 = arith.constant 0 : i32
    %dma_start3A_329 = tpu.memref_slice %arg8[%dma_start3A_326, %dma_start3A_327, %dma_start3A_328] : memref<4x64x128xf32, #tpu.memory_space<vmem>> -> memref<1x64x128xf32, #tpu.memory_space<vmem>>
    %dma_start3A_330 = tpu.memref_squeeze %dma_start3A_329 : memref<1x64x128xf32, #tpu.memory_space<vmem>> -> memref<64x128xf32, #tpu.memory_space<vmem>>
    %dma_start3A_331 = arith.constant 0 : i32
    %dma_start3A_332 = tpu.memref_slice %arg6[%dma_start3A_325, %dma_start3A_331] : memref<8x64xi32, #tpu.memory_space<vmem>> -> memref<1x64xi32, #tpu.memory_space<vmem>>
    %dma_start3A_333 = tpu.memref_squeeze %dma_start3A_332 : memref<1x64xi32, #tpu.memory_space<vmem>> -> memref<64xi32, #tpu.memory_space<vmem>>
    %dma_start3A_334 = arith.constant 0 : i32
    %dma_start3A_335 = arith.constant 0 : i32
    %dma_start3A_336 = tpu.memref_slice %arg2[%dma_start3A_334, %dma_start3A_335] : memref<10000x128xf32, #tpu.memory_space<hbm>> -> memref<10000x128xf32, #tpu.memory_space<hbm>>
    tpu.enqueue_indirect_dma source(%dma_start3A_336 : memref<10000x128xf32, #tpu.memory_space<hbm>>) target(%dma_start3A_330 : memref<64x128xf32, #tpu.memory_space<vmem>>) offsets(%dma_start3A_333 : memref<64xi32, #tpu.memory_space<vmem>>) semaphore(%arg13 : memref<!tpu.dma_semaphore, #tpu.memory_space<semaphore_mem>>)
    %dma_wait3A_337 = arith.constant 0 : i32
    %dma_wait3A_338 = arith.constant 2 : i32
    %dma_wait3A_339 = arith.constant 0 : i32
    %dma_wait3A_340 = arith.constant 0 : i32
    %dma_wait3A_341 = tpu.memref_slice %arg8[%dma_wait3A_338, %dma_wait3A_339, %dma_wait3A_340] : memref<4x64x128xf32, #tpu.memory_space<vmem>> -> memref<1x64x128xf32, #tpu.memory_space<vmem>>
    %dma_wait3A_342 = tpu.memref_squeeze %dma_wait3A_341 : memref<1x64x128xf32, #tpu.memory_space<vmem>> -> memref<64x128xf32, #tpu.memory_space<vmem>>
    %dma_wait3A_343 = arith.constant 0 : i32
    %dma_wait3A_344 = tpu.memref_slice %arg6[%dma_wait3A_337, %dma_wait3A_343] : memref<8x64xi32, #tpu.memory_space<vmem>> -> memref<1x64xi32, #tpu.memory_space<vmem>>
    %dma_wait3A_345 = tpu.memref_squeeze %dma_wait3A_344 : memref<1x64xi32, #tpu.memory_space<vmem>> -> memref<64xi32, #tpu.memory_space<vmem>>
    %dma_wait3A_346 = arith.constant 0 : i32
    %dma_wait3A_347 = arith.constant 0 : i32
    %dma_wait3A_348 = tpu.memref_slice %arg2[%dma_wait3A_346, %dma_wait3A_347] : memref<10000x128xf32, #tpu.memory_space<hbm>> -> memref<10000x128xf32, #tpu.memory_space<hbm>>
    tpu.wait_indirect_dma semaphore(%arg12 : memref<!tpu.dma_semaphore, #tpu.memory_space<semaphore_mem>>) src(%dma_wait3A_348 : memref<10000x128xf32, #tpu.memory_space<hbm>>) dst(%dma_wait3A_342 : memref<64x128xf32, #tpu.memory_space<vmem>>)
    %dma_start3A_349 = arith.constant 2 : i32
    %dma_start3A_350 = arith.constant 6 : i32
    %dma_start3A_351 = arith.constant 0 : i32
    %dma_start3A_352 = arith.constant 0 : i32
    %dma_start3A_353 = tpu.memref_slice %arg8[%dma_start3A_349, %dma_start3A_351, %dma_start3A_352] : memref<4x64x128xf32, #tpu.memory_space<vmem>> -> memref<1x64x128xf32, #tpu.memory_space<vmem>>
    %dma_start3A_354 = tpu.memref_squeeze %dma_start3A_353 : memref<1x64x128xf32, #tpu.memory_space<vmem>> -> memref<64x128xf32, #tpu.memory_space<vmem>>
    %dma_start3A_355 = arith.constant 0 : i32
    %dma_start3A_356 = tpu.memref_slice %arg7[%dma_start3A_350, %dma_start3A_355] : memref<8x64xi32, #tpu.memory_space<vmem>> -> memref<1x64xi32, #tpu.memory_space<vmem>>
    %dma_start3A_357 = tpu.memref_squeeze %dma_start3A_356 : memref<1x64xi32, #tpu.memory_space<vmem>> -> memref<64xi32, #tpu.memory_space<vmem>>
    %dma_start3A_358 = arith.constant 0 : i32
    %dma_start3A_359 = arith.constant 0 : i32
    %dma_start3A_360 = tpu.memref_slice %arg9[%dma_start3A_358, %dma_start3A_359] : memref<10240x128xf32, #tpu.memory_space<vmem_shared>> -> memref<10240x128xf32, #tpu.memory_space<vmem_shared>>
    tpu.enqueue_indirect_dma source(%dma_start3A_354 : memref<64x128xf32, #tpu.memory_space<vmem>>) target(%dma_start3A_360 : memref<10240x128xf32, #tpu.memory_space<vmem_shared>>) offsets(%dma_start3A_357 : memref<64xi32, #tpu.memory_space<vmem>>) semaphore(%arg16 : memref<!tpu.dma_semaphore, #tpu.memory_space<semaphore_mem>>) {add = true}
    %dma_wait3A_361 = arith.constant 0 : i32
    %dma_wait3A_362 = arith.constant 0 : i32
    %dma_wait3A_363 = arith.constant 0 : i32
    %dma_wait3A_364 = arith.constant 0 : i32
    %dma_wait3A_365 = tpu.memref_slice %arg8[%dma_wait3A_361, %dma_wait3A_363, %dma_wait3A_364] : memref<4x64x128xf32, #tpu.memory_space<vmem>> -> memref<1x64x128xf32, #tpu.memory_space<vmem>>
    %dma_wait3A_366 = tpu.memref_squeeze %dma_wait3A_365 : memref<1x64x128xf32, #tpu.memory_space<vmem>> -> memref<64x128xf32, #tpu.memory_space<vmem>>
    %dma_wait3A_367 = arith.constant 0 : i32
    %dma_wait3A_368 = tpu.memref_slice %arg7[%dma_wait3A_362, %dma_wait3A_367] : memref<8x64xi32, #tpu.memory_space<vmem>> -> memref<1x64xi32, #tpu.memory_space<vmem>>
    %dma_wait3A_369 = tpu.memref_squeeze %dma_wait3A_368 : memref<1x64xi32, #tpu.memory_space<vmem>> -> memref<64xi32, #tpu.memory_space<vmem>>
    %dma_wait3A_370 = arith.constant 0 : i32
    %dma_wait3A_371 = arith.constant 0 : i32
    %dma_wait3A_372 = tpu.memref_slice %arg9[%dma_wait3A_370, %dma_wait3A_371] : memref<10240x128xf32, #tpu.memory_space<vmem_shared>> -> memref<10240x128xf32, #tpu.memory_space<vmem_shared>>
    tpu.wait_indirect_dma semaphore(%arg14 : memref<!tpu.dma_semaphore, #tpu.memory_space<semaphore_mem>>) src(%dma_wait3A_366 : memref<64x128xf32, #tpu.memory_space<vmem>>) dst(%dma_wait3A_372 : memref<10240x128xf32, #tpu.memory_space<vmem_shared>>)
    %dma_wait3A_373 = arith.constant 0 : i32
    %dma_wait3A_374 = arith.constant 3 : i32
    %dma_wait3A_375 = arith.constant 0 : i32
    %dma_wait3A_376 = arith.constant 0 : i32
    %dma_wait3A_377 = tpu.memref_slice %arg8[%dma_wait3A_374, %dma_wait3A_375, %dma_wait3A_376] : memref<4x64x128xf32, #tpu.memory_space<vmem>> -> memref<1x64x128xf32, #tpu.memory_space<vmem>>
    %dma_wait3A_378 = tpu.memref_squeeze %dma_wait3A_377 : memref<1x64x128xf32, #tpu.memory_space<vmem>> -> memref<64x128xf32, #tpu.memory_space<vmem>>
    %dma_wait3A_379 = arith.constant 0 : i32
    %dma_wait3A_380 = tpu.memref_slice %arg6[%dma_wait3A_373, %dma_wait3A_379] : memref<8x64xi32, #tpu.memory_space<vmem>> -> memref<1x64xi32, #tpu.memory_space<vmem>>
    %dma_wait3A_381 = tpu.memref_squeeze %dma_wait3A_380 : memref<1x64xi32, #tpu.memory_space<vmem>> -> memref<64xi32, #tpu.memory_space<vmem>>
    %dma_wait3A_382 = arith.constant 0 : i32
    %dma_wait3A_383 = arith.constant 0 : i32
    %dma_wait3A_384 = tpu.memref_slice %arg2[%dma_wait3A_382, %dma_wait3A_383] : memref<10000x128xf32, #tpu.memory_space<hbm>> -> memref<10000x128xf32, #tpu.memory_space<hbm>>
    tpu.wait_indirect_dma semaphore(%arg13 : memref<!tpu.dma_semaphore, #tpu.memory_space<semaphore_mem>>) src(%dma_wait3A_384 : memref<10000x128xf32, #tpu.memory_space<hbm>>) dst(%dma_wait3A_378 : memref<64x128xf32, #tpu.memory_space<vmem>>)
    %dma_start3A_385 = arith.constant 3 : i32
    %dma_start3A_386 = arith.constant 7 : i32
    %dma_start3A_387 = arith.constant 0 : i32
    %dma_start3A_388 = arith.constant 0 : i32
    %dma_start3A_389 = tpu.memref_slice %arg8[%dma_start3A_385, %dma_start3A_387, %dma_start3A_388] : memref<4x64x128xf32, #tpu.memory_space<vmem>> -> memref<1x64x128xf32, #tpu.memory_space<vmem>>
    %dma_start3A_390 = tpu.memref_squeeze %dma_start3A_389 : memref<1x64x128xf32, #tpu.memory_space<vmem>> -> memref<64x128xf32, #tpu.memory_space<vmem>>
    %dma_start3A_391 = arith.constant 0 : i32
    %dma_start3A_392 = tpu.memref_slice %arg7[%dma_start3A_386, %dma_start3A_391] : memref<8x64xi32, #tpu.memory_space<vmem>> -> memref<1x64xi32, #tpu.memory_space<vmem>>
    %dma_start3A_393 = tpu.memref_squeeze %dma_start3A_392 : memref<1x64xi32, #tpu.memory_space<vmem>> -> memref<64xi32, #tpu.memory_space<vmem>>
    %dma_start3A_394 = arith.constant 0 : i32
    %dma_start3A_395 = arith.constant 0 : i32
    %dma_start3A_396 = tpu.memref_slice %arg9[%dma_start3A_394, %dma_start3A_395] : memref<10240x128xf32, #tpu.memory_space<vmem_shared>> -> memref<10240x128xf32, #tpu.memory_space<vmem_shared>>
    tpu.enqueue_indirect_dma source(%dma_start3A_390 : memref<64x128xf32, #tpu.memory_space<vmem>>) target(%dma_start3A_396 : memref<10240x128xf32, #tpu.memory_space<vmem_shared>>) offsets(%dma_start3A_393 : memref<64xi32, #tpu.memory_space<vmem>>) semaphore(%arg17 : memref<!tpu.dma_semaphore, #tpu.memory_space<semaphore_mem>>) {add = true}
    %dma_wait3A_397 = arith.constant 1 : i32
    %dma_wait3A_398 = arith.constant 0 : i32
    %dma_wait3A_399 = arith.constant 0 : i32
    %dma_wait3A_400 = arith.constant 0 : i32
    %dma_wait3A_401 = tpu.memref_slice %arg8[%dma_wait3A_397, %dma_wait3A_399, %dma_wait3A_400] : memref<4x64x128xf32, #tpu.memory_space<vmem>> -> memref<1x64x128xf32, #tpu.memory_space<vmem>>
    %dma_wait3A_402 = tpu.memref_squeeze %dma_wait3A_401 : memref<1x64x128xf32, #tpu.memory_space<vmem>> -> memref<64x128xf32, #tpu.memory_space<vmem>>
    %dma_wait3A_403 = arith.constant 0 : i32
    %dma_wait3A_404 = tpu.memref_slice %arg7[%dma_wait3A_398, %dma_wait3A_403] : memref<8x64xi32, #tpu.memory_space<vmem>> -> memref<1x64xi32, #tpu.memory_space<vmem>>
    %dma_wait3A_405 = tpu.memref_squeeze %dma_wait3A_404 : memref<1x64xi32, #tpu.memory_space<vmem>> -> memref<64xi32, #tpu.memory_space<vmem>>
    %dma_wait3A_406 = arith.constant 0 : i32
    %dma_wait3A_407 = arith.constant 0 : i32
    %dma_wait3A_408 = tpu.memref_slice %arg9[%dma_wait3A_406, %dma_wait3A_407] : memref<10240x128xf32, #tpu.memory_space<vmem_shared>> -> memref<10240x128xf32, #tpu.memory_space<vmem_shared>>
    tpu.wait_indirect_dma semaphore(%arg15 : memref<!tpu.dma_semaphore, #tpu.memory_space<semaphore_mem>>) src(%dma_wait3A_402 : memref<64x128xf32, #tpu.memory_space<vmem>>) dst(%dma_wait3A_408 : memref<10240x128xf32, #tpu.memory_space<vmem_shared>>)
    %dma_wait3A_409 = arith.constant 2 : i32
    %dma_wait3A_410 = arith.constant 0 : i32
    %dma_wait3A_411 = arith.constant 0 : i32
    %dma_wait3A_412 = arith.constant 0 : i32
    %dma_wait3A_413 = tpu.memref_slice %arg8[%dma_wait3A_409, %dma_wait3A_411, %dma_wait3A_412] : memref<4x64x128xf32, #tpu.memory_space<vmem>> -> memref<1x64x128xf32, #tpu.memory_space<vmem>>
    %dma_wait3A_414 = tpu.memref_squeeze %dma_wait3A_413 : memref<1x64x128xf32, #tpu.memory_space<vmem>> -> memref<64x128xf32, #tpu.memory_space<vmem>>
    %dma_wait3A_415 = arith.constant 0 : i32
    %dma_wait3A_416 = tpu.memref_slice %arg7[%dma_wait3A_410, %dma_wait3A_415] : memref<8x64xi32, #tpu.memory_space<vmem>> -> memref<1x64xi32, #tpu.memory_space<vmem>>
    %dma_wait3A_417 = tpu.memref_squeeze %dma_wait3A_416 : memref<1x64xi32, #tpu.memory_space<vmem>> -> memref<64xi32, #tpu.memory_space<vmem>>
    %dma_wait3A_418 = arith.constant 0 : i32
    %dma_wait3A_419 = arith.constant 0 : i32
    %dma_wait3A_420 = tpu.memref_slice %arg9[%dma_wait3A_418, %dma_wait3A_419] : memref<10240x128xf32, #tpu.memory_space<vmem_shared>> -> memref<10240x128xf32, #tpu.memory_space<vmem_shared>>
    tpu.wait_indirect_dma semaphore(%arg16 : memref<!tpu.dma_semaphore, #tpu.memory_space<semaphore_mem>>) src(%dma_wait3A_414 : memref<64x128xf32, #tpu.memory_space<vmem>>) dst(%dma_wait3A_420 : memref<10240x128xf32, #tpu.memory_space<vmem_shared>>)
    %dma_wait3A_421 = arith.constant 3 : i32
    %dma_wait3A_422 = arith.constant 0 : i32
    %dma_wait3A_423 = arith.constant 0 : i32
    %dma_wait3A_424 = arith.constant 0 : i32
    %dma_wait3A_425 = tpu.memref_slice %arg8[%dma_wait3A_421, %dma_wait3A_423, %dma_wait3A_424] : memref<4x64x128xf32, #tpu.memory_space<vmem>> -> memref<1x64x128xf32, #tpu.memory_space<vmem>>
    %dma_wait3A_426 = tpu.memref_squeeze %dma_wait3A_425 : memref<1x64x128xf32, #tpu.memory_space<vmem>> -> memref<64x128xf32, #tpu.memory_space<vmem>>
    %dma_wait3A_427 = arith.constant 0 : i32
    %dma_wait3A_428 = tpu.memref_slice %arg7[%dma_wait3A_422, %dma_wait3A_427] : memref<8x64xi32, #tpu.memory_space<vmem>> -> memref<1x64xi32, #tpu.memory_space<vmem>>
    %dma_wait3A_429 = tpu.memref_squeeze %dma_wait3A_428 : memref<1x64xi32, #tpu.memory_space<vmem>> -> memref<64xi32, #tpu.memory_space<vmem>>
    %dma_wait3A_430 = arith.constant 0 : i32
    %dma_wait3A_431 = arith.constant 0 : i32
    %dma_wait3A_432 = tpu.memref_slice %arg9[%dma_wait3A_430, %dma_wait3A_431] : memref<10240x128xf32, #tpu.memory_space<vmem_shared>> -> memref<10240x128xf32, #tpu.memory_space<vmem_shared>>
    tpu.wait_indirect_dma semaphore(%arg17 : memref<!tpu.dma_semaphore, #tpu.memory_space<semaphore_mem>>) src(%dma_wait3A_426 : memref<64x128xf32, #tpu.memory_space<vmem>>) dst(%dma_wait3A_432 : memref<10240x128xf32, #tpu.memory_space<vmem_shared>>)
    %barrier3A_433 = arith.constant 0 : index
    tpu.barrier barrier_id(%barrier3A_433)
    %mul3A_434 = arith.constant 624 : i32
    %mul3A_435 = arith.muli %arg1, %mul3A_434 : i32
    %lt3A = arith.constant 15 : i32
    %lt3A_436 = arith.cmpi slt, %arg1, %lt3A : i32
    %convert_element_type3A = arith.extui %lt3A_436 : i1 to i32
    %cond3A = arith.constant 0 : i32
    %cond3A_437 = arith.cmpi ne, %convert_element_type3A, %cond3A : i32
    scf.if %cond3A_437 {
      "tpu.region"() ({
        %run_scoped3A_442 = tpu.sem_alloc : memref<!tpu.dma_semaphore, #tpu.memory_space<semaphore_mem>>
        %dma_start3A_443 = arith.constant 0 : i32
        %dma_start3A_444 = arith.constant 0 : i32
        %dma_start3A_445 = tpu.memref_slice %arg5[%arg0, %dma_start3A_443, %dma_start3A_444] : memref<2x10000x128xf32, #tpu.memory_space<hbm>> -> memref<1x10000x128xf32, #tpu.memory_space<hbm>>
        %dma_start3A_446 = tpu.memref_squeeze %dma_start3A_445 : memref<1x10000x128xf32, #tpu.memory_space<hbm>> -> memref<10000x128xf32, #tpu.memory_space<hbm>>
        %dma_start3A_447 = arith.constant 0 : i32
        %dma_start3A_448 = tpu.memref_slice %dma_start3A_446[%mul3A_435, %dma_start3A_447] : memref<10000x128xf32, #tpu.memory_space<hbm>> -> memref<624x128xf32, #tpu.memory_space<hbm>>
        %dma_start3A_449 = arith.constant 0 : i32
        %dma_start3A_450 = tpu.memref_slice %arg9[%mul3A_435, %dma_start3A_449] : memref<10240x128xf32, #tpu.memory_space<vmem_shared>> -> memref<624x128xf32, #tpu.memory_space<vmem_shared>>
        tpu.enqueue_dma source(%dma_start3A_450 : memref<624x128xf32, #tpu.memory_space<vmem_shared>>) target(%dma_start3A_448 : memref<624x128xf32, #tpu.memory_space<hbm>>) target_semaphore(%run_scoped3A_442 : memref<!tpu.dma_semaphore, #tpu.memory_space<semaphore_mem>>)
        %dma_wait3A_451 = arith.constant 0 : i32
        %dma_wait3A_452 = arith.constant 0 : i32
        %dma_wait3A_453 = tpu.memref_slice %arg5[%arg0, %dma_wait3A_451, %dma_wait3A_452] : memref<2x10000x128xf32, #tpu.memory_space<hbm>> -> memref<1x10000x128xf32, #tpu.memory_space<hbm>>
        %dma_wait3A_454 = tpu.memref_squeeze %dma_wait3A_453 : memref<1x10000x128xf32, #tpu.memory_space<hbm>> -> memref<10000x128xf32, #tpu.memory_space<hbm>>
        %dma_wait3A_455 = arith.constant 0 : i32
        %dma_wait3A_456 = tpu.memref_slice %dma_wait3A_454[%mul3A_435, %dma_wait3A_455] : memref<10000x128xf32, #tpu.memory_space<hbm>> -> memref<624x128xf32, #tpu.memory_space<hbm>>
        %dma_wait3A_457 = arith.constant 0 : i32
        %dma_wait3A_458 = tpu.memref_slice %arg9[%mul3A_435, %dma_wait3A_457] : memref<10240x128xf32, #tpu.memory_space<vmem_shared>> -> memref<624x128xf32, #tpu.memory_space<vmem_shared>>
        tpu.wait_dma2 semaphore(%run_scoped3A_442 : memref<!tpu.dma_semaphore, #tpu.memory_space<semaphore_mem>>) src(%dma_wait3A_458 : memref<624x128xf32, #tpu.memory_space<vmem_shared>>) dst(%dma_wait3A_456 : memref<624x128xf32, #tpu.memory_space<hbm>>)
        tpu.yield
      }) : () -> ()
    } else {
    }
    %eq3A = arith.constant 15 : i32
    %eq3A_438 = arith.cmpi eq, %arg1, %eq3A : i32
    %convert_element_type3A_439 = arith.extui %eq3A_438 : i1 to i32
    %cond3A_440 = arith.constant 0 : i32
    %cond3A_441 = arith.cmpi ne, %convert_element_type3A_439, %cond3A_440 : i32
    scf.if %cond3A_441 {
      "tpu.region"() ({
        %run_scoped3A_442 = tpu.sem_alloc : memref<!tpu.dma_semaphore, #tpu.memory_space<semaphore_mem>>
        %dma_start3A_443 = arith.constant 0 : i32
        %dma_start3A_444 = arith.constant 0 : i32
        %dma_start3A_445 = tpu.memref_slice %arg5[%arg0, %dma_start3A_443, %dma_start3A_444] : memref<2x10000x128xf32, #tpu.memory_space<hbm>> -> memref<1x10000x128xf32, #tpu.memory_space<hbm>>
        %dma_start3A_446 = tpu.memref_squeeze %dma_start3A_445 : memref<1x10000x128xf32, #tpu.memory_space<hbm>> -> memref<10000x128xf32, #tpu.memory_space<hbm>>
        %dma_start3A_447 = arith.constant 9360 : i32
        %dma_start3A_448 = arith.constant 0 : i32
        %dma_start3A_449 = tpu.memref_slice %dma_start3A_446[%dma_start3A_447, %dma_start3A_448] : memref<10000x128xf32, #tpu.memory_space<hbm>> -> memref<640x128xf32, #tpu.memory_space<hbm>>
        %dma_start3A_450 = arith.constant 9360 : i32
        %dma_start3A_451 = arith.constant 0 : i32
        %dma_start3A_452 = tpu.memref_slice %arg9[%dma_start3A_450, %dma_start3A_451] : memref<10240x128xf32, #tpu.memory_space<vmem_shared>> -> memref<640x128xf32, #tpu.memory_space<vmem_shared>>
        tpu.enqueue_dma source(%dma_start3A_452 : memref<640x128xf32, #tpu.memory_space<vmem_shared>>) target(%dma_start3A_449 : memref<640x128xf32, #tpu.memory_space<hbm>>) target_semaphore(%run_scoped3A_442 : memref<!tpu.dma_semaphore, #tpu.memory_space<semaphore_mem>>)
        %dma_wait3A_453 = arith.constant 0 : i32
        %dma_wait3A_454 = arith.constant 0 : i32
        %dma_wait3A_455 = tpu.memref_slice %arg5[%arg0, %dma_wait3A_453, %dma_wait3A_454] : memref<2x10000x128xf32, #tpu.memory_space<hbm>> -> memref<1x10000x128xf32, #tpu.memory_space<hbm>>
        %dma_wait3A_456 = tpu.memref_squeeze %dma_wait3A_455 : memref<1x10000x128xf32, #tpu.memory_space<hbm>> -> memref<10000x128xf32, #tpu.memory_space<hbm>>
        %dma_wait3A_457 = arith.constant 9360 : i32
        %dma_wait3A_458 = arith.constant 0 : i32
        %dma_wait3A_459 = tpu.memref_slice %dma_wait3A_456[%dma_wait3A_457, %dma_wait3A_458] : memref<10000x128xf32, #tpu.memory_space<hbm>> -> memref<640x128xf32, #tpu.memory_space<hbm>>
        %dma_wait3A_460 = arith.constant 9360 : i32
        %dma_wait3A_461 = arith.constant 0 : i32
        %dma_wait3A_462 = tpu.memref_slice %arg9[%dma_wait3A_460, %dma_wait3A_461] : memref<10240x128xf32, #tpu.memory_space<vmem_shared>> -> memref<640x128xf32, #tpu.memory_space<vmem_shared>>
        tpu.wait_dma2 semaphore(%run_scoped3A_442 : memref<!tpu.dma_semaphore, #tpu.memory_space<semaphore_mem>>) src(%dma_wait3A_462 : memref<640x128xf32, #tpu.memory_space<vmem_shared>>) dst(%dma_wait3A_459 : memref<640x128xf32, #tpu.memory_space<hbm>>)
        tpu.yield
      }) : () -> ()
    } else {
    }
    return
  }
}

#map = affine_map<(d0, d1) -> (0, 0)>
module attributes {stable_mosaic.version = 14 : i64} {
  func.func @_count_body(%arg0: i32, %arg1: i32, %arg2: memref<2560x128xi32, #tpu.memory_space<hbm>>, %arg3: memref<640x16xf32, #tpu.memory_space<hbm>>, %arg4: memref<128x16xf32, #tpu.memory_space<hbm>>, %arg5: memref<10000x16xf32, #tpu.memory_space<hbm>>, %arg6: memref<160x128xi32, #tpu.memory_space<vmem>>, %arg7: memref<128x16xf32, #tpu.memory_space<vmem>>, %arg8: memref<10240x16xf32, #tpu.memory_space<vmem_shared>>, %arg9: memref<!tpu.dma_semaphore, #tpu.memory_space<semaphore_mem>>) attributes {dimension_semantics = [#tpu.dimension_semantics<core_parallel>, #tpu.dimension_semantics<subcore_parallel>], iteration_bounds = array<i64: 1, 16>, scalar_prefetch = 0 : i64, scratch_operands = 4 : i64, tpu.core_type = #tpu.core_type<sc_vector_subcore>, window_params = [{transform_indices = #map}, {transform_indices = #map}, {transform_indices = #map}, {transform_indices = #map}]} {
    %mul3A = arith.constant 640 : i32
    %mul3A_0 = arith.muli %arg1, %mul3A : i32
    "tpu.region"() ({
      %run_scoped3A = tpu.sem_alloc : memref<!tpu.dma_semaphore, #tpu.memory_space<semaphore_mem>>
      %dma_start3A = arith.constant 0 : i32
      %dma_start3A_16 = tpu.memref_slice %arg8[%mul3A_0, %dma_start3A] : memref<10240x16xf32, #tpu.memory_space<vmem_shared>> -> memref<640x16xf32, #tpu.memory_space<vmem_shared>>
      %dma_start3A_17 = arith.constant 0 : i32
      %dma_start3A_18 = arith.constant 0 : i32
      %dma_start3A_19 = tpu.memref_slice %arg3[%dma_start3A_17, %dma_start3A_18] : memref<640x16xf32, #tpu.memory_space<hbm>> -> memref<640x16xf32, #tpu.memory_space<hbm>>
      tpu.enqueue_dma source(%dma_start3A_19 : memref<640x16xf32, #tpu.memory_space<hbm>>) target(%dma_start3A_16 : memref<640x16xf32, #tpu.memory_space<vmem_shared>>) target_semaphore(%run_scoped3A : memref<!tpu.dma_semaphore, #tpu.memory_space<semaphore_mem>>)
      %dma_wait3A = arith.constant 0 : i32
      %dma_wait3A_20 = tpu.memref_slice %arg8[%mul3A_0, %dma_wait3A] : memref<10240x16xf32, #tpu.memory_space<vmem_shared>> -> memref<640x16xf32, #tpu.memory_space<vmem_shared>>
      %dma_wait3A_21 = arith.constant 0 : i32
      %dma_wait3A_22 = arith.constant 0 : i32
      %dma_wait3A_23 = tpu.memref_slice %arg3[%dma_wait3A_21, %dma_wait3A_22] : memref<640x16xf32, #tpu.memory_space<hbm>> -> memref<640x16xf32, #tpu.memory_space<hbm>>
      tpu.wait_dma2 semaphore(%run_scoped3A : memref<!tpu.dma_semaphore, #tpu.memory_space<semaphore_mem>>) src(%dma_wait3A_23 : memref<640x16xf32, #tpu.memory_space<hbm>>) dst(%dma_wait3A_20 : memref<640x16xf32, #tpu.memory_space<vmem_shared>>)
      tpu.yield
    }) : () -> ()
    "tpu.region"() ({
      %run_scoped3A = tpu.sem_alloc : memref<!tpu.dma_semaphore, #tpu.memory_space<semaphore_mem>>
      tpu.enqueue_dma source(%arg4 : memref<128x16xf32, #tpu.memory_space<hbm>>) target(%arg7 : memref<128x16xf32, #tpu.memory_space<vmem>>) target_semaphore(%run_scoped3A : memref<!tpu.dma_semaphore, #tpu.memory_space<semaphore_mem>>)
      tpu.wait_dma2 semaphore(%run_scoped3A : memref<!tpu.dma_semaphore, #tpu.memory_space<semaphore_mem>>) src(%arg4 : memref<128x16xf32, #tpu.memory_space<hbm>>) dst(%arg7 : memref<128x16xf32, #tpu.memory_space<vmem>>)
      tpu.yield
    }) : () -> ()
    %barrier3A = arith.constant 0 : index
    tpu.barrier barrier_id(%barrier3A)
    %mul3A_1 = arith.constant 160 : i32
    %mul3A_2 = arith.muli %arg1, %mul3A_1 : i32
    "tpu.region"() ({
      %run_scoped3A = tpu.sem_alloc : memref<!tpu.dma_semaphore, #tpu.memory_space<semaphore_mem>>
      %dma_start3A = arith.constant 0 : i32
      %dma_start3A_16 = tpu.memref_slice %arg2[%mul3A_2, %dma_start3A] : memref<2560x128xi32, #tpu.memory_space<hbm>> -> memref<160x128xi32, #tpu.memory_space<hbm>>
      %dma_start3A_17 = arith.constant 0 : i32
      %dma_start3A_18 = tpu.memref_slice %arg2[%mul3A_2, %dma_start3A_17] : memref<2560x128xi32, #tpu.memory_space<hbm>> -> memref<160x128xi32, #tpu.memory_space<hbm>>
      tpu.enqueue_dma source(%dma_start3A_18 : memref<160x128xi32, #tpu.memory_space<hbm>>) target(%arg6 : memref<160x128xi32, #tpu.memory_space<vmem>>) target_semaphore(%run_scoped3A : memref<!tpu.dma_semaphore, #tpu.memory_space<semaphore_mem>>)
      %dma_wait3A = arith.constant 0 : i32
      %dma_wait3A_19 = tpu.memref_slice %arg2[%mul3A_2, %dma_wait3A] : memref<2560x128xi32, #tpu.memory_space<hbm>> -> memref<160x128xi32, #tpu.memory_space<hbm>>
      %dma_wait3A_20 = arith.constant 0 : i32
      %dma_wait3A_21 = tpu.memref_slice %arg2[%mul3A_2, %dma_wait3A_20] : memref<2560x128xi32, #tpu.memory_space<hbm>> -> memref<160x128xi32, #tpu.memory_space<hbm>>
      tpu.wait_dma2 semaphore(%run_scoped3A : memref<!tpu.dma_semaphore, #tpu.memory_space<semaphore_mem>>) src(%dma_wait3A_21 : memref<160x128xi32, #tpu.memory_space<hbm>>) dst(%arg6 : memref<160x128xi32, #tpu.memory_space<vmem>>)
      tpu.yield
    }) : () -> ()
    %scan3A = arith.constant 0 : i32
    %scan3A_3 = arith.constant 20 : i32
    %scan3A_4 = arith.addi %scan3A, %scan3A_3 : i32
    %scan3A_5 = arith.constant 1 : i32
    scf.for %scan3A_16 = %scan3A to %scan3A_4 step %scan3A_5  : i32 {
      %mul3A_17 = arith.constant 1 : i32
      %mul3A_18 = arith.muli %scan3A_16, %mul3A_17 : i32
      %add3A = arith.constant 0 : i32
      %add3A_19 = arith.addi %add3A, %mul3A_18 : i32
      %mul3A_20 = arith.constant 8 : i32
      %mul3A_21 = arith.muli %add3A_19, %mul3A_20 : i32
      %add3A_22 = arith.constant 0 : i32
      %add3A_23 = arith.addi %mul3A_21, %add3A_22 : i32
      %dma_start3A = arith.constant 0 : i32
      %dma_start3A_24 = tpu.memref_slice %arg6[%add3A_23, %dma_start3A] : memref<160x128xi32, #tpu.memory_space<vmem>> -> memref<1x128xi32, #tpu.memory_space<vmem>>
      %dma_start3A_25 = tpu.memref_squeeze %dma_start3A_24 : memref<1x128xi32, #tpu.memory_space<vmem>> -> memref<128xi32, #tpu.memory_space<vmem>>
      %dma_start3A_26 = arith.constant 0 : i32
      %dma_start3A_27 = arith.constant 0 : i32
      %dma_start3A_28 = tpu.memref_slice %arg8[%dma_start3A_26, %dma_start3A_27] : memref<10240x16xf32, #tpu.memory_space<vmem_shared>> -> memref<10240x16xf32, #tpu.memory_space<vmem_shared>>
      tpu.enqueue_indirect_dma source(%arg7 : memref<128x16xf32, #tpu.memory_space<vmem>>) target(%dma_start3A_28 : memref<10240x16xf32, #tpu.memory_space<vmem_shared>>) offsets(%dma_start3A_25 : memref<128xi32, #tpu.memory_space<vmem>>) semaphore(%arg9 : memref<!tpu.dma_semaphore, #tpu.memory_space<semaphore_mem>>) {add = true}
      %mul3A_29 = arith.constant 8 : i32
      %mul3A_30 = arith.muli %add3A_19, %mul3A_29 : i32
      %add3A_31 = arith.constant 1 : i32
      %add3A_32 = arith.addi %mul3A_30, %add3A_31 : i32
      %dma_start3A_33 = arith.constant 0 : i32
      %dma_start3A_34 = tpu.memref_slice %arg6[%add3A_32, %dma_start3A_33] : memref<160x128xi32, #tpu.memory_space<vmem>> -> memref<1x128xi32, #tpu.memory_space<vmem>>
      %dma_start3A_35 = tpu.memref_squeeze %dma_start3A_34 : memref<1x128xi32, #tpu.memory_space<vmem>> -> memref<128xi32, #tpu.memory_space<vmem>>
      %dma_start3A_36 = arith.constant 0 : i32
      %dma_start3A_37 = arith.constant 0 : i32
      %dma_start3A_38 = tpu.memref_slice %arg8[%dma_start3A_36, %dma_start3A_37] : memref<10240x16xf32, #tpu.memory_space<vmem_shared>> -> memref<10240x16xf32, #tpu.memory_space<vmem_shared>>
      tpu.enqueue_indirect_dma source(%arg7 : memref<128x16xf32, #tpu.memory_space<vmem>>) target(%dma_start3A_38 : memref<10240x16xf32, #tpu.memory_space<vmem_shared>>) offsets(%dma_start3A_35 : memref<128xi32, #tpu.memory_space<vmem>>) semaphore(%arg9 : memref<!tpu.dma_semaphore, #tpu.memory_space<semaphore_mem>>) {add = true}
      %mul3A_39 = arith.constant 8 : i32
      %mul3A_40 = arith.muli %add3A_19, %mul3A_39 : i32
      %add3A_41 = arith.constant 2 : i32
      %add3A_42 = arith.addi %mul3A_40, %add3A_41 : i32
      %dma_start3A_43 = arith.constant 0 : i32
      %dma_start3A_44 = tpu.memref_slice %arg6[%add3A_42, %dma_start3A_43] : memref<160x128xi32, #tpu.memory_space<vmem>> -> memref<1x128xi32, #tpu.memory_space<vmem>>
      %dma_start3A_45 = tpu.memref_squeeze %dma_start3A_44 : memref<1x128xi32, #tpu.memory_space<vmem>> -> memref<128xi32, #tpu.memory_space<vmem>>
      %dma_start3A_46 = arith.constant 0 : i32
      %dma_start3A_47 = arith.constant 0 : i32
      %dma_start3A_48 = tpu.memref_slice %arg8[%dma_start3A_46, %dma_start3A_47] : memref<10240x16xf32, #tpu.memory_space<vmem_shared>> -> memref<10240x16xf32, #tpu.memory_space<vmem_shared>>
      tpu.enqueue_indirect_dma source(%arg7 : memref<128x16xf32, #tpu.memory_space<vmem>>) target(%dma_start3A_48 : memref<10240x16xf32, #tpu.memory_space<vmem_shared>>) offsets(%dma_start3A_45 : memref<128xi32, #tpu.memory_space<vmem>>) semaphore(%arg9 : memref<!tpu.dma_semaphore, #tpu.memory_space<semaphore_mem>>) {add = true}
      %mul3A_49 = arith.constant 8 : i32
      %mul3A_50 = arith.muli %add3A_19, %mul3A_49 : i32
      %add3A_51 = arith.constant 3 : i32
      %add3A_52 = arith.addi %mul3A_50, %add3A_51 : i32
      %dma_start3A_53 = arith.constant 0 : i32
      %dma_start3A_54 = tpu.memref_slice %arg6[%add3A_52, %dma_start3A_53] : memref<160x128xi32, #tpu.memory_space<vmem>> -> memref<1x128xi32, #tpu.memory_space<vmem>>
      %dma_start3A_55 = tpu.memref_squeeze %dma_start3A_54 : memref<1x128xi32, #tpu.memory_space<vmem>> -> memref<128xi32, #tpu.memory_space<vmem>>
      %dma_start3A_56 = arith.constant 0 : i32
      %dma_start3A_57 = arith.constant 0 : i32
      %dma_start3A_58 = tpu.memref_slice %arg8[%dma_start3A_56, %dma_start3A_57] : memref<10240x16xf32, #tpu.memory_space<vmem_shared>> -> memref<10240x16xf32, #tpu.memory_space<vmem_shared>>
      tpu.enqueue_indirect_dma source(%arg7 : memref<128x16xf32, #tpu.memory_space<vmem>>) target(%dma_start3A_58 : memref<10240x16xf32, #tpu.memory_space<vmem_shared>>) offsets(%dma_start3A_55 : memref<128xi32, #tpu.memory_space<vmem>>) semaphore(%arg9 : memref<!tpu.dma_semaphore, #tpu.memory_space<semaphore_mem>>) {add = true}
      %mul3A_59 = arith.constant 8 : i32
      %mul3A_60 = arith.muli %add3A_19, %mul3A_59 : i32
      %add3A_61 = arith.constant 4 : i32
      %add3A_62 = arith.addi %mul3A_60, %add3A_61 : i32
      %dma_start3A_63 = arith.constant 0 : i32
      %dma_start3A_64 = tpu.memref_slice %arg6[%add3A_62, %dma_start3A_63] : memref<160x128xi32, #tpu.memory_space<vmem>> -> memref<1x128xi32, #tpu.memory_space<vmem>>
      %dma_start3A_65 = tpu.memref_squeeze %dma_start3A_64 : memref<1x128xi32, #tpu.memory_space<vmem>> -> memref<128xi32, #tpu.memory_space<vmem>>
      %dma_start3A_66 = arith.constant 0 : i32
      %dma_start3A_67 = arith.constant 0 : i32
      %dma_start3A_68 = tpu.memref_slice %arg8[%dma_start3A_66, %dma_start3A_67] : memref<10240x16xf32, #tpu.memory_space<vmem_shared>> -> memref<10240x16xf32, #tpu.memory_space<vmem_shared>>
      tpu.enqueue_indirect_dma source(%arg7 : memref<128x16xf32, #tpu.memory_space<vmem>>) target(%dma_start3A_68 : memref<10240x16xf32, #tpu.memory_space<vmem_shared>>) offsets(%dma_start3A_65 : memref<128xi32, #tpu.memory_space<vmem>>) semaphore(%arg9 : memref<!tpu.dma_semaphore, #tpu.memory_space<semaphore_mem>>) {add = true}
      %mul3A_69 = arith.constant 8 : i32
      %mul3A_70 = arith.muli %add3A_19, %mul3A_69 : i32
      %add3A_71 = arith.constant 5 : i32
      %add3A_72 = arith.addi %mul3A_70, %add3A_71 : i32
      %dma_start3A_73 = arith.constant 0 : i32
      %dma_start3A_74 = tpu.memref_slice %arg6[%add3A_72, %dma_start3A_73] : memref<160x128xi32, #tpu.memory_space<vmem>> -> memref<1x128xi32, #tpu.memory_space<vmem>>
      %dma_start3A_75 = tpu.memref_squeeze %dma_start3A_74 : memref<1x128xi32, #tpu.memory_space<vmem>> -> memref<128xi32, #tpu.memory_space<vmem>>
      %dma_start3A_76 = arith.constant 0 : i32
      %dma_start3A_77 = arith.constant 0 : i32
      %dma_start3A_78 = tpu.memref_slice %arg8[%dma_start3A_76, %dma_start3A_77] : memref<10240x16xf32, #tpu.memory_space<vmem_shared>> -> memref<10240x16xf32, #tpu.memory_space<vmem_shared>>
      tpu.enqueue_indirect_dma source(%arg7 : memref<128x16xf32, #tpu.memory_space<vmem>>) target(%dma_start3A_78 : memref<10240x16xf32, #tpu.memory_space<vmem_shared>>) offsets(%dma_start3A_75 : memref<128xi32, #tpu.memory_space<vmem>>) semaphore(%arg9 : memref<!tpu.dma_semaphore, #tpu.memory_space<semaphore_mem>>) {add = true}
      %mul3A_79 = arith.constant 8 : i32
      %mul3A_80 = arith.muli %add3A_19, %mul3A_79 : i32
      %add3A_81 = arith.constant 6 : i32
      %add3A_82 = arith.addi %mul3A_80, %add3A_81 : i32
      %dma_start3A_83 = arith.constant 0 : i32
      %dma_start3A_84 = tpu.memref_slice %arg6[%add3A_82, %dma_start3A_83] : memref<160x128xi32, #tpu.memory_space<vmem>> -> memref<1x128xi32, #tpu.memory_space<vmem>>
      %dma_start3A_85 = tpu.memref_squeeze %dma_start3A_84 : memref<1x128xi32, #tpu.memory_space<vmem>> -> memref<128xi32, #tpu.memory_space<vmem>>
      %dma_start3A_86 = arith.constant 0 : i32
      %dma_start3A_87 = arith.constant 0 : i32
      %dma_start3A_88 = tpu.memref_slice %arg8[%dma_start3A_86, %dma_start3A_87] : memref<10240x16xf32, #tpu.memory_space<vmem_shared>> -> memref<10240x16xf32, #tpu.memory_space<vmem_shared>>
      tpu.enqueue_indirect_dma source(%arg7 : memref<128x16xf32, #tpu.memory_space<vmem>>) target(%dma_start3A_88 : memref<10240x16xf32, #tpu.memory_space<vmem_shared>>) offsets(%dma_start3A_85 : memref<128xi32, #tpu.memory_space<vmem>>) semaphore(%arg9 : memref<!tpu.dma_semaphore, #tpu.memory_space<semaphore_mem>>) {add = true}
      %mul3A_89 = arith.constant 8 : i32
      %mul3A_90 = arith.muli %add3A_19, %mul3A_89 : i32
      %add3A_91 = arith.constant 7 : i32
      %add3A_92 = arith.addi %mul3A_90, %add3A_91 : i32
      %dma_start3A_93 = arith.constant 0 : i32
      %dma_start3A_94 = tpu.memref_slice %arg6[%add3A_92, %dma_start3A_93] : memref<160x128xi32, #tpu.memory_space<vmem>> -> memref<1x128xi32, #tpu.memory_space<vmem>>
      %dma_start3A_95 = tpu.memref_squeeze %dma_start3A_94 : memref<1x128xi32, #tpu.memory_space<vmem>> -> memref<128xi32, #tpu.memory_space<vmem>>
      %dma_start3A_96 = arith.constant 0 : i32
      %dma_start3A_97 = arith.constant 0 : i32
      %dma_start3A_98 = tpu.memref_slice %arg8[%dma_start3A_96, %dma_start3A_97] : memref<10240x16xf32, #tpu.memory_space<vmem_shared>> -> memref<10240x16xf32, #tpu.memory_space<vmem_shared>>
      tpu.enqueue_indirect_dma source(%arg7 : memref<128x16xf32, #tpu.memory_space<vmem>>) target(%dma_start3A_98 : memref<10240x16xf32, #tpu.memory_space<vmem_shared>>) offsets(%dma_start3A_95 : memref<128xi32, #tpu.memory_space<vmem>>) semaphore(%arg9 : memref<!tpu.dma_semaphore, #tpu.memory_space<semaphore_mem>>) {add = true}
      %mul3A_99 = arith.constant 8 : i32
      %mul3A_100 = arith.muli %add3A_19, %mul3A_99 : i32
      %add3A_101 = arith.constant 0 : i32
      %add3A_102 = arith.addi %mul3A_100, %add3A_101 : i32
      %dma_wait3A = arith.constant 0 : i32
      %dma_wait3A_103 = tpu.memref_slice %arg6[%add3A_102, %dma_wait3A] : memref<160x128xi32, #tpu.memory_space<vmem>> -> memref<1x128xi32, #tpu.memory_space<vmem>>
      %dma_wait3A_104 = tpu.memref_squeeze %dma_wait3A_103 : memref<1x128xi32, #tpu.memory_space<vmem>> -> memref<128xi32, #tpu.memory_space<vmem>>
      %dma_wait3A_105 = arith.constant 0 : i32
      %dma_wait3A_106 = arith.constant 0 : i32
      %dma_wait3A_107 = tpu.memref_slice %arg8[%dma_wait3A_105, %dma_wait3A_106] : memref<10240x16xf32, #tpu.memory_space<vmem_shared>> -> memref<10240x16xf32, #tpu.memory_space<vmem_shared>>
      tpu.wait_indirect_dma semaphore(%arg9 : memref<!tpu.dma_semaphore, #tpu.memory_space<semaphore_mem>>) src(%arg7 : memref<128x16xf32, #tpu.memory_space<vmem>>) dst(%dma_wait3A_107 : memref<10240x16xf32, #tpu.memory_space<vmem_shared>>)
      %mul3A_108 = arith.constant 8 : i32
      %mul3A_109 = arith.muli %add3A_19, %mul3A_108 : i32
      %add3A_110 = arith.constant 1 : i32
      %add3A_111 = arith.addi %mul3A_109, %add3A_110 : i32
      %dma_wait3A_112 = arith.constant 0 : i32
      %dma_wait3A_113 = tpu.memref_slice %arg6[%add3A_111, %dma_wait3A_112] : memref<160x128xi32, #tpu.memory_space<vmem>> -> memref<1x128xi32, #tpu.memory_space<vmem>>
      %dma_wait3A_114 = tpu.memref_squeeze %dma_wait3A_113 : memref<1x128xi32, #tpu.memory_space<vmem>> -> memref<128xi32, #tpu.memory_space<vmem>>
      %dma_wait3A_115 = arith.constant 0 : i32
      %dma_wait3A_116 = arith.constant 0 : i32
      %dma_wait3A_117 = tpu.memref_slice %arg8[%dma_wait3A_115, %dma_wait3A_116] : memref<10240x16xf32, #tpu.memory_space<vmem_shared>> -> memref<10240x16xf32, #tpu.memory_space<vmem_shared>>
      tpu.wait_indirect_dma semaphore(%arg9 : memref<!tpu.dma_semaphore, #tpu.memory_space<semaphore_mem>>) src(%arg7 : memref<128x16xf32, #tpu.memory_space<vmem>>) dst(%dma_wait3A_117 : memref<10240x16xf32, #tpu.memory_space<vmem_shared>>)
      %mul3A_118 = arith.constant 8 : i32
      %mul3A_119 = arith.muli %add3A_19, %mul3A_118 : i32
      %add3A_120 = arith.constant 2 : i32
      %add3A_121 = arith.addi %mul3A_119, %add3A_120 : i32
      %dma_wait3A_122 = arith.constant 0 : i32
      %dma_wait3A_123 = tpu.memref_slice %arg6[%add3A_121, %dma_wait3A_122] : memref<160x128xi32, #tpu.memory_space<vmem>> -> memref<1x128xi32, #tpu.memory_space<vmem>>
      %dma_wait3A_124 = tpu.memref_squeeze %dma_wait3A_123 : memref<1x128xi32, #tpu.memory_space<vmem>> -> memref<128xi32, #tpu.memory_space<vmem>>
      %dma_wait3A_125 = arith.constant 0 : i32
      %dma_wait3A_126 = arith.constant 0 : i32
      %dma_wait3A_127 = tpu.memref_slice %arg8[%dma_wait3A_125, %dma_wait3A_126] : memref<10240x16xf32, #tpu.memory_space<vmem_shared>> -> memref<10240x16xf32, #tpu.memory_space<vmem_shared>>
      tpu.wait_indirect_dma semaphore(%arg9 : memref<!tpu.dma_semaphore, #tpu.memory_space<semaphore_mem>>) src(%arg7 : memref<128x16xf32, #tpu.memory_space<vmem>>) dst(%dma_wait3A_127 : memref<10240x16xf32, #tpu.memory_space<vmem_shared>>)
      %mul3A_128 = arith.constant 8 : i32
      %mul3A_129 = arith.muli %add3A_19, %mul3A_128 : i32
      %add3A_130 = arith.constant 3 : i32
      %add3A_131 = arith.addi %mul3A_129, %add3A_130 : i32
      %dma_wait3A_132 = arith.constant 0 : i32
      %dma_wait3A_133 = tpu.memref_slice %arg6[%add3A_131, %dma_wait3A_132] : memref<160x128xi32, #tpu.memory_space<vmem>> -> memref<1x128xi32, #tpu.memory_space<vmem>>
      %dma_wait3A_134 = tpu.memref_squeeze %dma_wait3A_133 : memref<1x128xi32, #tpu.memory_space<vmem>> -> memref<128xi32, #tpu.memory_space<vmem>>
      %dma_wait3A_135 = arith.constant 0 : i32
      %dma_wait3A_136 = arith.constant 0 : i32
      %dma_wait3A_137 = tpu.memref_slice %arg8[%dma_wait3A_135, %dma_wait3A_136] : memref<10240x16xf32, #tpu.memory_space<vmem_shared>> -> memref<10240x16xf32, #tpu.memory_space<vmem_shared>>
      tpu.wait_indirect_dma semaphore(%arg9 : memref<!tpu.dma_semaphore, #tpu.memory_space<semaphore_mem>>) src(%arg7 : memref<128x16xf32, #tpu.memory_space<vmem>>) dst(%dma_wait3A_137 : memref<10240x16xf32, #tpu.memory_space<vmem_shared>>)
      %mul3A_138 = arith.constant 8 : i32
      %mul3A_139 = arith.muli %add3A_19, %mul3A_138 : i32
      %add3A_140 = arith.constant 4 : i32
      %add3A_141 = arith.addi %mul3A_139, %add3A_140 : i32
      %dma_wait3A_142 = arith.constant 0 : i32
      %dma_wait3A_143 = tpu.memref_slice %arg6[%add3A_141, %dma_wait3A_142] : memref<160x128xi32, #tpu.memory_space<vmem>> -> memref<1x128xi32, #tpu.memory_space<vmem>>
      %dma_wait3A_144 = tpu.memref_squeeze %dma_wait3A_143 : memref<1x128xi32, #tpu.memory_space<vmem>> -> memref<128xi32, #tpu.memory_space<vmem>>
      %dma_wait3A_145 = arith.constant 0 : i32
      %dma_wait3A_146 = arith.constant 0 : i32
      %dma_wait3A_147 = tpu.memref_slice %arg8[%dma_wait3A_145, %dma_wait3A_146] : memref<10240x16xf32, #tpu.memory_space<vmem_shared>> -> memref<10240x16xf32, #tpu.memory_space<vmem_shared>>
      tpu.wait_indirect_dma semaphore(%arg9 : memref<!tpu.dma_semaphore, #tpu.memory_space<semaphore_mem>>) src(%arg7 : memref<128x16xf32, #tpu.memory_space<vmem>>) dst(%dma_wait3A_147 : memref<10240x16xf32, #tpu.memory_space<vmem_shared>>)
      %mul3A_148 = arith.constant 8 : i32
      %mul3A_149 = arith.muli %add3A_19, %mul3A_148 : i32
      %add3A_150 = arith.constant 5 : i32
      %add3A_151 = arith.addi %mul3A_149, %add3A_150 : i32
      %dma_wait3A_152 = arith.constant 0 : i32
      %dma_wait3A_153 = tpu.memref_slice %arg6[%add3A_151, %dma_wait3A_152] : memref<160x128xi32, #tpu.memory_space<vmem>> -> memref<1x128xi32, #tpu.memory_space<vmem>>
      %dma_wait3A_154 = tpu.memref_squeeze %dma_wait3A_153 : memref<1x128xi32, #tpu.memory_space<vmem>> -> memref<128xi32, #tpu.memory_space<vmem>>
      %dma_wait3A_155 = arith.constant 0 : i32
      %dma_wait3A_156 = arith.constant 0 : i32
      %dma_wait3A_157 = tpu.memref_slice %arg8[%dma_wait3A_155, %dma_wait3A_156] : memref<10240x16xf32, #tpu.memory_space<vmem_shared>> -> memref<10240x16xf32, #tpu.memory_space<vmem_shared>>
      tpu.wait_indirect_dma semaphore(%arg9 : memref<!tpu.dma_semaphore, #tpu.memory_space<semaphore_mem>>) src(%arg7 : memref<128x16xf32, #tpu.memory_space<vmem>>) dst(%dma_wait3A_157 : memref<10240x16xf32, #tpu.memory_space<vmem_shared>>)
      %mul3A_158 = arith.constant 8 : i32
      %mul3A_159 = arith.muli %add3A_19, %mul3A_158 : i32
      %add3A_160 = arith.constant 6 : i32
      %add3A_161 = arith.addi %mul3A_159, %add3A_160 : i32
      %dma_wait3A_162 = arith.constant 0 : i32
      %dma_wait3A_163 = tpu.memref_slice %arg6[%add3A_161, %dma_wait3A_162] : memref<160x128xi32, #tpu.memory_space<vmem>> -> memref<1x128xi32, #tpu.memory_space<vmem>>
      %dma_wait3A_164 = tpu.memref_squeeze %dma_wait3A_163 : memref<1x128xi32, #tpu.memory_space<vmem>> -> memref<128xi32, #tpu.memory_space<vmem>>
      %dma_wait3A_165 = arith.constant 0 : i32
      %dma_wait3A_166 = arith.constant 0 : i32
      %dma_wait3A_167 = tpu.memref_slice %arg8[%dma_wait3A_165, %dma_wait3A_166] : memref<10240x16xf32, #tpu.memory_space<vmem_shared>> -> memref<10240x16xf32, #tpu.memory_space<vmem_shared>>
      tpu.wait_indirect_dma semaphore(%arg9 : memref<!tpu.dma_semaphore, #tpu.memory_space<semaphore_mem>>) src(%arg7 : memref<128x16xf32, #tpu.memory_space<vmem>>) dst(%dma_wait3A_167 : memref<10240x16xf32, #tpu.memory_space<vmem_shared>>)
      %mul3A_168 = arith.constant 8 : i32
      %mul3A_169 = arith.muli %add3A_19, %mul3A_168 : i32
      %add3A_170 = arith.constant 7 : i32
      %add3A_171 = arith.addi %mul3A_169, %add3A_170 : i32
      %dma_wait3A_172 = arith.constant 0 : i32
      %dma_wait3A_173 = tpu.memref_slice %arg6[%add3A_171, %dma_wait3A_172] : memref<160x128xi32, #tpu.memory_space<vmem>> -> memref<1x128xi32, #tpu.memory_space<vmem>>
      %dma_wait3A_174 = tpu.memref_squeeze %dma_wait3A_173 : memref<1x128xi32, #tpu.memory_space<vmem>> -> memref<128xi32, #tpu.memory_space<vmem>>
      %dma_wait3A_175 = arith.constant 0 : i32
      %dma_wait3A_176 = arith.constant 0 : i32
      %dma_wait3A_177 = tpu.memref_slice %arg8[%dma_wait3A_175, %dma_wait3A_176] : memref<10240x16xf32, #tpu.memory_space<vmem_shared>> -> memref<10240x16xf32, #tpu.memory_space<vmem_shared>>
      tpu.wait_indirect_dma semaphore(%arg9 : memref<!tpu.dma_semaphore, #tpu.memory_space<semaphore_mem>>) src(%arg7 : memref<128x16xf32, #tpu.memory_space<vmem>>) dst(%dma_wait3A_177 : memref<10240x16xf32, #tpu.memory_space<vmem_shared>>)
    }
    %scan3A_6 = arith.constant 20 : i32
    %barrier3A_7 = arith.constant 0 : index
    tpu.barrier barrier_id(%barrier3A_7)
    %mul3A_8 = arith.constant 624 : i32
    %mul3A_9 = arith.muli %arg1, %mul3A_8 : i32
    %lt3A = arith.constant 15 : i32
    %lt3A_10 = arith.cmpi slt, %arg1, %lt3A : i32
    %convert_element_type3A = arith.extui %lt3A_10 : i1 to i32
    %cond3A = arith.constant 0 : i32
    %cond3A_11 = arith.cmpi ne, %convert_element_type3A, %cond3A : i32
    scf.if %cond3A_11 {
      "tpu.region"() ({
        %run_scoped3A = tpu.sem_alloc : memref<!tpu.dma_semaphore, #tpu.memory_space<semaphore_mem>>
        %dma_start3A = arith.constant 0 : i32
        %dma_start3A_16 = tpu.memref_slice %arg5[%mul3A_9, %dma_start3A] : memref<10000x16xf32, #tpu.memory_space<hbm>> -> memref<624x16xf32, #tpu.memory_space<hbm>>
        %dma_start3A_17 = arith.constant 0 : i32
        %dma_start3A_18 = tpu.memref_slice %arg8[%mul3A_9, %dma_start3A_17] : memref<10240x16xf32, #tpu.memory_space<vmem_shared>> -> memref<624x16xf32, #tpu.memory_space<vmem_shared>>
        tpu.enqueue_dma source(%dma_start3A_18 : memref<624x16xf32, #tpu.memory_space<vmem_shared>>) target(%dma_start3A_16 : memref<624x16xf32, #tpu.memory_space<hbm>>) target_semaphore(%run_scoped3A : memref<!tpu.dma_semaphore, #tpu.memory_space<semaphore_mem>>)
        %dma_wait3A = arith.constant 0 : i32
        %dma_wait3A_19 = tpu.memref_slice %arg5[%mul3A_9, %dma_wait3A] : memref<10000x16xf32, #tpu.memory_space<hbm>> -> memref<624x16xf32, #tpu.memory_space<hbm>>
        %dma_wait3A_20 = arith.constant 0 : i32
        %dma_wait3A_21 = tpu.memref_slice %arg8[%mul3A_9, %dma_wait3A_20] : memref<10240x16xf32, #tpu.memory_space<vmem_shared>> -> memref<624x16xf32, #tpu.memory_space<vmem_shared>>
        tpu.wait_dma2 semaphore(%run_scoped3A : memref<!tpu.dma_semaphore, #tpu.memory_space<semaphore_mem>>) src(%dma_wait3A_21 : memref<624x16xf32, #tpu.memory_space<vmem_shared>>) dst(%dma_wait3A_19 : memref<624x16xf32, #tpu.memory_space<hbm>>)
        tpu.yield
      }) : () -> ()
    } else {
    }
    %eq3A = arith.constant 15 : i32
    %eq3A_12 = arith.cmpi eq, %arg1, %eq3A : i32
    %convert_element_type3A_13 = arith.extui %eq3A_12 : i1 to i32
    %cond3A_14 = arith.constant 0 : i32
    %cond3A_15 = arith.cmpi ne, %convert_element_type3A_13, %cond3A_14 : i32
    scf.if %cond3A_15 {
      "tpu.region"() ({
        %run_scoped3A = tpu.sem_alloc : memref<!tpu.dma_semaphore, #tpu.memory_space<semaphore_mem>>
        %dma_start3A = arith.constant 9360 : i32
        %dma_start3A_16 = arith.constant 0 : i32
        %dma_start3A_17 = tpu.memref_slice %arg5[%dma_start3A, %dma_start3A_16] : memref<10000x16xf32, #tpu.memory_space<hbm>> -> memref<640x16xf32, #tpu.memory_space<hbm>>
        %dma_start3A_18 = arith.constant 9360 : i32
        %dma_start3A_19 = arith.constant 0 : i32
        %dma_start3A_20 = tpu.memref_slice %arg8[%dma_start3A_18, %dma_start3A_19] : memref<10240x16xf32, #tpu.memory_space<vmem_shared>> -> memref<640x16xf32, #tpu.memory_space<vmem_shared>>
        tpu.enqueue_dma source(%dma_start3A_20 : memref<640x16xf32, #tpu.memory_space<vmem_shared>>) target(%dma_start3A_17 : memref<640x16xf32, #tpu.memory_space<hbm>>) target_semaphore(%run_scoped3A : memref<!tpu.dma_semaphore, #tpu.memory_space<semaphore_mem>>)
        %dma_wait3A = arith.constant 9360 : i32
        %dma_wait3A_21 = arith.constant 0 : i32
        %dma_wait3A_22 = tpu.memref_slice %arg5[%dma_wait3A, %dma_wait3A_21] : memref<10000x16xf32, #tpu.memory_space<hbm>> -> memref<640x16xf32, #tpu.memory_space<hbm>>
        %dma_wait3A_23 = arith.constant 9360 : i32
        %dma_wait3A_24 = arith.constant 0 : i32
        %dma_wait3A_25 = tpu.memref_slice %arg8[%dma_wait3A_23, %dma_wait3A_24] : memref<10240x16xf32, #tpu.memory_space<vmem_shared>> -> memref<640x16xf32, #tpu.memory_space<vmem_shared>>
        tpu.wait_dma2 semaphore(%run_scoped3A : memref<!tpu.dma_semaphore, #tpu.memory_space<semaphore_mem>>) src(%dma_wait3A_25 : memref<640x16xf32, #tpu.memory_space<vmem_shared>>) dst(%dma_wait3A_22 : memref<640x16xf32, #tpu.memory_space<hbm>>)
        tpu.yield
      }) : () -> ()
    } else {
    }
    return
  }
}

#map = affine_map<(d0, d1) -> (0, 0)>
#map1 = affine_map<(d0, d1) -> (0, 0, 0)>
module attributes {stable_mosaic.version = 14 : i64} {
  func.func @_agg_body(%arg0: i32, %arg1: i32, %arg2: memref<10000x128xf32, #tpu.memory_space<hbm>>, %arg3: memref<5120x64xi32, #tpu.memory_space<hbm>>, %arg4: memref<5120x64xi32, #tpu.memory_space<hbm>>, %arg5: memref<2x10000x128xf32, #tpu.memory_space<hbm>>, %arg6: memref<8x64xi32, #tpu.memory_space<vmem>>, %arg7: memref<8x64xi32, #tpu.memory_space<vmem>>, %arg8: memref<4x64x128xf32, #tpu.memory_space<vmem>>, %arg9: memref<10240x128xf32, #tpu.memory_space<vmem_shared>>, %arg10: memref<!tpu.dma_semaphore, #tpu.memory_space<semaphore_mem>>, %arg11: memref<!tpu.dma_semaphore, #tpu.memory_space<semaphore_mem>>, %arg12: memref<!tpu.dma_semaphore, #tpu.memory_space<semaphore_mem>>, %arg13: memref<!tpu.dma_semaphore, #tpu.memory_space<semaphore_mem>>, %arg14: memref<!tpu.dma_semaphore, #tpu.memory_space<semaphore_mem>>, %arg15: memref<!tpu.dma_semaphore, #tpu.memory_space<semaphore_mem>>, %arg16: memref<!tpu.dma_semaphore, #tpu.memory_space<semaphore_mem>>, %arg17: memref<!tpu.dma_semaphore, #tpu.memory_space<semaphore_mem>>) attributes {dimension_semantics = [#tpu.dimension_semantics<core_parallel>, #tpu.dimension_semantics<subcore_parallel>], iteration_bounds = array<i64: 2, 16>, scalar_prefetch = 0 : i64, scratch_operands = 12 : i64, tpu.core_type = #tpu.core_type<sc_vector_subcore>, window_params = [{transform_indices = #map}, {transform_indices = #map}, {transform_indices = #map}, {transform_indices = #map1}]} {
    %scan3A = arith.constant 0 : i32
    %scan3A_0 = arith.constant 64 : i32
    %scan3A_1 = arith.addi %scan3A, %scan3A_0 : i32
    %scan3A_2 = arith.constant 1 : i32
    scf.for %scan3A_442 = %scan3A to %scan3A_1 step %scan3A_2  : i32 {
      %mul3A_443 = arith.constant 1 : i32
      %mul3A_444 = arith.muli %scan3A_442, %mul3A_443 : i32
      %add3A_445 = arith.constant 0 : i32
      %add3A_446 = arith.addi %add3A_445, %mul3A_444 : i32
      %broadcast_in_dim3A = arith.constant 0.000000e+00 : f32
      %broadcast_in_dim3A_447 = vector.broadcast %broadcast_in_dim3A : f32 to vector<16xf32>
      %swap3A = arith.constant 0 : i32
      %swap3A_448 = arith.index_cast %swap3A : i32 to index
      %swap3A_449 = arith.index_cast %add3A_446 : i32 to index
      %swap3A_450 = arith.constant 0 : index
      %swap3A_451 = tpu.vector_load %arg8[%swap3A_448, %swap3A_449, %swap3A_450] {strides = array<i32>} : memref<4x64x128xf32, #tpu.memory_space<vmem>>, vector<1x1x16xf32>,
      %swap3A_452 = vector.shape_cast %swap3A_451 : vector<1x1x16xf32> to vector<16xf32>
      %swap3A_453 = vector.shape_cast %broadcast_in_dim3A_447 : vector<16xf32> to vector<1x1x16xf32>
      tpu.vector_store %arg8[%swap3A_448, %swap3A_449, %swap3A_450], %swap3A_453 {strides = array<i32>} : memref<4x64x128xf32, #tpu.memory_space<vmem>>, vector<1x1x16xf32>,
      %broadcast_in_dim3A_454 = arith.constant 0.000000e+00 : f32
      %broadcast_in_dim3A_455 = vector.broadcast %broadcast_in_dim3A_454 : f32 to vector<16xf32>
      %swap3A_456 = arith.constant 0 : i32
      %swap3A_457 = arith.index_cast %swap3A_456 : i32 to index
      %swap3A_458 = arith.index_cast %add3A_446 : i32 to index
      %swap3A_459 = arith.constant 16 : index
      %swap3A_460 = tpu.vector_load %arg8[%swap3A_457, %swap3A_458, %swap3A_459] {strides = array<i32>} : memref<4x64x128xf32, #tpu.memory_space<vmem>>, vector<1x1x16xf32>,
      %swap3A_461 = vector.shape_cast %swap3A_460 : vector<1x1x16xf32> to vector<16xf32>
      %swap3A_462 = vector.shape_cast %broadcast_in_dim3A_455 : vector<16xf32> to vector<1x1x16xf32>
      tpu.vector_store %arg8[%swap3A_457, %swap3A_458, %swap3A_459], %swap3A_462 {strides = array<i32>} : memref<4x64x128xf32, #tpu.memory_space<vmem>>, vector<1x1x16xf32>,
      %broadcast_in_dim3A_463 = arith.constant 0.000000e+00 : f32
      %broadcast_in_dim3A_464 = vector.broadcast %broadcast_in_dim3A_463 : f32 to vector<16xf32>
      %swap3A_465 = arith.constant 0 : i32
      %swap3A_466 = arith.index_cast %swap3A_465 : i32 to index
      %swap3A_467 = arith.index_cast %add3A_446 : i32 to index
      %swap3A_468 = arith.constant 32 : index
      %swap3A_469 = tpu.vector_load %arg8[%swap3A_466, %swap3A_467, %swap3A_468] {strides = array<i32>} : memref<4x64x128xf32, #tpu.memory_space<vmem>>, vector<1x1x16xf32>,
      %swap3A_470 = vector.shape_cast %swap3A_469 : vector<1x1x16xf32> to vector<16xf32>
      %swap3A_471 = vector.shape_cast %broadcast_in_dim3A_464 : vector<16xf32> to vector<1x1x16xf32>
      tpu.vector_store %arg8[%swap3A_466, %swap3A_467, %swap3A_468], %swap3A_471 {strides = array<i32>} : memref<4x64x128xf32, #tpu.memory_space<vmem>>, vector<1x1x16xf32>,
      %broadcast_in_dim3A_472 = arith.constant 0.000000e+00 : f32
      %broadcast_in_dim3A_473 = vector.broadcast %broadcast_in_dim3A_472 : f32 to vector<16xf32>
      %swap3A_474 = arith.constant 0 : i32
      %swap3A_475 = arith.index_cast %swap3A_474 : i32 to index
      %swap3A_476 = arith.index_cast %add3A_446 : i32 to index
      %swap3A_477 = arith.constant 48 : index
      %swap3A_478 = tpu.vector_load %arg8[%swap3A_475, %swap3A_476, %swap3A_477] {strides = array<i32>} : memref<4x64x128xf32, #tpu.memory_space<vmem>>, vector<1x1x16xf32>,
      %swap3A_479 = vector.shape_cast %swap3A_478 : vector<1x1x16xf32> to vector<16xf32>
      %swap3A_480 = vector.shape_cast %broadcast_in_dim3A_473 : vector<16xf32> to vector<1x1x16xf32>
      tpu.vector_store %arg8[%swap3A_475, %swap3A_476, %swap3A_477], %swap3A_480 {strides = array<i32>} : memref<4x64x128xf32, #tpu.memory_space<vmem>>, vector<1x1x16xf32>,
      %broadcast_in_dim3A_481 = arith.constant 0.000000e+00 : f32
      %broadcast_in_dim3A_482 = vector.broadcast %broadcast_in_dim3A_481 : f32 to vector<16xf32>
      %swap3A_483 = arith.constant 0 : i32
      %swap3A_484 = arith.index_cast %swap3A_483 : i32 to index
      %swap3A_485 = arith.index_cast %add3A_446 : i32 to index
      %swap3A_486 = arith.constant 64 : index
      %swap3A_487 = tpu.vector_load %arg8[%swap3A_484, %swap3A_485, %swap3A_486] {strides = array<i32>} : memref<4x64x128xf32, #tpu.memory_space<vmem>>, vector<1x1x16xf32>,
      %swap3A_488 = vector.shape_cast %swap3A_487 : vector<1x1x16xf32> to vector<16xf32>
      %swap3A_489 = vector.shape_cast %broadcast_in_dim3A_482 : vector<16xf32> to vector<1x1x16xf32>
      tpu.vector_store %arg8[%swap3A_484, %swap3A_485, %swap3A_486], %swap3A_489 {strides = array<i32>} : memref<4x64x128xf32, #tpu.memory_space<vmem>>, vector<1x1x16xf32>,
      %broadcast_in_dim3A_490 = arith.constant 0.000000e+00 : f32
      %broadcast_in_dim3A_491 = vector.broadcast %broadcast_in_dim3A_490 : f32 to vector<16xf32>
      %swap3A_492 = arith.constant 0 : i32
      %swap3A_493 = arith.index_cast %swap3A_492 : i32 to index
      %swap3A_494 = arith.index_cast %add3A_446 : i32 to index
      %swap3A_495 = arith.constant 80 : index
      %swap3A_496 = tpu.vector_load %arg8[%swap3A_493, %swap3A_494, %swap3A_495] {strides = array<i32>} : memref<4x64x128xf32, #tpu.memory_space<vmem>>, vector<1x1x16xf32>,
      %swap3A_497 = vector.shape_cast %swap3A_496 : vector<1x1x16xf32> to vector<16xf32>
      %swap3A_498 = vector.shape_cast %broadcast_in_dim3A_491 : vector<16xf32> to vector<1x1x16xf32>
      tpu.vector_store %arg8[%swap3A_493, %swap3A_494, %swap3A_495], %swap3A_498 {strides = array<i32>} : memref<4x64x128xf32, #tpu.memory_space<vmem>>, vector<1x1x16xf32>,
      %broadcast_in_dim3A_499 = arith.constant 0.000000e+00 : f32
      %broadcast_in_dim3A_500 = vector.broadcast %broadcast_in_dim3A_499 : f32 to vector<16xf32>
      %swap3A_501 = arith.constant 0 : i32
      %swap3A_502 = arith.index_cast %swap3A_501 : i32 to index
      %swap3A_503 = arith.index_cast %add3A_446 : i32 to index
      %swap3A_504 = arith.constant 96 : index
      %swap3A_505 = tpu.vector_load %arg8[%swap3A_502, %swap3A_503, %swap3A_504] {strides = array<i32>} : memref<4x64x128xf32, #tpu.memory_space<vmem>>, vector<1x1x16xf32>,
      %swap3A_506 = vector.shape_cast %swap3A_505 : vector<1x1x16xf32> to vector<16xf32>
      %swap3A_507 = vector.shape_cast %broadcast_in_dim3A_500 : vector<16xf32> to vector<1x1x16xf32>
      tpu.vector_store %arg8[%swap3A_502, %swap3A_503, %swap3A_504], %swap3A_507 {strides = array<i32>} : memref<4x64x128xf32, #tpu.memory_space<vmem>>, vector<1x1x16xf32>,
      %broadcast_in_dim3A_508 = arith.constant 0.000000e+00 : f32
      %broadcast_in_dim3A_509 = vector.broadcast %broadcast_in_dim3A_508 : f32 to vector<16xf32>
      %swap3A_510 = arith.constant 0 : i32
      %swap3A_511 = arith.index_cast %swap3A_510 : i32 to index
      %swap3A_512 = arith.index_cast %add3A_446 : i32 to index
      %swap3A_513 = arith.constant 112 : index
      %swap3A_514 = tpu.vector_load %arg8[%swap3A_511, %swap3A_512, %swap3A_513] {strides = array<i32>} : memref<4x64x128xf32, #tpu.memory_space<vmem>>, vector<1x1x16xf32>,
      %swap3A_515 = vector.shape_cast %swap3A_514 : vector<1x1x16xf32> to vector<16xf32>
      %swap3A_516 = vector.shape_cast %broadcast_in_dim3A_509 : vector<16xf32> to vector<1x1x16xf32>
      tpu.vector_store %arg8[%swap3A_511, %swap3A_512, %swap3A_513], %swap3A_516 {strides = array<i32>} : memref<4x64x128xf32, #tpu.memory_space<vmem>>, vector<1x1x16xf32>,
    }
    %scan3A_3 = arith.constant 64 : i32
    %mul3A = arith.constant 640 : i32
    %mul3A_4 = arith.muli %arg1, %mul3A : i32
    %add3A = arith.constant 0 : i32
    %add3A_5 = arith.addi %mul3A_4, %add3A : i32
    %run_scoped3A = arith.constant 0 : i32
    "tpu.region"() ({
      %run_scoped3A_442 = tpu.sem_alloc : memref<!tpu.dma_semaphore, #tpu.memory_space<semaphore_mem>>
      %dma_start3A_443 = arith.constant 0 : i32
      %dma_start3A_444 = arith.constant 0 : i32
      %dma_start3A_445 = tpu.memref_slice %arg8[%run_scoped3A, %dma_start3A_443, %dma_start3A_444] : memref<4x64x128xf32, #tpu.memory_space<vmem>> -> memref<1x64x128xf32, #tpu.memory_space<vmem>>
      %dma_start3A_446 = tpu.memref_squeeze %dma_start3A_445 : memref<1x64x128xf32, #tpu.memory_space<vmem>> -> memref<64x128xf32, #tpu.memory_space<vmem>>
      %dma_start3A_447 = arith.constant 0 : i32
      %dma_start3A_448 = tpu.memref_slice %arg9[%add3A_5, %dma_start3A_447] : memref<10240x128xf32, #tpu.memory_space<vmem_shared>> -> memref<64x128xf32, #tpu.memory_space<vmem_shared>>
      %dma_start3A_449 = arith.constant 0 : i32
      %dma_start3A_450 = tpu.memref_slice %arg9[%add3A_5, %dma_start3A_449] : memref<10240x128xf32, #tpu.memory_space<vmem_shared>> -> memref<64x128xf32, #tpu.memory_space<vmem_shared>>
      %dma_start3A_451 = arith.constant 0 : i32
      %dma_start3A_452 = arith.constant 0 : i32
      %dma_start3A_453 = tpu.memref_slice %arg8[%run_scoped3A, %dma_start3A_451, %dma_start3A_452] : memref<4x64x128xf32, #tpu.memory_space<vmem>> -> memref<1x64x128xf32, #tpu.memory_space<vmem>>
      %dma_start3A_454 = tpu.memref_squeeze %dma_start3A_453 : memref<1x64x128xf32, #tpu.memory_space<vmem>> -> memref<64x128xf32, #tpu.memory_space<vmem>>
      tpu.enqueue_dma source(%dma_start3A_454 : memref<64x128xf32, #tpu.memory_space<vmem>>) target(%dma_start3A_450 : memref<64x128xf32, #tpu.memory_space<vmem_shared>>) target_semaphore(%run_scoped3A_442 : memref<!tpu.dma_semaphore, #tpu.memory_space<semaphore_mem>>)
      %dma_wait3A_455 = arith.constant 0 : i32
      %dma_wait3A_456 = arith.constant 0 : i32
      %dma_wait3A_457 = tpu.memref_slice %arg8[%run_scoped3A, %dma_wait3A_455, %dma_wait3A_456] : memref<4x64x128xf32, #tpu.memory_space<vmem>> -> memref<1x64x128xf32, #tpu.memory_space<vmem>>
      %dma_wait3A_458 = tpu.memref_squeeze %dma_wait3A_457 : memref<1x64x128xf32, #tpu.memory_space<vmem>> -> memref<64x128xf32, #tpu.memory_space<vmem>>
      %dma_wait3A_459 = arith.constant 0 : i32
      %dma_wait3A_460 = tpu.memref_slice %arg9[%add3A_5, %dma_wait3A_459] : memref<10240x128xf32, #tpu.memory_space<vmem_shared>> -> memref<64x128xf32, #tpu.memory_space<vmem_shared>>
      %dma_wait3A_461 = arith.constant 0 : i32
      %dma_wait3A_462 = tpu.memref_slice %arg9[%add3A_5, %dma_wait3A_461] : memref<10240x128xf32, #tpu.memory_space<vmem_shared>> -> memref<64x128xf32, #tpu.memory_space<vmem_shared>>
      %dma_wait3A_463 = arith.constant 0 : i32
      %dma_wait3A_464 = arith.constant 0 : i32
      %dma_wait3A_465 = tpu.memref_slice %arg8[%run_scoped3A, %dma_wait3A_463, %dma_wait3A_464] : memref<4x64x128xf32, #tpu.memory_space<vmem>> -> memref<1x64x128xf32, #tpu.memory_space<vmem>>
      %dma_wait3A_466 = tpu.memref_squeeze %dma_wait3A_465 : memref<1x64x128xf32, #tpu.memory_space<vmem>> -> memref<64x128xf32, #tpu.memory_space<vmem>>
      tpu.wait_dma2 semaphore(%run_scoped3A_442 : memref<!tpu.dma_semaphore, #tpu.memory_space<semaphore_mem>>) src(%dma_wait3A_466 : memref<64x128xf32, #tpu.memory_space<vmem>>) dst(%dma_wait3A_462 : memref<64x128xf32, #tpu.memory_space<vmem_shared>>)
      tpu.yield
    }) : () -> ()
    %add3A_6 = arith.constant 64 : i32
    %add3A_7 = arith.addi %mul3A_4, %add3A_6 : i32
    %run_scoped3A_8 = arith.constant 0 : i32
    "tpu.region"() ({
      %run_scoped3A_442 = tpu.sem_alloc : memref<!tpu.dma_semaphore, #tpu.memory_space<semaphore_mem>>
      %dma_start3A_443 = arith.constant 0 : i32
      %dma_start3A_444 = arith.constant 0 : i32
      %dma_start3A_445 = tpu.memref_slice %arg8[%run_scoped3A_8, %dma_start3A_443, %dma_start3A_444] : memref<4x64x128xf32, #tpu.memory_space<vmem>> -> memref<1x64x128xf32, #tpu.memory_space<vmem>>
      %dma_start3A_446 = tpu.memref_squeeze %dma_start3A_445 : memref<1x64x128xf32, #tpu.memory_space<vmem>> -> memref<64x128xf32, #tpu.memory_space<vmem>>
      %dma_start3A_447 = arith.constant 0 : i32
      %dma_start3A_448 = tpu.memref_slice %arg9[%add3A_7, %dma_start3A_447] : memref<10240x128xf32, #tpu.memory_space<vmem_shared>> -> memref<64x128xf32, #tpu.memory_space<vmem_shared>>
      %dma_start3A_449 = arith.constant 0 : i32
      %dma_start3A_450 = tpu.memref_slice %arg9[%add3A_7, %dma_start3A_449] : memref<10240x128xf32, #tpu.memory_space<vmem_shared>> -> memref<64x128xf32, #tpu.memory_space<vmem_shared>>
      %dma_start3A_451 = arith.constant 0 : i32
      %dma_start3A_452 = arith.constant 0 : i32
      %dma_start3A_453 = tpu.memref_slice %arg8[%run_scoped3A_8, %dma_start3A_451, %dma_start3A_452] : memref<4x64x128xf32, #tpu.memory_space<vmem>> -> memref<1x64x128xf32, #tpu.memory_space<vmem>>
      %dma_start3A_454 = tpu.memref_squeeze %dma_start3A_453 : memref<1x64x128xf32, #tpu.memory_space<vmem>> -> memref<64x128xf32, #tpu.memory_space<vmem>>
      tpu.enqueue_dma source(%dma_start3A_454 : memref<64x128xf32, #tpu.memory_space<vmem>>) target(%dma_start3A_450 : memref<64x128xf32, #tpu.memory_space<vmem_shared>>) target_semaphore(%run_scoped3A_442 : memref<!tpu.dma_semaphore, #tpu.memory_space<semaphore_mem>>)
      %dma_wait3A_455 = arith.constant 0 : i32
      %dma_wait3A_456 = arith.constant 0 : i32
      %dma_wait3A_457 = tpu.memref_slice %arg8[%run_scoped3A_8, %dma_wait3A_455, %dma_wait3A_456] : memref<4x64x128xf32, #tpu.memory_space<vmem>> -> memref<1x64x128xf32, #tpu.memory_space<vmem>>
      %dma_wait3A_458 = tpu.memref_squeeze %dma_wait3A_457 : memref<1x64x128xf32, #tpu.memory_space<vmem>> -> memref<64x128xf32, #tpu.memory_space<vmem>>
      %dma_wait3A_459 = arith.constant 0 : i32
      %dma_wait3A_460 = tpu.memref_slice %arg9[%add3A_7, %dma_wait3A_459] : memref<10240x128xf32, #tpu.memory_space<vmem_shared>> -> memref<64x128xf32, #tpu.memory_space<vmem_shared>>
      %dma_wait3A_461 = arith.constant 0 : i32
      %dma_wait3A_462 = tpu.memref_slice %arg9[%add3A_7, %dma_wait3A_461] : memref<10240x128xf32, #tpu.memory_space<vmem_shared>> -> memref<64x128xf32, #tpu.memory_space<vmem_shared>>
      %dma_wait3A_463 = arith.constant 0 : i32
      %dma_wait3A_464 = arith.constant 0 : i32
      %dma_wait3A_465 = tpu.memref_slice %arg8[%run_scoped3A_8, %dma_wait3A_463, %dma_wait3A_464] : memref<4x64x128xf32, #tpu.memory_space<vmem>> -> memref<1x64x128xf32, #tpu.memory_space<vmem>>
      %dma_wait3A_466 = tpu.memref_squeeze %dma_wait3A_465 : memref<1x64x128xf32, #tpu.memory_space<vmem>> -> memref<64x128xf32, #tpu.memory_space<vmem>>
      tpu.wait_dma2 semaphore(%run_scoped3A_442 : memref<!tpu.dma_semaphore, #tpu.memory_space<semaphore_mem>>) src(%dma_wait3A_466 : memref<64x128xf32, #tpu.memory_space<vmem>>) dst(%dma_wait3A_462 : memref<64x128xf32, #tpu.memory_space<vmem_shared>>)
      tpu.yield
    }) : () -> ()
    %add3A_9 = arith.constant 128 : i32
    %add3A_10 = arith.addi %mul3A_4, %add3A_9 : i32
    %run_scoped3A_11 = arith.constant 0 : i32
    "tpu.region"() ({
      %run_scoped3A_442 = tpu.sem_alloc : memref<!tpu.dma_semaphore, #tpu.memory_space<semaphore_mem>>
      %dma_start3A_443 = arith.constant 0 : i32
      %dma_start3A_444 = arith.constant 0 : i32
      %dma_start3A_445 = tpu.memref_slice %arg8[%run_scoped3A_11, %dma_start3A_443, %dma_start3A_444] : memref<4x64x128xf32, #tpu.memory_space<vmem>> -> memref<1x64x128xf32, #tpu.memory_space<vmem>>
      %dma_start3A_446 = tpu.memref_squeeze %dma_start3A_445 : memref<1x64x128xf32, #tpu.memory_space<vmem>> -> memref<64x128xf32, #tpu.memory_space<vmem>>
      %dma_start3A_447 = arith.constant 0 : i32
      %dma_start3A_448 = tpu.memref_slice %arg9[%add3A_10, %dma_start3A_447] : memref<10240x128xf32, #tpu.memory_space<vmem_shared>> -> memref<64x128xf32, #tpu.memory_space<vmem_shared>>
      %dma_start3A_449 = arith.constant 0 : i32
      %dma_start3A_450 = tpu.memref_slice %arg9[%add3A_10, %dma_start3A_449] : memref<10240x128xf32, #tpu.memory_space<vmem_shared>> -> memref<64x128xf32, #tpu.memory_space<vmem_shared>>
      %dma_start3A_451 = arith.constant 0 : i32
      %dma_start3A_452 = arith.constant 0 : i32
      %dma_start3A_453 = tpu.memref_slice %arg8[%run_scoped3A_11, %dma_start3A_451, %dma_start3A_452] : memref<4x64x128xf32, #tpu.memory_space<vmem>> -> memref<1x64x128xf32, #tpu.memory_space<vmem>>
      %dma_start3A_454 = tpu.memref_squeeze %dma_start3A_453 : memref<1x64x128xf32, #tpu.memory_space<vmem>> -> memref<64x128xf32, #tpu.memory_space<vmem>>
      tpu.enqueue_dma source(%dma_start3A_454 : memref<64x128xf32, #tpu.memory_space<vmem>>) target(%dma_start3A_450 : memref<64x128xf32, #tpu.memory_space<vmem_shared>>) target_semaphore(%run_scoped3A_442 : memref<!tpu.dma_semaphore, #tpu.memory_space<semaphore_mem>>)
      %dma_wait3A_455 = arith.constant 0 : i32
      %dma_wait3A_456 = arith.constant 0 : i32
      %dma_wait3A_457 = tpu.memref_slice %arg8[%run_scoped3A_11, %dma_wait3A_455, %dma_wait3A_456] : memref<4x64x128xf32, #tpu.memory_space<vmem>> -> memref<1x64x128xf32, #tpu.memory_space<vmem>>
      %dma_wait3A_458 = tpu.memref_squeeze %dma_wait3A_457 : memref<1x64x128xf32, #tpu.memory_space<vmem>> -> memref<64x128xf32, #tpu.memory_space<vmem>>
      %dma_wait3A_459 = arith.constant 0 : i32
      %dma_wait3A_460 = tpu.memref_slice %arg9[%add3A_10, %dma_wait3A_459] : memref<10240x128xf32, #tpu.memory_space<vmem_shared>> -> memref<64x128xf32, #tpu.memory_space<vmem_shared>>
      %dma_wait3A_461 = arith.constant 0 : i32
      %dma_wait3A_462 = tpu.memref_slice %arg9[%add3A_10, %dma_wait3A_461] : memref<10240x128xf32, #tpu.memory_space<vmem_shared>> -> memref<64x128xf32, #tpu.memory_space<vmem_shared>>
      %dma_wait3A_463 = arith.constant 0 : i32
      %dma_wait3A_464 = arith.constant 0 : i32
      %dma_wait3A_465 = tpu.memref_slice %arg8[%run_scoped3A_11, %dma_wait3A_463, %dma_wait3A_464] : memref<4x64x128xf32, #tpu.memory_space<vmem>> -> memref<1x64x128xf32, #tpu.memory_space<vmem>>
      %dma_wait3A_466 = tpu.memref_squeeze %dma_wait3A_465 : memref<1x64x128xf32, #tpu.memory_space<vmem>> -> memref<64x128xf32, #tpu.memory_space<vmem>>
      tpu.wait_dma2 semaphore(%run_scoped3A_442 : memref<!tpu.dma_semaphore, #tpu.memory_space<semaphore_mem>>) src(%dma_wait3A_466 : memref<64x128xf32, #tpu.memory_space<vmem>>) dst(%dma_wait3A_462 : memref<64x128xf32, #tpu.memory_space<vmem_shared>>)
      tpu.yield
    }) : () -> ()
    %add3A_12 = arith.constant 192 : i32
    %add3A_13 = arith.addi %mul3A_4, %add3A_12 : i32
    %run_scoped3A_14 = arith.constant 0 : i32
    "tpu.region"() ({
      %run_scoped3A_442 = tpu.sem_alloc : memref<!tpu.dma_semaphore, #tpu.memory_space<semaphore_mem>>
      %dma_start3A_443 = arith.constant 0 : i32
      %dma_start3A_444 = arith.constant 0 : i32
      %dma_start3A_445 = tpu.memref_slice %arg8[%run_scoped3A_14, %dma_start3A_443, %dma_start3A_444] : memref<4x64x128xf32, #tpu.memory_space<vmem>> -> memref<1x64x128xf32, #tpu.memory_space<vmem>>
      %dma_start3A_446 = tpu.memref_squeeze %dma_start3A_445 : memref<1x64x128xf32, #tpu.memory_space<vmem>> -> memref<64x128xf32, #tpu.memory_space<vmem>>
      %dma_start3A_447 = arith.constant 0 : i32
      %dma_start3A_448 = tpu.memref_slice %arg9[%add3A_13, %dma_start3A_447] : memref<10240x128xf32, #tpu.memory_space<vmem_shared>> -> memref<64x128xf32, #tpu.memory_space<vmem_shared>>
      %dma_start3A_449 = arith.constant 0 : i32
      %dma_start3A_450 = tpu.memref_slice %arg9[%add3A_13, %dma_start3A_449] : memref<10240x128xf32, #tpu.memory_space<vmem_shared>> -> memref<64x128xf32, #tpu.memory_space<vmem_shared>>
      %dma_start3A_451 = arith.constant 0 : i32
      %dma_start3A_452 = arith.constant 0 : i32
      %dma_start3A_453 = tpu.memref_slice %arg8[%run_scoped3A_14, %dma_start3A_451, %dma_start3A_452] : memref<4x64x128xf32, #tpu.memory_space<vmem>> -> memref<1x64x128xf32, #tpu.memory_space<vmem>>
      %dma_start3A_454 = tpu.memref_squeeze %dma_start3A_453 : memref<1x64x128xf32, #tpu.memory_space<vmem>> -> memref<64x128xf32, #tpu.memory_space<vmem>>
      tpu.enqueue_dma source(%dma_start3A_454 : memref<64x128xf32, #tpu.memory_space<vmem>>) target(%dma_start3A_450 : memref<64x128xf32, #tpu.memory_space<vmem_shared>>) target_semaphore(%run_scoped3A_442 : memref<!tpu.dma_semaphore, #tpu.memory_space<semaphore_mem>>)
      %dma_wait3A_455 = arith.constant 0 : i32
      %dma_wait3A_456 = arith.constant 0 : i32
      %dma_wait3A_457 = tpu.memref_slice %arg8[%run_scoped3A_14, %dma_wait3A_455, %dma_wait3A_456] : memref<4x64x128xf32, #tpu.memory_space<vmem>> -> memref<1x64x128xf32, #tpu.memory_space<vmem>>
      %dma_wait3A_458 = tpu.memref_squeeze %dma_wait3A_457 : memref<1x64x128xf32, #tpu.memory_space<vmem>> -> memref<64x128xf32, #tpu.memory_space<vmem>>
      %dma_wait3A_459 = arith.constant 0 : i32
      %dma_wait3A_460 = tpu.memref_slice %arg9[%add3A_13, %dma_wait3A_459] : memref<10240x128xf32, #tpu.memory_space<vmem_shared>> -> memref<64x128xf32, #tpu.memory_space<vmem_shared>>
      %dma_wait3A_461 = arith.constant 0 : i32
      %dma_wait3A_462 = tpu.memref_slice %arg9[%add3A_13, %dma_wait3A_461] : memref<10240x128xf32, #tpu.memory_space<vmem_shared>> -> memref<64x128xf32, #tpu.memory_space<vmem_shared>>
      %dma_wait3A_463 = arith.constant 0 : i32
      %dma_wait3A_464 = arith.constant 0 : i32
      %dma_wait3A_465 = tpu.memref_slice %arg8[%run_scoped3A_14, %dma_wait3A_463, %dma_wait3A_464] : memref<4x64x128xf32, #tpu.memory_space<vmem>> -> memref<1x64x128xf32, #tpu.memory_space<vmem>>
      %dma_wait3A_466 = tpu.memref_squeeze %dma_wait3A_465 : memref<1x64x128xf32, #tpu.memory_space<vmem>> -> memref<64x128xf32, #tpu.memory_space<vmem>>
      tpu.wait_dma2 semaphore(%run_scoped3A_442 : memref<!tpu.dma_semaphore, #tpu.memory_space<semaphore_mem>>) src(%dma_wait3A_466 : memref<64x128xf32, #tpu.memory_space<vmem>>) dst(%dma_wait3A_462 : memref<64x128xf32, #tpu.memory_space<vmem_shared>>)
      tpu.yield
    }) : () -> ()
    %add3A_15 = arith.constant 256 : i32
    %add3A_16 = arith.addi %mul3A_4, %add3A_15 : i32
    %run_scoped3A_17 = arith.constant 0 : i32
    "tpu.region"() ({
      %run_scoped3A_442 = tpu.sem_alloc : memref<!tpu.dma_semaphore, #tpu.memory_space<semaphore_mem>>
      %dma_start3A_443 = arith.constant 0 : i32
      %dma_start3A_444 = arith.constant 0 : i32
      %dma_start3A_445 = tpu.memref_slice %arg8[%run_scoped3A_17, %dma_start3A_443, %dma_start3A_444] : memref<4x64x128xf32, #tpu.memory_space<vmem>> -> memref<1x64x128xf32, #tpu.memory_space<vmem>>
      %dma_start3A_446 = tpu.memref_squeeze %dma_start3A_445 : memref<1x64x128xf32, #tpu.memory_space<vmem>> -> memref<64x128xf32, #tpu.memory_space<vmem>>
      %dma_start3A_447 = arith.constant 0 : i32
      %dma_start3A_448 = tpu.memref_slice %arg9[%add3A_16, %dma_start3A_447] : memref<10240x128xf32, #tpu.memory_space<vmem_shared>> -> memref<64x128xf32, #tpu.memory_space<vmem_shared>>
      %dma_start3A_449 = arith.constant 0 : i32
      %dma_start3A_450 = tpu.memref_slice %arg9[%add3A_16, %dma_start3A_449] : memref<10240x128xf32, #tpu.memory_space<vmem_shared>> -> memref<64x128xf32, #tpu.memory_space<vmem_shared>>
      %dma_start3A_451 = arith.constant 0 : i32
      %dma_start3A_452 = arith.constant 0 : i32
      %dma_start3A_453 = tpu.memref_slice %arg8[%run_scoped3A_17, %dma_start3A_451, %dma_start3A_452] : memref<4x64x128xf32, #tpu.memory_space<vmem>> -> memref<1x64x128xf32, #tpu.memory_space<vmem>>
      %dma_start3A_454 = tpu.memref_squeeze %dma_start3A_453 : memref<1x64x128xf32, #tpu.memory_space<vmem>> -> memref<64x128xf32, #tpu.memory_space<vmem>>
      tpu.enqueue_dma source(%dma_start3A_454 : memref<64x128xf32, #tpu.memory_space<vmem>>) target(%dma_start3A_450 : memref<64x128xf32, #tpu.memory_space<vmem_shared>>) target_semaphore(%run_scoped3A_442 : memref<!tpu.dma_semaphore, #tpu.memory_space<semaphore_mem>>)
      %dma_wait3A_455 = arith.constant 0 : i32
      %dma_wait3A_456 = arith.constant 0 : i32
      %dma_wait3A_457 = tpu.memref_slice %arg8[%run_scoped3A_17, %dma_wait3A_455, %dma_wait3A_456] : memref<4x64x128xf32, #tpu.memory_space<vmem>> -> memref<1x64x128xf32, #tpu.memory_space<vmem>>
      %dma_wait3A_458 = tpu.memref_squeeze %dma_wait3A_457 : memref<1x64x128xf32, #tpu.memory_space<vmem>> -> memref<64x128xf32, #tpu.memory_space<vmem>>
      %dma_wait3A_459 = arith.constant 0 : i32
      %dma_wait3A_460 = tpu.memref_slice %arg9[%add3A_16, %dma_wait3A_459] : memref<10240x128xf32, #tpu.memory_space<vmem_shared>> -> memref<64x128xf32, #tpu.memory_space<vmem_shared>>
      %dma_wait3A_461 = arith.constant 0 : i32
      %dma_wait3A_462 = tpu.memref_slice %arg9[%add3A_16, %dma_wait3A_461] : memref<10240x128xf32, #tpu.memory_space<vmem_shared>> -> memref<64x128xf32, #tpu.memory_space<vmem_shared>>
      %dma_wait3A_463 = arith.constant 0 : i32
      %dma_wait3A_464 = arith.constant 0 : i32
      %dma_wait3A_465 = tpu.memref_slice %arg8[%run_scoped3A_17, %dma_wait3A_463, %dma_wait3A_464] : memref<4x64x128xf32, #tpu.memory_space<vmem>> -> memref<1x64x128xf32, #tpu.memory_space<vmem>>
      %dma_wait3A_466 = tpu.memref_squeeze %dma_wait3A_465 : memref<1x64x128xf32, #tpu.memory_space<vmem>> -> memref<64x128xf32, #tpu.memory_space<vmem>>
      tpu.wait_dma2 semaphore(%run_scoped3A_442 : memref<!tpu.dma_semaphore, #tpu.memory_space<semaphore_mem>>) src(%dma_wait3A_466 : memref<64x128xf32, #tpu.memory_space<vmem>>) dst(%dma_wait3A_462 : memref<64x128xf32, #tpu.memory_space<vmem_shared>>)
      tpu.yield
    }) : () -> ()
    %add3A_18 = arith.constant 320 : i32
    %add3A_19 = arith.addi %mul3A_4, %add3A_18 : i32
    %run_scoped3A_20 = arith.constant 0 : i32
    "tpu.region"() ({
      %run_scoped3A_442 = tpu.sem_alloc : memref<!tpu.dma_semaphore, #tpu.memory_space<semaphore_mem>>
      %dma_start3A_443 = arith.constant 0 : i32
      %dma_start3A_444 = arith.constant 0 : i32
      %dma_start3A_445 = tpu.memref_slice %arg8[%run_scoped3A_20, %dma_start3A_443, %dma_start3A_444] : memref<4x64x128xf32, #tpu.memory_space<vmem>> -> memref<1x64x128xf32, #tpu.memory_space<vmem>>
      %dma_start3A_446 = tpu.memref_squeeze %dma_start3A_445 : memref<1x64x128xf32, #tpu.memory_space<vmem>> -> memref<64x128xf32, #tpu.memory_space<vmem>>
      %dma_start3A_447 = arith.constant 0 : i32
      %dma_start3A_448 = tpu.memref_slice %arg9[%add3A_19, %dma_start3A_447] : memref<10240x128xf32, #tpu.memory_space<vmem_shared>> -> memref<64x128xf32, #tpu.memory_space<vmem_shared>>
      %dma_start3A_449 = arith.constant 0 : i32
      %dma_start3A_450 = tpu.memref_slice %arg9[%add3A_19, %dma_start3A_449] : memref<10240x128xf32, #tpu.memory_space<vmem_shared>> -> memref<64x128xf32, #tpu.memory_space<vmem_shared>>
      %dma_start3A_451 = arith.constant 0 : i32
      %dma_start3A_452 = arith.constant 0 : i32
      %dma_start3A_453 = tpu.memref_slice %arg8[%run_scoped3A_20, %dma_start3A_451, %dma_start3A_452] : memref<4x64x128xf32, #tpu.memory_space<vmem>> -> memref<1x64x128xf32, #tpu.memory_space<vmem>>
      %dma_start3A_454 = tpu.memref_squeeze %dma_start3A_453 : memref<1x64x128xf32, #tpu.memory_space<vmem>> -> memref<64x128xf32, #tpu.memory_space<vmem>>
      tpu.enqueue_dma source(%dma_start3A_454 : memref<64x128xf32, #tpu.memory_space<vmem>>) target(%dma_start3A_450 : memref<64x128xf32, #tpu.memory_space<vmem_shared>>) target_semaphore(%run_scoped3A_442 : memref<!tpu.dma_semaphore, #tpu.memory_space<semaphore_mem>>)
      %dma_wait3A_455 = arith.constant 0 : i32
      %dma_wait3A_456 = arith.constant 0 : i32
      %dma_wait3A_457 = tpu.memref_slice %arg8[%run_scoped3A_20, %dma_wait3A_455, %dma_wait3A_456] : memref<4x64x128xf32, #tpu.memory_space<vmem>> -> memref<1x64x128xf32, #tpu.memory_space<vmem>>
      %dma_wait3A_458 = tpu.memref_squeeze %dma_wait3A_457 : memref<1x64x128xf32, #tpu.memory_space<vmem>> -> memref<64x128xf32, #tpu.memory_space<vmem>>
      %dma_wait3A_459 = arith.constant 0 : i32
      %dma_wait3A_460 = tpu.memref_slice %arg9[%add3A_19, %dma_wait3A_459] : memref<10240x128xf32, #tpu.memory_space<vmem_shared>> -> memref<64x128xf32, #tpu.memory_space<vmem_shared>>
      %dma_wait3A_461 = arith.constant 0 : i32
      %dma_wait3A_462 = tpu.memref_slice %arg9[%add3A_19, %dma_wait3A_461] : memref<10240x128xf32, #tpu.memory_space<vmem_shared>> -> memref<64x128xf32, #tpu.memory_space<vmem_shared>>
      %dma_wait3A_463 = arith.constant 0 : i32
      %dma_wait3A_464 = arith.constant 0 : i32
      %dma_wait3A_465 = tpu.memref_slice %arg8[%run_scoped3A_20, %dma_wait3A_463, %dma_wait3A_464] : memref<4x64x128xf32, #tpu.memory_space<vmem>> -> memref<1x64x128xf32, #tpu.memory_space<vmem>>
      %dma_wait3A_466 = tpu.memref_squeeze %dma_wait3A_465 : memref<1x64x128xf32, #tpu.memory_space<vmem>> -> memref<64x128xf32, #tpu.memory_space<vmem>>
      tpu.wait_dma2 semaphore(%run_scoped3A_442 : memref<!tpu.dma_semaphore, #tpu.memory_space<semaphore_mem>>) src(%dma_wait3A_466 : memref<64x128xf32, #tpu.memory_space<vmem>>) dst(%dma_wait3A_462 : memref<64x128xf32, #tpu.memory_space<vmem_shared>>)
      tpu.yield
    }) : () -> ()
    %add3A_21 = arith.constant 384 : i32
    %add3A_22 = arith.addi %mul3A_4, %add3A_21 : i32
    %run_scoped3A_23 = arith.constant 0 : i32
    "tpu.region"() ({
      %run_scoped3A_442 = tpu.sem_alloc : memref<!tpu.dma_semaphore, #tpu.memory_space<semaphore_mem>>
      %dma_start3A_443 = arith.constant 0 : i32
      %dma_start3A_444 = arith.constant 0 : i32
      %dma_start3A_445 = tpu.memref_slice %arg8[%run_scoped3A_23, %dma_start3A_443, %dma_start3A_444] : memref<4x64x128xf32, #tpu.memory_space<vmem>> -> memref<1x64x128xf32, #tpu.memory_space<vmem>>
      %dma_start3A_446 = tpu.memref_squeeze %dma_start3A_445 : memref<1x64x128xf32, #tpu.memory_space<vmem>> -> memref<64x128xf32, #tpu.memory_space<vmem>>
      %dma_start3A_447 = arith.constant 0 : i32
      %dma_start3A_448 = tpu.memref_slice %arg9[%add3A_22, %dma_start3A_447] : memref<10240x128xf32, #tpu.memory_space<vmem_shared>> -> memref<64x128xf32, #tpu.memory_space<vmem_shared>>
      %dma_start3A_449 = arith.constant 0 : i32
      %dma_start3A_450 = tpu.memref_slice %arg9[%add3A_22, %dma_start3A_449] : memref<10240x128xf32, #tpu.memory_space<vmem_shared>> -> memref<64x128xf32, #tpu.memory_space<vmem_shared>>
      %dma_start3A_451 = arith.constant 0 : i32
      %dma_start3A_452 = arith.constant 0 : i32
      %dma_start3A_453 = tpu.memref_slice %arg8[%run_scoped3A_23, %dma_start3A_451, %dma_start3A_452] : memref<4x64x128xf32, #tpu.memory_space<vmem>> -> memref<1x64x128xf32, #tpu.memory_space<vmem>>
      %dma_start3A_454 = tpu.memref_squeeze %dma_start3A_453 : memref<1x64x128xf32, #tpu.memory_space<vmem>> -> memref<64x128xf32, #tpu.memory_space<vmem>>
      tpu.enqueue_dma source(%dma_start3A_454 : memref<64x128xf32, #tpu.memory_space<vmem>>) target(%dma_start3A_450 : memref<64x128xf32, #tpu.memory_space<vmem_shared>>) target_semaphore(%run_scoped3A_442 : memref<!tpu.dma_semaphore, #tpu.memory_space<semaphore_mem>>)
      %dma_wait3A_455 = arith.constant 0 : i32
      %dma_wait3A_456 = arith.constant 0 : i32
      %dma_wait3A_457 = tpu.memref_slice %arg8[%run_scoped3A_23, %dma_wait3A_455, %dma_wait3A_456] : memref<4x64x128xf32, #tpu.memory_space<vmem>> -> memref<1x64x128xf32, #tpu.memory_space<vmem>>
      %dma_wait3A_458 = tpu.memref_squeeze %dma_wait3A_457 : memref<1x64x128xf32, #tpu.memory_space<vmem>> -> memref<64x128xf32, #tpu.memory_space<vmem>>
      %dma_wait3A_459 = arith.constant 0 : i32
      %dma_wait3A_460 = tpu.memref_slice %arg9[%add3A_22, %dma_wait3A_459] : memref<10240x128xf32, #tpu.memory_space<vmem_shared>> -> memref<64x128xf32, #tpu.memory_space<vmem_shared>>
      %dma_wait3A_461 = arith.constant 0 : i32
      %dma_wait3A_462 = tpu.memref_slice %arg9[%add3A_22, %dma_wait3A_461] : memref<10240x128xf32, #tpu.memory_space<vmem_shared>> -> memref<64x128xf32, #tpu.memory_space<vmem_shared>>
      %dma_wait3A_463 = arith.constant 0 : i32
      %dma_wait3A_464 = arith.constant 0 : i32
      %dma_wait3A_465 = tpu.memref_slice %arg8[%run_scoped3A_23, %dma_wait3A_463, %dma_wait3A_464] : memref<4x64x128xf32, #tpu.memory_space<vmem>> -> memref<1x64x128xf32, #tpu.memory_space<vmem>>
      %dma_wait3A_466 = tpu.memref_squeeze %dma_wait3A_465 : memref<1x64x128xf32, #tpu.memory_space<vmem>> -> memref<64x128xf32, #tpu.memory_space<vmem>>
      tpu.wait_dma2 semaphore(%run_scoped3A_442 : memref<!tpu.dma_semaphore, #tpu.memory_space<semaphore_mem>>) src(%dma_wait3A_466 : memref<64x128xf32, #tpu.memory_space<vmem>>) dst(%dma_wait3A_462 : memref<64x128xf32, #tpu.memory_space<vmem_shared>>)
      tpu.yield
    }) : () -> ()
    %add3A_24 = arith.constant 448 : i32
    %add3A_25 = arith.addi %mul3A_4, %add3A_24 : i32
    %run_scoped3A_26 = arith.constant 0 : i32
    "tpu.region"() ({
      %run_scoped3A_442 = tpu.sem_alloc : memref<!tpu.dma_semaphore, #tpu.memory_space<semaphore_mem>>
      %dma_start3A_443 = arith.constant 0 : i32
      %dma_start3A_444 = arith.constant 0 : i32
      %dma_start3A_445 = tpu.memref_slice %arg8[%run_scoped3A_26, %dma_start3A_443, %dma_start3A_444] : memref<4x64x128xf32, #tpu.memory_space<vmem>> -> memref<1x64x128xf32, #tpu.memory_space<vmem>>
      %dma_start3A_446 = tpu.memref_squeeze %dma_start3A_445 : memref<1x64x128xf32, #tpu.memory_space<vmem>> -> memref<64x128xf32, #tpu.memory_space<vmem>>
      %dma_start3A_447 = arith.constant 0 : i32
      %dma_start3A_448 = tpu.memref_slice %arg9[%add3A_25, %dma_start3A_447] : memref<10240x128xf32, #tpu.memory_space<vmem_shared>> -> memref<64x128xf32, #tpu.memory_space<vmem_shared>>
      %dma_start3A_449 = arith.constant 0 : i32
      %dma_start3A_450 = tpu.memref_slice %arg9[%add3A_25, %dma_start3A_449] : memref<10240x128xf32, #tpu.memory_space<vmem_shared>> -> memref<64x128xf32, #tpu.memory_space<vmem_shared>>
      %dma_start3A_451 = arith.constant 0 : i32
      %dma_start3A_452 = arith.constant 0 : i32
      %dma_start3A_453 = tpu.memref_slice %arg8[%run_scoped3A_26, %dma_start3A_451, %dma_start3A_452] : memref<4x64x128xf32, #tpu.memory_space<vmem>> -> memref<1x64x128xf32, #tpu.memory_space<vmem>>
      %dma_start3A_454 = tpu.memref_squeeze %dma_start3A_453 : memref<1x64x128xf32, #tpu.memory_space<vmem>> -> memref<64x128xf32, #tpu.memory_space<vmem>>
      tpu.enqueue_dma source(%dma_start3A_454 : memref<64x128xf32, #tpu.memory_space<vmem>>) target(%dma_start3A_450 : memref<64x128xf32, #tpu.memory_space<vmem_shared>>) target_semaphore(%run_scoped3A_442 : memref<!tpu.dma_semaphore, #tpu.memory_space<semaphore_mem>>)
      %dma_wait3A_455 = arith.constant 0 : i32
      %dma_wait3A_456 = arith.constant 0 : i32
      %dma_wait3A_457 = tpu.memref_slice %arg8[%run_scoped3A_26, %dma_wait3A_455, %dma_wait3A_456] : memref<4x64x128xf32, #tpu.memory_space<vmem>> -> memref<1x64x128xf32, #tpu.memory_space<vmem>>
      %dma_wait3A_458 = tpu.memref_squeeze %dma_wait3A_457 : memref<1x64x128xf32, #tpu.memory_space<vmem>> -> memref<64x128xf32, #tpu.memory_space<vmem>>
      %dma_wait3A_459 = arith.constant 0 : i32
      %dma_wait3A_460 = tpu.memref_slice %arg9[%add3A_25, %dma_wait3A_459] : memref<10240x128xf32, #tpu.memory_space<vmem_shared>> -> memref<64x128xf32, #tpu.memory_space<vmem_shared>>
      %dma_wait3A_461 = arith.constant 0 : i32
      %dma_wait3A_462 = tpu.memref_slice %arg9[%add3A_25, %dma_wait3A_461] : memref<10240x128xf32, #tpu.memory_space<vmem_shared>> -> memref<64x128xf32, #tpu.memory_space<vmem_shared>>
      %dma_wait3A_463 = arith.constant 0 : i32
      %dma_wait3A_464 = arith.constant 0 : i32
      %dma_wait3A_465 = tpu.memref_slice %arg8[%run_scoped3A_26, %dma_wait3A_463, %dma_wait3A_464] : memref<4x64x128xf32, #tpu.memory_space<vmem>> -> memref<1x64x128xf32, #tpu.memory_space<vmem>>
      %dma_wait3A_466 = tpu.memref_squeeze %dma_wait3A_465 : memref<1x64x128xf32, #tpu.memory_space<vmem>> -> memref<64x128xf32, #tpu.memory_space<vmem>>
      tpu.wait_dma2 semaphore(%run_scoped3A_442 : memref<!tpu.dma_semaphore, #tpu.memory_space<semaphore_mem>>) src(%dma_wait3A_466 : memref<64x128xf32, #tpu.memory_space<vmem>>) dst(%dma_wait3A_462 : memref<64x128xf32, #tpu.memory_space<vmem_shared>>)
      tpu.yield
    }) : () -> ()
    %add3A_27 = arith.constant 512 : i32
    %add3A_28 = arith.addi %mul3A_4, %add3A_27 : i32
    %run_scoped3A_29 = arith.constant 0 : i32
    "tpu.region"() ({
      %run_scoped3A_442 = tpu.sem_alloc : memref<!tpu.dma_semaphore, #tpu.memory_space<semaphore_mem>>
      %dma_start3A_443 = arith.constant 0 : i32
      %dma_start3A_444 = arith.constant 0 : i32
      %dma_start3A_445 = tpu.memref_slice %arg8[%run_scoped3A_29, %dma_start3A_443, %dma_start3A_444] : memref<4x64x128xf32, #tpu.memory_space<vmem>> -> memref<1x64x128xf32, #tpu.memory_space<vmem>>
      %dma_start3A_446 = tpu.memref_squeeze %dma_start3A_445 : memref<1x64x128xf32, #tpu.memory_space<vmem>> -> memref<64x128xf32, #tpu.memory_space<vmem>>
      %dma_start3A_447 = arith.constant 0 : i32
      %dma_start3A_448 = tpu.memref_slice %arg9[%add3A_28, %dma_start3A_447] : memref<10240x128xf32, #tpu.memory_space<vmem_shared>> -> memref<64x128xf32, #tpu.memory_space<vmem_shared>>
      %dma_start3A_449 = arith.constant 0 : i32
      %dma_start3A_450 = tpu.memref_slice %arg9[%add3A_28, %dma_start3A_449] : memref<10240x128xf32, #tpu.memory_space<vmem_shared>> -> memref<64x128xf32, #tpu.memory_space<vmem_shared>>
      %dma_start3A_451 = arith.constant 0 : i32
      %dma_start3A_452 = arith.constant 0 : i32
      %dma_start3A_453 = tpu.memref_slice %arg8[%run_scoped3A_29, %dma_start3A_451, %dma_start3A_452] : memref<4x64x128xf32, #tpu.memory_space<vmem>> -> memref<1x64x128xf32, #tpu.memory_space<vmem>>
      %dma_start3A_454 = tpu.memref_squeeze %dma_start3A_453 : memref<1x64x128xf32, #tpu.memory_space<vmem>> -> memref<64x128xf32, #tpu.memory_space<vmem>>
      tpu.enqueue_dma source(%dma_start3A_454 : memref<64x128xf32, #tpu.memory_space<vmem>>) target(%dma_start3A_450 : memref<64x128xf32, #tpu.memory_space<vmem_shared>>) target_semaphore(%run_scoped3A_442 : memref<!tpu.dma_semaphore, #tpu.memory_space<semaphore_mem>>)
      %dma_wait3A_455 = arith.constant 0 : i32
      %dma_wait3A_456 = arith.constant 0 : i32
      %dma_wait3A_457 = tpu.memref_slice %arg8[%run_scoped3A_29, %dma_wait3A_455, %dma_wait3A_456] : memref<4x64x128xf32, #tpu.memory_space<vmem>> -> memref<1x64x128xf32, #tpu.memory_space<vmem>>
      %dma_wait3A_458 = tpu.memref_squeeze %dma_wait3A_457 : memref<1x64x128xf32, #tpu.memory_space<vmem>> -> memref<64x128xf32, #tpu.memory_space<vmem>>
      %dma_wait3A_459 = arith.constant 0 : i32
      %dma_wait3A_460 = tpu.memref_slice %arg9[%add3A_28, %dma_wait3A_459] : memref<10240x128xf32, #tpu.memory_space<vmem_shared>> -> memref<64x128xf32, #tpu.memory_space<vmem_shared>>
      %dma_wait3A_461 = arith.constant 0 : i32
      %dma_wait3A_462 = tpu.memref_slice %arg9[%add3A_28, %dma_wait3A_461] : memref<10240x128xf32, #tpu.memory_space<vmem_shared>> -> memref<64x128xf32, #tpu.memory_space<vmem_shared>>
      %dma_wait3A_463 = arith.constant 0 : i32
      %dma_wait3A_464 = arith.constant 0 : i32
      %dma_wait3A_465 = tpu.memref_slice %arg8[%run_scoped3A_29, %dma_wait3A_463, %dma_wait3A_464] : memref<4x64x128xf32, #tpu.memory_space<vmem>> -> memref<1x64x128xf32, #tpu.memory_space<vmem>>
      %dma_wait3A_466 = tpu.memref_squeeze %dma_wait3A_465 : memref<1x64x128xf32, #tpu.memory_space<vmem>> -> memref<64x128xf32, #tpu.memory_space<vmem>>
      tpu.wait_dma2 semaphore(%run_scoped3A_442 : memref<!tpu.dma_semaphore, #tpu.memory_space<semaphore_mem>>) src(%dma_wait3A_466 : memref<64x128xf32, #tpu.memory_space<vmem>>) dst(%dma_wait3A_462 : memref<64x128xf32, #tpu.memory_space<vmem_shared>>)
      tpu.yield
    }) : () -> ()
    %add3A_30 = arith.constant 576 : i32
    %add3A_31 = arith.addi %mul3A_4, %add3A_30 : i32
    %run_scoped3A_32 = arith.constant 0 : i32
    "tpu.region"() ({
      %run_scoped3A_442 = tpu.sem_alloc : memref<!tpu.dma_semaphore, #tpu.memory_space<semaphore_mem>>
      %dma_start3A_443 = arith.constant 0 : i32
      %dma_start3A_444 = arith.constant 0 : i32
      %dma_start3A_445 = tpu.memref_slice %arg8[%run_scoped3A_32, %dma_start3A_443, %dma_start3A_444] : memref<4x64x128xf32, #tpu.memory_space<vmem>> -> memref<1x64x128xf32, #tpu.memory_space<vmem>>
      %dma_start3A_446 = tpu.memref_squeeze %dma_start3A_445 : memref<1x64x128xf32, #tpu.memory_space<vmem>> -> memref<64x128xf32, #tpu.memory_space<vmem>>
      %dma_start3A_447 = arith.constant 0 : i32
      %dma_start3A_448 = tpu.memref_slice %arg9[%add3A_31, %dma_start3A_447] : memref<10240x128xf32, #tpu.memory_space<vmem_shared>> -> memref<64x128xf32, #tpu.memory_space<vmem_shared>>
      %dma_start3A_449 = arith.constant 0 : i32
      %dma_start3A_450 = tpu.memref_slice %arg9[%add3A_31, %dma_start3A_449] : memref<10240x128xf32, #tpu.memory_space<vmem_shared>> -> memref<64x128xf32, #tpu.memory_space<vmem_shared>>
      %dma_start3A_451 = arith.constant 0 : i32
      %dma_start3A_452 = arith.constant 0 : i32
      %dma_start3A_453 = tpu.memref_slice %arg8[%run_scoped3A_32, %dma_start3A_451, %dma_start3A_452] : memref<4x64x128xf32, #tpu.memory_space<vmem>> -> memref<1x64x128xf32, #tpu.memory_space<vmem>>
      %dma_start3A_454 = tpu.memref_squeeze %dma_start3A_453 : memref<1x64x128xf32, #tpu.memory_space<vmem>> -> memref<64x128xf32, #tpu.memory_space<vmem>>
      tpu.enqueue_dma source(%dma_start3A_454 : memref<64x128xf32, #tpu.memory_space<vmem>>) target(%dma_start3A_450 : memref<64x128xf32, #tpu.memory_space<vmem_shared>>) target_semaphore(%run_scoped3A_442 : memref<!tpu.dma_semaphore, #tpu.memory_space<semaphore_mem>>)
      %dma_wait3A_455 = arith.constant 0 : i32
      %dma_wait3A_456 = arith.constant 0 : i32
      %dma_wait3A_457 = tpu.memref_slice %arg8[%run_scoped3A_32, %dma_wait3A_455, %dma_wait3A_456] : memref<4x64x128xf32, #tpu.memory_space<vmem>> -> memref<1x64x128xf32, #tpu.memory_space<vmem>>
      %dma_wait3A_458 = tpu.memref_squeeze %dma_wait3A_457 : memref<1x64x128xf32, #tpu.memory_space<vmem>> -> memref<64x128xf32, #tpu.memory_space<vmem>>
      %dma_wait3A_459 = arith.constant 0 : i32
      %dma_wait3A_460 = tpu.memref_slice %arg9[%add3A_31, %dma_wait3A_459] : memref<10240x128xf32, #tpu.memory_space<vmem_shared>> -> memref<64x128xf32, #tpu.memory_space<vmem_shared>>
      %dma_wait3A_461 = arith.constant 0 : i32
      %dma_wait3A_462 = tpu.memref_slice %arg9[%add3A_31, %dma_wait3A_461] : memref<10240x128xf32, #tpu.memory_space<vmem_shared>> -> memref<64x128xf32, #tpu.memory_space<vmem_shared>>
      %dma_wait3A_463 = arith.constant 0 : i32
      %dma_wait3A_464 = arith.constant 0 : i32
      %dma_wait3A_465 = tpu.memref_slice %arg8[%run_scoped3A_32, %dma_wait3A_463, %dma_wait3A_464] : memref<4x64x128xf32, #tpu.memory_space<vmem>> -> memref<1x64x128xf32, #tpu.memory_space<vmem>>
      %dma_wait3A_466 = tpu.memref_squeeze %dma_wait3A_465 : memref<1x64x128xf32, #tpu.memory_space<vmem>> -> memref<64x128xf32, #tpu.memory_space<vmem>>
      tpu.wait_dma2 semaphore(%run_scoped3A_442 : memref<!tpu.dma_semaphore, #tpu.memory_space<semaphore_mem>>) src(%dma_wait3A_466 : memref<64x128xf32, #tpu.memory_space<vmem>>) dst(%dma_wait3A_462 : memref<64x128xf32, #tpu.memory_space<vmem_shared>>)
      tpu.yield
    }) : () -> ()
    %barrier3A = arith.constant 0 : index
    tpu.barrier barrier_id(%barrier3A)
    %mul3A_33 = arith.constant 16 : i32
    %mul3A_34 = arith.muli %arg0, %mul3A_33 : i32
    %add3A_35 = arith.addi %mul3A_34, %arg1 : i32
    %mul3A_36 = arith.constant 160 : i32
    %mul3A_37 = arith.muli %add3A_35, %mul3A_36 : i32
    %add3A_38 = arith.constant 0 : i32
    %add3A_39 = arith.addi %mul3A_37, %add3A_38 : i32
    "tpu.region"() ({
      %run_scoped3A_442 = tpu.sem_alloc : memref<!tpu.dma_semaphore, #tpu.memory_space<semaphore_mem>>
      %dma_start3A_443 = arith.constant 0 : i32
      %dma_start3A_444 = arith.constant 0 : i32
      %dma_start3A_445 = tpu.memref_slice %arg6[%dma_start3A_443, %dma_start3A_444] : memref<8x64xi32, #tpu.memory_space<vmem>> -> memref<4x64xi32, #tpu.memory_space<vmem>>
      %dma_start3A_446 = arith.constant 0 : i32
      %dma_start3A_447 = tpu.memref_slice %arg3[%add3A_39, %dma_start3A_446] : memref<5120x64xi32, #tpu.memory_space<hbm>> -> memref<4x64xi32, #tpu.memory_space<hbm>>
      %dma_start3A_448 = arith.constant 0 : i32
      %dma_start3A_449 = arith.constant 0 : i32
      %dma_start3A_450 = tpu.memref_slice %arg6[%dma_start3A_448, %dma_start3A_449] : memref<8x64xi32, #tpu.memory_space<vmem>> -> memref<4x64xi32, #tpu.memory_space<vmem>>
      %dma_start3A_451 = arith.constant 0 : i32
      %dma_start3A_452 = tpu.memref_slice %arg3[%add3A_39, %dma_start3A_451] : memref<5120x64xi32, #tpu.memory_space<hbm>> -> memref<4x64xi32, #tpu.memory_space<hbm>>
      tpu.enqueue_dma source(%dma_start3A_452 : memref<4x64xi32, #tpu.memory_space<hbm>>) target(%dma_start3A_450 : memref<4x64xi32, #tpu.memory_space<vmem>>) target_semaphore(%run_scoped3A_442 : memref<!tpu.dma_semaphore, #tpu.memory_space<semaphore_mem>>)
      %dma_wait3A_453 = arith.constant 0 : i32
      %dma_wait3A_454 = arith.constant 0 : i32
      %dma_wait3A_455 = tpu.memref_slice %arg6[%dma_wait3A_453, %dma_wait3A_454] : memref<8x64xi32, #tpu.memory_space<vmem>> -> memref<4x64xi32, #tpu.memory_space<vmem>>
      %dma_wait3A_456 = arith.constant 0 : i32
      %dma_wait3A_457 = tpu.memref_slice %arg3[%add3A_39, %dma_wait3A_456] : memref<5120x64xi32, #tpu.memory_space<hbm>> -> memref<4x64xi32, #tpu.memory_space<hbm>>
      %dma_wait3A_458 = arith.constant 0 : i32
      %dma_wait3A_459 = arith.constant 0 : i32
      %dma_wait3A_460 = tpu.memref_slice %arg6[%dma_wait3A_458, %dma_wait3A_459] : memref<8x64xi32, #tpu.memory_space<vmem>> -> memref<4x64xi32, #tpu.memory_space<vmem>>
      %dma_wait3A_461 = arith.constant 0 : i32
      %dma_wait3A_462 = tpu.memref_slice %arg3[%add3A_39, %dma_wait3A_461] : memref<5120x64xi32, #tpu.memory_space<hbm>> -> memref<4x64xi32, #tpu.memory_space<hbm>>
      tpu.wait_dma2 semaphore(%run_scoped3A_442 : memref<!tpu.dma_semaphore, #tpu.memory_space<semaphore_mem>>) src(%dma_wait3A_462 : memref<4x64xi32, #tpu.memory_space<hbm>>) dst(%dma_wait3A_460 : memref<4x64xi32, #tpu.memory_space<vmem>>)
      tpu.yield
    }) : () -> ()
    %add3A_40 = arith.constant 0 : i32
    %add3A_41 = arith.addi %mul3A_37, %add3A_40 : i32
    "tpu.region"() ({
      %run_scoped3A_442 = tpu.sem_alloc : memref<!tpu.dma_semaphore, #tpu.memory_space<semaphore_mem>>
      %dma_start3A_443 = arith.constant 0 : i32
      %dma_start3A_444 = arith.constant 0 : i32
      %dma_start3A_445 = tpu.memref_slice %arg7[%dma_start3A_443, %dma_start3A_444] : memref<8x64xi32, #tpu.memory_space<vmem>> -> memref<4x64xi32, #tpu.memory_space<vmem>>
      %dma_start3A_446 = arith.constant 0 : i32
      %dma_start3A_447 = tpu.memref_slice %arg4[%add3A_41, %dma_start3A_446] : memref<5120x64xi32, #tpu.memory_space<hbm>> -> memref<4x64xi32, #tpu.memory_space<hbm>>
      %dma_start3A_448 = arith.constant 0 : i32
      %dma_start3A_449 = arith.constant 0 : i32
      %dma_start3A_450 = tpu.memref_slice %arg7[%dma_start3A_448, %dma_start3A_449] : memref<8x64xi32, #tpu.memory_space<vmem>> -> memref<4x64xi32, #tpu.memory_space<vmem>>
      %dma_start3A_451 = arith.constant 0 : i32
      %dma_start3A_452 = tpu.memref_slice %arg4[%add3A_41, %dma_start3A_451] : memref<5120x64xi32, #tpu.memory_space<hbm>> -> memref<4x64xi32, #tpu.memory_space<hbm>>
      tpu.enqueue_dma source(%dma_start3A_452 : memref<4x64xi32, #tpu.memory_space<hbm>>) target(%dma_start3A_450 : memref<4x64xi32, #tpu.memory_space<vmem>>) target_semaphore(%run_scoped3A_442 : memref<!tpu.dma_semaphore, #tpu.memory_space<semaphore_mem>>)
      %dma_wait3A_453 = arith.constant 0 : i32
      %dma_wait3A_454 = arith.constant 0 : i32
      %dma_wait3A_455 = tpu.memref_slice %arg7[%dma_wait3A_453, %dma_wait3A_454] : memref<8x64xi32, #tpu.memory_space<vmem>> -> memref<4x64xi32, #tpu.memory_space<vmem>>
      %dma_wait3A_456 = arith.constant 0 : i32
      %dma_wait3A_457 = tpu.memref_slice %arg4[%add3A_41, %dma_wait3A_456] : memref<5120x64xi32, #tpu.memory_space<hbm>> -> memref<4x64xi32, #tpu.memory_space<hbm>>
      %dma_wait3A_458 = arith.constant 0 : i32
      %dma_wait3A_459 = arith.constant 0 : i32
      %dma_wait3A_460 = tpu.memref_slice %arg7[%dma_wait3A_458, %dma_wait3A_459] : memref<8x64xi32, #tpu.memory_space<vmem>> -> memref<4x64xi32, #tpu.memory_space<vmem>>
      %dma_wait3A_461 = arith.constant 0 : i32
      %dma_wait3A_462 = tpu.memref_slice %arg4[%add3A_41, %dma_wait3A_461] : memref<5120x64xi32, #tpu.memory_space<hbm>> -> memref<4x64xi32, #tpu.memory_space<hbm>>
      tpu.wait_dma2 semaphore(%run_scoped3A_442 : memref<!tpu.dma_semaphore, #tpu.memory_space<semaphore_mem>>) src(%dma_wait3A_462 : memref<4x64xi32, #tpu.memory_space<hbm>>) dst(%dma_wait3A_460 : memref<4x64xi32, #tpu.memory_space<vmem>>)
      tpu.yield
    }) : () -> ()
    %dma_start3A = arith.constant 0 : i32
    %dma_start3A_42 = arith.constant 0 : i32
    %dma_start3A_43 = arith.constant 0 : i32
    %dma_start3A_44 = arith.constant 0 : i32
    %dma_start3A_45 = tpu.memref_slice %arg8[%dma_start3A_42, %dma_start3A_43, %dma_start3A_44] : memref<4x64x128xf32, #tpu.memory_space<vmem>> -> memref<1x64x128xf32, #tpu.memory_space<vmem>>
    %dma_start3A_46 = tpu.memref_squeeze %dma_start3A_45 : memref<1x64x128xf32, #tpu.memory_space<vmem>> -> memref<64x128xf32, #tpu.memory_space<vmem>>
    %dma_start3A_47 = arith.constant 0 : i32
    %dma_start3A_48 = tpu.memref_slice %arg6[%dma_start3A, %dma_start3A_47] : memref<8x64xi32, #tpu.memory_space<vmem>> -> memref<1x64xi32, #tpu.memory_space<vmem>>
    %dma_start3A_49 = tpu.memref_squeeze %dma_start3A_48 : memref<1x64xi32, #tpu.memory_space<vmem>> -> memref<64xi32, #tpu.memory_space<vmem>>
    %dma_start3A_50 = arith.constant 0 : i32
    %dma_start3A_51 = arith.constant 0 : i32
    %dma_start3A_52 = tpu.memref_slice %arg2[%dma_start3A_50, %dma_start3A_51] : memref<10000x128xf32, #tpu.memory_space<hbm>> -> memref<10000x128xf32, #tpu.memory_space<hbm>>
    tpu.enqueue_indirect_dma source(%dma_start3A_52 : memref<10000x128xf32, #tpu.memory_space<hbm>>) target(%dma_start3A_46 : memref<64x128xf32, #tpu.memory_space<vmem>>) offsets(%dma_start3A_49 : memref<64xi32, #tpu.memory_space<vmem>>) semaphore(%arg10 : memref<!tpu.dma_semaphore, #tpu.memory_space<semaphore_mem>>)
    %dma_start3A_53 = arith.constant 1 : i32
    %dma_start3A_54 = arith.constant 1 : i32
    %dma_start3A_55 = arith.constant 0 : i32
    %dma_start3A_56 = arith.constant 0 : i32
    %dma_start3A_57 = tpu.memref_slice %arg8[%dma_start3A_54, %dma_start3A_55, %dma_start3A_56] : memref<4x64x128xf32, #tpu.memory_space<vmem>> -> memref<1x64x128xf32, #tpu.memory_space<vmem>>
    %dma_start3A_58 = tpu.memref_squeeze %dma_start3A_57 : memref<1x64x128xf32, #tpu.memory_space<vmem>> -> memref<64x128xf32, #tpu.memory_space<vmem>>
    %dma_start3A_59 = arith.constant 0 : i32
    %dma_start3A_60 = tpu.memref_slice %arg6[%dma_start3A_53, %dma_start3A_59] : memref<8x64xi32, #tpu.memory_space<vmem>> -> memref<1x64xi32, #tpu.memory_space<vmem>>
    %dma_start3A_61 = tpu.memref_squeeze %dma_start3A_60 : memref<1x64xi32, #tpu.memory_space<vmem>> -> memref<64xi32, #tpu.memory_space<vmem>>
    %dma_start3A_62 = arith.constant 0 : i32
    %dma_start3A_63 = arith.constant 0 : i32
    %dma_start3A_64 = tpu.memref_slice %arg2[%dma_start3A_62, %dma_start3A_63] : memref<10000x128xf32, #tpu.memory_space<hbm>> -> memref<10000x128xf32, #tpu.memory_space<hbm>>
    tpu.enqueue_indirect_dma source(%dma_start3A_64 : memref<10000x128xf32, #tpu.memory_space<hbm>>) target(%dma_start3A_58 : memref<64x128xf32, #tpu.memory_space<vmem>>) offsets(%dma_start3A_61 : memref<64xi32, #tpu.memory_space<vmem>>) semaphore(%arg11 : memref<!tpu.dma_semaphore, #tpu.memory_space<semaphore_mem>>)
    %dma_wait3A = arith.constant 0 : i32
    %dma_wait3A_65 = arith.constant 0 : i32
    %dma_wait3A_66 = arith.constant 0 : i32
    %dma_wait3A_67 = arith.constant 0 : i32
    %dma_wait3A_68 = tpu.memref_slice %arg8[%dma_wait3A_65, %dma_wait3A_66, %dma_wait3A_67] : memref<4x64x128xf32, #tpu.memory_space<vmem>> -> memref<1x64x128xf32, #tpu.memory_space<vmem>>
    %dma_wait3A_69 = tpu.memref_squeeze %dma_wait3A_68 : memref<1x64x128xf32, #tpu.memory_space<vmem>> -> memref<64x128xf32, #tpu.memory_space<vmem>>
    %dma_wait3A_70 = arith.constant 0 : i32
    %dma_wait3A_71 = tpu.memref_slice %arg6[%dma_wait3A, %dma_wait3A_70] : memref<8x64xi32, #tpu.memory_space<vmem>> -> memref<1x64xi32, #tpu.memory_space<vmem>>
    %dma_wait3A_72 = tpu.memref_squeeze %dma_wait3A_71 : memref<1x64xi32, #tpu.memory_space<vmem>> -> memref<64xi32, #tpu.memory_space<vmem>>
    %dma_wait3A_73 = arith.constant 0 : i32
    %dma_wait3A_74 = arith.constant 0 : i32
    %dma_wait3A_75 = tpu.memref_slice %arg2[%dma_wait3A_73, %dma_wait3A_74] : memref<10000x128xf32, #tpu.memory_space<hbm>> -> memref<10000x128xf32, #tpu.memory_space<hbm>>
    tpu.wait_indirect_dma semaphore(%arg10 : memref<!tpu.dma_semaphore, #tpu.memory_space<semaphore_mem>>) src(%dma_wait3A_75 : memref<10000x128xf32, #tpu.memory_space<hbm>>) dst(%dma_wait3A_69 : memref<64x128xf32, #tpu.memory_space<vmem>>)
    %dma_start3A_76 = arith.constant 0 : i32
    %dma_start3A_77 = arith.constant 0 : i32
    %dma_start3A_78 = arith.constant 0 : i32
    %dma_start3A_79 = arith.constant 0 : i32
    %dma_start3A_80 = tpu.memref_slice %arg8[%dma_start3A_76, %dma_start3A_78, %dma_start3A_79] : memref<4x64x128xf32, #tpu.memory_space<vmem>> -> memref<1x64x128xf32, #tpu.memory_space<vmem>>
    %dma_start3A_81 = tpu.memref_squeeze %dma_start3A_80 : memref<1x64x128xf32, #tpu.memory_space<vmem>> -> memref<64x128xf32, #tpu.memory_space<vmem>>
    %dma_start3A_82 = arith.constant 0 : i32
    %dma_start3A_83 = tpu.memref_slice %arg7[%dma_start3A_77, %dma_start3A_82] : memref<8x64xi32, #tpu.memory_space<vmem>> -> memref<1x64xi32, #tpu.memory_space<vmem>>
    %dma_start3A_84 = tpu.memref_squeeze %dma_start3A_83 : memref<1x64xi32, #tpu.memory_space<vmem>> -> memref<64xi32, #tpu.memory_space<vmem>>
    %dma_start3A_85 = arith.constant 0 : i32
    %dma_start3A_86 = arith.constant 0 : i32
    %dma_start3A_87 = tpu.memref_slice %arg9[%dma_start3A_85, %dma_start3A_86] : memref<10240x128xf32, #tpu.memory_space<vmem_shared>> -> memref<10240x128xf32, #tpu.memory_space<vmem_shared>>
    tpu.enqueue_indirect_dma source(%dma_start3A_81 : memref<64x128xf32, #tpu.memory_space<vmem>>) target(%dma_start3A_87 : memref<10240x128xf32, #tpu.memory_space<vmem_shared>>) offsets(%dma_start3A_84 : memref<64xi32, #tpu.memory_space<vmem>>) semaphore(%arg14 : memref<!tpu.dma_semaphore, #tpu.memory_space<semaphore_mem>>) {add = true}
    %dma_start3A_88 = arith.constant 2 : i32
    %dma_start3A_89 = arith.constant 2 : i32
    %dma_start3A_90 = arith.constant 0 : i32
    %dma_start3A_91 = arith.constant 0 : i32
    %dma_start3A_92 = tpu.memref_slice %arg8[%dma_start3A_89, %dma_start3A_90, %dma_start3A_91] : memref<4x64x128xf32, #tpu.memory_space<vmem>> -> memref<1x64x128xf32, #tpu.memory_space<vmem>>
    %dma_start3A_93 = tpu.memref_squeeze %dma_start3A_92 : memref<1x64x128xf32, #tpu.memory_space<vmem>> -> memref<64x128xf32, #tpu.memory_space<vmem>>
    %dma_start3A_94 = arith.constant 0 : i32
    %dma_start3A_95 = tpu.memref_slice %arg6[%dma_start3A_88, %dma_start3A_94] : memref<8x64xi32, #tpu.memory_space<vmem>> -> memref<1x64xi32, #tpu.memory_space<vmem>>
    %dma_start3A_96 = tpu.memref_squeeze %dma_start3A_95 : memref<1x64xi32, #tpu.memory_space<vmem>> -> memref<64xi32, #tpu.memory_space<vmem>>
    %dma_start3A_97 = arith.constant 0 : i32
    %dma_start3A_98 = arith.constant 0 : i32
    %dma_start3A_99 = tpu.memref_slice %arg2[%dma_start3A_97, %dma_start3A_98] : memref<10000x128xf32, #tpu.memory_space<hbm>> -> memref<10000x128xf32, #tpu.memory_space<hbm>>
    tpu.enqueue_indirect_dma source(%dma_start3A_99 : memref<10000x128xf32, #tpu.memory_space<hbm>>) target(%dma_start3A_93 : memref<64x128xf32, #tpu.memory_space<vmem>>) offsets(%dma_start3A_96 : memref<64xi32, #tpu.memory_space<vmem>>) semaphore(%arg12 : memref<!tpu.dma_semaphore, #tpu.memory_space<semaphore_mem>>)
    %dma_wait3A_100 = arith.constant 0 : i32
    %dma_wait3A_101 = arith.constant 1 : i32
    %dma_wait3A_102 = arith.constant 0 : i32
    %dma_wait3A_103 = arith.constant 0 : i32
    %dma_wait3A_104 = tpu.memref_slice %arg8[%dma_wait3A_101, %dma_wait3A_102, %dma_wait3A_103] : memref<4x64x128xf32, #tpu.memory_space<vmem>> -> memref<1x64x128xf32, #tpu.memory_space<vmem>>
    %dma_wait3A_105 = tpu.memref_squeeze %dma_wait3A_104 : memref<1x64x128xf32, #tpu.memory_space<vmem>> -> memref<64x128xf32, #tpu.memory_space<vmem>>
    %dma_wait3A_106 = arith.constant 0 : i32
    %dma_wait3A_107 = tpu.memref_slice %arg6[%dma_wait3A_100, %dma_wait3A_106] : memref<8x64xi32, #tpu.memory_space<vmem>> -> memref<1x64xi32, #tpu.memory_space<vmem>>
    %dma_wait3A_108 = tpu.memref_squeeze %dma_wait3A_107 : memref<1x64xi32, #tpu.memory_space<vmem>> -> memref<64xi32, #tpu.memory_space<vmem>>
    %dma_wait3A_109 = arith.constant 0 : i32
    %dma_wait3A_110 = arith.constant 0 : i32
    %dma_wait3A_111 = tpu.memref_slice %arg2[%dma_wait3A_109, %dma_wait3A_110] : memref<10000x128xf32, #tpu.memory_space<hbm>> -> memref<10000x128xf32, #tpu.memory_space<hbm>>
    tpu.wait_indirect_dma semaphore(%arg11 : memref<!tpu.dma_semaphore, #tpu.memory_space<semaphore_mem>>) src(%dma_wait3A_111 : memref<10000x128xf32, #tpu.memory_space<hbm>>) dst(%dma_wait3A_105 : memref<64x128xf32, #tpu.memory_space<vmem>>)
    %dma_start3A_112 = arith.constant 1 : i32
    %dma_start3A_113 = arith.constant 1 : i32
    %dma_start3A_114 = arith.constant 0 : i32
    %dma_start3A_115 = arith.constant 0 : i32
    %dma_start3A_116 = tpu.memref_slice %arg8[%dma_start3A_112, %dma_start3A_114, %dma_start3A_115] : memref<4x64x128xf32, #tpu.memory_space<vmem>> -> memref<1x64x128xf32, #tpu.memory_space<vmem>>
    %dma_start3A_117 = tpu.memref_squeeze %dma_start3A_116 : memref<1x64x128xf32, #tpu.memory_space<vmem>> -> memref<64x128xf32, #tpu.memory_space<vmem>>
    %dma_start3A_118 = arith.constant 0 : i32
    %dma_start3A_119 = tpu.memref_slice %arg7[%dma_start3A_113, %dma_start3A_118] : memref<8x64xi32, #tpu.memory_space<vmem>> -> memref<1x64xi32, #tpu.memory_space<vmem>>
    %dma_start3A_120 = tpu.memref_squeeze %dma_start3A_119 : memref<1x64xi32, #tpu.memory_space<vmem>> -> memref<64xi32, #tpu.memory_space<vmem>>
    %dma_start3A_121 = arith.constant 0 : i32
    %dma_start3A_122 = arith.constant 0 : i32
    %dma_start3A_123 = tpu.memref_slice %arg9[%dma_start3A_121, %dma_start3A_122] : memref<10240x128xf32, #tpu.memory_space<vmem_shared>> -> memref<10240x128xf32, #tpu.memory_space<vmem_shared>>
    tpu.enqueue_indirect_dma source(%dma_start3A_117 : memref<64x128xf32, #tpu.memory_space<vmem>>) target(%dma_start3A_123 : memref<10240x128xf32, #tpu.memory_space<vmem_shared>>) offsets(%dma_start3A_120 : memref<64xi32, #tpu.memory_space<vmem>>) semaphore(%arg15 : memref<!tpu.dma_semaphore, #tpu.memory_space<semaphore_mem>>) {add = true}
    %dma_start3A_124 = arith.constant 3 : i32
    %dma_start3A_125 = arith.constant 3 : i32
    %dma_start3A_126 = arith.constant 0 : i32
    %dma_start3A_127 = arith.constant 0 : i32
    %dma_start3A_128 = tpu.memref_slice %arg8[%dma_start3A_125, %dma_start3A_126, %dma_start3A_127] : memref<4x64x128xf32, #tpu.memory_space<vmem>> -> memref<1x64x128xf32, #tpu.memory_space<vmem>>
    %dma_start3A_129 = tpu.memref_squeeze %dma_start3A_128 : memref<1x64x128xf32, #tpu.memory_space<vmem>> -> memref<64x128xf32, #tpu.memory_space<vmem>>
    %dma_start3A_130 = arith.constant 0 : i32
    %dma_start3A_131 = tpu.memref_slice %arg6[%dma_start3A_124, %dma_start3A_130] : memref<8x64xi32, #tpu.memory_space<vmem>> -> memref<1x64xi32, #tpu.memory_space<vmem>>
    %dma_start3A_132 = tpu.memref_squeeze %dma_start3A_131 : memref<1x64xi32, #tpu.memory_space<vmem>> -> memref<64xi32, #tpu.memory_space<vmem>>
    %dma_start3A_133 = arith.constant 0 : i32
    %dma_start3A_134 = arith.constant 0 : i32
    %dma_start3A_135 = tpu.memref_slice %arg2[%dma_start3A_133, %dma_start3A_134] : memref<10000x128xf32, #tpu.memory_space<hbm>> -> memref<10000x128xf32, #tpu.memory_space<hbm>>
    tpu.enqueue_indirect_dma source(%dma_start3A_135 : memref<10000x128xf32, #tpu.memory_space<hbm>>) target(%dma_start3A_129 : memref<64x128xf32, #tpu.memory_space<vmem>>) offsets(%dma_start3A_132 : memref<64xi32, #tpu.memory_space<vmem>>) semaphore(%arg13 : memref<!tpu.dma_semaphore, #tpu.memory_space<semaphore_mem>>)
    %add3A_136 = arith.constant 4 : i32
    %add3A_137 = arith.addi %mul3A_37, %add3A_136 : i32
    "tpu.region"() ({
      %run_scoped3A_442 = tpu.sem_alloc : memref<!tpu.dma_semaphore, #tpu.memory_space<semaphore_mem>>
      %dma_start3A_443 = arith.constant 4 : i32
      %dma_start3A_444 = arith.constant 0 : i32
      %dma_start3A_445 = tpu.memref_slice %arg6[%dma_start3A_443, %dma_start3A_444] : memref<8x64xi32, #tpu.memory_space<vmem>> -> memref<4x64xi32, #tpu.memory_space<vmem>>
      %dma_start3A_446 = arith.constant 0 : i32
      %dma_start3A_447 = tpu.memref_slice %arg3[%add3A_137, %dma_start3A_446] : memref<5120x64xi32, #tpu.memory_space<hbm>> -> memref<4x64xi32, #tpu.memory_space<hbm>>
      %dma_start3A_448 = arith.constant 4 : i32
      %dma_start3A_449 = arith.constant 0 : i32
      %dma_start3A_450 = tpu.memref_slice %arg6[%dma_start3A_448, %dma_start3A_449] : memref<8x64xi32, #tpu.memory_space<vmem>> -> memref<4x64xi32, #tpu.memory_space<vmem>>
      %dma_start3A_451 = arith.constant 0 : i32
      %dma_start3A_452 = tpu.memref_slice %arg3[%add3A_137, %dma_start3A_451] : memref<5120x64xi32, #tpu.memory_space<hbm>> -> memref<4x64xi32, #tpu.memory_space<hbm>>
      tpu.enqueue_dma source(%dma_start3A_452 : memref<4x64xi32, #tpu.memory_space<hbm>>) target(%dma_start3A_450 : memref<4x64xi32, #tpu.memory_space<vmem>>) target_semaphore(%run_scoped3A_442 : memref<!tpu.dma_semaphore, #tpu.memory_space<semaphore_mem>>)
      %dma_wait3A_453 = arith.constant 4 : i32
      %dma_wait3A_454 = arith.constant 0 : i32
      %dma_wait3A_455 = tpu.memref_slice %arg6[%dma_wait3A_453, %dma_wait3A_454] : memref<8x64xi32, #tpu.memory_space<vmem>> -> memref<4x64xi32, #tpu.memory_space<vmem>>
      %dma_wait3A_456 = arith.constant 0 : i32
      %dma_wait3A_457 = tpu.memref_slice %arg3[%add3A_137, %dma_wait3A_456] : memref<5120x64xi32, #tpu.memory_space<hbm>> -> memref<4x64xi32, #tpu.memory_space<hbm>>
      %dma_wait3A_458 = arith.constant 4 : i32
      %dma_wait3A_459 = arith.constant 0 : i32
      %dma_wait3A_460 = tpu.memref_slice %arg6[%dma_wait3A_458, %dma_wait3A_459] : memref<8x64xi32, #tpu.memory_space<vmem>> -> memref<4x64xi32, #tpu.memory_space<vmem>>
      %dma_wait3A_461 = arith.constant 0 : i32
      %dma_wait3A_462 = tpu.memref_slice %arg3[%add3A_137, %dma_wait3A_461] : memref<5120x64xi32, #tpu.memory_space<hbm>> -> memref<4x64xi32, #tpu.memory_space<hbm>>
      tpu.wait_dma2 semaphore(%run_scoped3A_442 : memref<!tpu.dma_semaphore, #tpu.memory_space<semaphore_mem>>) src(%dma_wait3A_462 : memref<4x64xi32, #tpu.memory_space<hbm>>) dst(%dma_wait3A_460 : memref<4x64xi32, #tpu.memory_space<vmem>>)
      tpu.yield
    }) : () -> ()
    %add3A_138 = arith.constant 4 : i32
    %add3A_139 = arith.addi %mul3A_37, %add3A_138 : i32
    "tpu.region"() ({
      %run_scoped3A_442 = tpu.sem_alloc : memref<!tpu.dma_semaphore, #tpu.memory_space<semaphore_mem>>
      %dma_start3A_443 = arith.constant 4 : i32
      %dma_start3A_444 = arith.constant 0 : i32
      %dma_start3A_445 = tpu.memref_slice %arg7[%dma_start3A_443, %dma_start3A_444] : memref<8x64xi32, #tpu.memory_space<vmem>> -> memref<4x64xi32, #tpu.memory_space<vmem>>
      %dma_start3A_446 = arith.constant 0 : i32
      %dma_start3A_447 = tpu.memref_slice %arg4[%add3A_139, %dma_start3A_446] : memref<5120x64xi32, #tpu.memory_space<hbm>> -> memref<4x64xi32, #tpu.memory_space<hbm>>
      %dma_start3A_448 = arith.constant 4 : i32
      %dma_start3A_449 = arith.constant 0 : i32
      %dma_start3A_450 = tpu.memref_slice %arg7[%dma_start3A_448, %dma_start3A_449] : memref<8x64xi32, #tpu.memory_space<vmem>> -> memref<4x64xi32, #tpu.memory_space<vmem>>
      %dma_start3A_451 = arith.constant 0 : i32
      %dma_start3A_452 = tpu.memref_slice %arg4[%add3A_139, %dma_start3A_451] : memref<5120x64xi32, #tpu.memory_space<hbm>> -> memref<4x64xi32, #tpu.memory_space<hbm>>
      tpu.enqueue_dma source(%dma_start3A_452 : memref<4x64xi32, #tpu.memory_space<hbm>>) target(%dma_start3A_450 : memref<4x64xi32, #tpu.memory_space<vmem>>) target_semaphore(%run_scoped3A_442 : memref<!tpu.dma_semaphore, #tpu.memory_space<semaphore_mem>>)
      %dma_wait3A_453 = arith.constant 4 : i32
      %dma_wait3A_454 = arith.constant 0 : i32
      %dma_wait3A_455 = tpu.memref_slice %arg7[%dma_wait3A_453, %dma_wait3A_454] : memref<8x64xi32, #tpu.memory_space<vmem>> -> memref<4x64xi32, #tpu.memory_space<vmem>>
      %dma_wait3A_456 = arith.constant 0 : i32
      %dma_wait3A_457 = tpu.memref_slice %arg4[%add3A_139, %dma_wait3A_456] : memref<5120x64xi32, #tpu.memory_space<hbm>> -> memref<4x64xi32, #tpu.memory_space<hbm>>
      %dma_wait3A_458 = arith.constant 4 : i32
      %dma_wait3A_459 = arith.constant 0 : i32
      %dma_wait3A_460 = tpu.memref_slice %arg7[%dma_wait3A_458, %dma_wait3A_459] : memref<8x64xi32, #tpu.memory_space<vmem>> -> memref<4x64xi32, #tpu.memory_space<vmem>>
      %dma_wait3A_461 = arith.constant 0 : i32
      %dma_wait3A_462 = tpu.memref_slice %arg4[%add3A_139, %dma_wait3A_461] : memref<5120x64xi32, #tpu.memory_space<hbm>> -> memref<4x64xi32, #tpu.memory_space<hbm>>
      tpu.wait_dma2 semaphore(%run_scoped3A_442 : memref<!tpu.dma_semaphore, #tpu.memory_space<semaphore_mem>>) src(%dma_wait3A_462 : memref<4x64xi32, #tpu.memory_space<hbm>>) dst(%dma_wait3A_460 : memref<4x64xi32, #tpu.memory_space<vmem>>)
      tpu.yield
    }) : () -> ()
    %dma_wait3A_140 = arith.constant 0 : i32
    %dma_wait3A_141 = arith.constant 2 : i32
    %dma_wait3A_142 = arith.constant 0 : i32
    %dma_wait3A_143 = arith.constant 0 : i32
    %dma_wait3A_144 = tpu.memref_slice %arg8[%dma_wait3A_141, %dma_wait3A_142, %dma_wait3A_143] : memref<4x64x128xf32, #tpu.memory_space<vmem>> -> memref<1x64x128xf32, #tpu.memory_space<vmem>>
    %dma_wait3A_145 = tpu.memref_squeeze %dma_wait3A_144 : memref<1x64x128xf32, #tpu.memory_space<vmem>> -> memref<64x128xf32, #tpu.memory_space<vmem>>
    %dma_wait3A_146 = arith.constant 0 : i32
    %dma_wait3A_147 = tpu.memref_slice %arg6[%dma_wait3A_140, %dma_wait3A_146] : memref<8x64xi32, #tpu.memory_space<vmem>> -> memref<1x64xi32, #tpu.memory_space<vmem>>
    %dma_wait3A_148 = tpu.memref_squeeze %dma_wait3A_147 : memref<1x64xi32, #tpu.memory_space<vmem>> -> memref<64xi32, #tpu.memory_space<vmem>>
    %dma_wait3A_149 = arith.constant 0 : i32
    %dma_wait3A_150 = arith.constant 0 : i32
    %dma_wait3A_151 = tpu.memref_slice %arg2[%dma_wait3A_149, %dma_wait3A_150] : memref<10000x128xf32, #tpu.memory_space<hbm>> -> memref<10000x128xf32, #tpu.memory_space<hbm>>
    tpu.wait_indirect_dma semaphore(%arg12 : memref<!tpu.dma_semaphore, #tpu.memory_space<semaphore_mem>>) src(%dma_wait3A_151 : memref<10000x128xf32, #tpu.memory_space<hbm>>) dst(%dma_wait3A_145 : memref<64x128xf32, #tpu.memory_space<vmem>>)
    %dma_start3A_152 = arith.constant 2 : i32
    %dma_start3A_153 = arith.constant 2 : i32
    %dma_start3A_154 = arith.constant 0 : i32
    %dma_start3A_155 = arith.constant 0 : i32
    %dma_start3A_156 = tpu.memref_slice %arg8[%dma_start3A_152, %dma_start3A_154, %dma_start3A_155] : memref<4x64x128xf32, #tpu.memory_space<vmem>> -> memref<1x64x128xf32, #tpu.memory_space<vmem>>
    %dma_start3A_157 = tpu.memref_squeeze %dma_start3A_156 : memref<1x64x128xf32, #tpu.memory_space<vmem>> -> memref<64x128xf32, #tpu.memory_space<vmem>>
    %dma_start3A_158 = arith.constant 0 : i32
    %dma_start3A_159 = tpu.memref_slice %arg7[%dma_start3A_153, %dma_start3A_158] : memref<8x64xi32, #tpu.memory_space<vmem>> -> memref<1x64xi32, #tpu.memory_space<vmem>>
    %dma_start3A_160 = tpu.memref_squeeze %dma_start3A_159 : memref<1x64xi32, #tpu.memory_space<vmem>> -> memref<64xi32, #tpu.memory_space<vmem>>
    %dma_start3A_161 = arith.constant 0 : i32
    %dma_start3A_162 = arith.constant 0 : i32
    %dma_start3A_163 = tpu.memref_slice %arg9[%dma_start3A_161, %dma_start3A_162] : memref<10240x128xf32, #tpu.memory_space<vmem_shared>> -> memref<10240x128xf32, #tpu.memory_space<vmem_shared>>
    tpu.enqueue_indirect_dma source(%dma_start3A_157 : memref<64x128xf32, #tpu.memory_space<vmem>>) target(%dma_start3A_163 : memref<10240x128xf32, #tpu.memory_space<vmem_shared>>) offsets(%dma_start3A_160 : memref<64xi32, #tpu.memory_space<vmem>>) semaphore(%arg16 : memref<!tpu.dma_semaphore, #tpu.memory_space<semaphore_mem>>) {add = true}
    %dma_wait3A_164 = arith.constant 0 : i32
    %dma_wait3A_165 = arith.constant 0 : i32
    %dma_wait3A_166 = arith.constant 0 : i32
    %dma_wait3A_167 = arith.constant 0 : i32
    %dma_wait3A_168 = tpu.memref_slice %arg8[%dma_wait3A_164, %dma_wait3A_166, %dma_wait3A_167] : memref<4x64x128xf32, #tpu.memory_space<vmem>> -> memref<1x64x128xf32, #tpu.memory_space<vmem>>
    %dma_wait3A_169 = tpu.memref_squeeze %dma_wait3A_168 : memref<1x64x128xf32, #tpu.memory_space<vmem>> -> memref<64x128xf32, #tpu.memory_space<vmem>>
    %dma_wait3A_170 = arith.constant 0 : i32
    %dma_wait3A_171 = tpu.memref_slice %arg7[%dma_wait3A_165, %dma_wait3A_170] : memref<8x64xi32, #tpu.memory_space<vmem>> -> memref<1x64xi32, #tpu.memory_space<vmem>>
    %dma_wait3A_172 = tpu.memref_squeeze %dma_wait3A_171 : memref<1x64xi32, #tpu.memory_space<vmem>> -> memref<64xi32, #tpu.memory_space<vmem>>
    %dma_wait3A_173 = arith.constant 0 : i32
    %dma_wait3A_174 = arith.constant 0 : i32
    %dma_wait3A_175 = tpu.memref_slice %arg9[%dma_wait3A_173, %dma_wait3A_174] : memref<10240x128xf32, #tpu.memory_space<vmem_shared>> -> memref<10240x128xf32, #tpu.memory_space<vmem_shared>>
    tpu.wait_indirect_dma semaphore(%arg14 : memref<!tpu.dma_semaphore, #tpu.memory_space<semaphore_mem>>) src(%dma_wait3A_169 : memref<64x128xf32, #tpu.memory_space<vmem>>) dst(%dma_wait3A_175 : memref<10240x128xf32, #tpu.memory_space<vmem_shared>>)
    %dma_start3A_176 = arith.constant 4 : i32
    %dma_start3A_177 = arith.constant 0 : i32
    %dma_start3A_178 = arith.constant 0 : i32
    %dma_start3A_179 = arith.constant 0 : i32
    %dma_start3A_180 = tpu.memref_slice %arg8[%dma_start3A_177, %dma_start3A_178, %dma_start3A_179] : memref<4x64x128xf32, #tpu.memory_space<vmem>> -> memref<1x64x128xf32, #tpu.memory_space<vmem>>
    %dma_start3A_181 = tpu.memref_squeeze %dma_start3A_180 : memref<1x64x128xf32, #tpu.memory_space<vmem>> -> memref<64x128xf32, #tpu.memory_space<vmem>>
    %dma_start3A_182 = arith.constant 0 : i32
    %dma_start3A_183 = tpu.memref_slice %arg6[%dma_start3A_176, %dma_start3A_182] : memref<8x64xi32, #tpu.memory_space<vmem>> -> memref<1x64xi32, #tpu.memory_space<vmem>>
    %dma_start3A_184 = tpu.memref_squeeze %dma_start3A_183 : memref<1x64xi32, #tpu.memory_space<vmem>> -> memref<64xi32, #tpu.memory_space<vmem>>
    %dma_start3A_185 = arith.constant 0 : i32
    %dma_start3A_186 = arith.constant 0 : i32
    %dma_start3A_187 = tpu.memref_slice %arg2[%dma_start3A_185, %dma_start3A_186] : memref<10000x128xf32, #tpu.memory_space<hbm>> -> memref<10000x128xf32, #tpu.memory_space<hbm>>
    tpu.enqueue_indirect_dma source(%dma_start3A_187 : memref<10000x128xf32, #tpu.memory_space<hbm>>) target(%dma_start3A_181 : memref<64x128xf32, #tpu.memory_space<vmem>>) offsets(%dma_start3A_184 : memref<64xi32, #tpu.memory_space<vmem>>) semaphore(%arg10 : memref<!tpu.dma_semaphore, #tpu.memory_space<semaphore_mem>>)
    %dma_wait3A_188 = arith.constant 0 : i32
    %dma_wait3A_189 = arith.constant 3 : i32
    %dma_wait3A_190 = arith.constant 0 : i32
    %dma_wait3A_191 = arith.constant 0 : i32
    %dma_wait3A_192 = tpu.memref_slice %arg8[%dma_wait3A_189, %dma_wait3A_190, %dma_wait3A_191] : memref<4x64x128xf32, #tpu.memory_space<vmem>> -> memref<1x64x128xf32, #tpu.memory_space<vmem>>
    %dma_wait3A_193 = tpu.memref_squeeze %dma_wait3A_192 : memref<1x64x128xf32, #tpu.memory_space<vmem>> -> memref<64x128xf32, #tpu.memory_space<vmem>>
    %dma_wait3A_194 = arith.constant 0 : i32
    %dma_wait3A_195 = tpu.memref_slice %arg6[%dma_wait3A_188, %dma_wait3A_194] : memref<8x64xi32, #tpu.memory_space<vmem>> -> memref<1x64xi32, #tpu.memory_space<vmem>>
    %dma_wait3A_196 = tpu.memref_squeeze %dma_wait3A_195 : memref<1x64xi32, #tpu.memory_space<vmem>> -> memref<64xi32, #tpu.memory_space<vmem>>
    %dma_wait3A_197 = arith.constant 0 : i32
    %dma_wait3A_198 = arith.constant 0 : i32
    %dma_wait3A_199 = tpu.memref_slice %arg2[%dma_wait3A_197, %dma_wait3A_198] : memref<10000x128xf32, #tpu.memory_space<hbm>> -> memref<10000x128xf32, #tpu.memory_space<hbm>>
    tpu.wait_indirect_dma semaphore(%arg13 : memref<!tpu.dma_semaphore, #tpu.memory_space<semaphore_mem>>) src(%dma_wait3A_199 : memref<10000x128xf32, #tpu.memory_space<hbm>>) dst(%dma_wait3A_193 : memref<64x128xf32, #tpu.memory_space<vmem>>)
    %dma_start3A_200 = arith.constant 3 : i32
    %dma_start3A_201 = arith.constant 3 : i32
    %dma_start3A_202 = arith.constant 0 : i32
    %dma_start3A_203 = arith.constant 0 : i32
    %dma_start3A_204 = tpu.memref_slice %arg8[%dma_start3A_200, %dma_start3A_202, %dma_start3A_203] : memref<4x64x128xf32, #tpu.memory_space<vmem>> -> memref<1x64x128xf32, #tpu.memory_space<vmem>>
    %dma_start3A_205 = tpu.memref_squeeze %dma_start3A_204 : memref<1x64x128xf32, #tpu.memory_space<vmem>> -> memref<64x128xf32, #tpu.memory_space<vmem>>
    %dma_start3A_206 = arith.constant 0 : i32
    %dma_start3A_207 = tpu.memref_slice %arg7[%dma_start3A_201, %dma_start3A_206] : memref<8x64xi32, #tpu.memory_space<vmem>> -> memref<1x64xi32, #tpu.memory_space<vmem>>
    %dma_start3A_208 = tpu.memref_squeeze %dma_start3A_207 : memref<1x64xi32, #tpu.memory_space<vmem>> -> memref<64xi32, #tpu.memory_space<vmem>>
    %dma_start3A_209 = arith.constant 0 : i32
    %dma_start3A_210 = arith.constant 0 : i32
    %dma_start3A_211 = tpu.memref_slice %arg9[%dma_start3A_209, %dma_start3A_210] : memref<10240x128xf32, #tpu.memory_space<vmem_shared>> -> memref<10240x128xf32, #tpu.memory_space<vmem_shared>>
    tpu.enqueue_indirect_dma source(%dma_start3A_205 : memref<64x128xf32, #tpu.memory_space<vmem>>) target(%dma_start3A_211 : memref<10240x128xf32, #tpu.memory_space<vmem_shared>>) offsets(%dma_start3A_208 : memref<64xi32, #tpu.memory_space<vmem>>) semaphore(%arg17 : memref<!tpu.dma_semaphore, #tpu.memory_space<semaphore_mem>>) {add = true}
    %dma_wait3A_212 = arith.constant 1 : i32
    %dma_wait3A_213 = arith.constant 0 : i32
    %dma_wait3A_214 = arith.constant 0 : i32
    %dma_wait3A_215 = arith.constant 0 : i32
    %dma_wait3A_216 = tpu.memref_slice %arg8[%dma_wait3A_212, %dma_wait3A_214, %dma_wait3A_215] : memref<4x64x128xf32, #tpu.memory_space<vmem>> -> memref<1x64x128xf32, #tpu.memory_space<vmem>>
    %dma_wait3A_217 = tpu.memref_squeeze %dma_wait3A_216 : memref<1x64x128xf32, #tpu.memory_space<vmem>> -> memref<64x128xf32, #tpu.memory_space<vmem>>
    %dma_wait3A_218 = arith.constant 0 : i32
    %dma_wait3A_219 = tpu.memref_slice %arg7[%dma_wait3A_213, %dma_wait3A_218] : memref<8x64xi32, #tpu.memory_space<vmem>> -> memref<1x64xi32, #tpu.memory_space<vmem>>
    %dma_wait3A_220 = tpu.memref_squeeze %dma_wait3A_219 : memref<1x64xi32, #tpu.memory_space<vmem>> -> memref<64xi32, #tpu.memory_space<vmem>>
    %dma_wait3A_221 = arith.constant 0 : i32
    %dma_wait3A_222 = arith.constant 0 : i32
    %dma_wait3A_223 = tpu.memref_slice %arg9[%dma_wait3A_221, %dma_wait3A_222] : memref<10240x128xf32, #tpu.memory_space<vmem_shared>> -> memref<10240x128xf32, #tpu.memory_space<vmem_shared>>
    tpu.wait_indirect_dma semaphore(%arg15 : memref<!tpu.dma_semaphore, #tpu.memory_space<semaphore_mem>>) src(%dma_wait3A_217 : memref<64x128xf32, #tpu.memory_space<vmem>>) dst(%dma_wait3A_223 : memref<10240x128xf32, #tpu.memory_space<vmem_shared>>)
    %dma_start3A_224 = arith.constant 5 : i32
    %dma_start3A_225 = arith.constant 1 : i32
    %dma_start3A_226 = arith.constant 0 : i32
    %dma_start3A_227 = arith.constant 0 : i32
    %dma_start3A_228 = tpu.memref_slice %arg8[%dma_start3A_225, %dma_start3A_226, %dma_start3A_227] : memref<4x64x128xf32, #tpu.memory_space<vmem>> -> memref<1x64x128xf32, #tpu.memory_space<vmem>>
    %dma_start3A_229 = tpu.memref_squeeze %dma_start3A_228 : memref<1x64x128xf32, #tpu.memory_space<vmem>> -> memref<64x128xf32, #tpu.memory_space<vmem>>
    %dma_start3A_230 = arith.constant 0 : i32
    %dma_start3A_231 = tpu.memref_slice %arg6[%dma_start3A_224, %dma_start3A_230] : memref<8x64xi32, #tpu.memory_space<vmem>> -> memref<1x64xi32, #tpu.memory_space<vmem>>
    %dma_start3A_232 = tpu.memref_squeeze %dma_start3A_231 : memref<1x64xi32, #tpu.memory_space<vmem>> -> memref<64xi32, #tpu.memory_space<vmem>>
    %dma_start3A_233 = arith.constant 0 : i32
    %dma_start3A_234 = arith.constant 0 : i32
    %dma_start3A_235 = tpu.memref_slice %arg2[%dma_start3A_233, %dma_start3A_234] : memref<10000x128xf32, #tpu.memory_space<hbm>> -> memref<10000x128xf32, #tpu.memory_space<hbm>>
    tpu.enqueue_indirect_dma source(%dma_start3A_235 : memref<10000x128xf32, #tpu.memory_space<hbm>>) target(%dma_start3A_229 : memref<64x128xf32, #tpu.memory_space<vmem>>) offsets(%dma_start3A_232 : memref<64xi32, #tpu.memory_space<vmem>>) semaphore(%arg11 : memref<!tpu.dma_semaphore, #tpu.memory_space<semaphore_mem>>)
    %scan3A_236 = arith.constant 0 : i32
    %scan3A_237 = arith.constant 38 : i32
    %scan3A_238 = arith.addi %scan3A_236, %scan3A_237 : i32
    %scan3A_239 = arith.constant 1 : i32
    scf.for %scan3A_442 = %scan3A_236 to %scan3A_238 step %scan3A_239  : i32 {
      %mul3A_443 = arith.constant 1 : i32
      %mul3A_444 = arith.muli %scan3A_442, %mul3A_443 : i32
      %add3A_445 = arith.constant 1 : i32
      %add3A_446 = arith.addi %add3A_445, %mul3A_444 : i32
      %jit3A = arith.constant 2 : i32
      %eq3A_447 = arith.constant 0 : i32
      %eq3A_448 = arith.cmpi eq, %jit3A, %eq3A_447 : i32
      %jit3A_449 = arith.constant 1 : i32
      %select_n3A = arith.select %eq3A_448, %jit3A_449, %jit3A : i32
      %rem3A = arith.remsi %add3A_446, %select_n3A : i32
      %ne3A = arith.constant 0 : i32
      %ne3A_450 = arith.cmpi ne, %rem3A, %ne3A : i32
      %lt3A_451 = arith.constant 0 : i32
      %lt3A_452 = arith.cmpi slt, %rem3A, %lt3A_451 : i32
      %lt3A_453 = arith.constant 0 : i32
      %lt3A_454 = arith.cmpi slt, %select_n3A, %lt3A_453 : i32
      %ne3A_455 = arith.xori %lt3A_452, %lt3A_454 : i1
      %and3A = arith.andi %ne3A_455, %ne3A_450 : i1
      %add3A_456 = arith.addi %rem3A, %select_n3A : i32
      %select_n3A_457 = arith.select %and3A, %add3A_456, %rem3A : i32
      %mul3A_458 = arith.constant 4 : i32
      %mul3A_459 = arith.muli %select_n3A_457, %mul3A_458 : i32
      %add3A_460 = arith.constant 0 : i32
      %add3A_461 = arith.addi %mul3A_459, %add3A_460 : i32
      %dma_wait3A_462 = arith.constant 0 : i32
      %dma_wait3A_463 = arith.constant 0 : i32
      %dma_wait3A_464 = arith.constant 0 : i32
      %dma_wait3A_465 = arith.constant 0 : i32
      %dma_wait3A_466 = tpu.memref_slice %arg8[%dma_wait3A_463, %dma_wait3A_464, %dma_wait3A_465] : memref<4x64x128xf32, #tpu.memory_space<vmem>> -> memref<1x64x128xf32, #tpu.memory_space<vmem>>
      %dma_wait3A_467 = tpu.memref_squeeze %dma_wait3A_466 : memref<1x64x128xf32, #tpu.memory_space<vmem>> -> memref<64x128xf32, #tpu.memory_space<vmem>>
      %dma_wait3A_468 = arith.constant 0 : i32
      %dma_wait3A_469 = tpu.memref_slice %arg6[%dma_wait3A_462, %dma_wait3A_468] : memref<8x64xi32, #tpu.memory_space<vmem>> -> memref<1x64xi32, #tpu.memory_space<vmem>>
      %dma_wait3A_470 = tpu.memref_squeeze %dma_wait3A_469 : memref<1x64xi32, #tpu.memory_space<vmem>> -> memref<64xi32, #tpu.memory_space<vmem>>
      %dma_wait3A_471 = arith.constant 0 : i32
      %dma_wait3A_472 = arith.constant 0 : i32
      %dma_wait3A_473 = tpu.memref_slice %arg2[%dma_wait3A_471, %dma_wait3A_472] : memref<10000x128xf32, #tpu.memory_space<hbm>> -> memref<10000x128xf32, #tpu.memory_space<hbm>>
      tpu.wait_indirect_dma semaphore(%arg10 : memref<!tpu.dma_semaphore, #tpu.memory_space<semaphore_mem>>) src(%dma_wait3A_473 : memref<10000x128xf32, #tpu.memory_space<hbm>>) dst(%dma_wait3A_467 : memref<64x128xf32, #tpu.memory_space<vmem>>)
      %dma_start3A_474 = arith.constant 0 : i32
      %dma_start3A_475 = arith.constant 0 : i32
      %dma_start3A_476 = arith.constant 0 : i32
      %dma_start3A_477 = tpu.memref_slice %arg8[%dma_start3A_474, %dma_start3A_475, %dma_start3A_476] : memref<4x64x128xf32, #tpu.memory_space<vmem>> -> memref<1x64x128xf32, #tpu.memory_space<vmem>>
      %dma_start3A_478 = tpu.memref_squeeze %dma_start3A_477 : memref<1x64x128xf32, #tpu.memory_space<vmem>> -> memref<64x128xf32, #tpu.memory_space<vmem>>
      %dma_start3A_479 = arith.constant 0 : i32
      %dma_start3A_480 = tpu.memref_slice %arg7[%add3A_461, %dma_start3A_479] : memref<8x64xi32, #tpu.memory_space<vmem>> -> memref<1x64xi32, #tpu.memory_space<vmem>>
      %dma_start3A_481 = tpu.memref_squeeze %dma_start3A_480 : memref<1x64xi32, #tpu.memory_space<vmem>> -> memref<64xi32, #tpu.memory_space<vmem>>
      %dma_start3A_482 = arith.constant 0 : i32
      %dma_start3A_483 = arith.constant 0 : i32
      %dma_start3A_484 = tpu.memref_slice %arg9[%dma_start3A_482, %dma_start3A_483] : memref<10240x128xf32, #tpu.memory_space<vmem_shared>> -> memref<10240x128xf32, #tpu.memory_space<vmem_shared>>
      tpu.enqueue_indirect_dma source(%dma_start3A_478 : memref<64x128xf32, #tpu.memory_space<vmem>>) target(%dma_start3A_484 : memref<10240x128xf32, #tpu.memory_space<vmem_shared>>) offsets(%dma_start3A_481 : memref<64xi32, #tpu.memory_space<vmem>>) semaphore(%arg14 : memref<!tpu.dma_semaphore, #tpu.memory_space<semaphore_mem>>) {add = true}
      %dma_wait3A_485 = arith.constant 2 : i32
      %dma_wait3A_486 = arith.constant 0 : i32
      %dma_wait3A_487 = arith.constant 0 : i32
      %dma_wait3A_488 = arith.constant 0 : i32
      %dma_wait3A_489 = tpu.memref_slice %arg8[%dma_wait3A_485, %dma_wait3A_487, %dma_wait3A_488] : memref<4x64x128xf32, #tpu.memory_space<vmem>> -> memref<1x64x128xf32, #tpu.memory_space<vmem>>
      %dma_wait3A_490 = tpu.memref_squeeze %dma_wait3A_489 : memref<1x64x128xf32, #tpu.memory_space<vmem>> -> memref<64x128xf32, #tpu.memory_space<vmem>>
      %dma_wait3A_491 = arith.constant 0 : i32
      %dma_wait3A_492 = tpu.memref_slice %arg7[%dma_wait3A_486, %dma_wait3A_491] : memref<8x64xi32, #tpu.memory_space<vmem>> -> memref<1x64xi32, #tpu.memory_space<vmem>>
      %dma_wait3A_493 = tpu.memref_squeeze %dma_wait3A_492 : memref<1x64xi32, #tpu.memory_space<vmem>> -> memref<64xi32, #tpu.memory_space<vmem>>
      %dma_wait3A_494 = arith.constant 0 : i32
      %dma_wait3A_495 = arith.constant 0 : i32
      %dma_wait3A_496 = tpu.memref_slice %arg9[%dma_wait3A_494, %dma_wait3A_495] : memref<10240x128xf32, #tpu.memory_space<vmem_shared>> -> memref<10240x128xf32, #tpu.memory_space<vmem_shared>>
      tpu.wait_indirect_dma semaphore(%arg16 : memref<!tpu.dma_semaphore, #tpu.memory_space<semaphore_mem>>) src(%dma_wait3A_490 : memref<64x128xf32, #tpu.memory_space<vmem>>) dst(%dma_wait3A_496 : memref<10240x128xf32, #tpu.memory_space<vmem_shared>>)
      %jit3A_497 = arith.constant 2 : i32
      %eq3A_498 = arith.constant 0 : i32
      %eq3A_499 = arith.cmpi eq, %jit3A_497, %eq3A_498 : i32
      %jit3A_500 = arith.constant 1 : i32
      %select_n3A_501 = arith.select %eq3A_499, %jit3A_500, %jit3A_497 : i32
      %rem3A_502 = arith.remsi %add3A_446, %select_n3A_501 : i32
      %ne3A_503 = arith.constant 0 : i32
      %ne3A_504 = arith.cmpi ne, %rem3A_502, %ne3A_503 : i32
      %lt3A_505 = arith.constant 0 : i32
      %lt3A_506 = arith.cmpi slt, %rem3A_502, %lt3A_505 : i32
      %lt3A_507 = arith.constant 0 : i32
      %lt3A_508 = arith.cmpi slt, %select_n3A_501, %lt3A_507 : i32
      %ne3A_509 = arith.xori %lt3A_506, %lt3A_508 : i1
      %and3A_510 = arith.andi %ne3A_509, %ne3A_504 : i1
      %add3A_511 = arith.addi %rem3A_502, %select_n3A_501 : i32
      %select_n3A_512 = arith.select %and3A_510, %add3A_511, %rem3A_502 : i32
      %mul3A_513 = arith.constant 4 : i32
      %mul3A_514 = arith.muli %select_n3A_512, %mul3A_513 : i32
      %add3A_515 = arith.constant 0 : i32
      %add3A_516 = arith.addi %mul3A_514, %add3A_515 : i32
      %add3A_517 = arith.constant 2 : i32
      %add3A_518 = arith.addi %add3A_516, %add3A_517 : i32
      %dma_start3A_519 = arith.constant 2 : i32
      %dma_start3A_520 = arith.constant 0 : i32
      %dma_start3A_521 = arith.constant 0 : i32
      %dma_start3A_522 = tpu.memref_slice %arg8[%dma_start3A_519, %dma_start3A_520, %dma_start3A_521] : memref<4x64x128xf32, #tpu.memory_space<vmem>> -> memref<1x64x128xf32, #tpu.memory_space<vmem>>
      %dma_start3A_523 = tpu.memref_squeeze %dma_start3A_522 : memref<1x64x128xf32, #tpu.memory_space<vmem>> -> memref<64x128xf32, #tpu.memory_space<vmem>>
      %dma_start3A_524 = arith.constant 0 : i32
      %dma_start3A_525 = tpu.memref_slice %arg6[%add3A_518, %dma_start3A_524] : memref<8x64xi32, #tpu.memory_space<vmem>> -> memref<1x64xi32, #tpu.memory_space<vmem>>
      %dma_start3A_526 = tpu.memref_squeeze %dma_start3A_525 : memref<1x64xi32, #tpu.memory_space<vmem>> -> memref<64xi32, #tpu.memory_space<vmem>>
      %dma_start3A_527 = arith.constant 0 : i32
      %dma_start3A_528 = arith.constant 0 : i32
      %dma_start3A_529 = tpu.memref_slice %arg2[%dma_start3A_527, %dma_start3A_528] : memref<10000x128xf32, #tpu.memory_space<hbm>> -> memref<10000x128xf32, #tpu.memory_space<hbm>>
      tpu.enqueue_indirect_dma source(%dma_start3A_529 : memref<10000x128xf32, #tpu.memory_space<hbm>>) target(%dma_start3A_523 : memref<64x128xf32, #tpu.memory_space<vmem>>) offsets(%dma_start3A_526 : memref<64xi32, #tpu.memory_space<vmem>>) semaphore(%arg12 : memref<!tpu.dma_semaphore, #tpu.memory_space<semaphore_mem>>)
      %jit3A_530 = arith.constant 2 : i32
      %eq3A_531 = arith.constant 0 : i32
      %eq3A_532 = arith.cmpi eq, %jit3A_530, %eq3A_531 : i32
      %jit3A_533 = arith.constant 1 : i32
      %select_n3A_534 = arith.select %eq3A_532, %jit3A_533, %jit3A_530 : i32
      %rem3A_535 = arith.remsi %add3A_446, %select_n3A_534 : i32
      %ne3A_536 = arith.constant 0 : i32
      %ne3A_537 = arith.cmpi ne, %rem3A_535, %ne3A_536 : i32
      %lt3A_538 = arith.constant 0 : i32
      %lt3A_539 = arith.cmpi slt, %rem3A_535, %lt3A_538 : i32
      %lt3A_540 = arith.constant 0 : i32
      %lt3A_541 = arith.cmpi slt, %select_n3A_534, %lt3A_540 : i32
      %ne3A_542 = arith.xori %lt3A_539, %lt3A_541 : i1
      %and3A_543 = arith.andi %ne3A_542, %ne3A_537 : i1
      %add3A_544 = arith.addi %rem3A_535, %select_n3A_534 : i32
      %select_n3A_545 = arith.select %and3A_543, %add3A_544, %rem3A_535 : i32
      %mul3A_546 = arith.constant 4 : i32
      %mul3A_547 = arith.muli %select_n3A_545, %mul3A_546 : i32
      %add3A_548 = arith.constant 1 : i32
      %add3A_549 = arith.addi %mul3A_547, %add3A_548 : i32
      %dma_wait3A_550 = arith.constant 0 : i32
      %dma_wait3A_551 = arith.constant 1 : i32
      %dma_wait3A_552 = arith.constant 0 : i32
      %dma_wait3A_553 = arith.constant 0 : i32
      %dma_wait3A_554 = tpu.memref_slice %arg8[%dma_wait3A_551, %dma_wait3A_552, %dma_wait3A_553] : memref<4x64x128xf32, #tpu.memory_space<vmem>> -> memref<1x64x128xf32, #tpu.memory_space<vmem>>
      %dma_wait3A_555 = tpu.memref_squeeze %dma_wait3A_554 : memref<1x64x128xf32, #tpu.memory_space<vmem>> -> memref<64x128xf32, #tpu.memory_space<vmem>>
      %dma_wait3A_556 = arith.constant 0 : i32
      %dma_wait3A_557 = tpu.memref_slice %arg6[%dma_wait3A_550, %dma_wait3A_556] : memref<8x64xi32, #tpu.memory_space<vmem>> -> memref<1x64xi32, #tpu.memory_space<vmem>>
      %dma_wait3A_558 = tpu.memref_squeeze %dma_wait3A_557 : memref<1x64xi32, #tpu.memory_space<vmem>> -> memref<64xi32, #tpu.memory_space<vmem>>
      %dma_wait3A_559 = arith.constant 0 : i32
      %dma_wait3A_560 = arith.constant 0 : i32
      %dma_wait3A_561 = tpu.memref_slice %arg2[%dma_wait3A_559, %dma_wait3A_560] : memref<10000x128xf32, #tpu.memory_space<hbm>> -> memref<10000x128xf32, #tpu.memory_space<hbm>>
      tpu.wait_indirect_dma semaphore(%arg11 : memref<!tpu.dma_semaphore, #tpu.memory_space<semaphore_mem>>) src(%dma_wait3A_561 : memref<10000x128xf32, #tpu.memory_space<hbm>>) dst(%dma_wait3A_555 : memref<64x128xf32, #tpu.memory_space<vmem>>)
      %dma_start3A_562 = arith.constant 1 : i32
      %dma_start3A_563 = arith.constant 0 : i32
      %dma_start3A_564 = arith.constant 0 : i32
      %dma_start3A_565 = tpu.memref_slice %arg8[%dma_start3A_562, %dma_start3A_563, %dma_start3A_564] : memref<4x64x128xf32, #tpu.memory_space<vmem>> -> memref<1x64x128xf32, #tpu.memory_space<vmem>>
      %dma_start3A_566 = tpu.memref_squeeze %dma_start3A_565 : memref<1x64x128xf32, #tpu.memory_space<vmem>> -> memref<64x128xf32, #tpu.memory_space<vmem>>
      %dma_start3A_567 = arith.constant 0 : i32
      %dma_start3A_568 = tpu.memref_slice %arg7[%add3A_549, %dma_start3A_567] : memref<8x64xi32, #tpu.memory_space<vmem>> -> memref<1x64xi32, #tpu.memory_space<vmem>>
      %dma_start3A_569 = tpu.memref_squeeze %dma_start3A_568 : memref<1x64xi32, #tpu.memory_space<vmem>> -> memref<64xi32, #tpu.memory_space<vmem>>
      %dma_start3A_570 = arith.constant 0 : i32
      %dma_start3A_571 = arith.constant 0 : i32
      %dma_start3A_572 = tpu.memref_slice %arg9[%dma_start3A_570, %dma_start3A_571] : memref<10240x128xf32, #tpu.memory_space<vmem_shared>> -> memref<10240x128xf32, #tpu.memory_space<vmem_shared>>
      tpu.enqueue_indirect_dma source(%dma_start3A_566 : memref<64x128xf32, #tpu.memory_space<vmem>>) target(%dma_start3A_572 : memref<10240x128xf32, #tpu.memory_space<vmem_shared>>) offsets(%dma_start3A_569 : memref<64xi32, #tpu.memory_space<vmem>>) semaphore(%arg15 : memref<!tpu.dma_semaphore, #tpu.memory_space<semaphore_mem>>) {add = true}
      %dma_wait3A_573 = arith.constant 3 : i32
      %dma_wait3A_574 = arith.constant 0 : i32
      %dma_wait3A_575 = arith.constant 0 : i32
      %dma_wait3A_576 = arith.constant 0 : i32
      %dma_wait3A_577 = tpu.memref_slice %arg8[%dma_wait3A_573, %dma_wait3A_575, %dma_wait3A_576] : memref<4x64x128xf32, #tpu.memory_space<vmem>> -> memref<1x64x128xf32, #tpu.memory_space<vmem>>
      %dma_wait3A_578 = tpu.memref_squeeze %dma_wait3A_577 : memref<1x64x128xf32, #tpu.memory_space<vmem>> -> memref<64x128xf32, #tpu.memory_space<vmem>>
      %dma_wait3A_579 = arith.constant 0 : i32
      %dma_wait3A_580 = tpu.memref_slice %arg7[%dma_wait3A_574, %dma_wait3A_579] : memref<8x64xi32, #tpu.memory_space<vmem>> -> memref<1x64xi32, #tpu.memory_space<vmem>>
      %dma_wait3A_581 = tpu.memref_squeeze %dma_wait3A_580 : memref<1x64xi32, #tpu.memory_space<vmem>> -> memref<64xi32, #tpu.memory_space<vmem>>
      %dma_wait3A_582 = arith.constant 0 : i32
      %dma_wait3A_583 = arith.constant 0 : i32
      %dma_wait3A_584 = tpu.memref_slice %arg9[%dma_wait3A_582, %dma_wait3A_583] : memref<10240x128xf32, #tpu.memory_space<vmem_shared>> -> memref<10240x128xf32, #tpu.memory_space<vmem_shared>>
      tpu.wait_indirect_dma semaphore(%arg17 : memref<!tpu.dma_semaphore, #tpu.memory_space<semaphore_mem>>) src(%dma_wait3A_578 : memref<64x128xf32, #tpu.memory_space<vmem>>) dst(%dma_wait3A_584 : memref<10240x128xf32, #tpu.memory_space<vmem_shared>>)
      %jit3A_585 = arith.constant 2 : i32
      %eq3A_586 = arith.constant 0 : i32
      %eq3A_587 = arith.cmpi eq, %jit3A_585, %eq3A_586 : i32
      %jit3A_588 = arith.constant 1 : i32
      %select_n3A_589 = arith.select %eq3A_587, %jit3A_588, %jit3A_585 : i32
      %rem3A_590 = arith.remsi %add3A_446, %select_n3A_589 : i32
      %ne3A_591 = arith.constant 0 : i32
      %ne3A_592 = arith.cmpi ne, %rem3A_590, %ne3A_591 : i32
      %lt3A_593 = arith.constant 0 : i32
      %lt3A_594 = arith.cmpi slt, %rem3A_590, %lt3A_593 : i32
      %lt3A_595 = arith.constant 0 : i32
      %lt3A_596 = arith.cmpi slt, %select_n3A_589, %lt3A_595 : i32
      %ne3A_597 = arith.xori %lt3A_594, %lt3A_596 : i1
      %and3A_598 = arith.andi %ne3A_597, %ne3A_592 : i1
      %add3A_599 = arith.addi %rem3A_590, %select_n3A_589 : i32
      %select_n3A_600 = arith.select %and3A_598, %add3A_599, %rem3A_590 : i32
      %mul3A_601 = arith.constant 4 : i32
      %mul3A_602 = arith.muli %select_n3A_600, %mul3A_601 : i32
      %add3A_603 = arith.constant 1 : i32
      %add3A_604 = arith.addi %mul3A_602, %add3A_603 : i32
      %add3A_605 = arith.constant 2 : i32
      %add3A_606 = arith.addi %add3A_604, %add3A_605 : i32
      %dma_start3A_607 = arith.constant 3 : i32
      %dma_start3A_608 = arith.constant 0 : i32
      %dma_start3A_609 = arith.constant 0 : i32
      %dma_start3A_610 = tpu.memref_slice %arg8[%dma_start3A_607, %dma_start3A_608, %dma_start3A_609] : memref<4x64x128xf32, #tpu.memory_space<vmem>> -> memref<1x64x128xf32, #tpu.memory_space<vmem>>
      %dma_start3A_611 = tpu.memref_squeeze %dma_start3A_610 : memref<1x64x128xf32, #tpu.memory_space<vmem>> -> memref<64x128xf32, #tpu.memory_space<vmem>>
      %dma_start3A_612 = arith.constant 0 : i32
      %dma_start3A_613 = tpu.memref_slice %arg6[%add3A_606, %dma_start3A_612] : memref<8x64xi32, #tpu.memory_space<vmem>> -> memref<1x64xi32, #tpu.memory_space<vmem>>
      %dma_start3A_614 = tpu.memref_squeeze %dma_start3A_613 : memref<1x64xi32, #tpu.memory_space<vmem>> -> memref<64xi32, #tpu.memory_space<vmem>>
      %dma_start3A_615 = arith.constant 0 : i32
      %dma_start3A_616 = arith.constant 0 : i32
      %dma_start3A_617 = tpu.memref_slice %arg2[%dma_start3A_615, %dma_start3A_616] : memref<10000x128xf32, #tpu.memory_space<hbm>> -> memref<10000x128xf32, #tpu.memory_space<hbm>>
      tpu.enqueue_indirect_dma source(%dma_start3A_617 : memref<10000x128xf32, #tpu.memory_space<hbm>>) target(%dma_start3A_611 : memref<64x128xf32, #tpu.memory_space<vmem>>) offsets(%dma_start3A_614 : memref<64xi32, #tpu.memory_space<vmem>>) semaphore(%arg13 : memref<!tpu.dma_semaphore, #tpu.memory_space<semaphore_mem>>)
      %add3A_618 = arith.constant 1 : i32
      %add3A_619 = arith.addi %add3A_446, %add3A_618 : i32
      %jit3A_620 = arith.constant 2 : i32
      %eq3A_621 = arith.constant 0 : i32
      %eq3A_622 = arith.cmpi eq, %jit3A_620, %eq3A_621 : i32
      %jit3A_623 = arith.constant 1 : i32
      %select_n3A_624 = arith.select %eq3A_622, %jit3A_623, %jit3A_620 : i32
      %rem3A_625 = arith.remsi %add3A_619, %select_n3A_624 : i32
      %ne3A_626 = arith.constant 0 : i32
      %ne3A_627 = arith.cmpi ne, %rem3A_625, %ne3A_626 : i32
      %lt3A_628 = arith.constant 0 : i32
      %lt3A_629 = arith.cmpi slt, %rem3A_625, %lt3A_628 : i32
      %lt3A_630 = arith.constant 0 : i32
      %lt3A_631 = arith.cmpi slt, %select_n3A_624, %lt3A_630 : i32
      %ne3A_632 = arith.xori %lt3A_629, %lt3A_631 : i1
      %and3A_633 = arith.andi %ne3A_632, %ne3A_627 : i1
      %add3A_634 = arith.addi %rem3A_625, %select_n3A_624 : i32
      %select_n3A_635 = arith.select %and3A_633, %add3A_634, %rem3A_625 : i32
      %mul3A_636 = arith.constant 4 : i32
      %mul3A_637 = arith.muli %select_n3A_635, %mul3A_636 : i32
      %mul3A_638 = arith.constant 4 : i32
      %mul3A_639 = arith.muli %add3A_619, %mul3A_638 : i32
      %add3A_640 = arith.addi %mul3A_37, %mul3A_639 : i32
      "tpu.region"() ({
        %run_scoped3A_820 = tpu.sem_alloc : memref<!tpu.dma_semaphore, #tpu.memory_space<semaphore_mem>>
        %dma_start3A_821 = arith.constant 0 : i32
        %dma_start3A_822 = tpu.memref_slice %arg6[%mul3A_637, %dma_start3A_821] : memref<8x64xi32, #tpu.memory_space<vmem>> -> memref<4x64xi32, #tpu.memory_space<vmem>>
        %dma_start3A_823 = arith.constant 0 : i32
        %dma_start3A_824 = tpu.memref_slice %arg3[%add3A_640, %dma_start3A_823] : memref<5120x64xi32, #tpu.memory_space<hbm>> -> memref<4x64xi32, #tpu.memory_space<hbm>>
        %dma_start3A_825 = arith.constant 0 : i32
        %dma_start3A_826 = tpu.memref_slice %arg6[%mul3A_637, %dma_start3A_825] : memref<8x64xi32, #tpu.memory_space<vmem>> -> memref<4x64xi32, #tpu.memory_space<vmem>>
        %dma_start3A_827 = arith.constant 0 : i32
        %dma_start3A_828 = tpu.memref_slice %arg3[%add3A_640, %dma_start3A_827] : memref<5120x64xi32, #tpu.memory_space<hbm>> -> memref<4x64xi32, #tpu.memory_space<hbm>>
        tpu.enqueue_dma source(%dma_start3A_828 : memref<4x64xi32, #tpu.memory_space<hbm>>) target(%dma_start3A_826 : memref<4x64xi32, #tpu.memory_space<vmem>>) target_semaphore(%run_scoped3A_820 : memref<!tpu.dma_semaphore, #tpu.memory_space<semaphore_mem>>)
        %dma_wait3A_829 = arith.constant 0 : i32
        %dma_wait3A_830 = tpu.memref_slice %arg6[%mul3A_637, %dma_wait3A_829] : memref<8x64xi32, #tpu.memory_space<vmem>> -> memref<4x64xi32, #tpu.memory_space<vmem>>
        %dma_wait3A_831 = arith.constant 0 : i32
        %dma_wait3A_832 = tpu.memref_slice %arg3[%add3A_640, %dma_wait3A_831] : memref<5120x64xi32, #tpu.memory_space<hbm>> -> memref<4x64xi32, #tpu.memory_space<hbm>>
        %dma_wait3A_833 = arith.constant 0 : i32
        %dma_wait3A_834 = tpu.memref_slice %arg6[%mul3A_637, %dma_wait3A_833] : memref<8x64xi32, #tpu.memory_space<vmem>> -> memref<4x64xi32, #tpu.memory_space<vmem>>
        %dma_wait3A_835 = arith.constant 0 : i32
        %dma_wait3A_836 = tpu.memref_slice %arg3[%add3A_640, %dma_wait3A_835] : memref<5120x64xi32, #tpu.memory_space<hbm>> -> memref<4x64xi32, #tpu.memory_space<hbm>>
        tpu.wait_dma2 semaphore(%run_scoped3A_820 : memref<!tpu.dma_semaphore, #tpu.memory_space<semaphore_mem>>) src(%dma_wait3A_836 : memref<4x64xi32, #tpu.memory_space<hbm>>) dst(%dma_wait3A_834 : memref<4x64xi32, #tpu.memory_space<vmem>>)
        tpu.yield
      }) : () -> ()
      %mul3A_641 = arith.constant 4 : i32
      %mul3A_642 = arith.muli %add3A_619, %mul3A_641 : i32
      %add3A_643 = arith.addi %mul3A_37, %mul3A_642 : i32
      "tpu.region"() ({
        %run_scoped3A_820 = tpu.sem_alloc : memref<!tpu.dma_semaphore, #tpu.memory_space<semaphore_mem>>
        %dma_start3A_821 = arith.constant 0 : i32
        %dma_start3A_822 = tpu.memref_slice %arg7[%mul3A_637, %dma_start3A_821] : memref<8x64xi32, #tpu.memory_space<vmem>> -> memref<4x64xi32, #tpu.memory_space<vmem>>
        %dma_start3A_823 = arith.constant 0 : i32
        %dma_start3A_824 = tpu.memref_slice %arg4[%add3A_643, %dma_start3A_823] : memref<5120x64xi32, #tpu.memory_space<hbm>> -> memref<4x64xi32, #tpu.memory_space<hbm>>
        %dma_start3A_825 = arith.constant 0 : i32
        %dma_start3A_826 = tpu.memref_slice %arg7[%mul3A_637, %dma_start3A_825] : memref<8x64xi32, #tpu.memory_space<vmem>> -> memref<4x64xi32, #tpu.memory_space<vmem>>
        %dma_start3A_827 = arith.constant 0 : i32
        %dma_start3A_828 = tpu.memref_slice %arg4[%add3A_643, %dma_start3A_827] : memref<5120x64xi32, #tpu.memory_space<hbm>> -> memref<4x64xi32, #tpu.memory_space<hbm>>
        tpu.enqueue_dma source(%dma_start3A_828 : memref<4x64xi32, #tpu.memory_space<hbm>>) target(%dma_start3A_826 : memref<4x64xi32, #tpu.memory_space<vmem>>) target_semaphore(%run_scoped3A_820 : memref<!tpu.dma_semaphore, #tpu.memory_space<semaphore_mem>>)
        %dma_wait3A_829 = arith.constant 0 : i32
        %dma_wait3A_830 = tpu.memref_slice %arg7[%mul3A_637, %dma_wait3A_829] : memref<8x64xi32, #tpu.memory_space<vmem>> -> memref<4x64xi32, #tpu.memory_space<vmem>>
        %dma_wait3A_831 = arith.constant 0 : i32
        %dma_wait3A_832 = tpu.memref_slice %arg4[%add3A_643, %dma_wait3A_831] : memref<5120x64xi32, #tpu.memory_space<hbm>> -> memref<4x64xi32, #tpu.memory_space<hbm>>
        %dma_wait3A_833 = arith.constant 0 : i32
        %dma_wait3A_834 = tpu.memref_slice %arg7[%mul3A_637, %dma_wait3A_833] : memref<8x64xi32, #tpu.memory_space<vmem>> -> memref<4x64xi32, #tpu.memory_space<vmem>>
        %dma_wait3A_835 = arith.constant 0 : i32
        %dma_wait3A_836 = tpu.memref_slice %arg4[%add3A_643, %dma_wait3A_835] : memref<5120x64xi32, #tpu.memory_space<hbm>> -> memref<4x64xi32, #tpu.memory_space<hbm>>
        tpu.wait_dma2 semaphore(%run_scoped3A_820 : memref<!tpu.dma_semaphore, #tpu.memory_space<semaphore_mem>>) src(%dma_wait3A_836 : memref<4x64xi32, #tpu.memory_space<hbm>>) dst(%dma_wait3A_834 : memref<4x64xi32, #tpu.memory_space<vmem>>)
        tpu.yield
      }) : () -> ()
      %jit3A_644 = arith.constant 2 : i32
      %eq3A_645 = arith.constant 0 : i32
      %eq3A_646 = arith.cmpi eq, %jit3A_644, %eq3A_645 : i32
      %jit3A_647 = arith.constant 1 : i32
      %select_n3A_648 = arith.select %eq3A_646, %jit3A_647, %jit3A_644 : i32
      %rem3A_649 = arith.remsi %add3A_446, %select_n3A_648 : i32
      %ne3A_650 = arith.constant 0 : i32
      %ne3A_651 = arith.cmpi ne, %rem3A_649, %ne3A_650 : i32
      %lt3A_652 = arith.constant 0 : i32
      %lt3A_653 = arith.cmpi slt, %rem3A_649, %lt3A_652 : i32
      %lt3A_654 = arith.constant 0 : i32
      %lt3A_655 = arith.cmpi slt, %select_n3A_648, %lt3A_654 : i32
      %ne3A_656 = arith.xori %lt3A_653, %lt3A_655 : i1
      %and3A_657 = arith.andi %ne3A_656, %ne3A_651 : i1
      %add3A_658 = arith.addi %rem3A_649, %select_n3A_648 : i32
      %select_n3A_659 = arith.select %and3A_657, %add3A_658, %rem3A_649 : i32
      %mul3A_660 = arith.constant 4 : i32
      %mul3A_661 = arith.muli %select_n3A_659, %mul3A_660 : i32
      %add3A_662 = arith.constant 2 : i32
      %add3A_663 = arith.addi %mul3A_661, %add3A_662 : i32
      %dma_wait3A_664 = arith.constant 0 : i32
      %dma_wait3A_665 = arith.constant 2 : i32
      %dma_wait3A_666 = arith.constant 0 : i32
      %dma_wait3A_667 = arith.constant 0 : i32
      %dma_wait3A_668 = tpu.memref_slice %arg8[%dma_wait3A_665, %dma_wait3A_666, %dma_wait3A_667] : memref<4x64x128xf32, #tpu.memory_space<vmem>> -> memref<1x64x128xf32, #tpu.memory_space<vmem>>
      %dma_wait3A_669 = tpu.memref_squeeze %dma_wait3A_668 : memref<1x64x128xf32, #tpu.memory_space<vmem>> -> memref<64x128xf32, #tpu.memory_space<vmem>>
      %dma_wait3A_670 = arith.constant 0 : i32
      %dma_wait3A_671 = tpu.memref_slice %arg6[%dma_wait3A_664, %dma_wait3A_670] : memref<8x64xi32, #tpu.memory_space<vmem>> -> memref<1x64xi32, #tpu.memory_space<vmem>>
      %dma_wait3A_672 = tpu.memref_squeeze %dma_wait3A_671 : memref<1x64xi32, #tpu.memory_space<vmem>> -> memref<64xi32, #tpu.memory_space<vmem>>
      %dma_wait3A_673 = arith.constant 0 : i32
      %dma_wait3A_674 = arith.constant 0 : i32
      %dma_wait3A_675 = tpu.memref_slice %arg2[%dma_wait3A_673, %dma_wait3A_674] : memref<10000x128xf32, #tpu.memory_space<hbm>> -> memref<10000x128xf32, #tpu.memory_space<hbm>>
      tpu.wait_indirect_dma semaphore(%arg12 : memref<!tpu.dma_semaphore, #tpu.memory_space<semaphore_mem>>) src(%dma_wait3A_675 : memref<10000x128xf32, #tpu.memory_space<hbm>>) dst(%dma_wait3A_669 : memref<64x128xf32, #tpu.memory_space<vmem>>)
      %dma_start3A_676 = arith.constant 2 : i32
      %dma_start3A_677 = arith.constant 0 : i32
      %dma_start3A_678 = arith.constant 0 : i32
      %dma_start3A_679 = tpu.memref_slice %arg8[%dma_start3A_676, %dma_start3A_677, %dma_start3A_678] : memref<4x64x128xf32, #tpu.memory_space<vmem>> -> memref<1x64x128xf32, #tpu.memory_space<vmem>>
      %dma_start3A_680 = tpu.memref_squeeze %dma_start3A_679 : memref<1x64x128xf32, #tpu.memory_space<vmem>> -> memref<64x128xf32, #tpu.memory_space<vmem>>
      %dma_start3A_681 = arith.constant 0 : i32
      %dma_start3A_682 = tpu.memref_slice %arg7[%add3A_663, %dma_start3A_681] : memref<8x64xi32, #tpu.memory_space<vmem>> -> memref<1x64xi32, #tpu.memory_space<vmem>>
      %dma_start3A_683 = tpu.memref_squeeze %dma_start3A_682 : memref<1x64xi32, #tpu.memory_space<vmem>> -> memref<64xi32, #tpu.memory_space<vmem>>
      %dma_start3A_684 = arith.constant 0 : i32
      %dma_start3A_685 = arith.constant 0 : i32
      %dma_start3A_686 = tpu.memref_slice %arg9[%dma_start3A_684, %dma_start3A_685] : memref<10240x128xf32, #tpu.memory_space<vmem_shared>> -> memref<10240x128xf32, #tpu.memory_space<vmem_shared>>
      tpu.enqueue_indirect_dma source(%dma_start3A_680 : memref<64x128xf32, #tpu.memory_space<vmem>>) target(%dma_start3A_686 : memref<10240x128xf32, #tpu.memory_space<vmem_shared>>) offsets(%dma_start3A_683 : memref<64xi32, #tpu.memory_space<vmem>>) semaphore(%arg16 : memref<!tpu.dma_semaphore, #tpu.memory_space<semaphore_mem>>) {add = true}
      %dma_wait3A_687 = arith.constant 0 : i32
      %dma_wait3A_688 = arith.constant 0 : i32
      %dma_wait3A_689 = arith.constant 0 : i32
      %dma_wait3A_690 = arith.constant 0 : i32
      %dma_wait3A_691 = tpu.memref_slice %arg8[%dma_wait3A_687, %dma_wait3A_689, %dma_wait3A_690] : memref<4x64x128xf32, #tpu.memory_space<vmem>> -> memref<1x64x128xf32, #tpu.memory_space<vmem>>
      %dma_wait3A_692 = tpu.memref_squeeze %dma_wait3A_691 : memref<1x64x128xf32, #tpu.memory_space<vmem>> -> memref<64x128xf32, #tpu.memory_space<vmem>>
      %dma_wait3A_693 = arith.constant 0 : i32
      %dma_wait3A_694 = tpu.memref_slice %arg7[%dma_wait3A_688, %dma_wait3A_693] : memref<8x64xi32, #tpu.memory_space<vmem>> -> memref<1x64xi32, #tpu.memory_space<vmem>>
      %dma_wait3A_695 = tpu.memref_squeeze %dma_wait3A_694 : memref<1x64xi32, #tpu.memory_space<vmem>> -> memref<64xi32, #tpu.memory_space<vmem>>
      %dma_wait3A_696 = arith.constant 0 : i32
      %dma_wait3A_697 = arith.constant 0 : i32
      %dma_wait3A_698 = tpu.memref_slice %arg9[%dma_wait3A_696, %dma_wait3A_697] : memref<10240x128xf32, #tpu.memory_space<vmem_shared>> -> memref<10240x128xf32, #tpu.memory_space<vmem_shared>>
      tpu.wait_indirect_dma semaphore(%arg14 : memref<!tpu.dma_semaphore, #tpu.memory_space<semaphore_mem>>) src(%dma_wait3A_692 : memref<64x128xf32, #tpu.memory_space<vmem>>) dst(%dma_wait3A_698 : memref<10240x128xf32, #tpu.memory_space<vmem_shared>>)
      %add3A_699 = arith.constant 1 : i32
      %add3A_700 = arith.addi %add3A_446, %add3A_699 : i32
      %jit3A_701 = arith.constant 2 : i32
      %eq3A_702 = arith.constant 0 : i32
      %eq3A_703 = arith.cmpi eq, %jit3A_701, %eq3A_702 : i32
      %jit3A_704 = arith.constant 1 : i32
      %select_n3A_705 = arith.select %eq3A_703, %jit3A_704, %jit3A_701 : i32
      %rem3A_706 = arith.remsi %add3A_700, %select_n3A_705 : i32
      %ne3A_707 = arith.constant 0 : i32
      %ne3A_708 = arith.cmpi ne, %rem3A_706, %ne3A_707 : i32
      %lt3A_709 = arith.constant 0 : i32
      %lt3A_710 = arith.cmpi slt, %rem3A_706, %lt3A_709 : i32
      %lt3A_711 = arith.constant 0 : i32
      %lt3A_712 = arith.cmpi slt, %select_n3A_705, %lt3A_711 : i32
      %ne3A_713 = arith.xori %lt3A_710, %lt3A_712 : i1
      %and3A_714 = arith.andi %ne3A_713, %ne3A_708 : i1
      %add3A_715 = arith.addi %rem3A_706, %select_n3A_705 : i32
      %select_n3A_716 = arith.select %and3A_714, %add3A_715, %rem3A_706 : i32
      %mul3A_717 = arith.constant 4 : i32
      %mul3A_718 = arith.muli %select_n3A_716, %mul3A_717 : i32
      %add3A_719 = arith.constant 0 : i32
      %add3A_720 = arith.addi %mul3A_718, %add3A_719 : i32
      %dma_start3A_721 = arith.constant 0 : i32
      %dma_start3A_722 = arith.constant 0 : i32
      %dma_start3A_723 = arith.constant 0 : i32
      %dma_start3A_724 = tpu.memref_slice %arg8[%dma_start3A_721, %dma_start3A_722, %dma_start3A_723] : memref<4x64x128xf32, #tpu.memory_space<vmem>> -> memref<1x64x128xf32, #tpu.memory_space<vmem>>
      %dma_start3A_725 = tpu.memref_squeeze %dma_start3A_724 : memref<1x64x128xf32, #tpu.memory_space<vmem>> -> memref<64x128xf32, #tpu.memory_space<vmem>>
      %dma_start3A_726 = arith.constant 0 : i32
      %dma_start3A_727 = tpu.memref_slice %arg6[%add3A_720, %dma_start3A_726] : memref<8x64xi32, #tpu.memory_space<vmem>> -> memref<1x64xi32, #tpu.memory_space<vmem>>
      %dma_start3A_728 = tpu.memref_squeeze %dma_start3A_727 : memref<1x64xi32, #tpu.memory_space<vmem>> -> memref<64xi32, #tpu.memory_space<vmem>>
      %dma_start3A_729 = arith.constant 0 : i32
      %dma_start3A_730 = arith.constant 0 : i32
      %dma_start3A_731 = tpu.memref_slice %arg2[%dma_start3A_729, %dma_start3A_730] : memref<10000x128xf32, #tpu.memory_space<hbm>> -> memref<10000x128xf32, #tpu.memory_space<hbm>>
      tpu.enqueue_indirect_dma source(%dma_start3A_731 : memref<10000x128xf32, #tpu.memory_space<hbm>>) target(%dma_start3A_725 : memref<64x128xf32, #tpu.memory_space<vmem>>) offsets(%dma_start3A_728 : memref<64xi32, #tpu.memory_space<vmem>>) semaphore(%arg10 : memref<!tpu.dma_semaphore, #tpu.memory_space<semaphore_mem>>)
      %jit3A_732 = arith.constant 2 : i32
      %eq3A_733 = arith.constant 0 : i32
      %eq3A_734 = arith.cmpi eq, %jit3A_732, %eq3A_733 : i32
      %jit3A_735 = arith.constant 1 : i32
      %select_n3A_736 = arith.select %eq3A_734, %jit3A_735, %jit3A_732 : i32
      %rem3A_737 = arith.remsi %add3A_446, %select_n3A_736 : i32
      %ne3A_738 = arith.constant 0 : i32
      %ne3A_739 = arith.cmpi ne, %rem3A_737, %ne3A_738 : i32
      %lt3A_740 = arith.constant 0 : i32
      %lt3A_741 = arith.cmpi slt, %rem3A_737, %lt3A_740 : i32
      %lt3A_742 = arith.constant 0 : i32
      %lt3A_743 = arith.cmpi slt, %select_n3A_736, %lt3A_742 : i32
      %ne3A_744 = arith.xori %lt3A_741, %lt3A_743 : i1
      %and3A_745 = arith.andi %ne3A_744, %ne3A_739 : i1
      %add3A_746 = arith.addi %rem3A_737, %select_n3A_736 : i32
      %select_n3A_747 = arith.select %and3A_745, %add3A_746, %rem3A_737 : i32
      %mul3A_748 = arith.constant 4 : i32
      %mul3A_749 = arith.muli %select_n3A_747, %mul3A_748 : i32
      %add3A_750 = arith.constant 3 : i32
      %add3A_751 = arith.addi %mul3A_749, %add3A_750 : i32
      %dma_wait3A_752 = arith.constant 0 : i32
      %dma_wait3A_753 = arith.constant 3 : i32
      %dma_wait3A_754 = arith.constant 0 : i32
      %dma_wait3A_755 = arith.constant 0 : i32
      %dma_wait3A_756 = tpu.memref_slice %arg8[%dma_wait3A_753, %dma_wait3A_754, %dma_wait3A_755] : memref<4x64x128xf32, #tpu.memory_space<vmem>> -> memref<1x64x128xf32, #tpu.memory_space<vmem>>
      %dma_wait3A_757 = tpu.memref_squeeze %dma_wait3A_756 : memref<1x64x128xf32, #tpu.memory_space<vmem>> -> memref<64x128xf32, #tpu.memory_space<vmem>>
      %dma_wait3A_758 = arith.constant 0 : i32
      %dma_wait3A_759 = tpu.memref_slice %arg6[%dma_wait3A_752, %dma_wait3A_758] : memref<8x64xi32, #tpu.memory_space<vmem>> -> memref<1x64xi32, #tpu.memory_space<vmem>>
      %dma_wait3A_760 = tpu.memref_squeeze %dma_wait3A_759 : memref<1x64xi32, #tpu.memory_space<vmem>> -> memref<64xi32, #tpu.memory_space<vmem>>
      %dma_wait3A_761 = arith.constant 0 : i32
      %dma_wait3A_762 = arith.constant 0 : i32
      %dma_wait3A_763 = tpu.memref_slice %arg2[%dma_wait3A_761, %dma_wait3A_762] : memref<10000x128xf32, #tpu.memory_space<hbm>> -> memref<10000x128xf32, #tpu.memory_space<hbm>>
      tpu.wait_indirect_dma semaphore(%arg13 : memref<!tpu.dma_semaphore, #tpu.memory_space<semaphore_mem>>) src(%dma_wait3A_763 : memref<10000x128xf32, #tpu.memory_space<hbm>>) dst(%dma_wait3A_757 : memref<64x128xf32, #tpu.memory_space<vmem>>)
      %dma_start3A_764 = arith.constant 3 : i32
      %dma_start3A_765 = arith.constant 0 : i32
      %dma_start3A_766 = arith.constant 0 : i32
      %dma_start3A_767 = tpu.memref_slice %arg8[%dma_start3A_764, %dma_start3A_765, %dma_start3A_766] : memref<4x64x128xf32, #tpu.memory_space<vmem>> -> memref<1x64x128xf32, #tpu.memory_space<vmem>>
      %dma_start3A_768 = tpu.memref_squeeze %dma_start3A_767 : memref<1x64x128xf32, #tpu.memory_space<vmem>> -> memref<64x128xf32, #tpu.memory_space<vmem>>
      %dma_start3A_769 = arith.constant 0 : i32
      %dma_start3A_770 = tpu.memref_slice %arg7[%add3A_751, %dma_start3A_769] : memref<8x64xi32, #tpu.memory_space<vmem>> -> memref<1x64xi32, #tpu.memory_space<vmem>>
      %dma_start3A_771 = tpu.memref_squeeze %dma_start3A_770 : memref<1x64xi32, #tpu.memory_space<vmem>> -> memref<64xi32, #tpu.memory_space<vmem>>
      %dma_start3A_772 = arith.constant 0 : i32
      %dma_start3A_773 = arith.constant 0 : i32
      %dma_start3A_774 = tpu.memref_slice %arg9[%dma_start3A_772, %dma_start3A_773] : memref<10240x128xf32, #tpu.memory_space<vmem_shared>> -> memref<10240x128xf32, #tpu.memory_space<vmem_shared>>
      tpu.enqueue_indirect_dma source(%dma_start3A_768 : memref<64x128xf32, #tpu.memory_space<vmem>>) target(%dma_start3A_774 : memref<10240x128xf32, #tpu.memory_space<vmem_shared>>) offsets(%dma_start3A_771 : memref<64xi32, #tpu.memory_space<vmem>>) semaphore(%arg17 : memref<!tpu.dma_semaphore, #tpu.memory_space<semaphore_mem>>) {add = true}
      %dma_wait3A_775 = arith.constant 1 : i32
      %dma_wait3A_776 = arith.constant 0 : i32
      %dma_wait3A_777 = arith.constant 0 : i32
      %dma_wait3A_778 = arith.constant 0 : i32
      %dma_wait3A_779 = tpu.memref_slice %arg8[%dma_wait3A_775, %dma_wait3A_777, %dma_wait3A_778] : memref<4x64x128xf32, #tpu.memory_space<vmem>> -> memref<1x64x128xf32, #tpu.memory_space<vmem>>
      %dma_wait3A_780 = tpu.memref_squeeze %dma_wait3A_779 : memref<1x64x128xf32, #tpu.memory_space<vmem>> -> memref<64x128xf32, #tpu.memory_space<vmem>>
      %dma_wait3A_781 = arith.constant 0 : i32
      %dma_wait3A_782 = tpu.memref_slice %arg7[%dma_wait3A_776, %dma_wait3A_781] : memref<8x64xi32, #tpu.memory_space<vmem>> -> memref<1x64xi32, #tpu.memory_space<vmem>>
      %dma_wait3A_783 = tpu.memref_squeeze %dma_wait3A_782 : memref<1x64xi32, #tpu.memory_space<vmem>> -> memref<64xi32, #tpu.memory_space<vmem>>
      %dma_wait3A_784 = arith.constant 0 : i32
      %dma_wait3A_785 = arith.constant 0 : i32
      %dma_wait3A_786 = tpu.memref_slice %arg9[%dma_wait3A_784, %dma_wait3A_785] : memref<10240x128xf32, #tpu.memory_space<vmem_shared>> -> memref<10240x128xf32, #tpu.memory_space<vmem_shared>>
      tpu.wait_indirect_dma semaphore(%arg15 : memref<!tpu.dma_semaphore, #tpu.memory_space<semaphore_mem>>) src(%dma_wait3A_780 : memref<64x128xf32, #tpu.memory_space<vmem>>) dst(%dma_wait3A_786 : memref<10240x128xf32, #tpu.memory_space<vmem_shared>>)
      %add3A_787 = arith.constant 1 : i32
      %add3A_788 = arith.addi %add3A_446, %add3A_787 : i32
      %jit3A_789 = arith.constant 2 : i32
      %eq3A_790 = arith.constant 0 : i32
      %eq3A_791 = arith.cmpi eq, %jit3A_789, %eq3A_790 : i32
      %jit3A_792 = arith.constant 1 : i32
      %select_n3A_793 = arith.select %eq3A_791, %jit3A_792, %jit3A_789 : i32
      %rem3A_794 = arith.remsi %add3A_788, %select_n3A_793 : i32
      %ne3A_795 = arith.constant 0 : i32
      %ne3A_796 = arith.cmpi ne, %rem3A_794, %ne3A_795 : i32
      %lt3A_797 = arith.constant 0 : i32
      %lt3A_798 = arith.cmpi slt, %rem3A_794, %lt3A_797 : i32
      %lt3A_799 = arith.constant 0 : i32
      %lt3A_800 = arith.cmpi slt, %select_n3A_793, %lt3A_799 : i32
      %ne3A_801 = arith.xori %lt3A_798, %lt3A_800 : i1
      %and3A_802 = arith.andi %ne3A_801, %ne3A_796 : i1
      %add3A_803 = arith.addi %rem3A_794, %select_n3A_793 : i32
      %select_n3A_804 = arith.select %and3A_802, %add3A_803, %rem3A_794 : i32
      %mul3A_805 = arith.constant 4 : i32
      %mul3A_806 = arith.muli %select_n3A_804, %mul3A_805 : i32
      %add3A_807 = arith.constant 1 : i32
      %add3A_808 = arith.addi %mul3A_806, %add3A_807 : i32
      %dma_start3A_809 = arith.constant 1 : i32
      %dma_start3A_810 = arith.constant 0 : i32
      %dma_start3A_811 = arith.constant 0 : i32
      %dma_start3A_812 = tpu.memref_slice %arg8[%dma_start3A_809, %dma_start3A_810, %dma_start3A_811] : memref<4x64x128xf32, #tpu.memory_space<vmem>> -> memref<1x64x128xf32, #tpu.memory_space<vmem>>
      %dma_start3A_813 = tpu.memref_squeeze %dma_start3A_812 : memref<1x64x128xf32, #tpu.memory_space<vmem>> -> memref<64x128xf32, #tpu.memory_space<vmem>>
      %dma_start3A_814 = arith.constant 0 : i32
      %dma_start3A_815 = tpu.memref_slice %arg6[%add3A_808, %dma_start3A_814] : memref<8x64xi32, #tpu.memory_space<vmem>> -> memref<1x64xi32, #tpu.memory_space<vmem>>
      %dma_start3A_816 = tpu.memref_squeeze %dma_start3A_815 : memref<1x64xi32, #tpu.memory_space<vmem>> -> memref<64xi32, #tpu.memory_space<vmem>>
      %dma_start3A_817 = arith.constant 0 : i32
      %dma_start3A_818 = arith.constant 0 : i32
      %dma_start3A_819 = tpu.memref_slice %arg2[%dma_start3A_817, %dma_start3A_818] : memref<10000x128xf32, #tpu.memory_space<hbm>> -> memref<10000x128xf32, #tpu.memory_space<hbm>>
      tpu.enqueue_indirect_dma source(%dma_start3A_819 : memref<10000x128xf32, #tpu.memory_space<hbm>>) target(%dma_start3A_813 : memref<64x128xf32, #tpu.memory_space<vmem>>) offsets(%dma_start3A_816 : memref<64xi32, #tpu.memory_space<vmem>>) semaphore(%arg11 : memref<!tpu.dma_semaphore, #tpu.memory_space<semaphore_mem>>)
    }
    %scan3A_240 = arith.constant 38 : i32
    %dma_wait3A_241 = arith.constant 0 : i32
    %dma_wait3A_242 = arith.constant 0 : i32
    %dma_wait3A_243 = arith.constant 0 : i32
    %dma_wait3A_244 = arith.constant 0 : i32
    %dma_wait3A_245 = tpu.memref_slice %arg8[%dma_wait3A_242, %dma_wait3A_243, %dma_wait3A_244] : memref<4x64x128xf32, #tpu.memory_space<vmem>> -> memref<1x64x128xf32, #tpu.memory_space<vmem>>
    %dma_wait3A_246 = tpu.memref_squeeze %dma_wait3A_245 : memref<1x64x128xf32, #tpu.memory_space<vmem>> -> memref<64x128xf32, #tpu.memory_space<vmem>>
    %dma_wait3A_247 = arith.constant 0 : i32
    %dma_wait3A_248 = tpu.memref_slice %arg6[%dma_wait3A_241, %dma_wait3A_247] : memref<8x64xi32, #tpu.memory_space<vmem>> -> memref<1x64xi32, #tpu.memory_space<vmem>>
    %dma_wait3A_249 = tpu.memref_squeeze %dma_wait3A_248 : memref<1x64xi32, #tpu.memory_space<vmem>> -> memref<64xi32, #tpu.memory_space<vmem>>
    %dma_wait3A_250 = arith.constant 0 : i32
    %dma_wait3A_251 = arith.constant 0 : i32
    %dma_wait3A_252 = tpu.memref_slice %arg2[%dma_wait3A_250, %dma_wait3A_251] : memref<10000x128xf32, #tpu.memory_space<hbm>> -> memref<10000x128xf32, #tpu.memory_space<hbm>>
    tpu.wait_indirect_dma semaphore(%arg10 : memref<!tpu.dma_semaphore, #tpu.memory_space<semaphore_mem>>) src(%dma_wait3A_252 : memref<10000x128xf32, #tpu.memory_space<hbm>>) dst(%dma_wait3A_246 : memref<64x128xf32, #tpu.memory_space<vmem>>)
    %dma_start3A_253 = arith.constant 0 : i32
    %dma_start3A_254 = arith.constant 4 : i32
    %dma_start3A_255 = arith.constant 0 : i32
    %dma_start3A_256 = arith.constant 0 : i32
    %dma_start3A_257 = tpu.memref_slice %arg8[%dma_start3A_253, %dma_start3A_255, %dma_start3A_256] : memref<4x64x128xf32, #tpu.memory_space<vmem>> -> memref<1x64x128xf32, #tpu.memory_space<vmem>>
    %dma_start3A_258 = tpu.memref_squeeze %dma_start3A_257 : memref<1x64x128xf32, #tpu.memory_space<vmem>> -> memref<64x128xf32, #tpu.memory_space<vmem>>
    %dma_start3A_259 = arith.constant 0 : i32
    %dma_start3A_260 = tpu.memref_slice %arg7[%dma_start3A_254, %dma_start3A_259] : memref<8x64xi32, #tpu.memory_space<vmem>> -> memref<1x64xi32, #tpu.memory_space<vmem>>
    %dma_start3A_261 = tpu.memref_squeeze %dma_start3A_260 : memref<1x64xi32, #tpu.memory_space<vmem>> -> memref<64xi32, #tpu.memory_space<vmem>>
    %dma_start3A_262 = arith.constant 0 : i32
    %dma_start3A_263 = arith.constant 0 : i32
    %dma_start3A_264 = tpu.memref_slice %arg9[%dma_start3A_262, %dma_start3A_263] : memref<10240x128xf32, #tpu.memory_space<vmem_shared>> -> memref<10240x128xf32, #tpu.memory_space<vmem_shared>>
    tpu.enqueue_indirect_dma source(%dma_start3A_258 : memref<64x128xf32, #tpu.memory_space<vmem>>) target(%dma_start3A_264 : memref<10240x128xf32, #tpu.memory_space<vmem_shared>>) offsets(%dma_start3A_261 : memref<64xi32, #tpu.memory_space<vmem>>) semaphore(%arg14 : memref<!tpu.dma_semaphore, #tpu.memory_space<semaphore_mem>>) {add = true}
    %dma_wait3A_265 = arith.constant 2 : i32
    %dma_wait3A_266 = arith.constant 0 : i32
    %dma_wait3A_267 = arith.constant 0 : i32
    %dma_wait3A_268 = arith.constant 0 : i32
    %dma_wait3A_269 = tpu.memref_slice %arg8[%dma_wait3A_265, %dma_wait3A_267, %dma_wait3A_268] : memref<4x64x128xf32, #tpu.memory_space<vmem>> -> memref<1x64x128xf32, #tpu.memory_space<vmem>>
    %dma_wait3A_270 = tpu.memref_squeeze %dma_wait3A_269 : memref<1x64x128xf32, #tpu.memory_space<vmem>> -> memref<64x128xf32, #tpu.memory_space<vmem>>
    %dma_wait3A_271 = arith.constant 0 : i32
    %dma_wait3A_272 = tpu.memref_slice %arg7[%dma_wait3A_266, %dma_wait3A_271] : memref<8x64xi32, #tpu.memory_space<vmem>> -> memref<1x64xi32, #tpu.memory_space<vmem>>
    %dma_wait3A_273 = tpu.memref_squeeze %dma_wait3A_272 : memref<1x64xi32, #tpu.memory_space<vmem>> -> memref<64xi32, #tpu.memory_space<vmem>>
    %dma_wait3A_274 = arith.constant 0 : i32
    %dma_wait3A_275 = arith.constant 0 : i32
    %dma_wait3A_276 = tpu.memref_slice %arg9[%dma_wait3A_274, %dma_wait3A_275] : memref<10240x128xf32, #tpu.memory_space<vmem_shared>> -> memref<10240x128xf32, #tpu.memory_space<vmem_shared>>
    tpu.wait_indirect_dma semaphore(%arg16 : memref<!tpu.dma_semaphore, #tpu.memory_space<semaphore_mem>>) src(%dma_wait3A_270 : memref<64x128xf32, #tpu.memory_space<vmem>>) dst(%dma_wait3A_276 : memref<10240x128xf32, #tpu.memory_space<vmem_shared>>)
    %dma_start3A_277 = arith.constant 6 : i32
    %dma_start3A_278 = arith.constant 2 : i32
    %dma_start3A_279 = arith.constant 0 : i32
    %dma_start3A_280 = arith.constant 0 : i32
    %dma_start3A_281 = tpu.memref_slice %arg8[%dma_start3A_278, %dma_start3A_279, %dma_start3A_280] : memref<4x64x128xf32, #tpu.memory_space<vmem>> -> memref<1x64x128xf32, #tpu.memory_space<vmem>>
    %dma_start3A_282 = tpu.memref_squeeze %dma_start3A_281 : memref<1x64x128xf32, #tpu.memory_space<vmem>> -> memref<64x128xf32, #tpu.memory_space<vmem>>
    %dma_start3A_283 = arith.constant 0 : i32
    %dma_start3A_284 = tpu.memref_slice %arg6[%dma_start3A_277, %dma_start3A_283] : memref<8x64xi32, #tpu.memory_space<vmem>> -> memref<1x64xi32, #tpu.memory_space<vmem>>
    %dma_start3A_285 = tpu.memref_squeeze %dma_start3A_284 : memref<1x64xi32, #tpu.memory_space<vmem>> -> memref<64xi32, #tpu.memory_space<vmem>>
    %dma_start3A_286 = arith.constant 0 : i32
    %dma_start3A_287 = arith.constant 0 : i32
    %dma_start3A_288 = tpu.memref_slice %arg2[%dma_start3A_286, %dma_start3A_287] : memref<10000x128xf32, #tpu.memory_space<hbm>> -> memref<10000x128xf32, #tpu.memory_space<hbm>>
    tpu.enqueue_indirect_dma source(%dma_start3A_288 : memref<10000x128xf32, #tpu.memory_space<hbm>>) target(%dma_start3A_282 : memref<64x128xf32, #tpu.memory_space<vmem>>) offsets(%dma_start3A_285 : memref<64xi32, #tpu.memory_space<vmem>>) semaphore(%arg12 : memref<!tpu.dma_semaphore, #tpu.memory_space<semaphore_mem>>)
    %dma_wait3A_289 = arith.constant 0 : i32
    %dma_wait3A_290 = arith.constant 1 : i32
    %dma_wait3A_291 = arith.constant 0 : i32
    %dma_wait3A_292 = arith.constant 0 : i32
    %dma_wait3A_293 = tpu.memref_slice %arg8[%dma_wait3A_290, %dma_wait3A_291, %dma_wait3A_292] : memref<4x64x128xf32, #tpu.memory_space<vmem>> -> memref<1x64x128xf32, #tpu.memory_space<vmem>>
    %dma_wait3A_294 = tpu.memref_squeeze %dma_wait3A_293 : memref<1x64x128xf32, #tpu.memory_space<vmem>> -> memref<64x128xf32, #tpu.memory_space<vmem>>
    %dma_wait3A_295 = arith.constant 0 : i32
    %dma_wait3A_296 = tpu.memref_slice %arg6[%dma_wait3A_289, %dma_wait3A_295] : memref<8x64xi32, #tpu.memory_space<vmem>> -> memref<1x64xi32, #tpu.memory_space<vmem>>
    %dma_wait3A_297 = tpu.memref_squeeze %dma_wait3A_296 : memref<1x64xi32, #tpu.memory_space<vmem>> -> memref<64xi32, #tpu.memory_space<vmem>>
    %dma_wait3A_298 = arith.constant 0 : i32
    %dma_wait3A_299 = arith.constant 0 : i32
    %dma_wait3A_300 = tpu.memref_slice %arg2[%dma_wait3A_298, %dma_wait3A_299] : memref<10000x128xf32, #tpu.memory_space<hbm>> -> memref<10000x128xf32, #tpu.memory_space<hbm>>
    tpu.wait_indirect_dma semaphore(%arg11 : memref<!tpu.dma_semaphore, #tpu.memory_space<semaphore_mem>>) src(%dma_wait3A_300 : memref<10000x128xf32, #tpu.memory_space<hbm>>) dst(%dma_wait3A_294 : memref<64x128xf32, #tpu.memory_space<vmem>>)
    %dma_start3A_301 = arith.constant 1 : i32
    %dma_start3A_302 = arith.constant 5 : i32
    %dma_start3A_303 = arith.constant 0 : i32
    %dma_start3A_304 = arith.constant 0 : i32
    %dma_start3A_305 = tpu.memref_slice %arg8[%dma_start3A_301, %dma_start3A_303, %dma_start3A_304] : memref<4x64x128xf32, #tpu.memory_space<vmem>> -> memref<1x64x128xf32, #tpu.memory_space<vmem>>
    %dma_start3A_306 = tpu.memref_squeeze %dma_start3A_305 : memref<1x64x128xf32, #tpu.memory_space<vmem>> -> memref<64x128xf32, #tpu.memory_space<vmem>>
    %dma_start3A_307 = arith.constant 0 : i32
    %dma_start3A_308 = tpu.memref_slice %arg7[%dma_start3A_302, %dma_start3A_307] : memref<8x64xi32, #tpu.memory_space<vmem>> -> memref<1x64xi32, #tpu.memory_space<vmem>>
    %dma_start3A_309 = tpu.memref_squeeze %dma_start3A_308 : memref<1x64xi32, #tpu.memory_space<vmem>> -> memref<64xi32, #tpu.memory_space<vmem>>
    %dma_start3A_310 = arith.constant 0 : i32
    %dma_start3A_311 = arith.constant 0 : i32
    %dma_start3A_312 = tpu.memref_slice %arg9[%dma_start3A_310, %dma_start3A_311] : memref<10240x128xf32, #tpu.memory_space<vmem_shared>> -> memref<10240x128xf32, #tpu.memory_space<vmem_shared>>
    tpu.enqueue_indirect_dma source(%dma_start3A_306 : memref<64x128xf32, #tpu.memory_space<vmem>>) target(%dma_start3A_312 : memref<10240x128xf32, #tpu.memory_space<vmem_shared>>) offsets(%dma_start3A_309 : memref<64xi32, #tpu.memory_space<vmem>>) semaphore(%arg15 : memref<!tpu.dma_semaphore, #tpu.memory_space<semaphore_mem>>) {add = true}
    %dma_wait3A_313 = arith.constant 3 : i32
    %dma_wait3A_314 = arith.constant 0 : i32
    %dma_wait3A_315 = arith.constant 0 : i32
    %dma_wait3A_316 = arith.constant 0 : i32
    %dma_wait3A_317 = tpu.memref_slice %arg8[%dma_wait3A_313, %dma_wait3A_315, %dma_wait3A_316] : memref<4x64x128xf32, #tpu.memory_space<vmem>> -> memref<1x64x128xf32, #tpu.memory_space<vmem>>
    %dma_wait3A_318 = tpu.memref_squeeze %dma_wait3A_317 : memref<1x64x128xf32, #tpu.memory_space<vmem>> -> memref<64x128xf32, #tpu.memory_space<vmem>>
    %dma_wait3A_319 = arith.constant 0 : i32
    %dma_wait3A_320 = tpu.memref_slice %arg7[%dma_wait3A_314, %dma_wait3A_319] : memref<8x64xi32, #tpu.memory_space<vmem>> -> memref<1x64xi32, #tpu.memory_space<vmem>>
    %dma_wait3A_321 = tpu.memref_squeeze %dma_wait3A_320 : memref<1x64xi32, #tpu.memory_space<vmem>> -> memref<64xi32, #tpu.memory_space<vmem>>
    %dma_wait3A_322 = arith.constant 0 : i32
    %dma_wait3A_323 = arith.constant 0 : i32
    %dma_wait3A_324 = tpu.memref_slice %arg9[%dma_wait3A_322, %dma_wait3A_323] : memref<10240x128xf32, #tpu.memory_space<vmem_shared>> -> memref<10240x128xf32, #tpu.memory_space<vmem_shared>>
    tpu.wait_indirect_dma semaphore(%arg17 : memref<!tpu.dma_semaphore, #tpu.memory_space<semaphore_mem>>) src(%dma_wait3A_318 : memref<64x128xf32, #tpu.memory_space<vmem>>) dst(%dma_wait3A_324 : memref<10240x128xf32, #tpu.memory_space<vmem_shared>>)
    %dma_start3A_325 = arith.constant 7 : i32
    %dma_start3A_326 = arith.constant 3 : i32
    %dma_start3A_327 = arith.constant 0 : i32
    %dma_start3A_328 = arith.constant 0 : i32
    %dma_start3A_329 = tpu.memref_slice %arg8[%dma_start3A_326, %dma_start3A_327, %dma_start3A_328] : memref<4x64x128xf32, #tpu.memory_space<vmem>> -> memref<1x64x128xf32, #tpu.memory_space<vmem>>
    %dma_start3A_330 = tpu.memref_squeeze %dma_start3A_329 : memref<1x64x128xf32, #tpu.memory_space<vmem>> -> memref<64x128xf32, #tpu.memory_space<vmem>>
    %dma_start3A_331 = arith.constant 0 : i32
    %dma_start3A_332 = tpu.memref_slice %arg6[%dma_start3A_325, %dma_start3A_331] : memref<8x64xi32, #tpu.memory_space<vmem>> -> memref<1x64xi32, #tpu.memory_space<vmem>>
    %dma_start3A_333 = tpu.memref_squeeze %dma_start3A_332 : memref<1x64xi32, #tpu.memory_space<vmem>> -> memref<64xi32, #tpu.memory_space<vmem>>
    %dma_start3A_334 = arith.constant 0 : i32
    %dma_start3A_335 = arith.constant 0 : i32
    %dma_start3A_336 = tpu.memref_slice %arg2[%dma_start3A_334, %dma_start3A_335] : memref<10000x128xf32, #tpu.memory_space<hbm>> -> memref<10000x128xf32, #tpu.memory_space<hbm>>
    tpu.enqueue_indirect_dma source(%dma_start3A_336 : memref<10000x128xf32, #tpu.memory_space<hbm>>) target(%dma_start3A_330 : memref<64x128xf32, #tpu.memory_space<vmem>>) offsets(%dma_start3A_333 : memref<64xi32, #tpu.memory_space<vmem>>) semaphore(%arg13 : memref<!tpu.dma_semaphore, #tpu.memory_space<semaphore_mem>>)
    %dma_wait3A_337 = arith.constant 0 : i32
    %dma_wait3A_338 = arith.constant 2 : i32
    %dma_wait3A_339 = arith.constant 0 : i32
    %dma_wait3A_340 = arith.constant 0 : i32
    %dma_wait3A_341 = tpu.memref_slice %arg8[%dma_wait3A_338, %dma_wait3A_339, %dma_wait3A_340] : memref<4x64x128xf32, #tpu.memory_space<vmem>> -> memref<1x64x128xf32, #tpu.memory_space<vmem>>
    %dma_wait3A_342 = tpu.memref_squeeze %dma_wait3A_341 : memref<1x64x128xf32, #tpu.memory_space<vmem>> -> memref<64x128xf32, #tpu.memory_space<vmem>>
    %dma_wait3A_343 = arith.constant 0 : i32
    %dma_wait3A_344 = tpu.memref_slice %arg6[%dma_wait3A_337, %dma_wait3A_343] : memref<8x64xi32, #tpu.memory_space<vmem>> -> memref<1x64xi32, #tpu.memory_space<vmem>>
    %dma_wait3A_345 = tpu.memref_squeeze %dma_wait3A_344 : memref<1x64xi32, #tpu.memory_space<vmem>> -> memref<64xi32, #tpu.memory_space<vmem>>
    %dma_wait3A_346 = arith.constant 0 : i32
    %dma_wait3A_347 = arith.constant 0 : i32
    %dma_wait3A_348 = tpu.memref_slice %arg2[%dma_wait3A_346, %dma_wait3A_347] : memref<10000x128xf32, #tpu.memory_space<hbm>> -> memref<10000x128xf32, #tpu.memory_space<hbm>>
    tpu.wait_indirect_dma semaphore(%arg12 : memref<!tpu.dma_semaphore, #tpu.memory_space<semaphore_mem>>) src(%dma_wait3A_348 : memref<10000x128xf32, #tpu.memory_space<hbm>>) dst(%dma_wait3A_342 : memref<64x128xf32, #tpu.memory_space<vmem>>)
    %dma_start3A_349 = arith.constant 2 : i32
    %dma_start3A_350 = arith.constant 6 : i32
    %dma_start3A_351 = arith.constant 0 : i32
    %dma_start3A_352 = arith.constant 0 : i32
    %dma_start3A_353 = tpu.memref_slice %arg8[%dma_start3A_349, %dma_start3A_351, %dma_start3A_352] : memref<4x64x128xf32, #tpu.memory_space<vmem>> -> memref<1x64x128xf32, #tpu.memory_space<vmem>>
    %dma_start3A_354 = tpu.memref_squeeze %dma_start3A_353 : memref<1x64x128xf32, #tpu.memory_space<vmem>> -> memref<64x128xf32, #tpu.memory_space<vmem>>
    %dma_start3A_355 = arith.constant 0 : i32
    %dma_start3A_356 = tpu.memref_slice %arg7[%dma_start3A_350, %dma_start3A_355] : memref<8x64xi32, #tpu.memory_space<vmem>> -> memref<1x64xi32, #tpu.memory_space<vmem>>
    %dma_start3A_357 = tpu.memref_squeeze %dma_start3A_356 : memref<1x64xi32, #tpu.memory_space<vmem>> -> memref<64xi32, #tpu.memory_space<vmem>>
    %dma_start3A_358 = arith.constant 0 : i32
    %dma_start3A_359 = arith.constant 0 : i32
    %dma_start3A_360 = tpu.memref_slice %arg9[%dma_start3A_358, %dma_start3A_359] : memref<10240x128xf32, #tpu.memory_space<vmem_shared>> -> memref<10240x128xf32, #tpu.memory_space<vmem_shared>>
    tpu.enqueue_indirect_dma source(%dma_start3A_354 : memref<64x128xf32, #tpu.memory_space<vmem>>) target(%dma_start3A_360 : memref<10240x128xf32, #tpu.memory_space<vmem_shared>>) offsets(%dma_start3A_357 : memref<64xi32, #tpu.memory_space<vmem>>) semaphore(%arg16 : memref<!tpu.dma_semaphore, #tpu.memory_space<semaphore_mem>>) {add = true}
    %dma_wait3A_361 = arith.constant 0 : i32
    %dma_wait3A_362 = arith.constant 0 : i32
    %dma_wait3A_363 = arith.constant 0 : i32
    %dma_wait3A_364 = arith.constant 0 : i32
    %dma_wait3A_365 = tpu.memref_slice %arg8[%dma_wait3A_361, %dma_wait3A_363, %dma_wait3A_364] : memref<4x64x128xf32, #tpu.memory_space<vmem>> -> memref<1x64x128xf32, #tpu.memory_space<vmem>>
    %dma_wait3A_366 = tpu.memref_squeeze %dma_wait3A_365 : memref<1x64x128xf32, #tpu.memory_space<vmem>> -> memref<64x128xf32, #tpu.memory_space<vmem>>
    %dma_wait3A_367 = arith.constant 0 : i32
    %dma_wait3A_368 = tpu.memref_slice %arg7[%dma_wait3A_362, %dma_wait3A_367] : memref<8x64xi32, #tpu.memory_space<vmem>> -> memref<1x64xi32, #tpu.memory_space<vmem>>
    %dma_wait3A_369 = tpu.memref_squeeze %dma_wait3A_368 : memref<1x64xi32, #tpu.memory_space<vmem>> -> memref<64xi32, #tpu.memory_space<vmem>>
    %dma_wait3A_370 = arith.constant 0 : i32
    %dma_wait3A_371 = arith.constant 0 : i32
    %dma_wait3A_372 = tpu.memref_slice %arg9[%dma_wait3A_370, %dma_wait3A_371] : memref<10240x128xf32, #tpu.memory_space<vmem_shared>> -> memref<10240x128xf32, #tpu.memory_space<vmem_shared>>
    tpu.wait_indirect_dma semaphore(%arg14 : memref<!tpu.dma_semaphore, #tpu.memory_space<semaphore_mem>>) src(%dma_wait3A_366 : memref<64x128xf32, #tpu.memory_space<vmem>>) dst(%dma_wait3A_372 : memref<10240x128xf32, #tpu.memory_space<vmem_shared>>)
    %dma_wait3A_373 = arith.constant 0 : i32
    %dma_wait3A_374 = arith.constant 3 : i32
    %dma_wait3A_375 = arith.constant 0 : i32
    %dma_wait3A_376 = arith.constant 0 : i32
    %dma_wait3A_377 = tpu.memref_slice %arg8[%dma_wait3A_374, %dma_wait3A_375, %dma_wait3A_376] : memref<4x64x128xf32, #tpu.memory_space<vmem>> -> memref<1x64x128xf32, #tpu.memory_space<vmem>>
    %dma_wait3A_378 = tpu.memref_squeeze %dma_wait3A_377 : memref<1x64x128xf32, #tpu.memory_space<vmem>> -> memref<64x128xf32, #tpu.memory_space<vmem>>
    %dma_wait3A_379 = arith.constant 0 : i32
    %dma_wait3A_380 = tpu.memref_slice %arg6[%dma_wait3A_373, %dma_wait3A_379] : memref<8x64xi32, #tpu.memory_space<vmem>> -> memref<1x64xi32, #tpu.memory_space<vmem>>
    %dma_wait3A_381 = tpu.memref_squeeze %dma_wait3A_380 : memref<1x64xi32, #tpu.memory_space<vmem>> -> memref<64xi32, #tpu.memory_space<vmem>>
    %dma_wait3A_382 = arith.constant 0 : i32
    %dma_wait3A_383 = arith.constant 0 : i32
    %dma_wait3A_384 = tpu.memref_slice %arg2[%dma_wait3A_382, %dma_wait3A_383] : memref<10000x128xf32, #tpu.memory_space<hbm>> -> memref<10000x128xf32, #tpu.memory_space<hbm>>
    tpu.wait_indirect_dma semaphore(%arg13 : memref<!tpu.dma_semaphore, #tpu.memory_space<semaphore_mem>>) src(%dma_wait3A_384 : memref<10000x128xf32, #tpu.memory_space<hbm>>) dst(%dma_wait3A_378 : memref<64x128xf32, #tpu.memory_space<vmem>>)
    %dma_start3A_385 = arith.constant 3 : i32
    %dma_start3A_386 = arith.constant 7 : i32
    %dma_start3A_387 = arith.constant 0 : i32
    %dma_start3A_388 = arith.constant 0 : i32
    %dma_start3A_389 = tpu.memref_slice %arg8[%dma_start3A_385, %dma_start3A_387, %dma_start3A_388] : memref<4x64x128xf32, #tpu.memory_space<vmem>> -> memref<1x64x128xf32, #tpu.memory_space<vmem>>
    %dma_start3A_390 = tpu.memref_squeeze %dma_start3A_389 : memref<1x64x128xf32, #tpu.memory_space<vmem>> -> memref<64x128xf32, #tpu.memory_space<vmem>>
    %dma_start3A_391 = arith.constant 0 : i32
    %dma_start3A_392 = tpu.memref_slice %arg7[%dma_start3A_386, %dma_start3A_391] : memref<8x64xi32, #tpu.memory_space<vmem>> -> memref<1x64xi32, #tpu.memory_space<vmem>>
    %dma_start3A_393 = tpu.memref_squeeze %dma_start3A_392 : memref<1x64xi32, #tpu.memory_space<vmem>> -> memref<64xi32, #tpu.memory_space<vmem>>
    %dma_start3A_394 = arith.constant 0 : i32
    %dma_start3A_395 = arith.constant 0 : i32
    %dma_start3A_396 = tpu.memref_slice %arg9[%dma_start3A_394, %dma_start3A_395] : memref<10240x128xf32, #tpu.memory_space<vmem_shared>> -> memref<10240x128xf32, #tpu.memory_space<vmem_shared>>
    tpu.enqueue_indirect_dma source(%dma_start3A_390 : memref<64x128xf32, #tpu.memory_space<vmem>>) target(%dma_start3A_396 : memref<10240x128xf32, #tpu.memory_space<vmem_shared>>) offsets(%dma_start3A_393 : memref<64xi32, #tpu.memory_space<vmem>>) semaphore(%arg17 : memref<!tpu.dma_semaphore, #tpu.memory_space<semaphore_mem>>) {add = true}
    %dma_wait3A_397 = arith.constant 1 : i32
    %dma_wait3A_398 = arith.constant 0 : i32
    %dma_wait3A_399 = arith.constant 0 : i32
    %dma_wait3A_400 = arith.constant 0 : i32
    %dma_wait3A_401 = tpu.memref_slice %arg8[%dma_wait3A_397, %dma_wait3A_399, %dma_wait3A_400] : memref<4x64x128xf32, #tpu.memory_space<vmem>> -> memref<1x64x128xf32, #tpu.memory_space<vmem>>
    %dma_wait3A_402 = tpu.memref_squeeze %dma_wait3A_401 : memref<1x64x128xf32, #tpu.memory_space<vmem>> -> memref<64x128xf32, #tpu.memory_space<vmem>>
    %dma_wait3A_403 = arith.constant 0 : i32
    %dma_wait3A_404 = tpu.memref_slice %arg7[%dma_wait3A_398, %dma_wait3A_403] : memref<8x64xi32, #tpu.memory_space<vmem>> -> memref<1x64xi32, #tpu.memory_space<vmem>>
    %dma_wait3A_405 = tpu.memref_squeeze %dma_wait3A_404 : memref<1x64xi32, #tpu.memory_space<vmem>> -> memref<64xi32, #tpu.memory_space<vmem>>
    %dma_wait3A_406 = arith.constant 0 : i32
    %dma_wait3A_407 = arith.constant 0 : i32
    %dma_wait3A_408 = tpu.memref_slice %arg9[%dma_wait3A_406, %dma_wait3A_407] : memref<10240x128xf32, #tpu.memory_space<vmem_shared>> -> memref<10240x128xf32, #tpu.memory_space<vmem_shared>>
    tpu.wait_indirect_dma semaphore(%arg15 : memref<!tpu.dma_semaphore, #tpu.memory_space<semaphore_mem>>) src(%dma_wait3A_402 : memref<64x128xf32, #tpu.memory_space<vmem>>) dst(%dma_wait3A_408 : memref<10240x128xf32, #tpu.memory_space<vmem_shared>>)
    %dma_wait3A_409 = arith.constant 2 : i32
    %dma_wait3A_410 = arith.constant 0 : i32
    %dma_wait3A_411 = arith.constant 0 : i32
    %dma_wait3A_412 = arith.constant 0 : i32
    %dma_wait3A_413 = tpu.memref_slice %arg8[%dma_wait3A_409, %dma_wait3A_411, %dma_wait3A_412] : memref<4x64x128xf32, #tpu.memory_space<vmem>> -> memref<1x64x128xf32, #tpu.memory_space<vmem>>
    %dma_wait3A_414 = tpu.memref_squeeze %dma_wait3A_413 : memref<1x64x128xf32, #tpu.memory_space<vmem>> -> memref<64x128xf32, #tpu.memory_space<vmem>>
    %dma_wait3A_415 = arith.constant 0 : i32
    %dma_wait3A_416 = tpu.memref_slice %arg7[%dma_wait3A_410, %dma_wait3A_415] : memref<8x64xi32, #tpu.memory_space<vmem>> -> memref<1x64xi32, #tpu.memory_space<vmem>>
    %dma_wait3A_417 = tpu.memref_squeeze %dma_wait3A_416 : memref<1x64xi32, #tpu.memory_space<vmem>> -> memref<64xi32, #tpu.memory_space<vmem>>
    %dma_wait3A_418 = arith.constant 0 : i32
    %dma_wait3A_419 = arith.constant 0 : i32
    %dma_wait3A_420 = tpu.memref_slice %arg9[%dma_wait3A_418, %dma_wait3A_419] : memref<10240x128xf32, #tpu.memory_space<vmem_shared>> -> memref<10240x128xf32, #tpu.memory_space<vmem_shared>>
    tpu.wait_indirect_dma semaphore(%arg16 : memref<!tpu.dma_semaphore, #tpu.memory_space<semaphore_mem>>) src(%dma_wait3A_414 : memref<64x128xf32, #tpu.memory_space<vmem>>) dst(%dma_wait3A_420 : memref<10240x128xf32, #tpu.memory_space<vmem_shared>>)
    %dma_wait3A_421 = arith.constant 3 : i32
    %dma_wait3A_422 = arith.constant 0 : i32
    %dma_wait3A_423 = arith.constant 0 : i32
    %dma_wait3A_424 = arith.constant 0 : i32
    %dma_wait3A_425 = tpu.memref_slice %arg8[%dma_wait3A_421, %dma_wait3A_423, %dma_wait3A_424] : memref<4x64x128xf32, #tpu.memory_space<vmem>> -> memref<1x64x128xf32, #tpu.memory_space<vmem>>
    %dma_wait3A_426 = tpu.memref_squeeze %dma_wait3A_425 : memref<1x64x128xf32, #tpu.memory_space<vmem>> -> memref<64x128xf32, #tpu.memory_space<vmem>>
    %dma_wait3A_427 = arith.constant 0 : i32
    %dma_wait3A_428 = tpu.memref_slice %arg7[%dma_wait3A_422, %dma_wait3A_427] : memref<8x64xi32, #tpu.memory_space<vmem>> -> memref<1x64xi32, #tpu.memory_space<vmem>>
    %dma_wait3A_429 = tpu.memref_squeeze %dma_wait3A_428 : memref<1x64xi32, #tpu.memory_space<vmem>> -> memref<64xi32, #tpu.memory_space<vmem>>
    %dma_wait3A_430 = arith.constant 0 : i32
    %dma_wait3A_431 = arith.constant 0 : i32
    %dma_wait3A_432 = tpu.memref_slice %arg9[%dma_wait3A_430, %dma_wait3A_431] : memref<10240x128xf32, #tpu.memory_space<vmem_shared>> -> memref<10240x128xf32, #tpu.memory_space<vmem_shared>>
    tpu.wait_indirect_dma semaphore(%arg17 : memref<!tpu.dma_semaphore, #tpu.memory_space<semaphore_mem>>) src(%dma_wait3A_426 : memref<64x128xf32, #tpu.memory_space<vmem>>) dst(%dma_wait3A_432 : memref<10240x128xf32, #tpu.memory_space<vmem_shared>>)
    %barrier3A_433 = arith.constant 0 : index
    tpu.barrier barrier_id(%barrier3A_433)
    %mul3A_434 = arith.constant 624 : i32
    %mul3A_435 = arith.muli %arg1, %mul3A_434 : i32
    %lt3A = arith.constant 15 : i32
    %lt3A_436 = arith.cmpi slt, %arg1, %lt3A : i32
    %convert_element_type3A = arith.extui %lt3A_436 : i1 to i32
    %cond3A = arith.constant 0 : i32
    %cond3A_437 = arith.cmpi ne, %convert_element_type3A, %cond3A : i32
    scf.if %cond3A_437 {
      "tpu.region"() ({
        %run_scoped3A_442 = tpu.sem_alloc : memref<!tpu.dma_semaphore, #tpu.memory_space<semaphore_mem>>
        %dma_start3A_443 = arith.constant 0 : i32
        %dma_start3A_444 = arith.constant 0 : i32
        %dma_start3A_445 = tpu.memref_slice %arg5[%arg0, %dma_start3A_443, %dma_start3A_444] : memref<2x10000x128xf32, #tpu.memory_space<hbm>> -> memref<1x10000x128xf32, #tpu.memory_space<hbm>>
        %dma_start3A_446 = tpu.memref_squeeze %dma_start3A_445 : memref<1x10000x128xf32, #tpu.memory_space<hbm>> -> memref<10000x128xf32, #tpu.memory_space<hbm>>
        %dma_start3A_447 = arith.constant 0 : i32
        %dma_start3A_448 = tpu.memref_slice %dma_start3A_446[%mul3A_435, %dma_start3A_447] : memref<10000x128xf32, #tpu.memory_space<hbm>> -> memref<624x128xf32, #tpu.memory_space<hbm>>
        %dma_start3A_449 = arith.constant 0 : i32
        %dma_start3A_450 = tpu.memref_slice %arg9[%mul3A_435, %dma_start3A_449] : memref<10240x128xf32, #tpu.memory_space<vmem_shared>> -> memref<624x128xf32, #tpu.memory_space<vmem_shared>>
        tpu.enqueue_dma source(%dma_start3A_450 : memref<624x128xf32, #tpu.memory_space<vmem_shared>>) target(%dma_start3A_448 : memref<624x128xf32, #tpu.memory_space<hbm>>) target_semaphore(%run_scoped3A_442 : memref<!tpu.dma_semaphore, #tpu.memory_space<semaphore_mem>>)
        %dma_wait3A_451 = arith.constant 0 : i32
        %dma_wait3A_452 = arith.constant 0 : i32
        %dma_wait3A_453 = tpu.memref_slice %arg5[%arg0, %dma_wait3A_451, %dma_wait3A_452] : memref<2x10000x128xf32, #tpu.memory_space<hbm>> -> memref<1x10000x128xf32, #tpu.memory_space<hbm>>
        %dma_wait3A_454 = tpu.memref_squeeze %dma_wait3A_453 : memref<1x10000x128xf32, #tpu.memory_space<hbm>> -> memref<10000x128xf32, #tpu.memory_space<hbm>>
        %dma_wait3A_455 = arith.constant 0 : i32
        %dma_wait3A_456 = tpu.memref_slice %dma_wait3A_454[%mul3A_435, %dma_wait3A_455] : memref<10000x128xf32, #tpu.memory_space<hbm>> -> memref<624x128xf32, #tpu.memory_space<hbm>>
        %dma_wait3A_457 = arith.constant 0 : i32
        %dma_wait3A_458 = tpu.memref_slice %arg9[%mul3A_435, %dma_wait3A_457] : memref<10240x128xf32, #tpu.memory_space<vmem_shared>> -> memref<624x128xf32, #tpu.memory_space<vmem_shared>>
        tpu.wait_dma2 semaphore(%run_scoped3A_442 : memref<!tpu.dma_semaphore, #tpu.memory_space<semaphore_mem>>) src(%dma_wait3A_458 : memref<624x128xf32, #tpu.memory_space<vmem_shared>>) dst(%dma_wait3A_456 : memref<624x128xf32, #tpu.memory_space<hbm>>)
        tpu.yield
      }) : () -> ()
    } else {
    }
    %eq3A = arith.constant 15 : i32
    %eq3A_438 = arith.cmpi eq, %arg1, %eq3A : i32
    %convert_element_type3A_439 = arith.extui %eq3A_438 : i1 to i32
    %cond3A_440 = arith.constant 0 : i32
    %cond3A_441 = arith.cmpi ne, %convert_element_type3A_439, %cond3A_440 : i32
    scf.if %cond3A_441 {
      "tpu.region"() ({
        %run_scoped3A_442 = tpu.sem_alloc : memref<!tpu.dma_semaphore, #tpu.memory_space<semaphore_mem>>
        %dma_start3A_443 = arith.constant 0 : i32
        %dma_start3A_444 = arith.constant 0 : i32
        %dma_start3A_445 = tpu.memref_slice %arg5[%arg0, %dma_start3A_443, %dma_start3A_444] : memref<2x10000x128xf32, #tpu.memory_space<hbm>> -> memref<1x10000x128xf32, #tpu.memory_space<hbm>>
        %dma_start3A_446 = tpu.memref_squeeze %dma_start3A_445 : memref<1x10000x128xf32, #tpu.memory_space<hbm>> -> memref<10000x128xf32, #tpu.memory_space<hbm>>
        %dma_start3A_447 = arith.constant 9360 : i32
        %dma_start3A_448 = arith.constant 0 : i32
        %dma_start3A_449 = tpu.memref_slice %dma_start3A_446[%dma_start3A_447, %dma_start3A_448] : memref<10000x128xf32, #tpu.memory_space<hbm>> -> memref<640x128xf32, #tpu.memory_space<hbm>>
        %dma_start3A_450 = arith.constant 9360 : i32
        %dma_start3A_451 = arith.constant 0 : i32
        %dma_start3A_452 = tpu.memref_slice %arg9[%dma_start3A_450, %dma_start3A_451] : memref<10240x128xf32, #tpu.memory_space<vmem_shared>> -> memref<640x128xf32, #tpu.memory_space<vmem_shared>>
        tpu.enqueue_dma source(%dma_start3A_452 : memref<640x128xf32, #tpu.memory_space<vmem_shared>>) target(%dma_start3A_449 : memref<640x128xf32, #tpu.memory_space<hbm>>) target_semaphore(%run_scoped3A_442 : memref<!tpu.dma_semaphore, #tpu.memory_space<semaphore_mem>>)
        %dma_wait3A_453 = arith.constant 0 : i32
        %dma_wait3A_454 = arith.constant 0 : i32
        %dma_wait3A_455 = tpu.memref_slice %arg5[%arg0, %dma_wait3A_453, %dma_wait3A_454] : memref<2x10000x128xf32, #tpu.memory_space<hbm>> -> memref<1x10000x128xf32, #tpu.memory_space<hbm>>
        %dma_wait3A_456 = tpu.memref_squeeze %dma_wait3A_455 : memref<1x10000x128xf32, #tpu.memory_space<hbm>> -> memref<10000x128xf32, #tpu.memory_space<hbm>>
        %dma_wait3A_457 = arith.constant 9360 : i32
        %dma_wait3A_458 = arith.constant 0 : i32
        %dma_wait3A_459 = tpu.memref_slice %dma_wait3A_456[%dma_wait3A_457, %dma_wait3A_458] : memref<10000x128xf32, #tpu.memory_space<hbm>> -> memref<640x128xf32, #tpu.memory_space<hbm>>
        %dma_wait3A_460 = arith.constant 9360 : i32
        %dma_wait3A_461 = arith.constant 0 : i32
        %dma_wait3A_462 = tpu.memref_slice %arg9[%dma_wait3A_460, %dma_wait3A_461] : memref<10240x128xf32, #tpu.memory_space<vmem_shared>> -> memref<640x128xf32, #tpu.memory_space<vmem_shared>>
        tpu.wait_dma2 semaphore(%run_scoped3A_442 : memref<!tpu.dma_semaphore, #tpu.memory_space<semaphore_mem>>) src(%dma_wait3A_462 : memref<640x128xf32, #tpu.memory_space<vmem_shared>>) dst(%dma_wait3A_459 : memref<640x128xf32, #tpu.memory_space<hbm>>)
        tpu.yield
      }) : () -> ()
    } else {
    }
    return
  }
}

module attributes {stable_mosaic.version = 14 : i64} {
  func.func @_self_mm_body(%arg0: i32, %arg1: memref<1000x128xf32, #tpu.memory_space<vmem>>, %arg2: memref<128x128xf32, #tpu.memory_space<vmem>>, %arg3: memref<1000x128xf32, #tpu.memory_space<vmem>>) attributes {dimension_semantics = [#tpu.dimension_semantics<arbitrary>], iteration_bounds = array<i64: 10>, scalar_prefetch = 0 : i64, scratch_operands = 0 : i64, tpu.core_type = #tpu.core_type<tc>, window_params = [{transform_indices = @transform_0, window_bounds = array<i64: 1000, 128>}, {pipeline_mode = #tpu.pipeline_mode<synchronous>, transform_indices = @transform_1, window_bounds = array<i64: 128, 128>}, {transform_indices = @transform_2, window_bounds = array<i64: 1000, 128>}]} {
    %get3A = arith.constant 0 : index
    %get3A_0 = arith.constant 0 : index
    %get3A_1 = vector.load %arg1[%get3A, %get3A_0] : memref<1000x128xf32, #tpu.memory_space<vmem>>, vector<1000x128xf32>
    %get3A_2 = arith.constant 0 : index
    %get3A_3 = arith.constant 0 : index
    %get3A_4 = vector.load %arg2[%get3A_2, %get3A_3] : memref<128x128xf32, #tpu.memory_space<vmem>>, vector<128x128xf32>
    %dot_general3A = arith.constant dense<0.000000e+00> : vector<1000x128xf32>
    %dot_general3A_5 = tpu.matmul %get3A_1, %get3A_4, %dot_general3A {dimension_numbers = #tpu.dot_dimension_numbers<[1], [0], [0], [1], [0, 0, 1, 1], [], []>, transpose_lhs_hint = false} : vector<1000x128xf32>, vector<128x128xf32>, vector<1000x128xf32> -> vector<1000x128xf32>
    %swap3A = arith.constant 0 : index
    %swap3A_6 = arith.constant 0 : index
    %swap3A_7 = vector.load %arg3[%swap3A, %swap3A_6] : memref<1000x128xf32, #tpu.memory_space<vmem>>, vector<1000x128xf32>
    tpu.vector_store %arg3[%swap3A, %swap3A_6], %dot_general3A_5 {strides = array<i32>} : memref<1000x128xf32, #tpu.memory_space<vmem>>, vector<1000x128xf32>,
    return
  }
  func.func @transform_0(%arg0: i32) -> (i32, i32) {
    %c0_i32 = arith.constant 0 : i32
    %c0_i32_0 = arith.constant 0 : i32
    return %arg0, %c0_i32 : i32, i32
  }
  func.func @transform_1(%arg0: i32) -> (i32, i32) {
    %c0_i32 = arith.constant 0 : i32
    %c0_i32_0 = arith.constant 0 : i32
    %c0_i32_1 = arith.constant 0 : i32
    return %c0_i32, %c0_i32_0 : i32, i32
  }
  func.func @transform_2(%arg0: i32) -> (i32, i32) {
    %c0_i32 = arith.constant 0 : i32
    %c0_i32_0 = arith.constant 0 : i32
    return %arg0, %c0_i32 : i32, i32
  }
}

module attributes {stable_mosaic.version = 14 : i64} {
  func.func @_combine_body(%arg0: i32, %arg1: memref<1000x128xf32, #tpu.memory_space<vmem>>, %arg2: memref<2x1000x128xf32, #tpu.memory_space<vmem>>, %arg3: memref<1000x16xf32, #tpu.memory_space<vmem>>, %arg4: memref<128x128xf32, #tpu.memory_space<vmem>>, %arg5: memref<1x128xf32, #tpu.memory_space<vmem>>, %arg6: memref<1000x128xf32, #tpu.memory_space<vmem>>) attributes {dimension_semantics = [#tpu.dimension_semantics<arbitrary>], iteration_bounds = array<i64: 10>, scalar_prefetch = 0 : i64, scratch_operands = 0 : i64, tpu.core_type = #tpu.core_type<tc>, window_params = [{transform_indices = @transform_0, window_bounds = array<i64: 1000, 128>}, {transform_indices = @transform_1, window_bounds = array<i64: 2, 1000, 128>}, {transform_indices = @transform_2, window_bounds = array<i64: 1000, 16>}, {pipeline_mode = #tpu.pipeline_mode<synchronous>, transform_indices = @transform_3, window_bounds = array<i64: 128, 128>}, {pipeline_mode = #tpu.pipeline_mode<synchronous>, transform_indices = @transform_4, window_bounds = array<i64: 1, 128>}, {transform_indices = @transform_5, window_bounds = array<i64: 1000, 128>}]} {
    %get3A = arith.constant 0 : index
    %get3A_0 = arith.constant 0 : index
    %get3A_1 = vector.load %arg3[%get3A, %get3A_0] : memref<1000x16xf32, #tpu.memory_space<vmem>>, vector<1000x1xf32>
    %max3A = arith.constant 1.000000e+00 : f32
    %max3A_2 = vector.broadcast %max3A : f32 to vector<1000x1xf32>
    %max3A_3 = arith.maximumf %get3A_1, %max3A_2 : vector<1000x1xf32>
    %div3A = arith.constant 1.000000e+00 : f32
    %div3A_4 = vector.broadcast %div3A : f32 to vector<1000x1xf32>
    %div3A_5 = arith.divf %div3A_4, %max3A_3 : vector<1000x1xf32>
    %get3A_6 = arith.constant 0 : index
    %get3A_7 = arith.constant 0 : index
    %get3A_8 = arith.constant 0 : index
    %get3A_9 = vector.load %arg2[%get3A_6, %get3A_7, %get3A_8] : memref<2x1000x128xf32, #tpu.memory_space<vmem>>, vector<1x1000x128xf32>
    %get3A_10 = vector.shape_cast %get3A_9 : vector<1x1000x128xf32> to vector<1000x128xf32>
    %get3A_11 = arith.constant 1 : index
    %get3A_12 = arith.constant 0 : index
    %get3A_13 = arith.constant 0 : index
    %get3A_14 = vector.load %arg2[%get3A_11, %get3A_12, %get3A_13] : memref<2x1000x128xf32, #tpu.memory_space<vmem>>, vector<1x1000x128xf32>
    %get3A_15 = vector.shape_cast %get3A_14 : vector<1x1000x128xf32> to vector<1000x128xf32>
    %add3A = arith.addf %get3A_10, %get3A_15 : vector<1000x128xf32>
    %mul3A = vector.broadcast %div3A_5 : vector<1000x1xf32> to vector<1000x128xf32>
    %mul3A_16 = arith.mulf %add3A, %mul3A : vector<1000x128xf32>
    %get3A_17 = arith.constant 0 : index
    %get3A_18 = arith.constant 0 : index
    %get3A_19 = vector.load %arg1[%get3A_17, %get3A_18] : memref<1000x128xf32, #tpu.memory_space<vmem>>, vector<1000x128xf32>
    %get3A_20 = arith.constant 0 : index
    %get3A_21 = arith.constant 0 : index
    %get3A_22 = vector.load %arg4[%get3A_20, %get3A_21] : memref<128x128xf32, #tpu.memory_space<vmem>>, vector<128x128xf32>
    %dot_general3A = arith.constant dense<0.000000e+00> : vector<1000x128xf32>
    %dot_general3A_23 = tpu.matmul %mul3A_16, %get3A_22, %dot_general3A {dimension_numbers = #tpu.dot_dimension_numbers<[1], [0], [0], [1], [0, 0, 1, 1], [], []>, transpose_lhs_hint = false} : vector<1000x128xf32>, vector<128x128xf32>, vector<1000x128xf32> -> vector<1000x128xf32>
    %add3A_24 = arith.addf %get3A_19, %dot_general3A_23 : vector<1000x128xf32>
    %get3A_25 = arith.constant 0 : index
    %get3A_26 = arith.constant 0 : index
    %get3A_27 = vector.load %arg5[%get3A_25, %get3A_26] : memref<1x128xf32, #tpu.memory_space<vmem>>, vector<1x128xf32>
    %add3A_28 = vector.broadcast %get3A_27 : vector<1x128xf32> to vector<1000x128xf32>
    %add3A_29 = arith.addf %add3A_24, %add3A_28 : vector<1000x128xf32>
    %max3A_30 = arith.constant 0.000000e+00 : f32
    %max3A_31 = vector.broadcast %max3A_30 : f32 to vector<1000x128xf32>
    %max3A_32 = arith.maximumf %add3A_29, %max3A_31 : vector<1000x128xf32>
    %swap3A = arith.constant 0 : index
    %swap3A_33 = arith.constant 0 : index
    %swap3A_34 = vector.load %arg6[%swap3A, %swap3A_33] : memref<1000x128xf32, #tpu.memory_space<vmem>>, vector<1000x128xf32>
    tpu.vector_store %arg6[%swap3A, %swap3A_33], %max3A_32 {strides = array<i32>} : memref<1000x128xf32, #tpu.memory_space<vmem>>, vector<1000x128xf32>,
    return
  }
  func.func @transform_0(%arg0: i32) -> (i32, i32) {
    %c0_i32 = arith.constant 0 : i32
    %c0_i32_0 = arith.constant 0 : i32
    return %arg0, %c0_i32 : i32, i32
  }
  func.func @transform_1(%arg0: i32) -> (i32, i32, i32) {
    %c0_i32 = arith.constant 0 : i32
    %c0_i32_0 = arith.constant 0 : i32
    %c0_i32_1 = arith.constant 0 : i32
    return %c0_i32, %arg0, %c0_i32_0 : i32, i32, i32
  }
  func.func @transform_2(%arg0: i32) -> (i32, i32) {
    %c0_i32 = arith.constant 0 : i32
    %c0_i32_0 = arith.constant 0 : i32
    return %arg0, %c0_i32 : i32, i32
  }
  func.func @transform_3(%arg0: i32) -> (i32, i32) {
    %c0_i32 = arith.constant 0 : i32
    %c0_i32_0 = arith.constant 0 : i32
    %c0_i32_1 = arith.constant 0 : i32
    return %c0_i32, %c0_i32_0 : i32, i32
  }
  func.func @transform_4(%arg0: i32) -> (i32, i32) {
    %c0_i32 = arith.constant 0 : i32
    %c0_i32_0 = arith.constant 0 : i32
    %c0_i32_1 = arith.constant 0 : i32
    return %c0_i32, %c0_i32_0 : i32, i32
  }
  func.func @transform_5(%arg0: i32) -> (i32, i32) {
    %c0_i32 = arith.constant 0 : i32
    %c0_i32_0 = arith.constant 0 : i32
    return %arg0, %c0_i32 : i32, i32
  }
}

module attributes {stable_mosaic.version = 14 : i64} {
  func.func @_combine2_body(%arg0: i32, %arg1: memref<1000x128xf32, #tpu.memory_space<vmem>>, %arg2: memref<2x1000x128xf32, #tpu.memory_space<vmem>>, %arg3: memref<1000x16xf32, #tpu.memory_space<vmem>>, %arg4: memref<128x128xf32, #tpu.memory_space<vmem>>, %arg5: memref<1x128xf32, #tpu.memory_space<vmem>>, %arg6: memref<128x16xf32, #tpu.memory_space<vmem>>, %arg7: memref<1x16xf32, #tpu.memory_space<vmem>>, %arg8: memref<16x16xf32, #tpu.memory_space<vmem>>, %arg9: memref<1x16xf32, #tpu.memory_space<vmem>>, %arg10: memref<1000x16xf32, #tpu.memory_space<vmem>>) attributes {dimension_semantics = [#tpu.dimension_semantics<arbitrary>], iteration_bounds = array<i64: 10>, scalar_prefetch = 0 : i64, scratch_operands = 0 : i64, tpu.core_type = #tpu.core_type<tc>, window_params = [{transform_indices = @transform_0, window_bounds = array<i64: 1000, 128>}, {transform_indices = @transform_1, window_bounds = array<i64: 2, 1000, 128>}, {transform_indices = @transform_2, window_bounds = array<i64: 1000, 16>}, {pipeline_mode = #tpu.pipeline_mode<synchronous>, transform_indices = @transform_3, window_bounds = array<i64: 128, 128>}, {pipeline_mode = #tpu.pipeline_mode<synchronous>, transform_indices = @transform_4, window_bounds = array<i64: 1, 128>}, {pipeline_mode = #tpu.pipeline_mode<synchronous>, transform_indices = @transform_5, window_bounds = array<i64: 128, 16>}, {pipeline_mode = #tpu.pipeline_mode<synchronous>, transform_indices = @transform_6, window_bounds = array<i64: 1, 16>}, {pipeline_mode = #tpu.pipeline_mode<synchronous>, transform_indices = @transform_7, window_bounds = array<i64: 16, 16>}, {pipeline_mode = #tpu.pipeline_mode<synchronous>, transform_indices = @transform_8, window_bounds = array<i64: 1, 16>}, {transform_indices = @transform_9, window_bounds = array<i64: 1000, 16>}]} {
    %get3A = arith.constant 0 : index
    %get3A_0 = arith.constant 0 : index
    %get3A_1 = vector.load %arg3[%get3A, %get3A_0] : memref<1000x16xf32, #tpu.memory_space<vmem>>, vector<1000x1xf32>
    %max3A = arith.constant 1.000000e+00 : f32
    %max3A_2 = vector.broadcast %max3A : f32 to vector<1000x1xf32>
    %max3A_3 = arith.maximumf %get3A_1, %max3A_2 : vector<1000x1xf32>
    %div3A = arith.constant 1.000000e+00 : f32
    %div3A_4 = vector.broadcast %div3A : f32 to vector<1000x1xf32>
    %div3A_5 = arith.divf %div3A_4, %max3A_3 : vector<1000x1xf32>
    %get3A_6 = arith.constant 0 : index
    %get3A_7 = arith.constant 0 : index
    %get3A_8 = arith.constant 0 : index
    %get3A_9 = vector.load %arg2[%get3A_6, %get3A_7, %get3A_8] : memref<2x1000x128xf32, #tpu.memory_space<vmem>>, vector<1x1000x128xf32>
    %get3A_10 = vector.shape_cast %get3A_9 : vector<1x1000x128xf32> to vector<1000x128xf32>
    %get3A_11 = arith.constant 1 : index
    %get3A_12 = arith.constant 0 : index
    %get3A_13 = arith.constant 0 : index
    %get3A_14 = vector.load %arg2[%get3A_11, %get3A_12, %get3A_13] : memref<2x1000x128xf32, #tpu.memory_space<vmem>>, vector<1x1000x128xf32>
    %get3A_15 = vector.shape_cast %get3A_14 : vector<1x1000x128xf32> to vector<1000x128xf32>
    %add3A = arith.addf %get3A_10, %get3A_15 : vector<1000x128xf32>
    %mul3A = vector.broadcast %div3A_5 : vector<1000x1xf32> to vector<1000x128xf32>
    %mul3A_16 = arith.mulf %add3A, %mul3A : vector<1000x128xf32>
    %get3A_17 = arith.constant 0 : index
    %get3A_18 = arith.constant 0 : index
    %get3A_19 = vector.load %arg1[%get3A_17, %get3A_18] : memref<1000x128xf32, #tpu.memory_space<vmem>>, vector<1000x128xf32>
    %get3A_20 = arith.constant 0 : index
    %get3A_21 = arith.constant 0 : index
    %get3A_22 = vector.load %arg4[%get3A_20, %get3A_21] : memref<128x128xf32, #tpu.memory_space<vmem>>, vector<128x128xf32>
    %dot_general3A = arith.constant dense<0.000000e+00> : vector<1000x128xf32>
    %dot_general3A_23 = tpu.matmul %mul3A_16, %get3A_22, %dot_general3A {dimension_numbers = #tpu.dot_dimension_numbers<[1], [0], [0], [1], [0, 0, 1, 1], [], []>, transpose_lhs_hint = false} : vector<1000x128xf32>, vector<128x128xf32>, vector<1000x128xf32> -> vector<1000x128xf32>
    %add3A_24 = arith.addf %get3A_19, %dot_general3A_23 : vector<1000x128xf32>
    %get3A_25 = arith.constant 0 : index
    %get3A_26 = arith.constant 0 : index
    %get3A_27 = vector.load %arg5[%get3A_25, %get3A_26] : memref<1x128xf32, #tpu.memory_space<vmem>>, vector<1x128xf32>
    %add3A_28 = vector.broadcast %get3A_27 : vector<1x128xf32> to vector<1000x128xf32>
    %add3A_29 = arith.addf %add3A_24, %add3A_28 : vector<1000x128xf32>
    %max3A_30 = arith.constant 0.000000e+00 : f32
    %max3A_31 = vector.broadcast %max3A_30 : f32 to vector<1000x128xf32>
    %max3A_32 = arith.maximumf %add3A_29, %max3A_31 : vector<1000x128xf32>
    %get3A_33 = arith.constant 0 : index
    %get3A_34 = arith.constant 0 : index
    %get3A_35 = vector.load %arg6[%get3A_33, %get3A_34] : memref<128x16xf32, #tpu.memory_space<vmem>>, vector<128x16xf32>
    %dot_general3A_36 = arith.constant dense<0.000000e+00> : vector<1000x16xf32>
    %dot_general3A_37 = tpu.matmul %max3A_32, %get3A_35, %dot_general3A_36 {dimension_numbers = #tpu.dot_dimension_numbers<[1], [0], [0], [1], [0, 0, 1, 1], [], []>, transpose_lhs_hint = false} : vector<1000x128xf32>, vector<128x16xf32>, vector<1000x16xf32> -> vector<1000x16xf32>
    %get3A_38 = arith.constant 0 : index
    %get3A_39 = arith.constant 0 : index
    %get3A_40 = vector.load %arg7[%get3A_38, %get3A_39] : memref<1x16xf32, #tpu.memory_space<vmem>>, vector<1x16xf32>
    %add3A_41 = vector.broadcast %get3A_40 : vector<1x16xf32> to vector<1000x16xf32>
    %add3A_42 = arith.addf %dot_general3A_37, %add3A_41 : vector<1000x16xf32>
    %max3A_43 = arith.constant 0.000000e+00 : f32
    %max3A_44 = vector.broadcast %max3A_43 : f32 to vector<1000x16xf32>
    %max3A_45 = arith.maximumf %add3A_42, %max3A_44 : vector<1000x16xf32>
    %get3A_46 = arith.constant 0 : index
    %get3A_47 = arith.constant 0 : index
    %get3A_48 = vector.load %arg8[%get3A_46, %get3A_47] : memref<16x16xf32, #tpu.memory_space<vmem>>, vector<16x16xf32>
    %dot_general3A_49 = arith.constant dense<0.000000e+00> : vector<1000x16xf32>
    %dot_general3A_50 = tpu.matmul %max3A_45, %get3A_48, %dot_general3A_49 {dimension_numbers = #tpu.dot_dimension_numbers<[1], [0], [0], [1], [0, 0, 1, 1], [], []>, transpose_lhs_hint = false} : vector<1000x16xf32>, vector<16x16xf32>, vector<1000x16xf32> -> vector<1000x16xf32>
    %get3A_51 = arith.constant 0 : index
    %get3A_52 = arith.constant 0 : index
    %get3A_53 = vector.load %arg9[%get3A_51, %get3A_52] : memref<1x16xf32, #tpu.memory_space<vmem>>, vector<1x16xf32>
    %add3A_54 = vector.broadcast %get3A_53 : vector<1x16xf32> to vector<1000x16xf32>
    %add3A_55 = arith.addf %dot_general3A_50, %add3A_54 : vector<1000x16xf32>
    %swap3A = arith.constant 0 : index
    %swap3A_56 = arith.constant 0 : index
    %swap3A_57 = vector.load %arg10[%swap3A, %swap3A_56] : memref<1000x16xf32, #tpu.memory_space<vmem>>, vector<1000x16xf32>
    tpu.vector_store %arg10[%swap3A, %swap3A_56], %add3A_55 {strides = array<i32>} : memref<1000x16xf32, #tpu.memory_space<vmem>>, vector<1000x16xf32>,
    return
  }
  func.func @transform_0(%arg0: i32) -> (i32, i32) {
    %c0_i32 = arith.constant 0 : i32
    %c0_i32_0 = arith.constant 0 : i32
    return %arg0, %c0_i32 : i32, i32
  }
  func.func @transform_1(%arg0: i32) -> (i32, i32, i32) {
    %c0_i32 = arith.constant 0 : i32
    %c0_i32_0 = arith.constant 0 : i32
    %c0_i32_1 = arith.constant 0 : i32
    return %c0_i32, %arg0, %c0_i32_0 : i32, i32, i32
  }
  func.func @transform_2(%arg0: i32) -> (i32, i32) {
    %c0_i32 = arith.constant 0 : i32
    %c0_i32_0 = arith.constant 0 : i32
    return %arg0, %c0_i32 : i32, i32
  }
  func.func @transform_3(%arg0: i32) -> (i32, i32) {
    %c0_i32 = arith.constant 0 : i32
    %c0_i32_0 = arith.constant 0 : i32
    %c0_i32_1 = arith.constant 0 : i32
    return %c0_i32, %c0_i32_0 : i32, i32
  }
  func.func @transform_4(%arg0: i32) -> (i32, i32) {
    %c0_i32 = arith.constant 0 : i32
    %c0_i32_0 = arith.constant 0 : i32
    %c0_i32_1 = arith.constant 0 : i32
    return %c0_i32, %c0_i32_0 : i32, i32
  }
  func.func @transform_5(%arg0: i32) -> (i32, i32) {
    %c0_i32 = arith.constant 0 : i32
    %c0_i32_0 = arith.constant 0 : i32
    %c0_i32_1 = arith.constant 0 : i32
    return %c0_i32, %c0_i32_0 : i32, i32
  }
  func.func @transform_6(%arg0: i32) -> (i32, i32) {
    %c0_i32 = arith.constant 0 : i32
    %c0_i32_0 = arith.constant 0 : i32
    %c0_i32_1 = arith.constant 0 : i32
    return %c0_i32, %c0_i32_0 : i32, i32
  }
  func.func @transform_7(%arg0: i32) -> (i32, i32) {
    %c0_i32 = arith.constant 0 : i32
    %c0_i32_0 = arith.constant 0 : i32
    %c0_i32_1 = arith.constant 0 : i32
    return %c0_i32, %c0_i32_0 : i32, i32
  }
  func.func @transform_8(%arg0: i32) -> (i32, i32) {
    %c0_i32 = arith.constant 0 : i32
    %c0_i32_0 = arith.constant 0 : i32
    %c0_i32_1 = arith.constant 0 : i32
    return %c0_i32, %c0_i32_0 : i32, i32
  }
  func.func @transform_9(%arg0: i32) -> (i32, i32) {
    %c0_i32 = arith.constant 0 : i32
    %c0_i32_0 = arith.constant 0 : i32
    return %arg0, %c0_i32 : i32, i32
  }
}

</mosaic_0001>

<sc_bundles>
// kernel: kernel.12.cloned.1.call-start
scs
__scs_entry_jumppad:
0x0: {  	(pc) =	sbr.rel $0x88, $3  }
0x1: {  	(tag) =	ssettag $0x0;
	lr =	simm.s32 $0x1  }
0x2: {  	[smem:$0x3F95] =	sst lr;
	_ =	strace $0xD0000000  }
0x3: {  	_ = 	snop  }
0x4: {  	_ = 	snop  }
0x5: {  	_ = 	snop  }
0x6: {  	_ = 	snop  }
0x7: {  	_ = 	snop  }
__scs_overlays_trampoline_lowered:
0x8: {  	[smem:$0x3FA4] =	sst s0  }
0x9: {  	[smem:$0x3FA5] =	sst s1  }
0xa: {  	[smem:$0x3FA6] =	sst s2  }
0xb: {  	[smem:$0x3FA7] =	sst s3  }
0xc: {  	[smem:$0x3FA8] =	sst s4  }
0xd: {  	[smem:$0x3FA9] =	sst s5  }
0xe: {  	[smem:$0x3FAA] =	sst s6  }
0xf: {  	[smem:$0x3FAB] =	sst s7  }
0x10: {  	[smem:$0x3FAC] =	sst s8  }
0x11: {  	[smem:$0x3FAD] =	sst s9;
	s0 =	simm.s32 @!p0 $0x0  }
0x12: {  	s1 =	sld [smem:$0x3F93];
	s0 =	simm.s32 @p0 $0x1  }
0x13: {  	[smem:$0x3FAE] =	sst s0;
	s0 =	simm.s32 @!p1 $0x0  }
0x14: {  	s2 =	sld [smem:$0x3F92];
	s0 =	simm.s32 @p1 $0x1  }
0x15: {  	[smem:$0x3FAF] =	sst s0;
	s0 =	simm.s32 @!p2 $0x0  }
0x16: {  	s3 =	sld [smem:$0x3FDB];
	s0 =	simm.s32 @p2 $0x1  }
0x17: {  	s4 =	simm.s32 $0x1BF5;
	[smem:$0x3FB1] =	sst s0  }
0x18: {  	s0 =	sld [smem:$0x3F94];
	_ =	swait.ge [sflag:s4], $0x0  }
0x19: {  	s7 =	sld [smem:$0x3F95]  }
0x1a: {  	s8 =	sadd.s32 $0xFFFFE003, lr  }
0x1b: {  	s9 =	sadd.s32 $0xFFFFFEF7, lr;
	s5 =	simm.s32 $0xFFFFFFFF;
	p2 =	slt.u32 s8, $0xFFFFF086  }
0x1c: {  	p1 =	slt.u32 s9, $0xF7A;
	s5 =	simm.s32 @!p2 $0x0  }
0x1d: {  	s5 =	simm.s32 @p1 $0x1;
	p0 =	seq.s32 s7, s2  }
0x1e: {  	s7 =	smul.u32 @!p0 $0xF7A, s2;
	p2 =	seq.s32 @!p0 s5, $0x0  }
0x1f: {  	s9 =	smul.u32 $0xF7A, s1;
	s8 =	simm.s32 @!p0 $0x1BF5;
	p2 =	por !p2, p0  }
0x20: {  	[sflag:s8] =	ssyncset.s32 @!p0 $0xFFFFF086;
	s6 =	sadd.s32 @!p0 s3, s7;
	s7 =	simm.s32 @!p0 $0x108  }
0x21: {  	s3 =	sadd.s32 s3, s9;
	s6 =	sadd.s32 @!p0 $0x88, s6;
	s7 =	simm.s32 @p2 $0x1082  }
0x22: {  	[simem:s7], [sflag:s8] =	dma.local @!p0 [hbm:s6], $0xF7A  }
0x23: {  	s9 =	sor.u32 $0xD0000000, s2;
	s6 =	simm.s32 $0x108;
	_ =	swait.ge @!p0 [sflag:s8], $0x0  }
0x24: {  	s3 =	sadd.s32 $0x88, s3;
	s6 =	simm.s32 @!p1 $0x1082;
	[sflag:s4] =	ssyncset.s32 $0xFFFFF086  }
0x25: {  	[simem:s6], [sflag:s4] =	dma.local [hbm:s3], $0xF7A  }
0x26: {  	[smem:$0x3F95] =	sst s1;
	(tag) =	ssettag s2;
	_ =	strace s9  }
0x27: {  	s1 =	sld [smem:$0x3FA5]  }
0x28: {  	s2 =	sld [smem:$0x3FA6]  }
0x29: {  	s4 =	sld [smem:$0x3FA8]  }
0x2a: {  	p0 =	seq.s32 s5, $0x0;
	s5 =	sld [smem:$0x3FA9]  }
0x2b: {  	s6 =	sld [smem:$0x3FAA]  }
0x2c: {  	s7 =	sld [smem:$0x3FAB]  }
0x2d: {  	s3 =	simm.s32 $0x108;
	s8 =	sld [smem:$0x3FAC]  }
0x2e: {  	s3 =	simm.s32 @!p0 $0x1082;
	s9 =	sld [smem:$0x3FAD]  }
0x2f: {  	lr =	sadd.s32 s0, s3;
	s0 =	sld [smem:$0x3FA4]  }
0x30: {  	s3 =	sld [smem:$0x3FA7]  }
0x31: {  	[smem:$0x3FB0] =	sst s10  }
0x32: {  	s10 =	sld [smem:$0x3FAE];
	_ =	sdelay $0x3  }
0x33: {  	p0 =	seq.s32 s10, $0x1;
	s10 =	sld [smem:$0x3FB0];
	_ =	sdelay $0x3  }
0x34: {  	[smem:$0x3FB0] =	sst s10  }
0x35: {  	s10 =	sld [smem:$0x3FAF];
	_ =	sdelay $0x3  }
0x36: {  	p1 =	seq.s32 s10, $0x1;
	s10 =	sld [smem:$0x3FB0];
	_ =	sdelay $0x3  }
0x37: {  	[smem:$0x3FB0] =	sst s10  }
0x38: {  	s10 =	sld [smem:$0x3FB1]  }
0x39: {  	_ = 	snop;
	(pc) =	sbr.ind lr, $3  }
0x3a: {  	_ = 	snop  }
0x3b: {  	_ = 	snop  }
0x3c: {  	p2 =	seq.s32 s10, $0x1;
	s10 =	sld [smem:$0x3FB0]  }
0x3d: {  	_ =	shalt  }
0x3e: {  	_ =	shalt  }
0x3f: {  	_ =	shalt  }
0x40: {  	_ =	shalt  }
0x41: {  	_ =	shalt  }
0x42: {  	_ =	shalt  }
0x43: {  	_ =	shalt  }
0x44: {  	_ =	shalt  }
0x45: {  	_ =	shalt  }
0x46: {  	_ =	shalt  }
0x47: {  	_ =	shalt  }
0x48: {  	_ =	shalt  }
0x49: {  	_ =	shalt  }
0x4a: {  	_ =	shalt  }
0x4b: {  	_ =	shalt  }
0x4c: {  	_ =	shalt  }
0x4d: {  	_ =	shalt  }
0x4e: {  	_ =	shalt  }
0x4f: {  	_ =	shalt  }
0x50: {  	_ =	shalt  }
0x51: {  	_ =	shalt  }
0x52: {  	_ =	shalt  }
0x53: {  	_ =	shalt  }
0x54: {  	_ =	shalt  }
0x55: {  	_ =	shalt  }
0x56: {  	_ =	shalt  }
0x57: {  	_ =	shalt  }
0x58: {  	_ =	shalt  }
0x59: {  	_ =	shalt  }
0x5a: {  	_ =	shalt  }
0x5b: {  	_ =	shalt  }
0x5c: {  	_ =	shalt  }
0x5d: {  	_ =	shalt  }
0x5e: {  	_ =	shalt  }
0x5f: {  	_ =	shalt  }
0x60: {  	_ =	shalt  }
0x61: {  	_ =	shalt  }
0x62: {  	_ =	shalt  }
0x63: {  	_ =	shalt  }
0x64: {  	_ =	shalt  }
0x65: {  	_ =	shalt  }
0x66: {  	_ =	shalt  }
0x67: {  	_ =	shalt  }
0x68: {  	_ =	shalt  }
0x69: {  	_ =	shalt  }
0x6a: {  	_ =	shalt  }
0x6b: {  	_ =	shalt  }
0x6c: {  	_ =	shalt  }
0x6d: {  	_ =	shalt  }
0x6e: {  	_ =	shalt  }
0x6f: {  	_ =	shalt  }
0x70: {  	_ =	shalt  }
0x71: {  	_ =	shalt  }
0x72: {  	_ =	shalt  }
0x73: {  	_ =	shalt  }
0x74: {  	_ =	shalt  }
0x75: {  	_ =	shalt  }
0x76: {  	_ =	shalt  }
0x77: {  	_ =	shalt  }
0x78: {  	_ =	shalt  }
0x79: {  	_ =	shalt  }
0x7a: {  	_ =	shalt  }
0x7b: {  	_ =	shalt  }
0x7c: {  	_ =	shalt  }
0x7d: {  	_ =	shalt  }
0x7e: {  	_ =	shalt  }
0x7f: {  	_ =	shalt  }
0x80: {  	_ =	shalt  }
0x81: {  	_ =	shalt  }
0x82: {  	_ =	shalt  }
0x83: {  	_ =	shalt  }
0x84: {  	_ =	shalt  }
0x85: {  	_ =	shalt  }
0x86: {  	_ =	shalt  }
0x87: {  	_ =	shalt  }
.Lfunc_end0:
.L_simem_size_0:
called_computation.1_lowered:
.L_overlay_start_0:
0x88: {  	s2 =	sld [smem:$0x3FD9]  }
0x89: {  	s3 =	sld [smem:$0x3FFE];
	_ =	sdelay $0x1  }
0x8a: {  	s1 =	srdreg.scid  }
0x8b: {  	s0 =	sand.u32 $0x1, s1  }
0x8c: {  	s17 =	sshll.u32 s0, $0xA;
	s2 =	sadd.s32 s3, s2  }
0x8d: {  	s2 =	sadd.s32 s2, s17  }
0x8e: {  	[smem:$0x3FBC] =	sst s2  }
0x8f: {  	_ = 	snop  }
0x90: {  	s18 =	sld [smem:$0x3FC9];
	(tm) =	ssettm $0x1  }
0x91: {  	s19 =	sld [smem:$0x3FFB];
	_ =	sdelay $0x3  }
0x92: {  	_ =	strace s19  }
0x93: {  	s2 =	sld [smem:$0x3FFC];
	_ =	sdelay $0x3  }
0x94: {  	_ =	strace s2  }
0x95: {  	s2 =	sld [smem:$0x3FFD];
	_ =	sdelay $0x3  }
0x96: {  	_ =	strace s2  }
0x97: {  	_ =	strace $0x8FFFFFFF  }
0x98: {  	s20 =	sld [smem:$0x3FDB];
	_ =	sdelay $0x1  }
0x99: {  	s4 =	simm.s32 $_scs_section_size  }
0x9a: {  	s5 =	simm.s32 $_size__tile_overlayer_lowered;
	s6 =	simm.s32 $_tile_overlayer_lowered  }
0x9b: {  	s7 =	simm.s32 $0x1BFF;
	s21 =	sshll.u32 s6, $0x1;
	s4 =	sadd.s32 s4, s20  }
0x9c: {  	s22 =	simm.s32 $0x0;
	s5 =	sshll.u32 s5, $0x1;
	s6 =	sadd.s32 s21, s4  }
0x9d: {  	[timem:s22], [sflag:s7] =	dma.local [hbm:s6], s5  }
0x9e: {  	_ =	swait.ge [sflag:s7], s5  }
0x9f: {  	s5 =	ssub.s32 $0x0, s5;
	[sflag:s7] =	ssyncset.done $0x0  }
0xa0: {  	[sflag:s7] =	ssyncadd.s32 s5;
	_ =	sdelay $0x1  }
0xa1: {  	s23 =	simm.s32 $0x1B8B  }
0xa2: {  	_ =	swait.ge [sflag:s23], $0x1  }
0xa3: {  	[sflag:s23] =	ssyncset.done $0x0  }
0xa4: {  	[sflag:s23] =	ssyncadd.s32 $0xFFFFFFFF  }
0xa5: {  	s5 =	sld [smem:$0x0]  }
0xa6: {  	s6 =	sand.u32 $0xFFFFFFFE, s1  }
0xa7: {  	p0 =	sne.s32 s1, s6  }
0xa8: {  	s6 =	sshll.u32 @p0 s6, $0xE  }
0xa9: {  	s6 =	sadd.s32 @p0 $0x11B8D, s6;
	s7 =	sshll.u32 @p0 s5, $0x11  }
0xaa: {  	s6 =	sor.u32 @p0 s7, s6  }
0xab: {  	[sflag:s6] =	ssyncadd.remote.s32 @p0 $0x1;
	_ =	sdelay $0x1  }
0xac: {  	s6 =	simm.s32 @p0 $0x1B8D  }
0xad: {  	_ =	swait.eq @p0 [sflag:s6], $0x1  }
0xae: {  	[sflag:s6] =	ssyncadd.s32 @p0 $0xFFFFFFFF  }
0xaf: {  	s7 =	sshll.u32 @!p0 s1, $0xE  }
0xb0: {  	s7 =	sor.u32 @!p0 $0x4000, s7;
	s6 =	simm.s32 @!p0 $0x1B8D  }
0xb1: {  	s5 =	sshll.u32 @!p0 s5, $0x11;
	s7 =	sadd.s32 @!p0 $0x11B8D, s7;
	_ =	swait.eq @!p0 [sflag:s6], $0x1  }
0xb2: {  	s5 =	sor.u32 @!p0 s5, s7;
	[sflag:s6] =	ssyncadd.s32 @!p0 $0xFFFFFFFF  }
0xb3: {  	s25 =	simm.s32 $0x1B8E;
	s24 =	sld [smem:$0x3FFE];
	[sflag:s5] =	ssyncadd.remote.s32 @!p0 $0x1  }
0xb4: {  	s26 =	simm.s32 $execute0_lowered;
	[smem:$0x3FD2] =	sst s25  }
0xb5: {  	s6 =	sshll.u32 s26, $0x1;
	_ =	strace $0x80000049;
	[dreg:$0x1] =	wrdreg $0xFFFFFFFF  }
0xb6: {  	s28 =	simm.s32 $_size_execute0_lowered;
	s4 =	sadd.s32 s4, s6;
	[dreg:$0x0] =	wrdreg $0x0  }
0xb7: {  	s6 =	sshll.u32 s28, $0x1;
	[dreg:$0x2] =	wrdreg s4  }
0xb8: {  	[dreg:$0x3] =	wrdreg s6  }
0xb9: {  	[dreg:$0x4] =	wrdreg $0xC0  }
0xba: {  	_ =	task [dreg:s22], $0x5FFFF  }
0xbb: {  	[dreg:$0x1] =	wrdreg $0xFFFFFFFF  }
0xbc: {  	[dreg:$0x0] =	wrdreg $0x60  }
0xbd: {  	[dreg:$0x2] =	wrdreg s18  }
0xbe: {  	[dreg:$0x3] =	wrdreg s24  }
0xbf: {  	[dreg:$0x4] =	wrdreg $0x84000  }
0xc0: {  	[dreg:$0x5] =	wrdreg $0xA  }
0xc1: {  	_ =	task.clear_ibuf [dreg:s22], $0x6FFFF;
	_ =	strace $0x90000049  }
0xc2: {  	s29 =	simm.s32 $0xA;
	_ =	strace $0x8000004B  }
0xc3: {  	_ =	swait.ge [sflag:s29], $0x1  }
0xc4: {  	[sflag:s29] =	ssyncadd.s32 $0xFFFFFFFF  }
0xc5: {  	_ =	strace $0x9000004B  }
0xc6: {  	_ =	sfence  }
0xc7: {  	s30 =	sld [smem:$0x0];
	_ =	sdelay $0x2  }
0xc8: {  	s31 =	sshll.u32 s1, $0xD;
	s1 =	sshrl.u32 s1, $0x2  }
0xc9: {  	s4 =	sand.u32 $0x4000, s31;
	s1 =	sadd.s32 s1, s30  }
0xca: {  	s0 =	sor.u32 s4, s0;
	s1 =	sshll.u32 s1, $0x11  }
0xcb: {  	s0 =	sor.u32 s1, s0  }
0xcc: {  	s0 =	sadd.s32 $0x8F2B, s0  }
0xcd: {  	[sflag:s0] =	ssyncadd.remote.s32 $0x1  }
0xce: {  	_ =	sfence.sel $0xFFFF  }
0xcf: {  	[dreg:$0x0] =	wrdreg $0xFFFFFFFF;
	(pc) =	sbr.abs _section_cstart, $3  }
0xd0: {  	[dreg:$0x1] =	wrdreg $0xFFFFFFFF  }
0xd1: {  	_ =	task.clear_ibuf [dreg:s22], $0x2FFFF;
	_ =	strace $0x9FFFFFFF  }
0xd2: {  	(tm) =	ssettm $0x7FFFFFFF  }
0xd3: {  	_ =	shalt  }
tec
execute0_lowered:
.L_overlay_start_1:
0x0: {  	(tag) =	ssettag $0x1  }
0x1: {  	s1 =	rddreg [dreg:$0x0]  }
0x2: {  	s0 =	rddreg [dreg:$0x1]  }
0x3: {  	s2 =	rddreg [dreg:$0x2]  }
0x4: {  	s3 =	srdreg.scid;
	s4 =	simm.s32 $0x0;
	s11 =	stileid.u32  }
0x5: {  	s28 =	simm.s32 $0x9;
	s30 =	simm.s32 $0x40;
	s6 =	smul.u32 $0x50000, s11  }
0x6: {  	s31 =	simm.s32 $0x2400;
	s3 =	sand.u32 $0x1, s3;
	s21 =	smul.u32 $0xA0, s11  }
0x7: {  	[smem:$0x7FF] =	sst s4;
	s7 =	sadd.s32 $0x2600, s0;
	s5 =	smul.u32 $0x27100, s3  }
0x8: {  	s8 =	sadd.s32 $0xC600, s0;
	s26 =	smul.u32 $0x13800, s11;
	s10 =	sshrl.u32 s6, $0x2  }
0x9: {  	p0 =	seq.s32 s11, $0xF;
	s0 =	sadd.s32 s5, s0;
	s5 =	sadd.s32 s10, s2  }
0xa: {  	_ =	strace $0x8000004A;
	s9 =	ssub.s32 $0x2, s3;
	s13 =	sadd.s32 $0x2000, s5  }
0xb: {  	s12 =	sshrl.u32 s9, $0x1;
	s15 =	sadd.s32 $0x4000, s5;
	[dreg:$0x4] =	wrdreg s13  }
0xc: {  	s10 =	sshll.u32 s3, $0x4;
	s16 =	sadd.s32 $0x6000, s5;
	[dreg:$0x5] =	wrdreg s15  }
0xd: {  	s6 =	ssub.s32 s9, s12;
	s17 =	sadd.s32 $0x8000, s5;
	[dreg:$0x6] =	wrdreg s16  }
0xe: {  	s3 =	smul.u32 $0xA00, s3;
	s18 =	sadd.s32 $0xA000, s5;
	[dreg:$0x7] =	wrdreg s17  }
0xf: {  	s14 =	sor.u32 s11, s10;
	s19 =	sadd.s32 $0xC000, s5;
	[dreg:$0x8] =	wrdreg s18  }
0x10: {  	s20 =	sadd.s32 $0xE000, s5;
	s12 =	sadd.s32 $0x10000, s5;
	[dreg:$0x9] =	wrdreg s19  }
0x11: {  	s22 =	sadd.s32 $0x12000, s5;
	s6 =	smax.u32 s6, $0x1;
	[dreg:$0xa] =	wrdreg s20  }
0x12: {  	s10 =	simm.s32 $0x3;
	s11 =	simm.s32 $0x5;
	[dreg:$0xb] =	wrdreg s12  }
0x13: {  	s9 =	smul.u32 $0x500, s14;
	[dreg:$0xc] =	wrdreg s22;
	s3 =	sadd.s32 s21, s3  }
0x14: {  	s19 =	sadd.s32 $0x16E00, s0;
	s0 =	sadd.s32 $0x124800, s2;
	[dreg:$0x11] =	wrdreg s6  }
0x15: {  	s6 =	simm.s32 $0x2;
	s12 =	simm.s32 $0x4;
	s13 =	simm.s32 $0x6  }
0x16: {  	s14 =	simm.s32 $0x7;
	s15 =	simm.s32 $0x8;
	s16 =	simm.s32 $0x0  }
0x17: {  	s3 =	sshll.u32 s3, $0x3;
	s0 =	sshrl.u32 @p0 s0, $0x3;
	s23 =	sadd.s32 s7, s9  }
0x18: {  	s24 =	sadd.s32 s8, s9;
	s9 =	sor.u32 $0x20, s9;
	[dreg:$0x12] =	wrdreg s0  }
0x19: {  	s29 =	sor.u32 $0x40, s3;
	s3 =	sshrl.u32 s26, $0x3;
	[dreg:$0xd] =	wrdreg s23  }
0x1a: {  	[dreg:$0xe] =	wrdreg s24;
	s25 =	sadd.s32 s7, s9;
	s9 =	sadd.s32 s8, s9  }
0x1b: {  	s18 =	sadd.s32 s29, s7;
	s22 =	sadd.s32 s29, s8;
	s0 =	sadd.s32 @!p0 s3, s19  }
0x1c: {  	s3 =	simm.s32 $0x4400;
	s7 =	simm.s32 $0x6400;
	[dreg:$0xf] =	wrdreg s25  }
0x1d: {  	s8 =	simm.s32 $0x100;
	[dreg:$0x10] =	wrdreg s9;
	s9 =	sadd.s32 s26, s2  }
0x1e: {  	[dreg:$0x13] =	wrdreg s0;
	s26 =	simm.s32 $0x400;
	s0 =	sshrl.u32 @!p0 s9, $0x3  }
0x1f: {  	v0 =	vimm.f32 $0.0e+00;
	s9 =	simm.s32 $0x300;
	[dreg:$0x14] =	wrdreg s0;
	s0 =	simm.s32 $0x1  }
.LBB2_1:
0x20: {  	s17 =	simm.s32 $0x0;
	s20 =	simm.s32 $0x200  }
.LBB2_2:
0x21: {  	p1 =	sne.s32 s20, $0x7E00;
	[tilespmem:s17+$0x470] =	vst v0  }
0x22: {  	[tilespmem:s17+$0x400] =	vst v0  }
0x23: {  	[tilespmem:s17+$0x410] =	vst v0  }
.Ltmp0:
0x24: {  	[tilespmem:s17+$0x420] =	vst v0;
	(pc) =	sbr.rel @p1 .LBB2_2-.Ltmp0, $4  }
0x25: {  	[tilespmem:s17+$0x430] =	vst v0  }
0x26: {  	[tilespmem:s17+$0x440] =	vst v0  }
0x27: {  	[tilespmem:s17+$0x450] =	vst v0  }
0x28: {  	[tilespmem:s17+$0x460] =	vst v0;
	s17 =	sshra.s32 s20, $0x2;
	s20 =	sadd.s32 $0x200, s20  }
0x29: {  	[tilespmem:s17+$0x470] =	vst v0  }
0x2a: {  	[tilespmem:s17+$0x400] =	vst v0  }
0x2b: {  	[tilespmem:s17+$0x410] =	vst v0  }
0x2c: {  	[tilespmem:s17+$0x420] =	vst v0  }
0x2d: {  	[tilespmem:s17+$0x430] =	vst v0  }
0x2e: {  	[tilespmem:s17+$0x440] =	vst v0  }
0x2f: {  	[tilespmem:s17+$0x450] =	vst v0  }
0x30: {  	[tilespmem:s17+$0x460] =	vst v0  }
0x31: {  	[spmem:s5] =	stream.linear.scatter [tilespmem:s26], [sflag:$0x9], $0x2000, $0x38;
	[tilespmem:$0x1C400] =	vst v63  }
0x32: {  	_ =	swait.ge [sflag:s28], $0x2000  }
0x33: {  	[sflag:s28] =	ssyncset.done $0x0  }
0x34: {  	s23 =	rddreg [dreg:$0x4];
	[sflag:s28] =	ssyncadd.s32 $0xFFFFE000  }
0x35: {  	[spmem:s23] =	stream.linear.scatter [tilespmem:s26], [sflag:$0x9], $0x2000, $0x38;
	[tilespmem:$0x1C400] =	vst v63  }
0x36: {  	_ =	swait.ge [sflag:s28], $0x2000  }
0x37: {  	[sflag:s28] =	ssyncset.done $0x0  }
0x38: {  	s24 =	rddreg [dreg:$0x5];
	[sflag:s28] =	ssyncadd.s32 $0xFFFFE000  }
0x39: {  	[spmem:s24] =	stream.linear.scatter [tilespmem:s26], [sflag:$0x9], $0x2000, $0x38;
	[tilespmem:$0x1C400] =	vst v63  }
0x3a: {  	_ =	swait.ge [sflag:s28], $0x2000  }
0x3b: {  	[sflag:s28] =	ssyncset.done $0x0  }
0x3c: {  	s25 =	rddreg [dreg:$0x6];
	[sflag:s28] =	ssyncadd.s32 $0xFFFFE000  }
0x3d: {  	[spmem:s25] =	stream.linear.scatter [tilespmem:s26], [sflag:$0x9], $0x2000, $0x38;
	[tilespmem:$0x1C400] =	vst v63  }
0x3e: {  	_ =	swait.ge [sflag:s28], $0x2000  }
0x3f: {  	[sflag:s28] =	ssyncset.done $0x0  }
0x40: {  	s29 =	rddreg [dreg:$0x7];
	[sflag:s28] =	ssyncadd.s32 $0xFFFFE000  }
0x41: {  	[spmem:s29] =	stream.linear.scatter [tilespmem:s26], [sflag:$0x9], $0x2000, $0x38;
	[tilespmem:$0x1C400] =	vst v63  }
0x42: {  	_ =	swait.ge [sflag:s28], $0x2000  }
0x43: {  	[sflag:s28] =	ssyncset.done $0x0  }
0x44: {  	s20 =	rddreg [dreg:$0x8];
	[sflag:s28] =	ssyncadd.s32 $0xFFFFE000  }
0x45: {  	[spmem:s20] =	stream.linear.scatter [tilespmem:s26], [sflag:$0x9], $0x2000, $0x38;
	[tilespmem:$0x1C400] =	vst v63  }
0x46: {  	_ =	swait.ge [sflag:s28], $0x2000  }
0x47: {  	[sflag:s28] =	ssyncset.done $0x0  }
0x48: {  	s21 =	rddreg [dreg:$0x9];
	[sflag:s28] =	ssyncadd.s32 $0xFFFFE000  }
0x49: {  	[spmem:s21] =	stream.linear.scatter [tilespmem:s26], [sflag:$0x9], $0x2000, $0x38;
	[tilespmem:$0x1C400] =	vst v63  }
0x4a: {  	_ =	swait.ge [sflag:s28], $0x2000  }
0x4b: {  	[sflag:s28] =	ssyncset.done $0x0  }
0x4c: {  	s23 =	rddreg [dreg:$0xa];
	[sflag:s28] =	ssyncadd.s32 $0xFFFFE000  }
0x4d: {  	[spmem:s23] =	stream.linear.scatter [tilespmem:s26], [sflag:$0x9], $0x2000, $0x38;
	[tilespmem:$0x1C400] =	vst v63  }
0x4e: {  	_ =	swait.ge [sflag:s28], $0x2000  }
0x4f: {  	[sflag:s28] =	ssyncset.done $0x0  }
0x50: {  	s24 =	rddreg [dreg:$0xb];
	[sflag:s28] =	ssyncadd.s32 $0xFFFFE000  }
0x51: {  	[spmem:s24] =	stream.linear.scatter [tilespmem:s26], [sflag:$0x9], $0x2000, $0x38;
	[tilespmem:$0x1C400] =	vst v63  }
0x52: {  	_ =	swait.ge [sflag:s28], $0x2000  }
0x53: {  	[sflag:s28] =	ssyncset.done $0x0  }
0x54: {  	s25 =	rddreg [dreg:$0xc];
	[sflag:s28] =	ssyncadd.s32 $0xFFFFE000  }
0x55: {  	[spmem:s25] =	stream.linear.scatter [tilespmem:s26], [sflag:$0x9], $0x2000, $0x38;
	[tilespmem:$0x1C400] =	vst v63  }
0x56: {  	_ =	swait.ge [sflag:s28], $0x2000  }
0x57: {  	[sflag:s28] =	ssyncset.done $0x0  }
0x58: {  	[sflag:s28] =	ssyncadd.s32 $0xFFFFE000  }
0x59: {  	[bflag:$0x0] =	sbarrier.arrive $0xFFFF  }
0x5a: {  	s17 =	simm.s32 $0x0;
	s20 =	rddreg [dreg:$0xd]  }
0x5b: {  	[tilespmem:s17], [sflag:$0x9] =	stream.linear.gather [hbm4b:s20+s17], $0x100, $0x38;
	[tilespmem:$0x1C400] =	vst v63  }
0x5c: {  	_ =	swait.ge [sflag:s28], $0x100  }
0x5d: {  	[sflag:s28] =	ssyncset.done $0x0  }
0x5e: {  	s21 =	simm.s32 $0x200;
	s29 =	rddreg [dreg:$0xe];
	[sflag:s28] =	ssyncadd.s32 $0xFFFFFF00  }
0x5f: {  	[tilespmem:s21], [sflag:$0x9] =	stream.linear.gather [hbm4b:s29+s17], $0x100, $0x38;
	[tilespmem:$0x1C400] =	vst v63  }
0x60: {  	_ =	swait.ge [sflag:s28], $0x100  }
0x61: {  	[sflag:s28] =	ssyncset.done $0x0  }
0x62: {  	[sflag:s28] =	ssyncadd.s32 $0xFFFFFF00  }
0x63: {  	[tilespmem:s26], [sflag:$0x1] =	stream.indirect.gather [hbm4b:s1+s30], $0x80, s17, s30, $0xb8;
	[tilespmem:$0x1C400] =	vst v63  }
0x64: {  	_ = 	snop  }
0x65: {  	[tilespmem:s31], [sflag:$0x2] =	stream.indirect.gather [hbm4b:s1+s30], $0x80, s30, s30, $0xb8;
	[tilespmem:$0x1C400] =	vst v63  }
0x66: {  	_ =	swait.ge [sflag:s0], $0x2000  }
0x67: {  	[sflag:s0] =	ssyncset.done $0x0  }
0x68: {  	[sflag:s0] =	ssyncadd.s32 $0xFFFFE000  }
0x69: {  	[spmem:s2] =	stream.indirect.scatter.add.f32 [tilespmem:s26], [sflag:$0x5], $0x80, s21, s30, $0xb8;
	[tilespmem:$0x1C400] =	vst v63  }
0x6a: {  	s21 =	simm.s32 $0x80  }
0x6b: {  	[tilespmem:s3], [sflag:$0x3] =	stream.indirect.gather [hbm4b:s1+s30], $0x80, s21, s30, $0xb8;
	[tilespmem:$0x1C400] =	vst v63  }
0x6c: {  	_ =	swait.ge [sflag:s6], $0x2000  }
0x6d: {  	[sflag:s6] =	ssyncset.done $0x0  }
0x6e: {  	s23 =	simm.s32 $0x240;
	[sflag:s6] =	ssyncadd.s32 $0xFFFFE000  }
0x6f: {  	[spmem:s2] =	stream.indirect.scatter.add.f32 [tilespmem:s31], [sflag:$0x6], $0x80, s23, s30, $0xb8;
	[tilespmem:$0x1C400] =	vst v63  }
0x70: {  	s24 =	simm.s32 $0xC0  }
0x71: {  	[tilespmem:s7], [sflag:$0x4] =	stream.indirect.gather [hbm4b:s1+s30], $0x80, s24, s30, $0xb8;
	[tilespmem:$0x1C400] =	vst v63  }
0x72: {  	s25 =	rddreg [dreg:$0xf]  }
0x73: {  	[tilespmem:s8], [sflag:$0x9] =	stream.linear.gather [hbm4b:s25+s17], $0x100, $0x38;
	[tilespmem:$0x1C400] =	vst v63  }
0x74: {  	_ =	swait.ge [sflag:s28], $0x100  }
0x75: {  	[sflag:s28] =	ssyncset.done $0x0  }
0x76: {  	s29 =	rddreg [dreg:$0x10];
	[sflag:s28] =	ssyncadd.s32 $0xFFFFFF00  }
0x77: {  	[tilespmem:s9], [sflag:$0x9] =	stream.linear.gather [hbm4b:s29+s17], $0x100, $0x38;
	[tilespmem:$0x1C400] =	vst v63  }
0x78: {  	_ =	swait.ge [sflag:s28], $0x100  }
0x79: {  	[sflag:s28] =	ssyncset.done $0x0  }
0x7a: {  	[sflag:s28] =	ssyncadd.s32 $0xFFFFFF00  }
0x7b: {  	_ =	swait.ge [sflag:s10], $0x2000  }
0x7c: {  	[sflag:s10] =	ssyncset.done $0x0  }
0x7d: {  	s20 =	simm.s32 $0x280;
	[sflag:s10] =	ssyncadd.s32 $0xFFFFE000  }
0x7e: {  	[spmem:s2] =	stream.indirect.scatter.add.f32 [tilespmem:s3], [sflag:$0x7], $0x80, s20, s30, $0xb8;
	[tilespmem:$0x1C400] =	vst v63  }
0x7f: {  	_ =	swait.ge [sflag:s11], $0x2000  }
0x80: {  	[sflag:s11] =	ssyncset.done $0x0  }
0x81: {  	[sflag:s11] =	ssyncadd.s32 $0xFFFFE000  }
0x82: {  	[tilespmem:s26], [sflag:$0x1] =	stream.indirect.gather [hbm4b:s1+s30], $0x80, s8, s30, $0xb8;
	[tilespmem:$0x1C400] =	vst v63  }
0x83: {  	_ =	swait.ge [sflag:s12], $0x2000  }
0x84: {  	[sflag:s12] =	ssyncset.done $0x0  }
0x85: {  	s21 =	simm.s32 $0x2C0;
	[sflag:s12] =	ssyncadd.s32 $0xFFFFE000  }
0x86: {  	[spmem:s2] =	stream.indirect.scatter.add.f32 [tilespmem:s7], [sflag:$0x8], $0x80, s21, s30, $0xb8;
	[tilespmem:$0x1C400] =	vst v63  }
0x87: {  	_ =	swait.ge [sflag:s13], $0x2000  }
0x88: {  	[sflag:s13] =	ssyncset.done $0x0  }
0x89: {  	s23 =	simm.s32 $0x140;
	s17 =	simm.s32 $0x4;
	[sflag:s13] =	ssyncadd.s32 $0xFFFFE000  }
0x8a: {  	[tilespmem:s31], [sflag:$0x2] =	stream.indirect.gather [hbm4b:s1+s30], $0x80, s23, s30, $0xb8;
	[tilespmem:$0x1C400] =	vst v63  }
0x8b: {  	s24 =	sand.u32 $0x4, s17;
	_ =	swait.ge [sflag:s0], $0x2000  }
0x8c: {  	s20 =	sshll.u32 s24, $0x6;
	[sflag:s0] =	ssyncset.done $0x0  }
0x8d: {  	s25 =	sor.u32 $0x200, s20;
	[sflag:s0] =	ssyncadd.s32 $0xFFFFE000  }
0x8e: {  	[spmem:s2] =	stream.indirect.scatter.add.f32 [tilespmem:s26], [sflag:$0x5], $0x80, s25, s30, $0xb8;
	[tilespmem:$0x1C400] =	vst v63  }
0x8f: {  	_ =	swait.ge [sflag:s14], $0x2000  }
0x90: {  	[sflag:s14] =	ssyncset.done $0x0  }
0x91: {  	s29 =	sor.u32 $0x80, s20;
	[sflag:s14] =	ssyncadd.s32 $0xFFFFE000  }
0x92: {  	[tilespmem:s3], [sflag:$0x3] =	stream.indirect.gather [hbm4b:s1+s30], $0x80, s29, s30, $0xb8;
	[tilespmem:$0x1C400] =	vst v63  }
0x93: {  	_ =	swait.ge [sflag:s6], $0x2000  }
0x94: {  	[sflag:s6] =	ssyncset.done $0x0  }
0x95: {  	s23 =	sor.u32 $0x240, s20;
	[sflag:s6] =	ssyncadd.s32 $0xFFFFE000  }
0x96: {  	[spmem:s2] =	stream.indirect.scatter.add.f32 [tilespmem:s31], [sflag:$0x6], $0x80, s23, s30, $0xb8;
	[tilespmem:$0x1C400] =	vst v63  }
0x97: {  	_ =	swait.ge [sflag:s15], $0x2000  }
0x98: {  	[sflag:s15] =	ssyncset.done $0x0  }
0x99: {  	s24 =	sor.u32 $0xC0, s20;
	s23 =	simm.s32 $0x0;
	[sflag:s15] =	ssyncadd.s32 $0xFFFFE000  }
0x9a: {  	[tilespmem:s7], [sflag:$0x4] =	stream.indirect.gather [hbm4b:s1+s30], $0x80, s24, s30, $0xb8;
	[tilespmem:$0x1C400] =	vst v63  }
0x9b: {  	s25 =	sand.u32 $0x100, s23  }
0x9c: {  	[tilespmem:s25], [sflag:$0x9] =	stream.linear.gather [hbm4b:s18+s4], $0x100, $0x38;
	[tilespmem:$0x1C400] =	vst v63  }
0x9d: {  	_ =	swait.ge [sflag:s28], $0x100  }
0x9e: {  	[sflag:s28] =	ssyncset.done $0x0  }
0x9f: {  	s23 =	sor.u32 $0x200, s25;
	[sflag:s28] =	ssyncadd.s32 $0xFFFFFF00  }
0xa0: {  	[tilespmem:s23], [sflag:$0x9] =	stream.linear.gather [hbm4b:s22+s4], $0x100, $0x38;
	[tilespmem:$0x1C400] =	vst v63  }
0xa1: {  	_ =	swait.ge [sflag:s28], $0x100  }
0xa2: {  	[sflag:s28] =	ssyncset.done $0x0  }
0xa3: {  	[sflag:s28] =	ssyncadd.s32 $0xFFFFFF00  }
0xa4: {  	_ =	swait.ge [sflag:s10], $0x2000  }
0xa5: {  	[sflag:s10] =	ssyncset.done $0x0  }
0xa6: {  	s29 =	sor.u32 $0x280, s20;
	[sflag:s10] =	ssyncadd.s32 $0xFFFFE000  }
0xa7: {  	[spmem:s2] =	stream.indirect.scatter.add.f32 [tilespmem:s3], [sflag:$0x7], $0x80, s29, s30, $0xb8;
	[tilespmem:$0x1C400] =	vst v63  }
0xa8: {  	_ =	swait.ge [sflag:s11], $0x2000  }
0xa9: {  	[sflag:s11] =	ssyncset.done $0x0  }
0xaa: {  	[sflag:s11] =	ssyncadd.s32 $0xFFFFE000  }
0xab: {  	[tilespmem:s26], [sflag:$0x1] =	stream.indirect.gather [hbm4b:s1+s30], $0x80, s25, s30, $0xb8;
	[tilespmem:$0x1C400] =	vst v63  }
0xac: {  	_ =	swait.ge [sflag:s12], $0x2000  }
0xad: {  	[sflag:s12] =	ssyncset.done $0x0  }
0xae: {  	s20 =	sor.u32 $0x2C0, s20;
	[sflag:s12] =	ssyncadd.s32 $0xFFFFE000  }
0xaf: {  	[spmem:s2] =	stream.indirect.scatter.add.f32 [tilespmem:s7], [sflag:$0x8], $0x80, s20, s30, $0xb8;
	[tilespmem:$0x1C400] =	vst v63  }
0xb0: {  	s21 =	smov.u32 s22;
	_ =	swait.ge [sflag:s13], $0x2000  }
0xb1: {  	s23 =	sor.u32 $0x40, s25;
	s20 =	smov.u32 s18;
	[sflag:s13] =	ssyncset.done $0x0  }
.LBB2_4:
0xb2: {  	p1 =	sne.s32 s17, $0x94  }
0xb3: {  	[sflag:s13] =	ssyncadd.s32 $0xFFFFE000;
	s24 =	smov.u32 s17;
	s17 =	sadd.s32 $0x4, s17  }
0xb4: {  	[tilespmem:s31], [sflag:$0x2] =	stream.indirect.gather [hbm4b:s1+s30], $0x80, s23, s30, $0xb8;
	[tilespmem:$0x1C400] =	vst v63  }
0xb5: {  	s23 =	sand.u32 $0x4, s17;
	_ =	swait.ge [sflag:s0], $0x2000  }
0xb6: {  	s29 =	sshll.u32 s23, $0x6;
	[sflag:s0] =	ssyncset.done $0x0  }
0xb7: {  	s23 =	sor.u32 $0x200, s29;
	[sflag:s0] =	ssyncadd.s32 $0xFFFFE000  }
0xb8: {  	[spmem:s2] =	stream.indirect.scatter.add.f32 [tilespmem:s26], [sflag:$0x5], $0x80, s23, s30, $0xb8;
	[tilespmem:$0x1C400] =	vst v63  }
0xb9: {  	_ =	swait.ge [sflag:s14], $0x2000  }
0xba: {  	[sflag:s14] =	ssyncset.done $0x0  }
0xbb: {  	s23 =	sor.u32 $0x80, s29;
	[sflag:s14] =	ssyncadd.s32 $0xFFFFE000  }
0xbc: {  	[tilespmem:s3], [sflag:$0x3] =	stream.indirect.gather [hbm4b:s1+s30], $0x80, s23, s30, $0xb8;
	[tilespmem:$0x1C400] =	vst v63  }
0xbd: {  	_ =	swait.ge [sflag:s6], $0x2000  }
0xbe: {  	[sflag:s6] =	ssyncset.done $0x0  }
0xbf: {  	s23 =	sor.u32 $0x240, s29;
	[sflag:s6] =	ssyncadd.s32 $0xFFFFE000  }
0xc0: {  	[spmem:s2] =	stream.indirect.scatter.add.f32 [tilespmem:s31], [sflag:$0x6], $0x80, s23, s30, $0xb8;
	[tilespmem:$0x1C400] =	vst v63  }
0xc1: {  	_ =	swait.ge [sflag:s15], $0x2000  }
0xc2: {  	s20 =	sadd.s32 $0x20, s20;
	[sflag:s15] =	ssyncset.done $0x0  }
0xc3: {  	s24 =	sshll.u32 s24, $0x6;
	s23 =	sor.u32 $0xC0, s29;
	[sflag:s15] =	ssyncadd.s32 $0xFFFFE000  }
0xc4: {  	[tilespmem:s7], [sflag:$0x4] =	stream.indirect.gather [hbm4b:s1+s30], $0x80, s23, s30, $0xb8;
	[tilespmem:$0x1C400] =	vst v63  }
0xc5: {  	s24 =	sand.u32 $0x100, s24  }
0xc6: {  	[tilespmem:s24], [sflag:$0x9] =	stream.linear.gather [hbm4b:s20+s4], $0x100, $0x38;
	[tilespmem:$0x1C400] =	vst v63  }
0xc7: {  	s23 =	sor.u32 $0x40, s24;
	_ =	swait.ge [sflag:s28], $0x100  }
0xc8: {  	s21 =	sadd.s32 $0x20, s21;
	[sflag:s28] =	ssyncset.done $0x0  }
0xc9: {  	s25 =	sor.u32 $0x200, s24;
	[sflag:s28] =	ssyncadd.s32 $0xFFFFFF00  }
0xca: {  	[tilespmem:s25], [sflag:$0x9] =	stream.linear.gather [hbm4b:s21+s4], $0x100, $0x38;
	[tilespmem:$0x1C400] =	vst v63  }
0xcb: {  	_ =	swait.ge [sflag:s28], $0x100  }
0xcc: {  	[sflag:s28] =	ssyncset.done $0x0  }
0xcd: {  	[sflag:s28] =	ssyncadd.s32 $0xFFFFFF00  }
0xce: {  	_ =	swait.ge [sflag:s10], $0x2000  }
0xcf: {  	[sflag:s10] =	ssyncset.done $0x0  }
0xd0: {  	s25 =	sor.u32 $0x280, s29;
	[sflag:s10] =	ssyncadd.s32 $0xFFFFE000  }
0xd1: {  	[spmem:s2] =	stream.indirect.scatter.add.f32 [tilespmem:s3], [sflag:$0x7], $0x80, s25, s30, $0xb8;
	[tilespmem:$0x1C400] =	vst v63  }
0xd2: {  	_ =	swait.ge [sflag:s11], $0x2000  }
0xd3: {  	[sflag:s11] =	ssyncset.done $0x0  }
0xd4: {  	[sflag:s11] =	ssyncadd.s32 $0xFFFFE000  }
0xd5: {  	[tilespmem:s26], [sflag:$0x1] =	stream.indirect.gather [hbm4b:s1+s30], $0x80, s24, s30, $0xb8;
	[tilespmem:$0x1C400] =	vst v63  }
0xd6: {  	_ =	swait.ge [sflag:s12], $0x2000  }
.Ltmp1:
0xd7: {  	[sflag:s12] =	ssyncset.done $0x0;
	(pc) =	sbr.rel @p1 .LBB2_4-.Ltmp1, $4  }
0xd8: {  	s24 =	sor.u32 $0x2C0, s29;
	[sflag:s12] =	ssyncadd.s32 $0xFFFFE000  }
0xd9: {  	[spmem:s2] =	stream.indirect.scatter.add.f32 [tilespmem:s7], [sflag:$0x8], $0x80, s24, s30, $0xb8;
	[tilespmem:$0x1C400] =	vst v63  }
0xda: {  	_ =	swait.ge [sflag:s13], $0x2000  }
0xdb: {  	[sflag:s13] =	ssyncset.done $0x0  }
0xdc: {  	[sflag:s13] =	ssyncadd.s32 $0xFFFFE000  }
0xdd: {  	[tilespmem:s31], [sflag:$0x2] =	stream.indirect.gather [hbm4b:s1+s30], $0x80, s23, s30, $0xb8;
	[tilespmem:$0x1C400] =	vst v63  }
0xde: {  	_ =	swait.ge [sflag:s0], $0x2000  }
0xdf: {  	[sflag:s0] =	ssyncset.done $0x0  }
0xe0: {  	[sflag:s0] =	ssyncadd.s32 $0xFFFFE000  }
0xe1: {  	[spmem:s2] =	stream.indirect.scatter.add.f32 [tilespmem:s26], [sflag:$0x5], $0x80, s9, s30, $0xb8;
	[tilespmem:$0x1C400] =	vst v63  }
0xe2: {  	_ =	swait.ge [sflag:s14], $0x2000  }
0xe3: {  	[sflag:s14] =	ssyncset.done $0x0  }
0xe4: {  	s17 =	simm.s32 $0x180;
	[sflag:s14] =	ssyncadd.s32 $0xFFFFE000  }
0xe5: {  	[tilespmem:s3], [sflag:$0x3] =	stream.indirect.gather [hbm4b:s1+s30], $0x80, s17, s30, $0xb8;
	[tilespmem:$0x1C400] =	vst v63  }
0xe6: {  	_ =	swait.ge [sflag:s6], $0x2000  }
0xe7: {  	[sflag:s6] =	ssyncset.done $0x0  }
0xe8: {  	s21 =	simm.s32 $0x340;
	[sflag:s6] =	ssyncadd.s32 $0xFFFFE000  }
0xe9: {  	[spmem:s2] =	stream.indirect.scatter.add.f32 [tilespmem:s31], [sflag:$0x6], $0x80, s21, s30, $0xb8;
	[tilespmem:$0x1C400] =	vst v63  }
0xea: {  	_ =	swait.ge [sflag:s15], $0x2000  }
0xeb: {  	[sflag:s15] =	ssyncset.done $0x0  }
0xec: {  	s23 =	simm.s32 $0x1C0;
	[sflag:s15] =	ssyncadd.s32 $0xFFFFE000  }
0xed: {  	[tilespmem:s7], [sflag:$0x4] =	stream.indirect.gather [hbm4b:s1+s30], $0x80, s23, s30, $0xb8;
	[tilespmem:$0x1C400] =	vst v63  }
0xee: {  	_ =	swait.ge [sflag:s10], $0x2000  }
0xef: {  	[sflag:s10] =	ssyncset.done $0x0  }
0xf0: {  	s24 =	simm.s32 $0x380;
	[sflag:s10] =	ssyncadd.s32 $0xFFFFE000  }
0xf1: {  	[spmem:s2] =	stream.indirect.scatter.add.f32 [tilespmem:s3], [sflag:$0x7], $0x80, s24, s30, $0xb8;
	[tilespmem:$0x1C400] =	vst v63  }
0xf2: {  	_ =	swait.ge [sflag:s11], $0x2000  }
0xf3: {  	[sflag:s11] =	ssyncset.done $0x0  }
0xf4: {  	[sflag:s11] =	ssyncadd.s32 $0xFFFFE000  }
0xf5: {  	_ =	swait.ge [sflag:s12], $0x2000  }
0xf6: {  	[sflag:s12] =	ssyncset.done $0x0  }
0xf7: {  	s25 =	simm.s32 $0x3C0;
	[sflag:s12] =	ssyncadd.s32 $0xFFFFE000  }
0xf8: {  	[spmem:s2] =	stream.indirect.scatter.add.f32 [tilespmem:s7], [sflag:$0x8], $0x80, s25, s30, $0xb8;
	[tilespmem:$0x1C400] =	vst v63  }
0xf9: {  	_ =	swait.ge [sflag:s13], $0x2000  }
0xfa: {  	[sflag:s13] =	ssyncset.done $0x0  }
0xfb: {  	[sflag:s13] =	ssyncadd.s32 $0xFFFFE000  }
0xfc: {  	_ =	swait.ge [sflag:s14], $0x2000  }
0xfd: {  	[sflag:s14] =	ssyncset.done $0x0  }
0xfe: {  	[sflag:s14] =	ssyncadd.s32 $0xFFFFE000  }
0xff: {  	_ =	swait.ge [sflag:s15], $0x2000  }
0x100: {  	[sflag:s15] =	ssyncset.done $0x0  }
0x101: {  	[sflag:s15] =	ssyncadd.s32 $0xFFFFE000  }
0x102: {  	[bflag:$0x0] =	sbarrier.arrive $0xFFFF  }
0x103: {  	s20 =	simm.s32 @p0 $0x1FC9;
	s17 =	sadd.s32 @p0 $0x24900, s19;
	s21 =	rddreg [dreg:$0x12]  }
0x104: {  	[hbm:s17], [sflag:s20] =	dma.local @p0 [spmem:s21], $0x2800  }
0x105: {  	s17 =	simm.s32 @p0 $0x9  }
0x106: {  	s20 =	stileid.u32;
	_ =	swait.ge @p0 [sflag:s17], $0x2800  }
0x107: {  	s20 =	sshll.u32 @!p0 s20, $0x6;
	[sflag:s17] =	ssyncset.done @p0 $0x0;
	s21 =	rddreg [dreg:$0x14]  }
0x108: {  	[sflag:s17] =	ssyncadd.s32 @p0 $0xFFFFD800;
	s17 =	sor.u32 @!p0 $0x1C09, s20;
	s20 =	rddreg [dreg:$0x13]  }
0x109: {  	[hbm:s20], [sflag:s17] =	dma.local @!p0 [spmem:s21], $0x2700  }
0x10a: {  	s17 =	simm.s32 @!p0 $0x9  }
0x10b: {  	_ =	swait.ge @!p0 [sflag:s17], $0x2700  }
0x10c: {  	s16 =	sadd.s32 $0x1, s16;
	s29 =	rddreg [dreg:$0x11]  }
0x10d: {  	p1 =	sne.s32 s16, s29  }
.Ltmp2:
0x10e: {  	_ = 	snop;
	(pc) =	sbr.rel @p1 .LBB2_1-.Ltmp2, $3  }
0x10f: {  	_ =	sdelay $0x1  }
0x110: {  	[sflag:s17] =	ssyncset.done @!p0 $0x0  }
0x111: {  	[sflag:s17] =	ssyncadd.s32 @!p0 $0xFFFFD900  }
0x112: {  	_ =	sfence.sel $0x180000  }
0x113: {  	[bflag:$0x0] =	sbarrier.arrive $0xFFFF  }
0x114: {  	_ =	strace $0x9000004A  }
0x115: {  	s0 =	stileid.u32;
	[bflag:$0x2] =	sbarrier.arrive $0xFFFF  }
0x116: {  	p0 =	sne.s32 s0, $0x0;
	s0 =	rddreg [dreg:$0x3]  }
0x117: {  	s0 =	sadd.s32 @!p0 $0x100000, s0  }
0x118: {  	[sflag:s0] =	ssyncadd.tile.s32 @!p0 $0x1;
	_ =	shalt  }
.Lfunc_end2:
_tile_overlayer_lowered:
.L_overlay_start_2:
0x119: {  	(tag) =	ssettag $0x2  }
0x11a: {  	s0 =	rddreg [dreg:$0x0];
	s2 =	stileid.u32  }
0x11b: {  	s1 =	rddreg [dreg:$0x1];
	p0 =	sne.s32 s2, $0x0  }
0x11c: {  	s3 =	rddreg [dreg:$0x2];
	[bflag:$0x3] =	sbarrier.arrive $0xFFFF;
	s2 =	simm.s32 @!p0 $0x1C09  }
0x11d: {  	[timem:s3], [sflag:s2] =	dma.local @!p0 [hbm:s0], s1  }
0x11e: {  	s0 =	simm.s32 @!p0 $0x9  }
0x11f: {  	_ =	swait.ge @!p0 [sflag:s0], s1  }
0x120: {  	s1 =	ssub.s32 @!p0 $0x0, s1;
	[sflag:s0] =	ssyncset.done @!p0 $0x0  }
0x121: {  	[sflag:s0] =	ssyncadd.s32 @!p0 s1  }
0x122: {  	[bflag:$0x3] =	sbarrier.arrive $0xFFFF  }
0x123: {  	_ =	shalt  }

// kernel: kernel.15.cloned.1.call-start
scs
__scs_entry_jumppad:
0x0: {  	(pc) =	sbr.rel $0x88, $3  }
0x1: {  	(tag) =	ssettag $0x0;
	lr =	simm.s32 $0x1  }
0x2: {  	[smem:$0x3F95] =	sst lr;
	_ =	strace $0xD0000000  }
0x3: {  	_ = 	snop  }
0x4: {  	_ = 	snop  }
0x5: {  	_ = 	snop  }
0x6: {  	_ = 	snop  }
0x7: {  	_ = 	snop  }
__scs_overlays_trampoline_lowered:
0x8: {  	[smem:$0x3FA4] =	sst s0  }
0x9: {  	[smem:$0x3FA5] =	sst s1  }
0xa: {  	[smem:$0x3FA6] =	sst s2  }
0xb: {  	[smem:$0x3FA7] =	sst s3  }
0xc: {  	[smem:$0x3FA8] =	sst s4  }
0xd: {  	[smem:$0x3FA9] =	sst s5  }
0xe: {  	[smem:$0x3FAA] =	sst s6  }
0xf: {  	[smem:$0x3FAB] =	sst s7  }
0x10: {  	[smem:$0x3FAC] =	sst s8  }
0x11: {  	[smem:$0x3FAD] =	sst s9;
	s0 =	simm.s32 @!p0 $0x0  }
0x12: {  	s1 =	sld [smem:$0x3F93];
	s0 =	simm.s32 @p0 $0x1  }
0x13: {  	[smem:$0x3FAE] =	sst s0;
	s0 =	simm.s32 @!p1 $0x0  }
0x14: {  	s2 =	sld [smem:$0x3F92];
	s0 =	simm.s32 @p1 $0x1  }
0x15: {  	[smem:$0x3FAF] =	sst s0;
	s0 =	simm.s32 @!p2 $0x0  }
0x16: {  	s3 =	sld [smem:$0x3FDB];
	s0 =	simm.s32 @p2 $0x1  }
0x17: {  	s4 =	simm.s32 $0x1BF5;
	[smem:$0x3FB1] =	sst s0  }
0x18: {  	s0 =	sld [smem:$0x3F94];
	_ =	swait.ge [sflag:s4], $0x0  }
0x19: {  	s7 =	sld [smem:$0x3F95]  }
0x1a: {  	s8 =	sadd.s32 $0xFFFFE003, lr  }
0x1b: {  	s9 =	sadd.s32 $0xFFFFFEF7, lr;
	s5 =	simm.s32 $0xFFFFFFFF;
	p2 =	slt.u32 s8, $0xFFFFF086  }
0x1c: {  	p1 =	slt.u32 s9, $0xF7A;
	s5 =	simm.s32 @!p2 $0x0  }
0x1d: {  	s5 =	simm.s32 @p1 $0x1;
	p0 =	seq.s32 s7, s2  }
0x1e: {  	s7 =	smul.u32 @!p0 $0xF7A, s2;
	p2 =	seq.s32 @!p0 s5, $0x0  }
0x1f: {  	s9 =	smul.u32 $0xF7A, s1;
	s8 =	simm.s32 @!p0 $0x1BF5;
	p2 =	por !p2, p0  }
0x20: {  	[sflag:s8] =	ssyncset.s32 @!p0 $0xFFFFF086;
	s6 =	sadd.s32 @!p0 s3, s7;
	s7 =	simm.s32 @!p0 $0x108  }
0x21: {  	s3 =	sadd.s32 s3, s9;
	s6 =	sadd.s32 @!p0 $0x88, s6;
	s7 =	simm.s32 @p2 $0x1082  }
0x22: {  	[simem:s7], [sflag:s8] =	dma.local @!p0 [hbm:s6], $0xF7A  }
0x23: {  	s9 =	sor.u32 $0xD0000000, s2;
	s6 =	simm.s32 $0x108;
	_ =	swait.ge @!p0 [sflag:s8], $0x0  }
0x24: {  	s3 =	sadd.s32 $0x88, s3;
	s6 =	simm.s32 @!p1 $0x1082;
	[sflag:s4] =	ssyncset.s32 $0xFFFFF086  }
0x25: {  	[simem:s6], [sflag:s4] =	dma.local [hbm:s3], $0xF7A  }
0x26: {  	[smem:$0x3F95] =	sst s1;
	(tag) =	ssettag s2;
	_ =	strace s9  }
0x27: {  	s1 =	sld [smem:$0x3FA5]  }
0x28: {  	s2 =	sld [smem:$0x3FA6]  }
0x29: {  	s4 =	sld [smem:$0x3FA8]  }
0x2a: {  	p0 =	seq.s32 s5, $0x0;
	s5 =	sld [smem:$0x3FA9]  }
0x2b: {  	s6 =	sld [smem:$0x3FAA]  }
0x2c: {  	s7 =	sld [smem:$0x3FAB]  }
0x2d: {  	s3 =	simm.s32 $0x108;
	s8 =	sld [smem:$0x3FAC]  }
0x2e: {  	s3 =	simm.s32 @!p0 $0x1082;
	s9 =	sld [smem:$0x3FAD]  }
0x2f: {  	lr =	sadd.s32 s0, s3;
	s0 =	sld [smem:$0x3FA4]  }
0x30: {  	s3 =	sld [smem:$0x3FA7]  }
0x31: {  	[smem:$0x3FB0] =	sst s10  }
0x32: {  	s10 =	sld [smem:$0x3FAE];
	_ =	sdelay $0x3  }
0x33: {  	p0 =	seq.s32 s10, $0x1;
	s10 =	sld [smem:$0x3FB0];
	_ =	sdelay $0x3  }
0x34: {  	[smem:$0x3FB0] =	sst s10  }
0x35: {  	s10 =	sld [smem:$0x3FAF];
	_ =	sdelay $0x3  }
0x36: {  	p1 =	seq.s32 s10, $0x1;
	s10 =	sld [smem:$0x3FB0];
	_ =	sdelay $0x3  }
0x37: {  	[smem:$0x3FB0] =	sst s10  }
0x38: {  	s10 =	sld [smem:$0x3FB1]  }
0x39: {  	_ = 	snop;
	(pc) =	sbr.ind lr, $3  }
0x3a: {  	_ = 	snop  }
0x3b: {  	_ = 	snop  }
0x3c: {  	p2 =	seq.s32 s10, $0x1;
	s10 =	sld [smem:$0x3FB0]  }
0x3d: {  	_ =	shalt  }
0x3e: {  	_ =	shalt  }
0x3f: {  	_ =	shalt  }
0x40: {  	_ =	shalt  }
0x41: {  	_ =	shalt  }
0x42: {  	_ =	shalt  }
0x43: {  	_ =	shalt  }
0x44: {  	_ =	shalt  }
0x45: {  	_ =	shalt  }
0x46: {  	_ =	shalt  }
0x47: {  	_ =	shalt  }
0x48: {  	_ =	shalt  }
0x49: {  	_ =	shalt  }
0x4a: {  	_ =	shalt  }
0x4b: {  	_ =	shalt  }
0x4c: {  	_ =	shalt  }
0x4d: {  	_ =	shalt  }
0x4e: {  	_ =	shalt  }
0x4f: {  	_ =	shalt  }
0x50: {  	_ =	shalt  }
0x51: {  	_ =	shalt  }
0x52: {  	_ =	shalt  }
0x53: {  	_ =	shalt  }
0x54: {  	_ =	shalt  }
0x55: {  	_ =	shalt  }
0x56: {  	_ =	shalt  }
0x57: {  	_ =	shalt  }
0x58: {  	_ =	shalt  }
0x59: {  	_ =	shalt  }
0x5a: {  	_ =	shalt  }
0x5b: {  	_ =	shalt  }
0x5c: {  	_ =	shalt  }
0x5d: {  	_ =	shalt  }
0x5e: {  	_ =	shalt  }
0x5f: {  	_ =	shalt  }
0x60: {  	_ =	shalt  }
0x61: {  	_ =	shalt  }
0x62: {  	_ =	shalt  }
0x63: {  	_ =	shalt  }
0x64: {  	_ =	shalt  }
0x65: {  	_ =	shalt  }
0x66: {  	_ =	shalt  }
0x67: {  	_ =	shalt  }
0x68: {  	_ =	shalt  }
0x69: {  	_ =	shalt  }
0x6a: {  	_ =	shalt  }
0x6b: {  	_ =	shalt  }
0x6c: {  	_ =	shalt  }
0x6d: {  	_ =	shalt  }
0x6e: {  	_ =	shalt  }
0x6f: {  	_ =	shalt  }
0x70: {  	_ =	shalt  }
0x71: {  	_ =	shalt  }
0x72: {  	_ =	shalt  }
0x73: {  	_ =	shalt  }
0x74: {  	_ =	shalt  }
0x75: {  	_ =	shalt  }
0x76: {  	_ =	shalt  }
0x77: {  	_ =	shalt  }
0x78: {  	_ =	shalt  }
0x79: {  	_ =	shalt  }
0x7a: {  	_ =	shalt  }
0x7b: {  	_ =	shalt  }
0x7c: {  	_ =	shalt  }
0x7d: {  	_ =	shalt  }
0x7e: {  	_ =	shalt  }
0x7f: {  	_ =	shalt  }
0x80: {  	_ =	shalt  }
0x81: {  	_ =	shalt  }
0x82: {  	_ =	shalt  }
0x83: {  	_ =	shalt  }
0x84: {  	_ =	shalt  }
0x85: {  	_ =	shalt  }
0x86: {  	_ =	shalt  }
0x87: {  	_ =	shalt  }
.Lfunc_end0:
.L_simem_size_0:
called_computation.2_lowered:
.L_overlay_start_0:
0x88: {  	s2 =	sld [smem:$0x3FD9]  }
0x89: {  	s3 =	sld [smem:$0x3FFE];
	_ =	sdelay $0x1  }
0x8a: {  	s1 =	srdreg.scid  }
0x8b: {  	s0 =	sand.u32 $0x1, s1  }
0x8c: {  	s16 =	sshll.u32 s0, $0xA;
	s2 =	sadd.s32 s3, s2  }
0x8d: {  	s2 =	sadd.s32 s2, s16  }
0x8e: {  	[smem:$0x3FBC] =	sst s2  }
0x8f: {  	_ = 	snop  }
0x90: {  	(tm) =	ssettm $0x1  }
0x91: {  	s17 =	sld [smem:$0x3FFB];
	_ =	sdelay $0x3  }
0x92: {  	_ =	strace s17  }
0x93: {  	s2 =	sld [smem:$0x3FFC];
	_ =	sdelay $0x3  }
0x94: {  	_ =	strace s2  }
0x95: {  	s2 =	sld [smem:$0x3FFD];
	_ =	sdelay $0x3  }
0x96: {  	_ =	strace s2  }
0x97: {  	_ =	strace $0x8FFFFFFF  }
0x98: {  	s18 =	sld [smem:$0x3FDB];
	_ =	sdelay $0x1  }
0x99: {  	s19 =	simm.s32 $_scs_section_size  }
0x9a: {  	s4 =	simm.s32 $_size__tile_overlayer_lowered;
	s5 =	simm.s32 $_tile_overlayer_lowered  }
0x9b: {  	s22 =	simm.s32 $0x1BFF;
	s21 =	sshll.u32 s5, $0x1;
	s2 =	sadd.s32 s19, s18  }
0x9c: {  	s6 =	simm.s32 $0x0;
	s20 =	sshll.u32 s4, $0x1;
	s4 =	sadd.s32 s21, s2  }
0x9d: {  	[timem:s6], [sflag:s22] =	dma.local [hbm:s4], s20  }
0x9e: {  	_ =	swait.ge [sflag:s22], s20  }
0x9f: {  	s3 =	ssub.s32 $0x0, s20;
	[sflag:s22] =	ssyncset.done $0x0  }
0xa0: {  	[sflag:s22] =	ssyncadd.s32 s3;
	_ =	sdelay $0x1  }
0xa1: {  	s23 =	simm.s32 $0x1B8B  }
0xa2: {  	_ =	swait.ge [sflag:s23], $0x1  }
0xa3: {  	[sflag:s23] =	ssyncset.done $0x0  }
0xa4: {  	s25 =	simm.s32 $0x1B8E;
	s24 =	sld [smem:$0x3FFE];
	[sflag:s23] =	ssyncadd.s32 $0xFFFFFFFF  }
0xa5: {  	s26 =	simm.s32 $execute0_lowered;
	[smem:$0x3FD2] =	sst s25  }
0xa6: {  	s4 =	sshll.u32 s26, $0x1;
	_ =	strace $0x8000004C;
	[dreg:$0x1] =	wrdreg $0xFFFFFFFF  }
0xa7: {  	s28 =	simm.s32 $_size_execute0_lowered;
	s2 =	sadd.s32 s2, s4;
	[dreg:$0x0] =	wrdreg $0x0  }
0xa8: {  	s4 =	sshll.u32 s28, $0x1;
	[dreg:$0x2] =	wrdreg s2  }
0xa9: {  	[dreg:$0x3] =	wrdreg s4  }
0xaa: {  	[dreg:$0x4] =	wrdreg $0xC0  }
0xab: {  	_ =	task [dreg:s6], $0x5FFFF  }
0xac: {  	[dreg:$0x1] =	wrdreg $0xFFFFFFFF  }
0xad: {  	[dreg:$0x0] =	wrdreg $0x60  }
0xae: {  	[dreg:$0x2] =	wrdreg s24  }
0xaf: {  	[dreg:$0x3] =	wrdreg $0x84000  }
0xb0: {  	[dreg:$0x4] =	wrdreg $0x9  }
0xb1: {  	_ =	task.clear_ibuf [dreg:s6], $0x5FFFF;
	_ =	strace $0x9000004C  }
0xb2: {  	s29 =	simm.s32 $0x9;
	_ =	strace $0x8000004E  }
0xb3: {  	_ =	swait.ge [sflag:s29], $0x1  }
0xb4: {  	[sflag:s29] =	ssyncadd.s32 $0xFFFFFFFF  }
0xb5: {  	_ =	strace $0x9000004E  }
0xb6: {  	_ =	sfence  }
0xb7: {  	s30 =	sld [smem:$0x0];
	_ =	sdelay $0x2  }
0xb8: {  	s31 =	sshll.u32 s1, $0xD;
	s1 =	sshrl.u32 s1, $0x2  }
0xb9: {  	s3 =	sand.u32 $0x4000, s31;
	s1 =	sadd.s32 s1, s30  }
0xba: {  	s0 =	sor.u32 s3, s0;
	s1 =	sshll.u32 s1, $0x11  }
0xbb: {  	s0 =	sor.u32 s1, s0  }
0xbc: {  	s0 =	sadd.s32 $0x8F2B, s0  }
0xbd: {  	[sflag:s0] =	ssyncadd.remote.s32 $0x1  }
0xbe: {  	_ =	sfence.sel $0xFFFF  }
0xbf: {  	[dreg:$0x0] =	wrdreg $0xFFFFFFFF;
	(pc) =	sbr.abs _section_cstart, $3  }
0xc0: {  	[dreg:$0x1] =	wrdreg $0xFFFFFFFF  }
0xc1: {  	_ =	task.clear_ibuf [dreg:s6], $0x2FFFF;
	_ =	strace $0x9FFFFFFF  }
0xc2: {  	(tm) =	ssettm $0x7FFFFFFF  }
0xc3: {  	_ =	shalt  }
tec
execute0_lowered:
.L_overlay_start_1:
0x0: {  	(tag) =	ssettag $0x1  }
0x1: {  	s0 =	rddreg [dreg:$0x0]  }
0x2: {  	s1 =	rddreg [dreg:$0x1];
	s2 =	simm.s32 $0x0  }
0x3: {  	s3 =	srdreg.scid;
	s11 =	stileid.u32;
	s28 =	simm.s32 $0x9  }
0x4: {  	s30 =	simm.s32 $0x40;
	s31 =	simm.s32 $0x2400;
	s6 =	smul.u32 $0x50000, s11  }
0x5: {  	[smem:$0x7FF] =	sst s2;
	s3 =	sand.u32 $0x1, s3;
	s21 =	smul.u32 $0xA0, s11  }
0x6: {  	s4 =	sadd.s32 $0x16600, s0;
	s7 =	sadd.s32 $0x2600, s0;
	s5 =	smul.u32 $0x27100, s3  }
0x7: {  	s8 =	sadd.s32 $0xC600, s0;
	s26 =	smul.u32 $0x13800, s11;
	s10 =	sshrl.u32 s6, $0x2  }
0x8: {  	p0 =	seq.s32 s11, $0xF;
	s0 =	sadd.s32 s5, s0;
	s5 =	sadd.s32 s10, s1  }
0x9: {  	_ =	strace $0x8000004D;
	s9 =	ssub.s32 $0x2, s3;
	s13 =	sadd.s32 $0x2000, s5  }
0xa: {  	s12 =	sshrl.u32 s9, $0x1;
	s15 =	sadd.s32 $0x4000, s5;
	[dreg:$0x3] =	wrdreg s13  }
0xb: {  	s10 =	sshll.u32 s3, $0x4;
	s16 =	sadd.s32 $0x6000, s5;
	[dreg:$0x4] =	wrdreg s15  }
0xc: {  	s6 =	ssub.s32 s9, s12;
	s17 =	sadd.s32 $0x8000, s5;
	[dreg:$0x5] =	wrdreg s16  }
0xd: {  	s3 =	smul.u32 $0xA00, s3;
	s18 =	sadd.s32 $0xA000, s5;
	[dreg:$0x6] =	wrdreg s17  }
0xe: {  	s14 =	sor.u32 s11, s10;
	s19 =	sadd.s32 $0xC000, s5;
	[dreg:$0x7] =	wrdreg s18  }
0xf: {  	s20 =	sadd.s32 $0xE000, s5;
	s12 =	sadd.s32 $0x10000, s5;
	[dreg:$0x8] =	wrdreg s19  }
0x10: {  	s22 =	sadd.s32 $0x12000, s5;
	s6 =	smax.u32 s6, $0x1;
	[dreg:$0x9] =	wrdreg s20  }
0x11: {  	s10 =	simm.s32 $0x3;
	s11 =	simm.s32 $0x5;
	[dreg:$0xa] =	wrdreg s12  }
0x12: {  	s9 =	smul.u32 $0x500, s14;
	[dreg:$0xb] =	wrdreg s22;
	s3 =	sadd.s32 s21, s3  }
0x13: {  	s19 =	sadd.s32 $0x3D800, s0;
	s0 =	sadd.s32 $0x124800, s1;
	[dreg:$0x10] =	wrdreg s6  }
0x14: {  	s6 =	simm.s32 $0x2;
	s12 =	simm.s32 $0x4;
	s13 =	simm.s32 $0x6  }
0x15: {  	s14 =	simm.s32 $0x7;
	s15 =	simm.s32 $0x8;
	s16 =	simm.s32 $0x0  }
0x16: {  	s3 =	sshll.u32 s3, $0x3;
	s0 =	sshrl.u32 @p0 s0, $0x3;
	s23 =	sadd.s32 s7, s9  }
0x17: {  	s24 =	sadd.s32 s8, s9;
	s9 =	sor.u32 $0x20, s9;
	[dreg:$0x11] =	wrdreg s0  }
0x18: {  	s29 =	sor.u32 $0x40, s3;
	s3 =	sshrl.u32 s26, $0x3;
	[dreg:$0xc] =	wrdreg s23  }
0x19: {  	[dreg:$0xd] =	wrdreg s24;
	s25 =	sadd.s32 s7, s9;
	s9 =	sadd.s32 s8, s9  }
0x1a: {  	s18 =	sadd.s32 s29, s7;
	s22 =	sadd.s32 s29, s8;
	s0 =	sadd.s32 @!p0 s3, s19  }
0x1b: {  	s3 =	simm.s32 $0x4400;
	s7 =	simm.s32 $0x6400;
	[dreg:$0xe] =	wrdreg s25  }
0x1c: {  	s8 =	simm.s32 $0x100;
	[dreg:$0xf] =	wrdreg s9;
	s9 =	sadd.s32 s26, s1  }
0x1d: {  	[dreg:$0x12] =	wrdreg s0;
	s26 =	simm.s32 $0x400;
	s0 =	sshrl.u32 @!p0 s9, $0x3  }
0x1e: {  	v0 =	vimm.f32 $0.0e+00;
	s9 =	simm.s32 $0x300;
	[dreg:$0x13] =	wrdreg s0;
	s0 =	simm.s32 $0x1  }
.LBB2_1:
0x1f: {  	s17 =	simm.s32 $0x0;
	s20 =	simm.s32 $0x200  }
.LBB2_2:
0x20: {  	p1 =	sne.s32 s20, $0x7E00;
	[tilespmem:s17+$0x470] =	vst v0  }
0x21: {  	[tilespmem:s17+$0x400] =	vst v0  }
0x22: {  	[tilespmem:s17+$0x410] =	vst v0  }
.Ltmp0:
0x23: {  	[tilespmem:s17+$0x420] =	vst v0;
	(pc) =	sbr.rel @p1 .LBB2_2-.Ltmp0, $4  }
0x24: {  	[tilespmem:s17+$0x430] =	vst v0  }
0x25: {  	[tilespmem:s17+$0x440] =	vst v0  }
0x26: {  	[tilespmem:s17+$0x450] =	vst v0  }
0x27: {  	[tilespmem:s17+$0x460] =	vst v0;
	s17 =	sshra.s32 s20, $0x2;
	s20 =	sadd.s32 $0x200, s20  }
0x28: {  	[tilespmem:s17+$0x470] =	vst v0  }
0x29: {  	[tilespmem:s17+$0x400] =	vst v0  }
0x2a: {  	[tilespmem:s17+$0x410] =	vst v0  }
0x2b: {  	[tilespmem:s17+$0x420] =	vst v0  }
0x2c: {  	[tilespmem:s17+$0x430] =	vst v0  }
0x2d: {  	[tilespmem:s17+$0x440] =	vst v0  }
0x2e: {  	[tilespmem:s17+$0x450] =	vst v0  }
0x2f: {  	[tilespmem:s17+$0x460] =	vst v0  }
0x30: {  	[spmem:s5] =	stream.linear.scatter [tilespmem:s26], [sflag:$0x9], $0x2000, $0x38;
	[tilespmem:$0x1C400] =	vst v63  }
0x31: {  	_ =	swait.ge [sflag:s28], $0x2000  }
0x32: {  	[sflag:s28] =	ssyncset.done $0x0  }
0x33: {  	s23 =	rddreg [dreg:$0x3];
	[sflag:s28] =	ssyncadd.s32 $0xFFFFE000  }
0x34: {  	[spmem:s23] =	stream.linear.scatter [tilespmem:s26], [sflag:$0x9], $0x2000, $0x38;
	[tilespmem:$0x1C400] =	vst v63  }
0x35: {  	_ =	swait.ge [sflag:s28], $0x2000  }
0x36: {  	[sflag:s28] =	ssyncset.done $0x0  }
0x37: {  	s24 =	rddreg [dreg:$0x4];
	[sflag:s28] =	ssyncadd.s32 $0xFFFFE000  }
0x38: {  	[spmem:s24] =	stream.linear.scatter [tilespmem:s26], [sflag:$0x9], $0x2000, $0x38;
	[tilespmem:$0x1C400] =	vst v63  }
0x39: {  	_ =	swait.ge [sflag:s28], $0x2000  }
0x3a: {  	[sflag:s28] =	ssyncset.done $0x0  }
0x3b: {  	s25 =	rddreg [dreg:$0x5];
	[sflag:s28] =	ssyncadd.s32 $0xFFFFE000  }
0x3c: {  	[spmem:s25] =	stream.linear.scatter [tilespmem:s26], [sflag:$0x9], $0x2000, $0x38;
	[tilespmem:$0x1C400] =	vst v63  }
0x3d: {  	_ =	swait.ge [sflag:s28], $0x2000  }
0x3e: {  	[sflag:s28] =	ssyncset.done $0x0  }
0x3f: {  	s29 =	rddreg [dreg:$0x6];
	[sflag:s28] =	ssyncadd.s32 $0xFFFFE000  }
0x40: {  	[spmem:s29] =	stream.linear.scatter [tilespmem:s26], [sflag:$0x9], $0x2000, $0x38;
	[tilespmem:$0x1C400] =	vst v63  }
0x41: {  	_ =	swait.ge [sflag:s28], $0x2000  }
0x42: {  	[sflag:s28] =	ssyncset.done $0x0  }
0x43: {  	s20 =	rddreg [dreg:$0x7];
	[sflag:s28] =	ssyncadd.s32 $0xFFFFE000  }
0x44: {  	[spmem:s20] =	stream.linear.scatter [tilespmem:s26], [sflag:$0x9], $0x2000, $0x38;
	[tilespmem:$0x1C400] =	vst v63  }
0x45: {  	_ =	swait.ge [sflag:s28], $0x2000  }
0x46: {  	[sflag:s28] =	ssyncset.done $0x0  }
0x47: {  	s21 =	rddreg [dreg:$0x8];
	[sflag:s28] =	ssyncadd.s32 $0xFFFFE000  }
0x48: {  	[spmem:s21] =	stream.linear.scatter [tilespmem:s26], [sflag:$0x9], $0x2000, $0x38;
	[tilespmem:$0x1C400] =	vst v63  }
0x49: {  	_ =	swait.ge [sflag:s28], $0x2000  }
0x4a: {  	[sflag:s28] =	ssyncset.done $0x0  }
0x4b: {  	s23 =	rddreg [dreg:$0x9];
	[sflag:s28] =	ssyncadd.s32 $0xFFFFE000  }
0x4c: {  	[spmem:s23] =	stream.linear.scatter [tilespmem:s26], [sflag:$0x9], $0x2000, $0x38;
	[tilespmem:$0x1C400] =	vst v63  }
0x4d: {  	_ =	swait.ge [sflag:s28], $0x2000  }
0x4e: {  	[sflag:s28] =	ssyncset.done $0x0  }
0x4f: {  	s24 =	rddreg [dreg:$0xa];
	[sflag:s28] =	ssyncadd.s32 $0xFFFFE000  }
0x50: {  	[spmem:s24] =	stream.linear.scatter [tilespmem:s26], [sflag:$0x9], $0x2000, $0x38;
	[tilespmem:$0x1C400] =	vst v63  }
0x51: {  	_ =	swait.ge [sflag:s28], $0x2000  }
0x52: {  	[sflag:s28] =	ssyncset.done $0x0  }
0x53: {  	s25 =	rddreg [dreg:$0xb];
	[sflag:s28] =	ssyncadd.s32 $0xFFFFE000  }
0x54: {  	[spmem:s25] =	stream.linear.scatter [tilespmem:s26], [sflag:$0x9], $0x2000, $0x38;
	[tilespmem:$0x1C400] =	vst v63  }
0x55: {  	_ =	swait.ge [sflag:s28], $0x2000  }
0x56: {  	[sflag:s28] =	ssyncset.done $0x0  }
0x57: {  	[sflag:s28] =	ssyncadd.s32 $0xFFFFE000  }
0x58: {  	[bflag:$0x0] =	sbarrier.arrive $0xFFFF  }
0x59: {  	s17 =	simm.s32 $0x0;
	s20 =	rddreg [dreg:$0xc]  }
0x5a: {  	[tilespmem:s17], [sflag:$0x9] =	stream.linear.gather [hbm4b:s20+s17], $0x100, $0x38;
	[tilespmem:$0x1C400] =	vst v63  }
0x5b: {  	_ =	swait.ge [sflag:s28], $0x100  }
0x5c: {  	[sflag:s28] =	ssyncset.done $0x0  }
0x5d: {  	s21 =	simm.s32 $0x200;
	s29 =	rddreg [dreg:$0xd];
	[sflag:s28] =	ssyncadd.s32 $0xFFFFFF00  }
0x5e: {  	[tilespmem:s21], [sflag:$0x9] =	stream.linear.gather [hbm4b:s29+s17], $0x100, $0x38;
	[tilespmem:$0x1C400] =	vst v63  }
0x5f: {  	_ =	swait.ge [sflag:s28], $0x100  }
0x60: {  	[sflag:s28] =	ssyncset.done $0x0  }
0x61: {  	[sflag:s28] =	ssyncadd.s32 $0xFFFFFF00  }
0x62: {  	[tilespmem:s26], [sflag:$0x1] =	stream.indirect.gather [hbm4b:s4+s30], $0x80, s17, s30, $0xb8;
	[tilespmem:$0x1C400] =	vst v63  }
0x63: {  	_ = 	snop  }
0x64: {  	[tilespmem:s31], [sflag:$0x2] =	stream.indirect.gather [hbm4b:s4+s30], $0x80, s30, s30, $0xb8;
	[tilespmem:$0x1C400] =	vst v63  }
0x65: {  	_ =	swait.ge [sflag:s0], $0x2000  }
0x66: {  	[sflag:s0] =	ssyncset.done $0x0  }
0x67: {  	[sflag:s0] =	ssyncadd.s32 $0xFFFFE000  }
0x68: {  	[spmem:s1] =	stream.indirect.scatter.add.f32 [tilespmem:s26], [sflag:$0x5], $0x80, s21, s30, $0xb8;
	[tilespmem:$0x1C400] =	vst v63  }
0x69: {  	s21 =	simm.s32 $0x80  }
0x6a: {  	[tilespmem:s3], [sflag:$0x3] =	stream.indirect.gather [hbm4b:s4+s30], $0x80, s21, s30, $0xb8;
	[tilespmem:$0x1C400] =	vst v63  }
0x6b: {  	_ =	swait.ge [sflag:s6], $0x2000  }
0x6c: {  	[sflag:s6] =	ssyncset.done $0x0  }
0x6d: {  	s23 =	simm.s32 $0x240;
	[sflag:s6] =	ssyncadd.s32 $0xFFFFE000  }
0x6e: {  	[spmem:s1] =	stream.indirect.scatter.add.f32 [tilespmem:s31], [sflag:$0x6], $0x80, s23, s30, $0xb8;
	[tilespmem:$0x1C400] =	vst v63  }
0x6f: {  	s24 =	simm.s32 $0xC0  }
0x70: {  	[tilespmem:s7], [sflag:$0x4] =	stream.indirect.gather [hbm4b:s4+s30], $0x80, s24, s30, $0xb8;
	[tilespmem:$0x1C400] =	vst v63  }
0x71: {  	s25 =	rddreg [dreg:$0xe]  }
0x72: {  	[tilespmem:s8], [sflag:$0x9] =	stream.linear.gather [hbm4b:s25+s17], $0x100, $0x38;
	[tilespmem:$0x1C400] =	vst v63  }
0x73: {  	_ =	swait.ge [sflag:s28], $0x100  }
0x74: {  	[sflag:s28] =	ssyncset.done $0x0  }
0x75: {  	s29 =	rddreg [dreg:$0xf];
	[sflag:s28] =	ssyncadd.s32 $0xFFFFFF00  }
0x76: {  	[tilespmem:s9], [sflag:$0x9] =	stream.linear.gather [hbm4b:s29+s17], $0x100, $0x38;
	[tilespmem:$0x1C400] =	vst v63  }
0x77: {  	_ =	swait.ge [sflag:s28], $0x100  }
0x78: {  	[sflag:s28] =	ssyncset.done $0x0  }
0x79: {  	[sflag:s28] =	ssyncadd.s32 $0xFFFFFF00  }
0x7a: {  	_ =	swait.ge [sflag:s10], $0x2000  }
0x7b: {  	[sflag:s10] =	ssyncset.done $0x0  }
0x7c: {  	s20 =	simm.s32 $0x280;
	[sflag:s10] =	ssyncadd.s32 $0xFFFFE000  }
0x7d: {  	[spmem:s1] =	stream.indirect.scatter.add.f32 [tilespmem:s3], [sflag:$0x7], $0x80, s20, s30, $0xb8;
	[tilespmem:$0x1C400] =	vst v63  }
0x7e: {  	_ =	swait.ge [sflag:s11], $0x2000  }
0x7f: {  	[sflag:s11] =	ssyncset.done $0x0  }
0x80: {  	[sflag:s11] =	ssyncadd.s32 $0xFFFFE000  }
0x81: {  	[tilespmem:s26], [sflag:$0x1] =	stream.indirect.gather [hbm4b:s4+s30], $0x80, s8, s30, $0xb8;
	[tilespmem:$0x1C400] =	vst v63  }
0x82: {  	_ =	swait.ge [sflag:s12], $0x2000  }
0x83: {  	[sflag:s12] =	ssyncset.done $0x0  }
0x84: {  	s21 =	simm.s32 $0x2C0;
	[sflag:s12] =	ssyncadd.s32 $0xFFFFE000  }
0x85: {  	[spmem:s1] =	stream.indirect.scatter.add.f32 [tilespmem:s7], [sflag:$0x8], $0x80, s21, s30, $0xb8;
	[tilespmem:$0x1C400] =	vst v63  }
0x86: {  	_ =	swait.ge [sflag:s13], $0x2000  }
0x87: {  	[sflag:s13] =	ssyncset.done $0x0  }
0x88: {  	s23 =	simm.s32 $0x140;
	s17 =	simm.s32 $0x4;
	[sflag:s13] =	ssyncadd.s32 $0xFFFFE000  }
0x89: {  	[tilespmem:s31], [sflag:$0x2] =	stream.indirect.gather [hbm4b:s4+s30], $0x80, s23, s30, $0xb8;
	[tilespmem:$0x1C400] =	vst v63  }
0x8a: {  	s24 =	sand.u32 $0x4, s17;
	_ =	swait.ge [sflag:s0], $0x2000  }
0x8b: {  	s20 =	sshll.u32 s24, $0x6;
	[sflag:s0] =	ssyncset.done $0x0  }
0x8c: {  	s25 =	sor.u32 $0x200, s20;
	[sflag:s0] =	ssyncadd.s32 $0xFFFFE000  }
0x8d: {  	[spmem:s1] =	stream.indirect.scatter.add.f32 [tilespmem:s26], [sflag:$0x5], $0x80, s25, s30, $0xb8;
	[tilespmem:$0x1C400] =	vst v63  }
0x8e: {  	_ =	swait.ge [sflag:s14], $0x2000  }
0x8f: {  	[sflag:s14] =	ssyncset.done $0x0  }
0x90: {  	s29 =	sor.u32 $0x80, s20;
	[sflag:s14] =	ssyncadd.s32 $0xFFFFE000  }
0x91: {  	[tilespmem:s3], [sflag:$0x3] =	stream.indirect.gather [hbm4b:s4+s30], $0x80, s29, s30, $0xb8;
	[tilespmem:$0x1C400] =	vst v63  }
0x92: {  	_ =	swait.ge [sflag:s6], $0x2000  }
0x93: {  	[sflag:s6] =	ssyncset.done $0x0  }
0x94: {  	s23 =	sor.u32 $0x240, s20;
	[sflag:s6] =	ssyncadd.s32 $0xFFFFE000  }
0x95: {  	[spmem:s1] =	stream.indirect.scatter.add.f32 [tilespmem:s31], [sflag:$0x6], $0x80, s23, s30, $0xb8;
	[tilespmem:$0x1C400] =	vst v63  }
0x96: {  	_ =	swait.ge [sflag:s15], $0x2000  }
0x97: {  	[sflag:s15] =	ssyncset.done $0x0  }
0x98: {  	s24 =	sor.u32 $0xC0, s20;
	s23 =	simm.s32 $0x0;
	[sflag:s15] =	ssyncadd.s32 $0xFFFFE000  }
0x99: {  	[tilespmem:s7], [sflag:$0x4] =	stream.indirect.gather [hbm4b:s4+s30], $0x80, s24, s30, $0xb8;
	[tilespmem:$0x1C400] =	vst v63  }
0x9a: {  	s25 =	sand.u32 $0x100, s23  }
0x9b: {  	[tilespmem:s25], [sflag:$0x9] =	stream.linear.gather [hbm4b:s18+s2], $0x100, $0x38;
	[tilespmem:$0x1C400] =	vst v63  }
0x9c: {  	_ =	swait.ge [sflag:s28], $0x100  }
0x9d: {  	[sflag:s28] =	ssyncset.done $0x0  }
0x9e: {  	s23 =	sor.u32 $0x200, s25;
	[sflag:s28] =	ssyncadd.s32 $0xFFFFFF00  }
0x9f: {  	[tilespmem:s23], [sflag:$0x9] =	stream.linear.gather [hbm4b:s22+s2], $0x100, $0x38;
	[tilespmem:$0x1C400] =	vst v63  }
0xa0: {  	_ =	swait.ge [sflag:s28], $0x100  }
0xa1: {  	[sflag:s28] =	ssyncset.done $0x0  }
0xa2: {  	[sflag:s28] =	ssyncadd.s32 $0xFFFFFF00  }
0xa3: {  	_ =	swait.ge [sflag:s10], $0x2000  }
0xa4: {  	[sflag:s10] =	ssyncset.done $0x0  }
0xa5: {  	s29 =	sor.u32 $0x280, s20;
	[sflag:s10] =	ssyncadd.s32 $0xFFFFE000  }
0xa6: {  	[spmem:s1] =	stream.indirect.scatter.add.f32 [tilespmem:s3], [sflag:$0x7], $0x80, s29, s30, $0xb8;
	[tilespmem:$0x1C400] =	vst v63  }
0xa7: {  	_ =	swait.ge [sflag:s11], $0x2000  }
0xa8: {  	[sflag:s11] =	ssyncset.done $0x0  }
0xa9: {  	[sflag:s11] =	ssyncadd.s32 $0xFFFFE000  }
0xaa: {  	[tilespmem:s26], [sflag:$0x1] =	stream.indirect.gather [hbm4b:s4+s30], $0x80, s25, s30, $0xb8;
	[tilespmem:$0x1C400] =	vst v63  }
0xab: {  	_ =	swait.ge [sflag:s12], $0x2000  }
0xac: {  	[sflag:s12] =	ssyncset.done $0x0  }
0xad: {  	s20 =	sor.u32 $0x2C0, s20;
	[sflag:s12] =	ssyncadd.s32 $0xFFFFE000  }
0xae: {  	[spmem:s1] =	stream.indirect.scatter.add.f32 [tilespmem:s7], [sflag:$0x8], $0x80, s20, s30, $0xb8;
	[tilespmem:$0x1C400] =	vst v63  }
0xaf: {  	s21 =	smov.u32 s22;
	_ =	swait.ge [sflag:s13], $0x2000  }
0xb0: {  	s23 =	sor.u32 $0x40, s25;
	s20 =	smov.u32 s18;
	[sflag:s13] =	ssyncset.done $0x0  }
.LBB2_4:
0xb1: {  	p1 =	sne.s32 s17, $0x94  }
0xb2: {  	[sflag:s13] =	ssyncadd.s32 $0xFFFFE000;
	s24 =	smov.u32 s17;
	s17 =	sadd.s32 $0x4, s17  }
0xb3: {  	[tilespmem:s31], [sflag:$0x2] =	stream.indirect.gather [hbm4b:s4+s30], $0x80, s23, s30, $0xb8;
	[tilespmem:$0x1C400] =	vst v63  }
0xb4: {  	s23 =	sand.u32 $0x4, s17;
	_ =	swait.ge [sflag:s0], $0x2000  }
0xb5: {  	s29 =	sshll.u32 s23, $0x6;
	[sflag:s0] =	ssyncset.done $0x0  }
0xb6: {  	s23 =	sor.u32 $0x200, s29;
	[sflag:s0] =	ssyncadd.s32 $0xFFFFE000  }
0xb7: {  	[spmem:s1] =	stream.indirect.scatter.add.f32 [tilespmem:s26], [sflag:$0x5], $0x80, s23, s30, $0xb8;
	[tilespmem:$0x1C400] =	vst v63  }
0xb8: {  	_ =	swait.ge [sflag:s14], $0x2000  }
0xb9: {  	[sflag:s14] =	ssyncset.done $0x0  }
0xba: {  	s23 =	sor.u32 $0x80, s29;
	[sflag:s14] =	ssyncadd.s32 $0xFFFFE000  }
0xbb: {  	[tilespmem:s3], [sflag:$0x3] =	stream.indirect.gather [hbm4b:s4+s30], $0x80, s23, s30, $0xb8;
	[tilespmem:$0x1C400] =	vst v63  }
0xbc: {  	_ =	swait.ge [sflag:s6], $0x2000  }
0xbd: {  	[sflag:s6] =	ssyncset.done $0x0  }
0xbe: {  	s23 =	sor.u32 $0x240, s29;
	[sflag:s6] =	ssyncadd.s32 $0xFFFFE000  }
0xbf: {  	[spmem:s1] =	stream.indirect.scatter.add.f32 [tilespmem:s31], [sflag:$0x6], $0x80, s23, s30, $0xb8;
	[tilespmem:$0x1C400] =	vst v63  }
0xc0: {  	_ =	swait.ge [sflag:s15], $0x2000  }
0xc1: {  	s20 =	sadd.s32 $0x20, s20;
	[sflag:s15] =	ssyncset.done $0x0  }
0xc2: {  	s24 =	sshll.u32 s24, $0x6;
	s23 =	sor.u32 $0xC0, s29;
	[sflag:s15] =	ssyncadd.s32 $0xFFFFE000  }
0xc3: {  	[tilespmem:s7], [sflag:$0x4] =	stream.indirect.gather [hbm4b:s4+s30], $0x80, s23, s30, $0xb8;
	[tilespmem:$0x1C400] =	vst v63  }
0xc4: {  	s24 =	sand.u32 $0x100, s24  }
0xc5: {  	[tilespmem:s24], [sflag:$0x9] =	stream.linear.gather [hbm4b:s20+s2], $0x100, $0x38;
	[tilespmem:$0x1C400] =	vst v63  }
0xc6: {  	s23 =	sor.u32 $0x40, s24;
	_ =	swait.ge [sflag:s28], $0x100  }
0xc7: {  	s21 =	sadd.s32 $0x20, s21;
	[sflag:s28] =	ssyncset.done $0x0  }
0xc8: {  	s25 =	sor.u32 $0x200, s24;
	[sflag:s28] =	ssyncadd.s32 $0xFFFFFF00  }
0xc9: {  	[tilespmem:s25], [sflag:$0x9] =	stream.linear.gather [hbm4b:s21+s2], $0x100, $0x38;
	[tilespmem:$0x1C400] =	vst v63  }
0xca: {  	_ =	swait.ge [sflag:s28], $0x100  }
0xcb: {  	[sflag:s28] =	ssyncset.done $0x0  }
0xcc: {  	[sflag:s28] =	ssyncadd.s32 $0xFFFFFF00  }
0xcd: {  	_ =	swait.ge [sflag:s10], $0x2000  }
0xce: {  	[sflag:s10] =	ssyncset.done $0x0  }
0xcf: {  	s25 =	sor.u32 $0x280, s29;
	[sflag:s10] =	ssyncadd.s32 $0xFFFFE000  }
0xd0: {  	[spmem:s1] =	stream.indirect.scatter.add.f32 [tilespmem:s3], [sflag:$0x7], $0x80, s25, s30, $0xb8;
	[tilespmem:$0x1C400] =	vst v63  }
0xd1: {  	_ =	swait.ge [sflag:s11], $0x2000  }
0xd2: {  	[sflag:s11] =	ssyncset.done $0x0  }
0xd3: {  	[sflag:s11] =	ssyncadd.s32 $0xFFFFE000  }
0xd4: {  	[tilespmem:s26], [sflag:$0x1] =	stream.indirect.gather [hbm4b:s4+s30], $0x80, s24, s30, $0xb8;
	[tilespmem:$0x1C400] =	vst v63  }
0xd5: {  	_ =	swait.ge [sflag:s12], $0x2000  }
.Ltmp1:
0xd6: {  	[sflag:s12] =	ssyncset.done $0x0;
	(pc) =	sbr.rel @p1 .LBB2_4-.Ltmp1, $4  }
0xd7: {  	s24 =	sor.u32 $0x2C0, s29;
	[sflag:s12] =	ssyncadd.s32 $0xFFFFE000  }
0xd8: {  	[spmem:s1] =	stream.indirect.scatter.add.f32 [tilespmem:s7], [sflag:$0x8], $0x80, s24, s30, $0xb8;
	[tilespmem:$0x1C400] =	vst v63  }
0xd9: {  	_ =	swait.ge [sflag:s13], $0x2000  }
0xda: {  	[sflag:s13] =	ssyncset.done $0x0  }
0xdb: {  	[sflag:s13] =	ssyncadd.s32 $0xFFFFE000  }
0xdc: {  	[tilespmem:s31], [sflag:$0x2] =	stream.indirect.gather [hbm4b:s4+s30], $0x80, s23, s30, $0xb8;
	[tilespmem:$0x1C400] =	vst v63  }
0xdd: {  	_ =	swait.ge [sflag:s0], $0x2000  }
0xde: {  	[sflag:s0] =	ssyncset.done $0x0  }
0xdf: {  	[sflag:s0] =	ssyncadd.s32 $0xFFFFE000  }
0xe0: {  	[spmem:s1] =	stream.indirect.scatter.add.f32 [tilespmem:s26], [sflag:$0x5], $0x80, s9, s30, $0xb8;
	[tilespmem:$0x1C400] =	vst v63  }
0xe1: {  	_ =	swait.ge [sflag:s14], $0x2000  }
0xe2: {  	[sflag:s14] =	ssyncset.done $0x0  }
0xe3: {  	s17 =	simm.s32 $0x180;
	[sflag:s14] =	ssyncadd.s32 $0xFFFFE000  }
0xe4: {  	[tilespmem:s3], [sflag:$0x3] =	stream.indirect.gather [hbm4b:s4+s30], $0x80, s17, s30, $0xb8;
	[tilespmem:$0x1C400] =	vst v63  }
0xe5: {  	_ =	swait.ge [sflag:s6], $0x2000  }
0xe6: {  	[sflag:s6] =	ssyncset.done $0x0  }
0xe7: {  	s21 =	simm.s32 $0x340;
	[sflag:s6] =	ssyncadd.s32 $0xFFFFE000  }
0xe8: {  	[spmem:s1] =	stream.indirect.scatter.add.f32 [tilespmem:s31], [sflag:$0x6], $0x80, s21, s30, $0xb8;
	[tilespmem:$0x1C400] =	vst v63  }
0xe9: {  	_ =	swait.ge [sflag:s15], $0x2000  }
0xea: {  	[sflag:s15] =	ssyncset.done $0x0  }
0xeb: {  	s23 =	simm.s32 $0x1C0;
	[sflag:s15] =	ssyncadd.s32 $0xFFFFE000  }
0xec: {  	[tilespmem:s7], [sflag:$0x4] =	stream.indirect.gather [hbm4b:s4+s30], $0x80, s23, s30, $0xb8;
	[tilespmem:$0x1C400] =	vst v63  }
0xed: {  	_ =	swait.ge [sflag:s10], $0x2000  }
0xee: {  	[sflag:s10] =	ssyncset.done $0x0  }
0xef: {  	s24 =	simm.s32 $0x380;
	[sflag:s10] =	ssyncadd.s32 $0xFFFFE000  }
0xf0: {  	[spmem:s1] =	stream.indirect.scatter.add.f32 [tilespmem:s3], [sflag:$0x7], $0x80, s24, s30, $0xb8;
	[tilespmem:$0x1C400] =	vst v63  }
0xf1: {  	_ =	swait.ge [sflag:s11], $0x2000  }
0xf2: {  	[sflag:s11] =	ssyncset.done $0x0  }
0xf3: {  	[sflag:s11] =	ssyncadd.s32 $0xFFFFE000  }
0xf4: {  	_ =	swait.ge [sflag:s12], $0x2000  }
0xf5: {  	[sflag:s12] =	ssyncset.done $0x0  }
0xf6: {  	s25 =	simm.s32 $0x3C0;
	[sflag:s12] =	ssyncadd.s32 $0xFFFFE000  }
0xf7: {  	[spmem:s1] =	stream.indirect.scatter.add.f32 [tilespmem:s7], [sflag:$0x8], $0x80, s25, s30, $0xb8;
	[tilespmem:$0x1C400] =	vst v63  }
0xf8: {  	_ =	swait.ge [sflag:s13], $0x2000  }
0xf9: {  	[sflag:s13] =	ssyncset.done $0x0  }
0xfa: {  	[sflag:s13] =	ssyncadd.s32 $0xFFFFE000  }
0xfb: {  	_ =	swait.ge [sflag:s14], $0x2000  }
0xfc: {  	[sflag:s14] =	ssyncset.done $0x0  }
0xfd: {  	[sflag:s14] =	ssyncadd.s32 $0xFFFFE000  }
0xfe: {  	_ =	swait.ge [sflag:s15], $0x2000  }
0xff: {  	[sflag:s15] =	ssyncset.done $0x0  }
0x100: {  	[sflag:s15] =	ssyncadd.s32 $0xFFFFE000  }
0x101: {  	[bflag:$0x0] =	sbarrier.arrive $0xFFFF  }
0x102: {  	s20 =	simm.s32 @p0 $0x1FC9;
	s17 =	sadd.s32 @p0 $0x24900, s19;
	s21 =	rddreg [dreg:$0x11]  }
0x103: {  	[hbm:s17], [sflag:s20] =	dma.local @p0 [spmem:s21], $0x2800  }
0x104: {  	s17 =	simm.s32 @p0 $0x9  }
0x105: {  	s20 =	stileid.u32;
	_ =	swait.ge @p0 [sflag:s17], $0x2800  }
0x106: {  	s20 =	sshll.u32 @!p0 s20, $0x6;
	[sflag:s17] =	ssyncset.done @p0 $0x0;
	s21 =	rddreg [dreg:$0x13]  }
0x107: {  	[sflag:s17] =	ssyncadd.s32 @p0 $0xFFFFD800;
	s17 =	sor.u32 @!p0 $0x1C09, s20;
	s20 =	rddreg [dreg:$0x12]  }
0x108: {  	[hbm:s20], [sflag:s17] =	dma.local @!p0 [spmem:s21], $0x2700  }
0x109: {  	s17 =	simm.s32 @!p0 $0x9  }
0x10a: {  	_ =	swait.ge @!p0 [sflag:s17], $0x2700  }
0x10b: {  	s16 =	sadd.s32 $0x1, s16;
	s29 =	rddreg [dreg:$0x10]  }
0x10c: {  	p1 =	sne.s32 s16, s29  }
.Ltmp2:
0x10d: {  	_ = 	snop;
	(pc) =	sbr.rel @p1 .LBB2_1-.Ltmp2, $3  }
0x10e: {  	_ =	sdelay $0x1  }
0x10f: {  	[sflag:s17] =	ssyncset.done @!p0 $0x0  }
0x110: {  	[sflag:s17] =	ssyncadd.s32 @!p0 $0xFFFFD900  }
0x111: {  	_ =	sfence.sel $0x180000  }
0x112: {  	[bflag:$0x0] =	sbarrier.arrive $0xFFFF  }
0x113: {  	_ =	strace $0x9000004D  }
0x114: {  	s0 =	stileid.u32;
	[bflag:$0x2] =	sbarrier.arrive $0xFFFF  }
0x115: {  	p0 =	sne.s32 s0, $0x0;
	s0 =	rddreg [dreg:$0x2]  }
0x116: {  	s0 =	sadd.s32 @!p0 $0x100000, s0  }
0x117: {  	[sflag:s0] =	ssyncadd.tile.s32 @!p0 $0x1;
	_ =	shalt  }
.Lfunc_end2:
_tile_overlayer_lowered:
.L_overlay_start_2:
0x118: {  	(tag) =	ssettag $0x2  }
0x119: {  	s0 =	rddreg [dreg:$0x0];
	s2 =	stileid.u32  }
0x11a: {  	s1 =	rddreg [dreg:$0x1];
	p0 =	sne.s32 s2, $0x0  }
0x11b: {  	s3 =	rddreg [dreg:$0x2];
	[bflag:$0x3] =	sbarrier.arrive $0xFFFF;
	s2 =	simm.s32 @!p0 $0x1C09  }
0x11c: {  	[timem:s3], [sflag:s2] =	dma.local @!p0 [hbm:s0], s1  }
0x11d: {  	s0 =	simm.s32 @!p0 $0x9  }
0x11e: {  	_ =	swait.ge @!p0 [sflag:s0], s1  }
0x11f: {  	s1 =	ssub.s32 @!p0 $0x0, s1;
	[sflag:s0] =	ssyncset.done @!p0 $0x0  }
0x120: {  	[sflag:s0] =	ssyncadd.s32 @!p0 s1  }
0x121: {  	[bflag:$0x3] =	sbarrier.arrive $0xFFFF  }
0x122: {  	_ =	shalt  }

// kernel: kernel.9.cloned.1.call-start
scs
__scs_entry_jumppad:
0x0: {  	(pc) =	sbr.rel $0x88, $3  }
0x1: {  	(tag) =	ssettag $0x0;
	lr =	simm.s32 $0x1  }
0x2: {  	[smem:$0x3F95] =	sst lr;
	_ =	strace $0xD0000000  }
0x3: {  	_ = 	snop  }
0x4: {  	_ = 	snop  }
0x5: {  	_ = 	snop  }
0x6: {  	_ = 	snop  }
0x7: {  	_ = 	snop  }
__scs_overlays_trampoline_lowered:
0x8: {  	[smem:$0x3FA4] =	sst s0  }
0x9: {  	[smem:$0x3FA5] =	sst s1  }
0xa: {  	[smem:$0x3FA6] =	sst s2  }
0xb: {  	[smem:$0x3FA7] =	sst s3  }
0xc: {  	[smem:$0x3FA8] =	sst s4  }
0xd: {  	[smem:$0x3FA9] =	sst s5  }
0xe: {  	[smem:$0x3FAA] =	sst s6  }
0xf: {  	[smem:$0x3FAB] =	sst s7  }
0x10: {  	[smem:$0x3FAC] =	sst s8  }
0x11: {  	[smem:$0x3FAD] =	sst s9;
	s0 =	simm.s32 @!p0 $0x0  }
0x12: {  	s1 =	sld [smem:$0x3F93];
	s0 =	simm.s32 @p0 $0x1  }
0x13: {  	[smem:$0x3FAE] =	sst s0;
	s0 =	simm.s32 @!p1 $0x0  }
0x14: {  	s2 =	sld [smem:$0x3F92];
	s0 =	simm.s32 @p1 $0x1  }
0x15: {  	[smem:$0x3FAF] =	sst s0;
	s0 =	simm.s32 @!p2 $0x0  }
0x16: {  	s3 =	sld [smem:$0x3FDB];
	s0 =	simm.s32 @p2 $0x1  }
0x17: {  	s4 =	simm.s32 $0x1BF5;
	[smem:$0x3FB1] =	sst s0  }
0x18: {  	s0 =	sld [smem:$0x3F94];
	_ =	swait.ge [sflag:s4], $0x0  }
0x19: {  	s7 =	sld [smem:$0x3F95]  }
0x1a: {  	s8 =	sadd.s32 $0xFFFFE003, lr  }
0x1b: {  	s9 =	sadd.s32 $0xFFFFFEF7, lr;
	s5 =	simm.s32 $0xFFFFFFFF;
	p2 =	slt.u32 s8, $0xFFFFF086  }
0x1c: {  	p1 =	slt.u32 s9, $0xF7A;
	s5 =	simm.s32 @!p2 $0x0  }
0x1d: {  	s5 =	simm.s32 @p1 $0x1;
	p0 =	seq.s32 s7, s2  }
0x1e: {  	s7 =	smul.u32 @!p0 $0xF7A, s2;
	p2 =	seq.s32 @!p0 s5, $0x0  }
0x1f: {  	s9 =	smul.u32 $0xF7A, s1;
	s8 =	simm.s32 @!p0 $0x1BF5;
	p2 =	por !p2, p0  }
0x20: {  	[sflag:s8] =	ssyncset.s32 @!p0 $0xFFFFF086;
	s6 =	sadd.s32 @!p0 s3, s7;
	s7 =	simm.s32 @!p0 $0x108  }
0x21: {  	s3 =	sadd.s32 s3, s9;
	s6 =	sadd.s32 @!p0 $0x88, s6;
	s7 =	simm.s32 @p2 $0x1082  }
0x22: {  	[simem:s7], [sflag:s8] =	dma.local @!p0 [hbm:s6], $0xF7A  }
0x23: {  	s9 =	sor.u32 $0xD0000000, s2;
	s6 =	simm.s32 $0x108;
	_ =	swait.ge @!p0 [sflag:s8], $0x0  }
0x24: {  	s3 =	sadd.s32 $0x88, s3;
	s6 =	simm.s32 @!p1 $0x1082;
	[sflag:s4] =	ssyncset.s32 $0xFFFFF086  }
0x25: {  	[simem:s6], [sflag:s4] =	dma.local [hbm:s3], $0xF7A  }
0x26: {  	[smem:$0x3F95] =	sst s1;
	(tag) =	ssettag s2;
	_ =	strace s9  }
0x27: {  	s1 =	sld [smem:$0x3FA5]  }
0x28: {  	s2 =	sld [smem:$0x3FA6]  }
0x29: {  	s4 =	sld [smem:$0x3FA8]  }
0x2a: {  	p0 =	seq.s32 s5, $0x0;
	s5 =	sld [smem:$0x3FA9]  }
0x2b: {  	s6 =	sld [smem:$0x3FAA]  }
0x2c: {  	s7 =	sld [smem:$0x3FAB]  }
0x2d: {  	s3 =	simm.s32 $0x108;
	s8 =	sld [smem:$0x3FAC]  }
0x2e: {  	s3 =	simm.s32 @!p0 $0x1082;
	s9 =	sld [smem:$0x3FAD]  }
0x2f: {  	lr =	sadd.s32 s0, s3;
	s0 =	sld [smem:$0x3FA4]  }
0x30: {  	s3 =	sld [smem:$0x3FA7]  }
0x31: {  	[smem:$0x3FB0] =	sst s10  }
0x32: {  	s10 =	sld [smem:$0x3FAE];
	_ =	sdelay $0x3  }
0x33: {  	p0 =	seq.s32 s10, $0x1;
	s10 =	sld [smem:$0x3FB0];
	_ =	sdelay $0x3  }
0x34: {  	[smem:$0x3FB0] =	sst s10  }
0x35: {  	s10 =	sld [smem:$0x3FAF];
	_ =	sdelay $0x3  }
0x36: {  	p1 =	seq.s32 s10, $0x1;
	s10 =	sld [smem:$0x3FB0];
	_ =	sdelay $0x3  }
0x37: {  	[smem:$0x3FB0] =	sst s10  }
0x38: {  	s10 =	sld [smem:$0x3FB1]  }
0x39: {  	_ = 	snop;
	(pc) =	sbr.ind lr, $3  }
0x3a: {  	_ = 	snop  }
0x3b: {  	_ = 	snop  }
0x3c: {  	p2 =	seq.s32 s10, $0x1;
	s10 =	sld [smem:$0x3FB0]  }
0x3d: {  	_ =	shalt  }
0x3e: {  	_ =	shalt  }
0x3f: {  	_ =	shalt  }
0x40: {  	_ =	shalt  }
0x41: {  	_ =	shalt  }
0x42: {  	_ =	shalt  }
0x43: {  	_ =	shalt  }
0x44: {  	_ =	shalt  }
0x45: {  	_ =	shalt  }
0x46: {  	_ =	shalt  }
0x47: {  	_ =	shalt  }
0x48: {  	_ =	shalt  }
0x49: {  	_ =	shalt  }
0x4a: {  	_ =	shalt  }
0x4b: {  	_ =	shalt  }
0x4c: {  	_ =	shalt  }
0x4d: {  	_ =	shalt  }
0x4e: {  	_ =	shalt  }
0x4f: {  	_ =	shalt  }
0x50: {  	_ =	shalt  }
0x51: {  	_ =	shalt  }
0x52: {  	_ =	shalt  }
0x53: {  	_ =	shalt  }
0x54: {  	_ =	shalt  }
0x55: {  	_ =	shalt  }
0x56: {  	_ =	shalt  }
0x57: {  	_ =	shalt  }
0x58: {  	_ =	shalt  }
0x59: {  	_ =	shalt  }
0x5a: {  	_ =	shalt  }
0x5b: {  	_ =	shalt  }
0x5c: {  	_ =	shalt  }
0x5d: {  	_ =	shalt  }
0x5e: {  	_ =	shalt  }
0x5f: {  	_ =	shalt  }
0x60: {  	_ =	shalt  }
0x61: {  	_ =	shalt  }
0x62: {  	_ =	shalt  }
0x63: {  	_ =	shalt  }
0x64: {  	_ =	shalt  }
0x65: {  	_ =	shalt  }
0x66: {  	_ =	shalt  }
0x67: {  	_ =	shalt  }
0x68: {  	_ =	shalt  }
0x69: {  	_ =	shalt  }
0x6a: {  	_ =	shalt  }
0x6b: {  	_ =	shalt  }
0x6c: {  	_ =	shalt  }
0x6d: {  	_ =	shalt  }
0x6e: {  	_ =	shalt  }
0x6f: {  	_ =	shalt  }
0x70: {  	_ =	shalt  }
0x71: {  	_ =	shalt  }
0x72: {  	_ =	shalt  }
0x73: {  	_ =	shalt  }
0x74: {  	_ =	shalt  }
0x75: {  	_ =	shalt  }
0x76: {  	_ =	shalt  }
0x77: {  	_ =	shalt  }
0x78: {  	_ =	shalt  }
0x79: {  	_ =	shalt  }
0x7a: {  	_ =	shalt  }
0x7b: {  	_ =	shalt  }
0x7c: {  	_ =	shalt  }
0x7d: {  	_ =	shalt  }
0x7e: {  	_ =	shalt  }
0x7f: {  	_ =	shalt  }
0x80: {  	_ =	shalt  }
0x81: {  	_ =	shalt  }
0x82: {  	_ =	shalt  }
0x83: {  	_ =	shalt  }
0x84: {  	_ =	shalt  }
0x85: {  	_ =	shalt  }
0x86: {  	_ =	shalt  }
0x87: {  	_ =	shalt  }
.Lfunc_end0:
.L_simem_size_0:
called_computation_lowered:
.L_overlay_start_0:
0x88: {  	s0 =	sld [smem:$0x3FD9]  }
0x89: {  	s1 =	sld [smem:$0x3FFE];
	_ =	sdelay $0x3  }
0x8a: {  	s0 =	sadd.s32 s1, s0  }
0x8b: {  	[smem:$0x3FBC] =	sst s0  }
0x8c: {  	_ = 	snop  }
0x8d: {  	s0 =	sld [smem:$0x3FD0];
	(tm) =	ssettm $0x1  }
0x8e: {  	s16 =	sld [smem:$0x3FFB];
	_ =	sdelay $0x3  }
0x8f: {  	_ =	strace s16  }
0x90: {  	s1 =	sld [smem:$0x3FFC];
	_ =	sdelay $0x3  }
0x91: {  	_ =	strace s1  }
0x92: {  	s1 =	sld [smem:$0x3FFD];
	_ =	sdelay $0x3  }
0x93: {  	_ =	strace s1  }
0x94: {  	_ =	strace $0x8FFFFFFF  }
0x95: {  	s17 =	sld [smem:$0x3FDB];
	_ =	sdelay $0x1  }
0x96: {  	s2 =	simm.s32 $_scs_section_size  }
0x97: {  	s3 =	simm.s32 $_size__tile_overlayer_lowered;
	s4 =	simm.s32 $_tile_overlayer_lowered  }
0x98: {  	s20 =	simm.s32 $0x1BFF;
	s19 =	sshll.u32 s4, $0x1;
	s1 =	sadd.s32 s2, s17  }
0x99: {  	s5 =	simm.s32 $0x0;
	s18 =	sshll.u32 s3, $0x1;
	s3 =	sadd.s32 s19, s1  }
0x9a: {  	[timem:s5], [sflag:s20] =	dma.local [hbm:s3], s18  }
0x9b: {  	_ =	swait.ge [sflag:s20], s18  }
0x9c: {  	s2 =	ssub.s32 $0x0, s18;
	[sflag:s20] =	ssyncset.done $0x0  }
0x9d: {  	[sflag:s20] =	ssyncadd.s32 s2;
	_ =	sdelay $0x1  }
0x9e: {  	s21 =	simm.s32 $0x1B8B  }
0x9f: {  	_ =	swait.ge [sflag:s21], $0x1  }
0xa0: {  	[sflag:s21] =	ssyncset.done $0x0  }
0xa1: {  	s23 =	simm.s32 $0x1B8E;
	s22 =	sld [smem:$0x3FFE];
	[sflag:s21] =	ssyncadd.s32 $0xFFFFFFFF  }
0xa2: {  	s24 =	simm.s32 $execute0_lowered;
	[smem:$0x3FD2] =	sst s23  }
0xa3: {  	s3 =	sshll.u32 s24, $0x1;
	_ =	strace $0x80000046;
	[dreg:$0x1] =	wrdreg $0xFFFFFFFF  }
0xa4: {  	s25 =	simm.s32 $_size_execute0_lowered;
	s1 =	sadd.s32 s1, s3;
	[dreg:$0x0] =	wrdreg $0x0  }
0xa5: {  	s3 =	sshll.u32 s25, $0x1;
	[dreg:$0x2] =	wrdreg s1  }
0xa6: {  	[dreg:$0x3] =	wrdreg s3  }
0xa7: {  	[dreg:$0x4] =	wrdreg $0xC0  }
0xa8: {  	_ =	task [dreg:s5], $0x5FFFF  }
0xa9: {  	[dreg:$0x1] =	wrdreg $0xFFFFFFFF  }
0xaa: {  	[dreg:$0x0] =	wrdreg $0x60  }
0xab: {  	[dreg:$0x2] =	wrdreg s22  }
0xac: {  	[dreg:$0x3] =	wrdreg s0  }
0xad: {  	[dreg:$0x4] =	wrdreg $0x58000  }
0xae: {  	[dreg:$0x5] =	wrdreg $0x9  }
0xaf: {  	_ =	task.clear_ibuf [dreg:s5], $0x6FFFF;
	_ =	strace $0x90000046  }
0xb0: {  	s26 =	simm.s32 $0x9;
	_ =	strace $0x80000048  }
0xb1: {  	_ =	swait.ge [sflag:s26], $0x1  }
0xb2: {  	[sflag:s26] =	ssyncadd.s32 $0xFFFFFFFF  }
0xb3: {  	_ =	strace $0x90000048  }
0xb4: {  	_ =	sfence  }
0xb5: {  	s28 =	sld [smem:$0x0];
	_ =	sdelay $0x1  }
0xb6: {  	s29 =	srdreg.scid  }
0xb7: {  	s30 =	sshll.u32 s29, $0xD;
	s31 =	sshrl.u32 s29, $0x2  }
0xb8: {  	s2 =	sand.u32 $0x4000, s30;
	s1 =	sand.u32 $0x1, s29;
	s0 =	sadd.s32 s31, s28  }
0xb9: {  	s1 =	sor.u32 s2, s1;
	s0 =	sshll.u32 s0, $0x11  }
0xba: {  	s0 =	sor.u32 s0, s1  }
0xbb: {  	s0 =	sadd.s32 $0x8F2B, s0  }
0xbc: {  	[sflag:s0] =	ssyncadd.remote.s32 $0x1  }
0xbd: {  	_ =	sfence.sel $0xFFFF  }
0xbe: {  	[dreg:$0x0] =	wrdreg $0xFFFFFFFF;
	(pc) =	sbr.abs _section_cstart, $3  }
0xbf: {  	[dreg:$0x1] =	wrdreg $0xFFFFFFFF  }
0xc0: {  	_ =	task.clear_ibuf [dreg:s5], $0x2FFFF;
	_ =	strace $0x9FFFFFFF  }
0xc1: {  	(tm) =	ssettm $0x7FFFFFFF  }
tec
execute0_lowered:
.L_overlay_start_1:
0x0: {  	(tag) =	ssettag $0x1  }
0x1: {  	s6 =	rddreg [dreg:$0x0]  }
0x2: {  	s2 =	rddreg [dreg:$0x1];
	s0 =	stileid.u32  }
0x3: {  	s3 =	rddreg [dreg:$0x2];
	s4 =	smul.u32 $0xA000, s0  }
0x4: {  	s1 =	rddreg [dreg:$0x3];
	s7 =	simm.s32 $0x0  }
0x5: {  	s21 =	simm.s32 $0x2;
	[smem:$0x7FF] =	sst s7;
	s4 =	sshrl.u32 s4, $0x2  }
0x6: {  	s20 =	sshll.u32 s0, $0x6;
	s8 =	sadd.s32 $0x16600, s6;
	s5 =	sadd.s32 s4, s3  }
0x7: {  	_ =	strace $0x80000047;
	s4 =	sor.u32 $0x1C02, s20;
	s5 =	sshrl.u32 s5, $0x3  }
0x8: {  	[spmem:s5], [sflag:s4] =	dma.local [hbm:s8], $0x500  }
0x9: {  	_ =	swait.ge [sflag:s21], $0x500  }
0xa: {  	[sflag:s21] =	ssyncset.done $0x0  }
0xb: {  	s9 =	sadd.s32 $0x16C00, s6;
	s5 =	simm.s32 $0x5000;
	[sflag:s21] =	ssyncadd.s32 $0xFFFFFB00  }
0xc: {  	[tilespmem:s5], [sflag:$0x2] =	stream.linear.gather [hbm4b:s9+s7], $0x800, $0x38;
	[tilespmem:$0x8000] =	vst v63  }
0xd: {  	s22 =	smul.u32 $0xA00, s0;
	_ =	swait.ge [sflag:s21], $0x800  }
0xe: {  	[sflag:s21] =	ssyncset.done $0x0  }
0xf: {  	s6 =	sadd.s32 s22, s6;
	[sflag:s21] =	ssyncadd.s32 $0xFFFFF800  }
0x10: {  	s6 =	sadd.s32 $0xC600, s6;
	[bflag:$0x0] =	sbarrier.arrive $0xFFFF  }
0x11: {  	[tilespmem:s7], [sflag:$0x2] =	stream.linear.gather [hbm4b:s6+s7], $0x5000, $0x38;
	[tilespmem:$0x8000] =	vst v63  }
0x12: {  	_ =	swait.ge [sflag:s21], $0x5000  }
0x13: {  	[sflag:s21] =	ssyncset.done $0x0  }
0x14: {  	s23 =	simm.s32 $0x0;
	s7 =	simm.s32 $0x80;
	[sflag:s21] =	ssyncadd.s32 $0xFFFFB000  }
0x15: {  	[spmem:s3] =	stream.indirect.scatter.add.f32 [tilespmem:s5], [sflag:$0x1], $0x10, s23, s7, $0xb8;
	[tilespmem:$0x8000] =	vst v63  }
0x16: {  	s24 =	simm.s32 $0x80  }
0x17: {  	[spmem:s3] =	stream.indirect.scatter.add.f32 [tilespmem:s5], [sflag:$0x1], $0x10, s24, s7, $0xb8;
	[tilespmem:$0x8000] =	vst v63  }
0x18: {  	s25 =	simm.s32 $0x100  }
0x19: {  	[spmem:s3] =	stream.indirect.scatter.add.f32 [tilespmem:s5], [sflag:$0x1], $0x10, s25, s7, $0xb8;
	[tilespmem:$0x8000] =	vst v63  }
0x1a: {  	s26 =	simm.s32 $0x180  }
0x1b: {  	[spmem:s3] =	stream.indirect.scatter.add.f32 [tilespmem:s5], [sflag:$0x1], $0x10, s26, s7, $0xb8;
	[tilespmem:$0x8000] =	vst v63  }
0x1c: {  	s28 =	simm.s32 $0x200  }
0x1d: {  	[spmem:s3] =	stream.indirect.scatter.add.f32 [tilespmem:s5], [sflag:$0x1], $0x10, s28, s7, $0xb8;
	[tilespmem:$0x8000] =	vst v63  }
0x1e: {  	s29 =	simm.s32 $0x280  }
0x1f: {  	[spmem:s3] =	stream.indirect.scatter.add.f32 [tilespmem:s5], [sflag:$0x1], $0x10, s29, s7, $0xb8;
	[tilespmem:$0x8000] =	vst v63  }
0x20: {  	s30 =	simm.s32 $0x300  }
0x21: {  	[spmem:s3] =	stream.indirect.scatter.add.f32 [tilespmem:s5], [sflag:$0x1], $0x10, s30, s7, $0xb8;
	[tilespmem:$0x8000] =	vst v63  }
0x22: {  	s31 =	simm.s32 $0x380;
	s6 =	simm.s32 $0x1  }
0x23: {  	[spmem:s3] =	stream.indirect.scatter.add.f32 [tilespmem:s5], [sflag:$0x1], $0x10, s31, s7, $0xb8;
	[tilespmem:$0x8000] =	vst v63  }
0x24: {  	_ =	swait.ge [sflag:s6], $0x800  }
0x25: {  	[sflag:s6] =	ssyncset.done $0x0  }
0x26: {  	[sflag:s6] =	ssyncadd.s32 $0xFFFFF800  }
0x27: {  	_ =	swait.ge [sflag:s6], $0x800  }
0x28: {  	[sflag:s6] =	ssyncset.done $0x0  }
0x29: {  	[sflag:s6] =	ssyncadd.s32 $0xFFFFF800  }
0x2a: {  	_ =	swait.ge [sflag:s6], $0x800  }
0x2b: {  	[sflag:s6] =	ssyncset.done $0x0  }
0x2c: {  	[sflag:s6] =	ssyncadd.s32 $0xFFFFF800  }
0x2d: {  	_ =	swait.ge [sflag:s6], $0x800  }
0x2e: {  	[sflag:s6] =	ssyncset.done $0x0  }
0x2f: {  	[sflag:s6] =	ssyncadd.s32 $0xFFFFF800  }
0x30: {  	_ =	swait.ge [sflag:s6], $0x800  }
0x31: {  	[sflag:s6] =	ssyncset.done $0x0  }
0x32: {  	[sflag:s6] =	ssyncadd.s32 $0xFFFFF800  }
0x33: {  	_ =	swait.ge [sflag:s6], $0x800  }
0x34: {  	[sflag:s6] =	ssyncset.done $0x0  }
0x35: {  	[sflag:s6] =	ssyncadd.s32 $0xFFFFF800  }
0x36: {  	_ =	swait.ge [sflag:s6], $0x800  }
0x37: {  	[sflag:s6] =	ssyncset.done $0x0  }
0x38: {  	[sflag:s6] =	ssyncadd.s32 $0xFFFFF800  }
0x39: {  	_ =	swait.ge [sflag:s6], $0x800  }
0x3a: {  	s10 =	simm.s32 $0x2000;
	s8 =	simm.s32 $0x1000;
	[sflag:s6] =	ssyncset.done $0x0  }
.LBB2_1:
0x3b: {  	s11 =	sshra.s32 s8, $0x2  }
0x3c: {  	[sflag:s6] =	ssyncadd.s32 $0xFFFFF800;
	s8 =	smov.u32 s10;
	s9 =	sadd.s32 $0x1000, s10  }
0x3d: {  	[spmem:s3] =	stream.indirect.scatter.add.f32 [tilespmem:s5], [sflag:$0x1], $0x10, s11, s7, $0xb8;
	[tilespmem:$0x8000] =	vst v63  }
0x3e: {  	p0 =	sne.s32 s10, $0x13000;
	s10 =	sadd.s32 $0x80, s11  }
0x3f: {  	[spmem:s3] =	stream.indirect.scatter.add.f32 [tilespmem:s5], [sflag:$0x1], $0x10, s10, s7, $0xb8;
	[tilespmem:$0x8000] =	vst v63  }
0x40: {  	s10 =	sadd.s32 $0x100, s11  }
0x41: {  	[spmem:s3] =	stream.indirect.scatter.add.f32 [tilespmem:s5], [sflag:$0x1], $0x10, s10, s7, $0xb8;
	[tilespmem:$0x8000] =	vst v63  }
0x42: {  	s10 =	sadd.s32 $0x180, s11  }
0x43: {  	[spmem:s3] =	stream.indirect.scatter.add.f32 [tilespmem:s5], [sflag:$0x1], $0x10, s10, s7, $0xb8;
	[tilespmem:$0x8000] =	vst v63  }
0x44: {  	s10 =	sadd.s32 $0x200, s11  }
0x45: {  	[spmem:s3] =	stream.indirect.scatter.add.f32 [tilespmem:s5], [sflag:$0x1], $0x10, s10, s7, $0xb8;
	[tilespmem:$0x8000] =	vst v63  }
0x46: {  	s10 =	sadd.s32 $0x280, s11  }
0x47: {  	[spmem:s3] =	stream.indirect.scatter.add.f32 [tilespmem:s5], [sflag:$0x1], $0x10, s10, s7, $0xb8;
	[tilespmem:$0x8000] =	vst v63  }
0x48: {  	s10 =	sadd.s32 $0x300, s11  }
0x49: {  	[spmem:s3] =	stream.indirect.scatter.add.f32 [tilespmem:s5], [sflag:$0x1], $0x10, s10, s7, $0xb8;
	[tilespmem:$0x8000] =	vst v63  }
0x4a: {  	s10 =	sadd.s32 $0x380, s11  }
0x4b: {  	[spmem:s3] =	stream.indirect.scatter.add.f32 [tilespmem:s5], [sflag:$0x1], $0x10, s10, s7, $0xb8;
	[tilespmem:$0x8000] =	vst v63  }
0x4c: {  	_ =	swait.ge [sflag:s6], $0x800  }
0x4d: {  	[sflag:s6] =	ssyncset.done $0x0  }
0x4e: {  	[sflag:s6] =	ssyncadd.s32 $0xFFFFF800  }
0x4f: {  	_ =	swait.ge [sflag:s6], $0x800  }
0x50: {  	[sflag:s6] =	ssyncset.done $0x0  }
0x51: {  	[sflag:s6] =	ssyncadd.s32 $0xFFFFF800  }
0x52: {  	_ =	swait.ge [sflag:s6], $0x800  }
0x53: {  	[sflag:s6] =	ssyncset.done $0x0  }
0x54: {  	[sflag:s6] =	ssyncadd.s32 $0xFFFFF800  }
0x55: {  	_ =	swait.ge [sflag:s6], $0x800  }
0x56: {  	[sflag:s6] =	ssyncset.done $0x0  }
0x57: {  	[sflag:s6] =	ssyncadd.s32 $0xFFFFF800  }
0x58: {  	_ =	swait.ge [sflag:s6], $0x800  }
0x59: {  	[sflag:s6] =	ssyncset.done $0x0  }
0x5a: {  	[sflag:s6] =	ssyncadd.s32 $0xFFFFF800  }
0x5b: {  	_ =	swait.ge [sflag:s6], $0x800  }
0x5c: {  	[sflag:s6] =	ssyncset.done $0x0  }
0x5d: {  	[sflag:s6] =	ssyncadd.s32 $0xFFFFF800  }
.Ltmp0:
0x5e: {  	_ =	swait.ge [sflag:s6], $0x800;
	(pc) =	sbr.rel @p0 .LBB2_1-.Ltmp0, $4  }
0x5f: {  	[sflag:s6] =	ssyncset.done $0x0  }
0x60: {  	[sflag:s6] =	ssyncadd.s32 $0xFFFFF800  }
0x61: {  	_ =	swait.ge [sflag:s6], $0x800  }
0x62: {  	s10 =	smov.u32 s9;
	[sflag:s6] =	ssyncset.done $0x0  }
0x63: {  	s8 =	sshra.s32 s8, $0x2;
	[sflag:s6] =	ssyncadd.s32 $0xFFFFF800  }
0x64: {  	[spmem:s3] =	stream.indirect.scatter.add.f32 [tilespmem:s5], [sflag:$0x1], $0x10, s8, s7, $0xb8;
	[tilespmem:$0x8000] =	vst v63  }
0x65: {  	s9 =	sadd.s32 $0x80, s8  }
0x66: {  	[spmem:s3] =	stream.indirect.scatter.add.f32 [tilespmem:s5], [sflag:$0x1], $0x10, s9, s7, $0xb8;
	[tilespmem:$0x8000] =	vst v63  }
0x67: {  	s26 =	sadd.s32 $0x100, s8  }
0x68: {  	[spmem:s3] =	stream.indirect.scatter.add.f32 [tilespmem:s5], [sflag:$0x1], $0x10, s26, s7, $0xb8;
	[tilespmem:$0x8000] =	vst v63  }
0x69: {  	s28 =	sadd.s32 $0x180, s8  }
0x6a: {  	[spmem:s3] =	stream.indirect.scatter.add.f32 [tilespmem:s5], [sflag:$0x1], $0x10, s28, s7, $0xb8;
	[tilespmem:$0x8000] =	vst v63  }
0x6b: {  	s29 =	sadd.s32 $0x200, s8  }
0x6c: {  	[spmem:s3] =	stream.indirect.scatter.add.f32 [tilespmem:s5], [sflag:$0x1], $0x10, s29, s7, $0xb8;
	[tilespmem:$0x8000] =	vst v63  }
0x6d: {  	s30 =	sadd.s32 $0x280, s8  }
0x6e: {  	[spmem:s3] =	stream.indirect.scatter.add.f32 [tilespmem:s5], [sflag:$0x1], $0x10, s30, s7, $0xb8;
	[tilespmem:$0x8000] =	vst v63  }
0x6f: {  	s31 =	sadd.s32 $0x300, s8  }
0x70: {  	[spmem:s3] =	stream.indirect.scatter.add.f32 [tilespmem:s5], [sflag:$0x1], $0x10, s31, s7, $0xb8;
	[tilespmem:$0x8000] =	vst v63  }
0x71: {  	s8 =	sadd.s32 $0x380, s8  }
0x72: {  	[spmem:s3] =	stream.indirect.scatter.add.f32 [tilespmem:s5], [sflag:$0x1], $0x10, s8, s7, $0xb8;
	[tilespmem:$0x8000] =	vst v63  }
0x73: {  	_ =	swait.ge [sflag:s6], $0x800  }
0x74: {  	[sflag:s6] =	ssyncset.done $0x0  }
0x75: {  	[sflag:s6] =	ssyncadd.s32 $0xFFFFF800  }
0x76: {  	_ =	swait.ge [sflag:s6], $0x800  }
0x77: {  	[sflag:s6] =	ssyncset.done $0x0  }
0x78: {  	[sflag:s6] =	ssyncadd.s32 $0xFFFFF800  }
0x79: {  	_ =	swait.ge [sflag:s6], $0x800  }
0x7a: {  	[sflag:s6] =	ssyncset.done $0x0  }
0x7b: {  	[sflag:s6] =	ssyncadd.s32 $0xFFFFF800  }
0x7c: {  	_ =	swait.ge [sflag:s6], $0x800  }
0x7d: {  	[sflag:s6] =	ssyncset.done $0x0  }
0x7e: {  	[sflag:s6] =	ssyncadd.s32 $0xFFFFF800  }
0x7f: {  	_ =	swait.ge [sflag:s6], $0x800  }
0x80: {  	[sflag:s6] =	ssyncset.done $0x0  }
0x81: {  	[sflag:s6] =	ssyncadd.s32 $0xFFFFF800  }
0x82: {  	_ =	swait.ge [sflag:s6], $0x800  }
0x83: {  	[sflag:s6] =	ssyncset.done $0x0  }
0x84: {  	[sflag:s6] =	ssyncadd.s32 $0xFFFFF800  }
0x85: {  	_ =	swait.ge [sflag:s6], $0x800  }
0x86: {  	[sflag:s6] =	ssyncset.done $0x0  }
0x87: {  	[sflag:s6] =	ssyncadd.s32 $0xFFFFF800  }
0x88: {  	_ =	swait.ge [sflag:s6], $0x800  }
0x89: {  	p0 =	seq.s32 s0, $0xF;
	[sflag:s6] =	ssyncset.done $0x0  }
0x8a: {  	s5 =	sadd.s32 @p0 $0x24900, s3;
	[sflag:s6] =	ssyncadd.s32 $0xFFFFF800  }
0x8b: {  	s5 =	sshrl.u32 @p0 s5, $0x3;
	s6 =	sadd.s32 @p0 $0x4920, s2;
	[bflag:$0x0] =	sbarrier.arrive $0xFFFF  }
0x8c: {  	[hbm:s6], [sflag:s4] =	dma.local @p0 [spmem:s5], $0x500  }
0x8d: {  	s5 =	simm.s32 @p0 $0x2;
	s6 =	smul.u32 @!p0 $0x2700, s0  }
0x8e: {  	_ =	swait.ge @p0 [sflag:s5], $0x500  }
0x8f: {  	[sflag:s5] =	ssyncset.done @p0 $0x0;
	s3 =	sadd.s32 @!p0 s6, s3;
	s6 =	sshrl.u32 @!p0 s6, $0x3  }
0x90: {  	[sflag:s5] =	ssyncadd.s32 @p0 $0xFFFFFB00;
	s2 =	sadd.s32 @!p0 s2, s6;
	s3 =	sshrl.u32 @!p0 s3, $0x3  }
0x91: {  	[hbm:s2], [sflag:s4] =	dma.local @!p0 [spmem:s3], $0x4E0  }
0x92: {  	s2 =	simm.s32 @!p0 $0x2  }
0x93: {  	_ =	swait.ge @!p0 [sflag:s2], $0x4E0  }
0x94: {  	[sflag:s2] =	ssyncset.done @!p0 $0x0  }
0x95: {  	[sflag:s2] =	ssyncadd.s32 @!p0 $0xFFFFFB20  }
0x96: {  	_ =	sfence.sel $0x180000  }
0x97: {  	[bflag:$0x0] =	sbarrier.arrive $0xFFFF  }
0x98: {  	p0 =	sne.s32 s0, $0x0;
	_ =	strace $0x90000047  }
0x99: {  	s0 =	sadd.s32 @!p0 $0x100000, s1;
	[bflag:$0x2] =	sbarrier.arrive $0xFFFF  }
0x9a: {  	[sflag:s0] =	ssyncadd.tile.s32 @!p0 $0x1;
	_ =	shalt  }
.Lfunc_end2:
_tile_overlayer_lowered:
.L_overlay_start_2:
0x9b: {  	(tag) =	ssettag $0x2  }
0x9c: {  	s0 =	rddreg [dreg:$0x0];
	s2 =	stileid.u32  }
0x9d: {  	s1 =	rddreg [dreg:$0x1];
	p0 =	sne.s32 s2, $0x0  }
0x9e: {  	s3 =	rddreg [dreg:$0x2];
	[bflag:$0x3] =	sbarrier.arrive $0xFFFF;
	s2 =	simm.s32 @!p0 $0x1C02  }
0x9f: {  	[timem:s3], [sflag:s2] =	dma.local @!p0 [hbm:s0], s1  }
0xa0: {  	s0 =	simm.s32 @!p0 $0x2  }
0xa1: {  	_ =	swait.ge @!p0 [sflag:s0], s1  }
0xa2: {  	s1 =	ssub.s32 @!p0 $0x0, s1;
	[sflag:s0] =	ssyncset.done @!p0 $0x0  }
0xa3: {  	[sflag:s0] =	ssyncadd.s32 @!p0 s1  }
0xa4: {  	[bflag:$0x3] =	sbarrier.arrive $0xFFFF  }
0xa5: {  	_ =	shalt  }

</sc_bundles>
